<compile_context>
chip_gen: v7x
topology: tpu7x:2x2x1
jax: 0.10.2.dev20260603
libtpu: 0.0.44.dev20260713+nightly
codegen_flags: <defaults>
</compile_context>

<pallas_src>
import jax
import jax.numpy as jnp
import numpy as np
from jax import lax
from jax.experimental import pallas as pl
from jax.experimental.pallas import tpu as pltpu
from jax.experimental.pallas import tpu_sc as plsc

K = 64
ROWS = 128
N = 8192
NC = 2
NS = 16
NW = NC * NS
ROWS_PER_W = ROWS // NW
L = 16
NV = N // L
NACC = 8
INT_MIN = np.int32(-(2 ** 31))
NEG_INF = np.float32(-np.inf)


def _lane0(v):
    return jnp.squeeze(lax.slice(v, (0,), (1,)), 0)


def _popcnt(m):
    return _lane0(plsc.all_reduce_population_count(m))


def _keyvec(fv):
    ik = lax.bitcast_convert_type(fv, jnp.int32)
    return jnp.where(ik >= 0, ik, ik ^ jnp.int32(0x7FFFFFFF))


def _sc_body(x_hbm, mask_hbm, out_hbm, x_v0, x_v1, m_v0, m_v1, fv_v,
             cand_k, cand_i, sel_i, o_v0, o_v1, o_v2, o_v3, semx, semy):
    wid = lax.axis_index("s") * NC + lax.axis_index("c")
    row0 = wid * ROWS_PER_W
    iota = lax.iota(jnp.int32, L)

    def one_row(xb, mb, ob):
        def p1(j, accs):
            accs = list(accs)
            for t in range(NACC):
                i = NACC * j + t
                xv = xb[pl.ds(i * L, L)]
                mv = mb[pl.ds(i * L, L)]
                fv = jnp.where(mv == 0, NEG_INF, xv)
                fv_v[pl.ds(i * L, L)] = fv
                accs[t] = jnp.maximum(accs[t], fv)
            return tuple(accs)

        init = tuple(
            jnp.full((L,), NEG_INF, jnp.float32) for _ in range(NACC))
        accs = lax.fori_loop(0, NV // NACC, p1, init)

        vmn, vmx = accs[0], accs[0]
        for t in range(1, NACC):
            vmn = jnp.minimum(vmn, accs[t])
            vmx = jnp.maximum(vmx, accs[t])
        tmin = -jnp.max(-vmn)
        tmax = jnp.max(vmx)
        lo_s = _lane0(_keyvec(jnp.full((L,), 0.0, jnp.float32) + tmin))
        hi_s = _lane0(_keyvec(jnp.full((L,), 0.0, jnp.float32) + tmax)) \
            + jnp.int32(1)

        def coarse(_s, c):
            lo, hi = c
            half = lax.shift_right_logical(hi - lo, 1)
            mid = lo + half
            mk = jnp.full((L,), 0, jnp.int32) + mid
            mf = lax.bitcast_convert_type(
                jnp.where(mk >= 0, mk, mk ^ jnp.int32(0x7FFFFFFF)),
                jnp.float32)
            cacc = jnp.zeros((L,), jnp.int32)
            for t in range(NACC):
                cacc = cacc + (accs[t] >= mf).astype(jnp.int32)
            ge = jnp.sum(cacc) >= K
            sel_mid = (half != 0) & ge
            sel_hi = (half != 0) & (~ge)
            return (jnp.where(sel_mid, mid, lo), jnp.where(sel_hi, mid, hi))

        lo0, _ = lax.fori_loop(0, 6, coarse, (lo_s, hi_s))
        hi0 = hi_s
        lk = jnp.full((L,), 0, jnp.int32) + lo0
        tlow0 = _lane0(lax.bitcast_convert_type(
            jnp.where(lk >= 0, lk, lk ^ jnp.int32(0x7FFFFFFF)), jnp.float32))

        def p2(j, off):
            selms, pcs = [], []
            for t in range(8):
                i = 8 * j + t
                fv = fv_v[pl.ds(i * L, L)]
                selm = fv >= tlow0
                selms.append(selm)
                pcs.append(_popcnt(selm))
            offs = [off]
            for t in range(7):
                offs.append(offs[-1] + pcs[t])
            for t in range(8):
                i = 8 * j + t
                iv = iota + i * L
                plsc.store_compressed(
                    cand_i.at[pl.ds(offs[t], L)], iv, mask=selms[t])
            return offs[7] + pcs[7]

        nc = lax.fori_loop(0, NV // 8, p2, jnp.int32(0))
        nvc = (nc + L - 1) // L
        cand_i[pl.ds(nc, L)] = iota

        def p2b(i, _unused):
            iv = cand_i[pl.ds(i * L, L)]
            fv = plsc.load_gather(fv_v, [iv])
            cand_k[pl.ds(i * L, L)] = _keyvec(fv)
            return 0

        lax.fori_loop(0, nvc, p2b, 0)
        cand_k[pl.ds(nc, L)] = jnp.full((L,), INT_MIN, jnp.int32)

        def bs_cond(c):
            lo, hi, _ = c
            span = hi - lo
            return (span != 0) & (span != 1)

        def bs_body(c):
            lo, hi, chi = c
            span = hi - lo
            h = lax.shift_right_logical(span, 1)
            q = lax.shift_right_logical(span, 2)
            p1_ = lo + q
            p2_ = lo + h
            p3_ = lo + h + q

            def cnt_body(i, a):
                a1, a2, a3 = a
                kv = cand_k[pl.ds(i * L, L)]
                return (a1 + (kv >= p1_).astype(jnp.int32),
                        a2 + (kv >= p2_).astype(jnp.int32),
                        a3 + (kv >= p3_).astype(jnp.int32))

            z = jnp.zeros((L,), jnp.int32)
            a1, a2, a3 = lax.fori_loop(0, nvc, cnt_body, (z, z, z))
            c1 = jnp.sum(a1)
            c2 = jnp.sum(a2)
            c3 = jnp.sum(a3)
            g1 = c1 >= K
            g2 = c2 >= K
            g3 = c3 >= K
            nlo = jnp.where(g3, p3_,
                            jnp.where(g2, p2_, jnp.where(g1, p1_, lo)))
            nhi = jnp.where(g3, hi,
                            jnp.where(g2, p3_, jnp.where(g1, p2_, p1_)))
            nchi = jnp.where(g3, chi,
                             jnp.where(g2, c3, jnp.where(g1, c2, c1)))
            return (nlo, nhi, nchi)

        thr, _, c_gt = lax.while_loop(bs_cond, bs_body,
                                      (lo0, hi0, jnp.int32(0)))
        slots = K - c_gt

        def p4(i, carry):
            off, eqs = carry
            kv = cand_k[pl.ds(i * L, L)]
            iv = cand_i[pl.ds(i * L, L)]
            gt = kv > thr
            eq = kv == thr
            eqc = plsc.cumsum(eq.astype(jnp.int32))
            sel = gt | (eq & (eqc + eqs <= slots))
            plsc.store_compressed(sel_i.at[pl.ds(off, L)], iv, mask=sel)
            return (off + _popcnt(sel), eqs + _popcnt(eq))

        lax.fori_loop(0, nvc, p4, (jnp.int32(0), jnp.int32(0)))

        for j in range(K // L):
            idx = sel_i[pl.ds(j * L, L)]
            ob[pl.ds(j * L, L)] = plsc.load_gather(xb, [idx])

    xbufs = (x_v0, x_v1)
    mbufs = (m_v0, m_v1)
    obufs = (o_v0, o_v1, o_v2, o_v3)

    def issue(r, b):
        sem = semx if b == 0 else semy
        hx = pltpu.async_copy(x_hbm.at[row0 + r], xbufs[b], sem)
        hm = pltpu.async_copy(mask_hbm.at[row0 + r], mbufs[b], sem)
        return hx, hm

    pending = issue(0, 0)
    out_handles = []
    for r in range(ROWS_PER_W):
        b = r % 2
        pending[0].wait()
        pending[1].wait()
        if r + 1 < ROWS_PER_W:
            pending = issue(r + 1, 1 - b)
        one_row(xbufs[b], mbufs[b], obufs[r])
        out_handles.append(
            pltpu.async_copy(obufs[r], out_hbm.at[row0 + r],
                             semx if b else semy))

    for h in out_handles:
        h.wait()


@jax.jit
def _kmax_sc(x, mask):
    mesh = plsc.VectorSubcoreMesh(core_axis_name="c", subcore_axis_name="s")
    return pl.kernel(
        _sc_body,
        out_type=jax.ShapeDtypeStruct((ROWS, K), jnp.float32),
        mesh=mesh,
        compiler_params=pltpu.CompilerParams(needs_layout_passes=False),
        scratch_types=[
            pltpu.VMEM((N,), jnp.float32),
            pltpu.VMEM((N,), jnp.float32),
            pltpu.VMEM((N,), jnp.int32),
            pltpu.VMEM((N,), jnp.int32),
            pltpu.VMEM((N,), jnp.float32),
            pltpu.VMEM((N + L,), jnp.int32),
            pltpu.VMEM((N + L,), jnp.int32),
            pltpu.VMEM((K + L,), jnp.int32),
            pltpu.VMEM((K,), jnp.float32),
            pltpu.VMEM((K,), jnp.float32),
            pltpu.VMEM((K,), jnp.float32),
            pltpu.VMEM((K,), jnp.float32),
            pltpu.SemaphoreType.DMA,
            pltpu.SemaphoreType.DMA,
        ],
    )(x, mask)


def kernel(x, mask):
    return _kmax_sc(x, mask)

# --- scband reference (transcript-rebuilt; emitter-appended) ---
"""Pipeline reference for scband-kmax-pooling-68590627717619 (READ-ONLY COPY).

The authoritative reference and input builder live on the scoring server;
editing this copy changes nothing except your own understanding.
"""

import jax, jax.numpy as jnp
import numpy as np

K = 64

def setup_inputs(seed: int = 0) -> dict:
    key = jax.random.key(seed)
    k1, k2 = jax.random.split(key)
    x = jax.random.normal(k1, (128, 8192), dtype=jnp.float32)
    mask = jax.random.randint(k2, (128, 8192), 0, 2, dtype=jnp.int32)
    return {"x": x, "mask": mask}

def reference(x, mask):
    # _x = x.masked_fill(mask == 0, -inf)
    neg_inf = jnp.array(float('-inf'), dtype=x.dtype)
    _x = jnp.where(mask == 0, neg_inf, x)
    # index = _x.topk(k, dim=-1)[1].sort(dim=-1)[0]
    _, idx = jax.lax.top_k(_x, K)
    idx = jnp.sort(idx, axis=-1)
    # o = x.gather(-1, index); keep_dim=True
    o = jnp.take_along_axis(x, idx, axis=-1)
    return o

if __name__ == "__main__":
    import jax
    _d = setup_inputs()
    print(jax.jit(kernel)(*tuple(_d.values())))

</pallas_src>

<mosaic_0001>
#map = affine_map<(d0, d1) -> (0, 0)>
module attributes {stable_mosaic.version = 14 : i64} {
  func.func @_sc_body(%arg0: i32, %arg1: i32, %arg2: memref<128x8192xf32, #tpu.memory_space<hbm>>, %arg3: memref<128x8192xi32, #tpu.memory_space<hbm>>, %arg4: memref<128x64xf32, #tpu.memory_space<hbm>>, %arg5: memref<8192xf32, #tpu.memory_space<vmem>>, %arg6: memref<8192xf32, #tpu.memory_space<vmem>>, %arg7: memref<8192xi32, #tpu.memory_space<vmem>>, %arg8: memref<8192xi32, #tpu.memory_space<vmem>>, %arg9: memref<8192xf32, #tpu.memory_space<vmem>>, %arg10: memref<8208xi32, #tpu.memory_space<vmem>>, %arg11: memref<8208xi32, #tpu.memory_space<vmem>>, %arg12: memref<80xi32, #tpu.memory_space<vmem>>, %arg13: memref<64xf32, #tpu.memory_space<vmem>>, %arg14: memref<64xf32, #tpu.memory_space<vmem>>, %arg15: memref<64xf32, #tpu.memory_space<vmem>>, %arg16: memref<64xf32, #tpu.memory_space<vmem>>, %arg17: memref<!tpu.dma_semaphore, #tpu.memory_space<semaphore_mem>>, %arg18: memref<!tpu.dma_semaphore, #tpu.memory_space<semaphore_mem>>) attributes {dimension_semantics = [#tpu.dimension_semantics<core_parallel>, #tpu.dimension_semantics<subcore_parallel>], iteration_bounds = array<i64: 2, 16>, scalar_prefetch = 0 : i64, scratch_operands = 14 : i64, tpu.core_type = #tpu.core_type<sc_vector_subcore>, window_params = [{transform_indices = #map}, {transform_indices = #map}, {transform_indices = #map}]} {
    %mul3A = arith.constant 2 : i32
    %mul3A_0 = arith.muli %arg1, %mul3A : i32
    %add3A = arith.addi %mul3A_0, %arg0 : i32
    %mul3A_1 = arith.constant 4 : i32
    %mul3A_2 = arith.muli %add3A, %mul3A_1 : i32
    %iota3A = tpu.iota {dimensions = array<i32: 0>} : vector<16xi32>
    %add3A_3 = arith.constant 0 : i32
    %add3A_4 = arith.addi %mul3A_2, %add3A_3 : i32
    %dma_start3A = arith.constant 0 : i32
    %dma_start3A_5 = tpu.memref_slice %arg2[%add3A_4, %dma_start3A] : memref<128x8192xf32, #tpu.memory_space<hbm>> -> memref<1x8192xf32, #tpu.memory_space<hbm>>
    %dma_start3A_6 = tpu.memref_squeeze %dma_start3A_5 : memref<1x8192xf32, #tpu.memory_space<hbm>> -> memref<8192xf32, #tpu.memory_space<hbm>>
    %dma_start3A_7 = arith.constant 0 : i32
    %dma_start3A_8 = tpu.memref_slice %arg2[%add3A_4, %dma_start3A_7] : memref<128x8192xf32, #tpu.memory_space<hbm>> -> memref<1x8192xf32, #tpu.memory_space<hbm>>
    %dma_start3A_9 = tpu.memref_squeeze %dma_start3A_8 : memref<1x8192xf32, #tpu.memory_space<hbm>> -> memref<8192xf32, #tpu.memory_space<hbm>>
    tpu.enqueue_dma source(%dma_start3A_9 : memref<8192xf32, #tpu.memory_space<hbm>>) target(%arg5 : memref<8192xf32, #tpu.memory_space<vmem>>) target_semaphore(%arg17 : memref<!tpu.dma_semaphore, #tpu.memory_space<semaphore_mem>>)
    %add3A_10 = arith.constant 0 : i32
    %add3A_11 = arith.addi %mul3A_2, %add3A_10 : i32
    %dma_start3A_12 = arith.constant 0 : i32
    %dma_start3A_13 = tpu.memref_slice %arg3[%add3A_11, %dma_start3A_12] : memref<128x8192xi32, #tpu.memory_space<hbm>> -> memref<1x8192xi32, #tpu.memory_space<hbm>>
    %dma_start3A_14 = tpu.memref_squeeze %dma_start3A_13 : memref<1x8192xi32, #tpu.memory_space<hbm>> -> memref<8192xi32, #tpu.memory_space<hbm>>
    %dma_start3A_15 = arith.constant 0 : i32
    %dma_start3A_16 = tpu.memref_slice %arg3[%add3A_11, %dma_start3A_15] : memref<128x8192xi32, #tpu.memory_space<hbm>> -> memref<1x8192xi32, #tpu.memory_space<hbm>>
    %dma_start3A_17 = tpu.memref_squeeze %dma_start3A_16 : memref<1x8192xi32, #tpu.memory_space<hbm>> -> memref<8192xi32, #tpu.memory_space<hbm>>
    tpu.enqueue_dma source(%dma_start3A_17 : memref<8192xi32, #tpu.memory_space<hbm>>) target(%arg7 : memref<8192xi32, #tpu.memory_space<vmem>>) target_semaphore(%arg17 : memref<!tpu.dma_semaphore, #tpu.memory_space<semaphore_mem>>)
    %dma_wait3A = arith.constant 0 : i32
    %dma_wait3A_18 = tpu.memref_slice %arg2[%add3A_4, %dma_wait3A] : memref<128x8192xf32, #tpu.memory_space<hbm>> -> memref<1x8192xf32, #tpu.memory_space<hbm>>
    %dma_wait3A_19 = tpu.memref_squeeze %dma_wait3A_18 : memref<1x8192xf32, #tpu.memory_space<hbm>> -> memref<8192xf32, #tpu.memory_space<hbm>>
    %dma_wait3A_20 = arith.constant 0 : i32
    %dma_wait3A_21 = tpu.memref_slice %arg2[%add3A_4, %dma_wait3A_20] : memref<128x8192xf32, #tpu.memory_space<hbm>> -> memref<1x8192xf32, #tpu.memory_space<hbm>>
    %dma_wait3A_22 = tpu.memref_squeeze %dma_wait3A_21 : memref<1x8192xf32, #tpu.memory_space<hbm>> -> memref<8192xf32, #tpu.memory_space<hbm>>
    tpu.wait_dma2 semaphore(%arg17 : memref<!tpu.dma_semaphore, #tpu.memory_space<semaphore_mem>>) src(%dma_wait3A_22 : memref<8192xf32, #tpu.memory_space<hbm>>) dst(%arg5 : memref<8192xf32, #tpu.memory_space<vmem>>)
    %dma_wait3A_23 = arith.constant 0 : i32
    %dma_wait3A_24 = tpu.memref_slice %arg3[%add3A_11, %dma_wait3A_23] : memref<128x8192xi32, #tpu.memory_space<hbm>> -> memref<1x8192xi32, #tpu.memory_space<hbm>>
    %dma_wait3A_25 = tpu.memref_squeeze %dma_wait3A_24 : memref<1x8192xi32, #tpu.memory_space<hbm>> -> memref<8192xi32, #tpu.memory_space<hbm>>
    %dma_wait3A_26 = arith.constant 0 : i32
    %dma_wait3A_27 = tpu.memref_slice %arg3[%add3A_11, %dma_wait3A_26] : memref<128x8192xi32, #tpu.memory_space<hbm>> -> memref<1x8192xi32, #tpu.memory_space<hbm>>
    %dma_wait3A_28 = tpu.memref_squeeze %dma_wait3A_27 : memref<1x8192xi32, #tpu.memory_space<hbm>> -> memref<8192xi32, #tpu.memory_space<hbm>>
    tpu.wait_dma2 semaphore(%arg17 : memref<!tpu.dma_semaphore, #tpu.memory_space<semaphore_mem>>) src(%dma_wait3A_28 : memref<8192xi32, #tpu.memory_space<hbm>>) dst(%arg7 : memref<8192xi32, #tpu.memory_space<vmem>>)
    %add3A_29 = arith.constant 1 : i32
    %add3A_30 = arith.addi %mul3A_2, %add3A_29 : i32
    %dma_start3A_31 = arith.constant 0 : i32
    %dma_start3A_32 = tpu.memref_slice %arg2[%add3A_30, %dma_start3A_31] : memref<128x8192xf32, #tpu.memory_space<hbm>> -> memref<1x8192xf32, #tpu.memory_space<hbm>>
    %dma_start3A_33 = tpu.memref_squeeze %dma_start3A_32 : memref<1x8192xf32, #tpu.memory_space<hbm>> -> memref<8192xf32, #tpu.memory_space<hbm>>
    %dma_start3A_34 = arith.constant 0 : i32
    %dma_start3A_35 = tpu.memref_slice %arg2[%add3A_30, %dma_start3A_34] : memref<128x8192xf32, #tpu.memory_space<hbm>> -> memref<1x8192xf32, #tpu.memory_space<hbm>>
    %dma_start3A_36 = tpu.memref_squeeze %dma_start3A_35 : memref<1x8192xf32, #tpu.memory_space<hbm>> -> memref<8192xf32, #tpu.memory_space<hbm>>
    tpu.enqueue_dma source(%dma_start3A_36 : memref<8192xf32, #tpu.memory_space<hbm>>) target(%arg6 : memref<8192xf32, #tpu.memory_space<vmem>>) target_semaphore(%arg18 : memref<!tpu.dma_semaphore, #tpu.memory_space<semaphore_mem>>)
    %add3A_37 = arith.constant 1 : i32
    %add3A_38 = arith.addi %mul3A_2, %add3A_37 : i32
    %dma_start3A_39 = arith.constant 0 : i32
    %dma_start3A_40 = tpu.memref_slice %arg3[%add3A_38, %dma_start3A_39] : memref<128x8192xi32, #tpu.memory_space<hbm>> -> memref<1x8192xi32, #tpu.memory_space<hbm>>
    %dma_start3A_41 = tpu.memref_squeeze %dma_start3A_40 : memref<1x8192xi32, #tpu.memory_space<hbm>> -> memref<8192xi32, #tpu.memory_space<hbm>>
    %dma_start3A_42 = arith.constant 0 : i32
    %dma_start3A_43 = tpu.memref_slice %arg3[%add3A_38, %dma_start3A_42] : memref<128x8192xi32, #tpu.memory_space<hbm>> -> memref<1x8192xi32, #tpu.memory_space<hbm>>
    %dma_start3A_44 = tpu.memref_squeeze %dma_start3A_43 : memref<1x8192xi32, #tpu.memory_space<hbm>> -> memref<8192xi32, #tpu.memory_space<hbm>>
    tpu.enqueue_dma source(%dma_start3A_44 : memref<8192xi32, #tpu.memory_space<hbm>>) target(%arg8 : memref<8192xi32, #tpu.memory_space<vmem>>) target_semaphore(%arg18 : memref<!tpu.dma_semaphore, #tpu.memory_space<semaphore_mem>>)
    %broadcast_in_dim3A = arith.constant 0xFF800000 : f32
    %broadcast_in_dim3A_45 = vector.broadcast %broadcast_in_dim3A : f32 to vector<16xf32>
    %broadcast_in_dim3A_46 = arith.constant 0xFF800000 : f32
    %broadcast_in_dim3A_47 = vector.broadcast %broadcast_in_dim3A_46 : f32 to vector<16xf32>
    %broadcast_in_dim3A_48 = arith.constant 0xFF800000 : f32
    %broadcast_in_dim3A_49 = vector.broadcast %broadcast_in_dim3A_48 : f32 to vector<16xf32>
    %broadcast_in_dim3A_50 = arith.constant 0xFF800000 : f32
    %broadcast_in_dim3A_51 = vector.broadcast %broadcast_in_dim3A_50 : f32 to vector<16xf32>
    %broadcast_in_dim3A_52 = arith.constant 0xFF800000 : f32
    %broadcast_in_dim3A_53 = vector.broadcast %broadcast_in_dim3A_52 : f32 to vector<16xf32>
    %broadcast_in_dim3A_54 = arith.constant 0xFF800000 : f32
    %broadcast_in_dim3A_55 = vector.broadcast %broadcast_in_dim3A_54 : f32 to vector<16xf32>
    %broadcast_in_dim3A_56 = arith.constant 0xFF800000 : f32
    %broadcast_in_dim3A_57 = vector.broadcast %broadcast_in_dim3A_56 : f32 to vector<16xf32>
    %broadcast_in_dim3A_58 = arith.constant 0xFF800000 : f32
    %broadcast_in_dim3A_59 = vector.broadcast %broadcast_in_dim3A_58 : f32 to vector<16xf32>
    %scan3A = arith.constant 0 : i32
    %scan3A_60 = arith.constant 64 : i32
    %scan3A_61 = arith.addi %scan3A, %scan3A_60 : i32
    %scan3A_62 = arith.constant 1 : i32
    %scan3A_63:8 = scf.for %scan3A_902 = %scan3A to %scan3A_61 step %scan3A_62 iter_args(%scan3A_903 = %broadcast_in_dim3A_45, %scan3A_904 = %broadcast_in_dim3A_47, %scan3A_905 = %broadcast_in_dim3A_49, %scan3A_906 = %broadcast_in_dim3A_51, %scan3A_907 = %broadcast_in_dim3A_53, %scan3A_908 = %broadcast_in_dim3A_55, %scan3A_909 = %broadcast_in_dim3A_57, %scan3A_910 = %broadcast_in_dim3A_59) -> (vector<16xf32>, vector<16xf32>, vector<16xf32>, vector<16xf32>, vector<16xf32>, vector<16xf32>, vector<16xf32>, vector<16xf32>)  : i32 {
      %mul3A_911 = arith.constant 8 : i32
      %mul3A_912 = arith.muli %mul3A_911, %scan3A_902 : i32
      %add3A_913 = arith.constant 0 : i32
      %add3A_914 = arith.addi %mul3A_912, %add3A_913 : i32
      %mul3A_915 = arith.constant 16 : i32
      %mul3A_916 = arith.muli %add3A_914, %mul3A_915 : i32
      %get3A_917 = arith.index_cast %mul3A_916 : i32 to index
      %get3A_918 = tpu.vector_load %arg5[%get3A_917] {strides = array<i32>} : memref<8192xf32, #tpu.memory_space<vmem>>, vector<16xf32>,
      %mul3A_919 = arith.constant 16 : i32
      %mul3A_920 = arith.muli %add3A_914, %mul3A_919 : i32
      %get3A_921 = arith.index_cast %mul3A_920 : i32 to index
      %get3A_922 = tpu.vector_load %arg7[%get3A_921] {strides = array<i32>} : memref<8192xi32, #tpu.memory_space<vmem>>, vector<16xi32>,
      %eq3A = arith.constant 0 : i32
      %eq3A_923 = vector.broadcast %eq3A : i32 to vector<16xi32>
      %eq3A_924 = arith.cmpi eq, %get3A_922, %eq3A_923 : vector<16xi32>
      %jit3A_925 = arith.constant 0xFF800000 : f32
      %broadcast_in_dim3A_926 = vector.broadcast %jit3A_925 : f32 to vector<16xf32>
      %select_n3A_927 = arith.select %eq3A_924, %broadcast_in_dim3A_926, %get3A_918 : vector<16xi1>, vector<16xf32>
      %mul3A_928 = arith.constant 16 : i32
      %mul3A_929 = arith.muli %add3A_914, %mul3A_928 : i32
      %swap3A_930 = arith.index_cast %mul3A_929 : i32 to index
      %swap3A_931 = tpu.vector_load %arg9[%swap3A_930] {strides = array<i32>} : memref<8192xf32, #tpu.memory_space<vmem>>, vector<16xf32>,
      tpu.vector_store %arg9[%swap3A_930], %select_n3A_927 {strides = array<i32>} : memref<8192xf32, #tpu.memory_space<vmem>>, vector<16xf32>,
      %max3A_932 = arith.maximumf %scan3A_903, %select_n3A_927 : vector<16xf32>
      %mul3A_933 = arith.constant 8 : i32
      %mul3A_934 = arith.muli %mul3A_933, %scan3A_902 : i32
      %add3A_935 = arith.constant 1 : i32
      %add3A_936 = arith.addi %mul3A_934, %add3A_935 : i32
      %mul3A_937 = arith.constant 16 : i32
      %mul3A_938 = arith.muli %add3A_936, %mul3A_937 : i32
      %get3A_939 = arith.index_cast %mul3A_938 : i32 to index
      %get3A_940 = tpu.vector_load %arg5[%get3A_939] {strides = array<i32>} : memref<8192xf32, #tpu.memory_space<vmem>>, vector<16xf32>,
      %mul3A_941 = arith.constant 16 : i32
      %mul3A_942 = arith.muli %add3A_936, %mul3A_941 : i32
      %get3A_943 = arith.index_cast %mul3A_942 : i32 to index
      %get3A_944 = tpu.vector_load %arg7[%get3A_943] {strides = array<i32>} : memref<8192xi32, #tpu.memory_space<vmem>>, vector<16xi32>,
      %eq3A_945 = arith.constant 0 : i32
      %eq3A_946 = vector.broadcast %eq3A_945 : i32 to vector<16xi32>
      %eq3A_947 = arith.cmpi eq, %get3A_944, %eq3A_946 : vector<16xi32>
      %jit3A_948 = arith.constant 0xFF800000 : f32
      %broadcast_in_dim3A_949 = vector.broadcast %jit3A_948 : f32 to vector<16xf32>
      %select_n3A_950 = arith.select %eq3A_947, %broadcast_in_dim3A_949, %get3A_940 : vector<16xi1>, vector<16xf32>
      %mul3A_951 = arith.constant 16 : i32
      %mul3A_952 = arith.muli %add3A_936, %mul3A_951 : i32
      %swap3A_953 = arith.index_cast %mul3A_952 : i32 to index
      %swap3A_954 = tpu.vector_load %arg9[%swap3A_953] {strides = array<i32>} : memref<8192xf32, #tpu.memory_space<vmem>>, vector<16xf32>,
      tpu.vector_store %arg9[%swap3A_953], %select_n3A_950 {strides = array<i32>} : memref<8192xf32, #tpu.memory_space<vmem>>, vector<16xf32>,
      %max3A_955 = arith.maximumf %scan3A_904, %select_n3A_950 : vector<16xf32>
      %mul3A_956 = arith.constant 8 : i32
      %mul3A_957 = arith.muli %mul3A_956, %scan3A_902 : i32
      %add3A_958 = arith.constant 2 : i32
      %add3A_959 = arith.addi %mul3A_957, %add3A_958 : i32
      %mul3A_960 = arith.constant 16 : i32
      %mul3A_961 = arith.muli %add3A_959, %mul3A_960 : i32
      %get3A_962 = arith.index_cast %mul3A_961 : i32 to index
      %get3A_963 = tpu.vector_load %arg5[%get3A_962] {strides = array<i32>} : memref<8192xf32, #tpu.memory_space<vmem>>, vector<16xf32>,
      %mul3A_964 = arith.constant 16 : i32
      %mul3A_965 = arith.muli %add3A_959, %mul3A_964 : i32
      %get3A_966 = arith.index_cast %mul3A_965 : i32 to index
      %get3A_967 = tpu.vector_load %arg7[%get3A_966] {strides = array<i32>} : memref<8192xi32, #tpu.memory_space<vmem>>, vector<16xi32>,
      %eq3A_968 = arith.constant 0 : i32
      %eq3A_969 = vector.broadcast %eq3A_968 : i32 to vector<16xi32>
      %eq3A_970 = arith.cmpi eq, %get3A_967, %eq3A_969 : vector<16xi32>
      %jit3A_971 = arith.constant 0xFF800000 : f32
      %broadcast_in_dim3A_972 = vector.broadcast %jit3A_971 : f32 to vector<16xf32>
      %select_n3A_973 = arith.select %eq3A_970, %broadcast_in_dim3A_972, %get3A_963 : vector<16xi1>, vector<16xf32>
      %mul3A_974 = arith.constant 16 : i32
      %mul3A_975 = arith.muli %add3A_959, %mul3A_974 : i32
      %swap3A_976 = arith.index_cast %mul3A_975 : i32 to index
      %swap3A_977 = tpu.vector_load %arg9[%swap3A_976] {strides = array<i32>} : memref<8192xf32, #tpu.memory_space<vmem>>, vector<16xf32>,
      tpu.vector_store %arg9[%swap3A_976], %select_n3A_973 {strides = array<i32>} : memref<8192xf32, #tpu.memory_space<vmem>>, vector<16xf32>,
      %max3A_978 = arith.maximumf %scan3A_905, %select_n3A_973 : vector<16xf32>
      %mul3A_979 = arith.constant 8 : i32
      %mul3A_980 = arith.muli %mul3A_979, %scan3A_902 : i32
      %add3A_981 = arith.constant 3 : i32
      %add3A_982 = arith.addi %mul3A_980, %add3A_981 : i32
      %mul3A_983 = arith.constant 16 : i32
      %mul3A_984 = arith.muli %add3A_982, %mul3A_983 : i32
      %get3A_985 = arith.index_cast %mul3A_984 : i32 to index
      %get3A_986 = tpu.vector_load %arg5[%get3A_985] {strides = array<i32>} : memref<8192xf32, #tpu.memory_space<vmem>>, vector<16xf32>,
      %mul3A_987 = arith.constant 16 : i32
      %mul3A_988 = arith.muli %add3A_982, %mul3A_987 : i32
      %get3A_989 = arith.index_cast %mul3A_988 : i32 to index
      %get3A_990 = tpu.vector_load %arg7[%get3A_989] {strides = array<i32>} : memref<8192xi32, #tpu.memory_space<vmem>>, vector<16xi32>,
      %eq3A_991 = arith.constant 0 : i32
      %eq3A_992 = vector.broadcast %eq3A_991 : i32 to vector<16xi32>
      %eq3A_993 = arith.cmpi eq, %get3A_990, %eq3A_992 : vector<16xi32>
      %jit3A_994 = arith.constant 0xFF800000 : f32
      %broadcast_in_dim3A_995 = vector.broadcast %jit3A_994 : f32 to vector<16xf32>
      %select_n3A_996 = arith.select %eq3A_993, %broadcast_in_dim3A_995, %get3A_986 : vector<16xi1>, vector<16xf32>
      %mul3A_997 = arith.constant 16 : i32
      %mul3A_998 = arith.muli %add3A_982, %mul3A_997 : i32
      %swap3A_999 = arith.index_cast %mul3A_998 : i32 to index
      %swap3A_1000 = tpu.vector_load %arg9[%swap3A_999] {strides = array<i32>} : memref<8192xf32, #tpu.memory_space<vmem>>, vector<16xf32>,
      tpu.vector_store %arg9[%swap3A_999], %select_n3A_996 {strides = array<i32>} : memref<8192xf32, #tpu.memory_space<vmem>>, vector<16xf32>,
      %max3A_1001 = arith.maximumf %scan3A_906, %select_n3A_996 : vector<16xf32>
      %mul3A_1002 = arith.constant 8 : i32
      %mul3A_1003 = arith.muli %mul3A_1002, %scan3A_902 : i32
      %add3A_1004 = arith.constant 4 : i32
      %add3A_1005 = arith.addi %mul3A_1003, %add3A_1004 : i32
      %mul3A_1006 = arith.constant 16 : i32
      %mul3A_1007 = arith.muli %add3A_1005, %mul3A_1006 : i32
      %get3A_1008 = arith.index_cast %mul3A_1007 : i32 to index
      %get3A_1009 = tpu.vector_load %arg5[%get3A_1008] {strides = array<i32>} : memref<8192xf32, #tpu.memory_space<vmem>>, vector<16xf32>,
      %mul3A_1010 = arith.constant 16 : i32
      %mul3A_1011 = arith.muli %add3A_1005, %mul3A_1010 : i32
      %get3A_1012 = arith.index_cast %mul3A_1011 : i32 to index
      %get3A_1013 = tpu.vector_load %arg7[%get3A_1012] {strides = array<i32>} : memref<8192xi32, #tpu.memory_space<vmem>>, vector<16xi32>,
      %eq3A_1014 = arith.constant 0 : i32
      %eq3A_1015 = vector.broadcast %eq3A_1014 : i32 to vector<16xi32>
      %eq3A_1016 = arith.cmpi eq, %get3A_1013, %eq3A_1015 : vector<16xi32>
      %jit3A_1017 = arith.constant 0xFF800000 : f32
      %broadcast_in_dim3A_1018 = vector.broadcast %jit3A_1017 : f32 to vector<16xf32>
      %select_n3A_1019 = arith.select %eq3A_1016, %broadcast_in_dim3A_1018, %get3A_1009 : vector<16xi1>, vector<16xf32>
      %mul3A_1020 = arith.constant 16 : i32
      %mul3A_1021 = arith.muli %add3A_1005, %mul3A_1020 : i32
      %swap3A_1022 = arith.index_cast %mul3A_1021 : i32 to index
      %swap3A_1023 = tpu.vector_load %arg9[%swap3A_1022] {strides = array<i32>} : memref<8192xf32, #tpu.memory_space<vmem>>, vector<16xf32>,
      tpu.vector_store %arg9[%swap3A_1022], %select_n3A_1019 {strides = array<i32>} : memref<8192xf32, #tpu.memory_space<vmem>>, vector<16xf32>,
      %max3A_1024 = arith.maximumf %scan3A_907, %select_n3A_1019 : vector<16xf32>
      %mul3A_1025 = arith.constant 8 : i32
      %mul3A_1026 = arith.muli %mul3A_1025, %scan3A_902 : i32
      %add3A_1027 = arith.constant 5 : i32
      %add3A_1028 = arith.addi %mul3A_1026, %add3A_1027 : i32
      %mul3A_1029 = arith.constant 16 : i32
      %mul3A_1030 = arith.muli %add3A_1028, %mul3A_1029 : i32
      %get3A_1031 = arith.index_cast %mul3A_1030 : i32 to index
      %get3A_1032 = tpu.vector_load %arg5[%get3A_1031] {strides = array<i32>} : memref<8192xf32, #tpu.memory_space<vmem>>, vector<16xf32>,
      %mul3A_1033 = arith.constant 16 : i32
      %mul3A_1034 = arith.muli %add3A_1028, %mul3A_1033 : i32
      %get3A_1035 = arith.index_cast %mul3A_1034 : i32 to index
      %get3A_1036 = tpu.vector_load %arg7[%get3A_1035] {strides = array<i32>} : memref<8192xi32, #tpu.memory_space<vmem>>, vector<16xi32>,
      %eq3A_1037 = arith.constant 0 : i32
      %eq3A_1038 = vector.broadcast %eq3A_1037 : i32 to vector<16xi32>
      %eq3A_1039 = arith.cmpi eq, %get3A_1036, %eq3A_1038 : vector<16xi32>
      %jit3A_1040 = arith.constant 0xFF800000 : f32
      %broadcast_in_dim3A_1041 = vector.broadcast %jit3A_1040 : f32 to vector<16xf32>
      %select_n3A_1042 = arith.select %eq3A_1039, %broadcast_in_dim3A_1041, %get3A_1032 : vector<16xi1>, vector<16xf32>
      %mul3A_1043 = arith.constant 16 : i32
      %mul3A_1044 = arith.muli %add3A_1028, %mul3A_1043 : i32
      %swap3A_1045 = arith.index_cast %mul3A_1044 : i32 to index
      %swap3A_1046 = tpu.vector_load %arg9[%swap3A_1045] {strides = array<i32>} : memref<8192xf32, #tpu.memory_space<vmem>>, vector<16xf32>,
      tpu.vector_store %arg9[%swap3A_1045], %select_n3A_1042 {strides = array<i32>} : memref<8192xf32, #tpu.memory_space<vmem>>, vector<16xf32>,
      %max3A_1047 = arith.maximumf %scan3A_908, %select_n3A_1042 : vector<16xf32>
      %mul3A_1048 = arith.constant 8 : i32
      %mul3A_1049 = arith.muli %mul3A_1048, %scan3A_902 : i32
      %add3A_1050 = arith.constant 6 : i32
      %add3A_1051 = arith.addi %mul3A_1049, %add3A_1050 : i32
      %mul3A_1052 = arith.constant 16 : i32
      %mul3A_1053 = arith.muli %add3A_1051, %mul3A_1052 : i32
      %get3A_1054 = arith.index_cast %mul3A_1053 : i32 to index
      %get3A_1055 = tpu.vector_load %arg5[%get3A_1054] {strides = array<i32>} : memref<8192xf32, #tpu.memory_space<vmem>>, vector<16xf32>,
      %mul3A_1056 = arith.constant 16 : i32
      %mul3A_1057 = arith.muli %add3A_1051, %mul3A_1056 : i32
      %get3A_1058 = arith.index_cast %mul3A_1057 : i32 to index
      %get3A_1059 = tpu.vector_load %arg7[%get3A_1058] {strides = array<i32>} : memref<8192xi32, #tpu.memory_space<vmem>>, vector<16xi32>,
      %eq3A_1060 = arith.constant 0 : i32
      %eq3A_1061 = vector.broadcast %eq3A_1060 : i32 to vector<16xi32>
      %eq3A_1062 = arith.cmpi eq, %get3A_1059, %eq3A_1061 : vector<16xi32>
      %jit3A_1063 = arith.constant 0xFF800000 : f32
      %broadcast_in_dim3A_1064 = vector.broadcast %jit3A_1063 : f32 to vector<16xf32>
      %select_n3A_1065 = arith.select %eq3A_1062, %broadcast_in_dim3A_1064, %get3A_1055 : vector<16xi1>, vector<16xf32>
      %mul3A_1066 = arith.constant 16 : i32
      %mul3A_1067 = arith.muli %add3A_1051, %mul3A_1066 : i32
      %swap3A_1068 = arith.index_cast %mul3A_1067 : i32 to index
      %swap3A_1069 = tpu.vector_load %arg9[%swap3A_1068] {strides = array<i32>} : memref<8192xf32, #tpu.memory_space<vmem>>, vector<16xf32>,
      tpu.vector_store %arg9[%swap3A_1068], %select_n3A_1065 {strides = array<i32>} : memref<8192xf32, #tpu.memory_space<vmem>>, vector<16xf32>,
      %max3A_1070 = arith.maximumf %scan3A_909, %select_n3A_1065 : vector<16xf32>
      %mul3A_1071 = arith.constant 8 : i32
      %mul3A_1072 = arith.muli %mul3A_1071, %scan3A_902 : i32
      %add3A_1073 = arith.constant 7 : i32
      %add3A_1074 = arith.addi %mul3A_1072, %add3A_1073 : i32
      %mul3A_1075 = arith.constant 16 : i32
      %mul3A_1076 = arith.muli %add3A_1074, %mul3A_1075 : i32
      %get3A_1077 = arith.index_cast %mul3A_1076 : i32 to index
      %get3A_1078 = tpu.vector_load %arg5[%get3A_1077] {strides = array<i32>} : memref<8192xf32, #tpu.memory_space<vmem>>, vector<16xf32>,
      %mul3A_1079 = arith.constant 16 : i32
      %mul3A_1080 = arith.muli %add3A_1074, %mul3A_1079 : i32
      %get3A_1081 = arith.index_cast %mul3A_1080 : i32 to index
      %get3A_1082 = tpu.vector_load %arg7[%get3A_1081] {strides = array<i32>} : memref<8192xi32, #tpu.memory_space<vmem>>, vector<16xi32>,
      %eq3A_1083 = arith.constant 0 : i32
      %eq3A_1084 = vector.broadcast %eq3A_1083 : i32 to vector<16xi32>
      %eq3A_1085 = arith.cmpi eq, %get3A_1082, %eq3A_1084 : vector<16xi32>
      %jit3A_1086 = arith.constant 0xFF800000 : f32
      %broadcast_in_dim3A_1087 = vector.broadcast %jit3A_1086 : f32 to vector<16xf32>
      %select_n3A_1088 = arith.select %eq3A_1085, %broadcast_in_dim3A_1087, %get3A_1078 : vector<16xi1>, vector<16xf32>
      %mul3A_1089 = arith.constant 16 : i32
      %mul3A_1090 = arith.muli %add3A_1074, %mul3A_1089 : i32
      %swap3A_1091 = arith.index_cast %mul3A_1090 : i32 to index
      %swap3A_1092 = tpu.vector_load %arg9[%swap3A_1091] {strides = array<i32>} : memref<8192xf32, #tpu.memory_space<vmem>>, vector<16xf32>,
      tpu.vector_store %arg9[%swap3A_1091], %select_n3A_1088 {strides = array<i32>} : memref<8192xf32, #tpu.memory_space<vmem>>, vector<16xf32>,
      %max3A_1093 = arith.maximumf %scan3A_910, %select_n3A_1088 : vector<16xf32>
      scf.yield %max3A_932, %max3A_955, %max3A_978, %max3A_1001, %max3A_1024, %max3A_1047, %max3A_1070, %max3A_1093 : vector<16xf32>, vector<16xf32>, vector<16xf32>, vector<16xf32>, vector<16xf32>, vector<16xf32>, vector<16xf32>, vector<16xf32>
    }
    %scan3A_64 = arith.constant 64 : i32
    %min3A = arith.minimumf %scan3A_63#0, %scan3A_63#1 : vector<16xf32>
    %max3A = arith.maximumf %scan3A_63#0, %scan3A_63#1 : vector<16xf32>
    %min3A_65 = arith.minimumf %min3A, %scan3A_63#2 : vector<16xf32>
    %max3A_66 = arith.maximumf %max3A, %scan3A_63#2 : vector<16xf32>
    %min3A_67 = arith.minimumf %min3A_65, %scan3A_63#3 : vector<16xf32>
    %max3A_68 = arith.maximumf %max3A_66, %scan3A_63#3 : vector<16xf32>
    %min3A_69 = arith.minimumf %min3A_67, %scan3A_63#4 : vector<16xf32>
    %max3A_70 = arith.maximumf %max3A_68, %scan3A_63#4 : vector<16xf32>
    %min3A_71 = arith.minimumf %min3A_69, %scan3A_63#5 : vector<16xf32>
    %max3A_72 = arith.maximumf %max3A_70, %scan3A_63#5 : vector<16xf32>
    %min3A_73 = arith.minimumf %min3A_71, %scan3A_63#6 : vector<16xf32>
    %max3A_74 = arith.maximumf %max3A_72, %scan3A_63#6 : vector<16xf32>
    %min3A_75 = arith.minimumf %min3A_73, %scan3A_63#7 : vector<16xf32>
    %max3A_76 = arith.maximumf %max3A_74, %scan3A_63#7 : vector<16xf32>
    %neg3A = arith.constant 0.000000e+00 : f32
    %neg3A_77 = vector.broadcast %neg3A : f32 to vector<16xf32>
    %neg3A_78 = arith.subf %neg3A_77, %min3A_75 : vector<16xf32>
    %reduce_max3A = arith.constant true
    %reduce_max3A_79 = vector.broadcast %reduce_max3A : i1 to vector<16xi1>
    %reduce_max3A_80 = tpu.scan <max>, %neg3A_78 masked %reduce_max3A_79 : vector<16xf32>, vector<16xi1> -> vector<16xf32>
    %reduce_max3A_81 = vector.extract %reduce_max3A_80[15] : f32 from vector<16xf32>
    %neg3A_82 = arith.constant 0.000000e+00 : f32
    %neg3A_83 = arith.subf %neg3A_82, %reduce_max3A_81 : f32
    %reduce_max3A_84 = arith.constant true
    %reduce_max3A_85 = vector.broadcast %reduce_max3A_84 : i1 to vector<16xi1>
    %reduce_max3A_86 = tpu.scan <max>, %max3A_76 masked %reduce_max3A_85 : vector<16xf32>, vector<16xi1> -> vector<16xf32>
    %reduce_max3A_87 = vector.extract %reduce_max3A_86[15] : f32 from vector<16xf32>
    %broadcast_in_dim3A_88 = arith.constant 0.000000e+00 : f32
    %broadcast_in_dim3A_89 = vector.broadcast %broadcast_in_dim3A_88 : f32 to vector<16xf32>
    %add3A_90 = vector.broadcast %neg3A_83 : f32 to vector<16xf32>
    %add3A_91 = arith.addf %broadcast_in_dim3A_89, %add3A_90 : vector<16xf32>
    %bitcast_convert_type3A = tpu.bitcast %add3A_91 : vector<16xf32> -> vector<16xi32>
    %ge3A = arith.constant 0 : i32
    %ge3A_92 = vector.broadcast %ge3A : i32 to vector<16xi32>
    %ge3A_93 = arith.cmpi sge, %bitcast_convert_type3A, %ge3A_92 : vector<16xi32>
    %xor3A = arith.constant 2147483647 : i32
    %xor3A_94 = vector.broadcast %xor3A : i32 to vector<16xi32>
    %xor3A_95 = arith.xori %bitcast_convert_type3A, %xor3A_94 : vector<16xi32>
    %select_n3A = arith.select %ge3A_93, %bitcast_convert_type3A, %xor3A_95 : vector<16xi1>, vector<16xi32>
    %slice3A = vector.extract_strided_slice %select_n3A {offsets = [0], sizes = [1], strides = [1]} : vector<16xi32> to vector<1xi32>
    %squeeze3A = vector.extract %slice3A[0] : i32 from vector<1xi32>
    %broadcast_in_dim3A_96 = arith.constant 0.000000e+00 : f32
    %broadcast_in_dim3A_97 = vector.broadcast %broadcast_in_dim3A_96 : f32 to vector<16xf32>
    %add3A_98 = vector.broadcast %reduce_max3A_87 : f32 to vector<16xf32>
    %add3A_99 = arith.addf %broadcast_in_dim3A_97, %add3A_98 : vector<16xf32>
    %bitcast_convert_type3A_100 = tpu.bitcast %add3A_99 : vector<16xf32> -> vector<16xi32>
    %ge3A_101 = arith.constant 0 : i32
    %ge3A_102 = vector.broadcast %ge3A_101 : i32 to vector<16xi32>
    %ge3A_103 = arith.cmpi sge, %bitcast_convert_type3A_100, %ge3A_102 : vector<16xi32>
    %xor3A_104 = arith.constant 2147483647 : i32
    %xor3A_105 = vector.broadcast %xor3A_104 : i32 to vector<16xi32>
    %xor3A_106 = arith.xori %bitcast_convert_type3A_100, %xor3A_105 : vector<16xi32>
    %select_n3A_107 = arith.select %ge3A_103, %bitcast_convert_type3A_100, %xor3A_106 : vector<16xi1>, vector<16xi32>
    %slice3A_108 = vector.extract_strided_slice %select_n3A_107 {offsets = [0], sizes = [1], strides = [1]} : vector<16xi32> to vector<1xi32>
    %squeeze3A_109 = vector.extract %slice3A_108[0] : i32 from vector<1xi32>
    %add3A_110 = arith.constant 1 : i32
    %add3A_111 = arith.addi %squeeze3A_109, %add3A_110 : i32
    %scan3A_112 = arith.constant 0 : i32
    %scan3A_113 = arith.constant 6 : i32
    %scan3A_114 = arith.addi %scan3A_112, %scan3A_113 : i32
    %scan3A_115 = arith.constant 1 : i32
    %scan3A_116:2 = scf.for %scan3A_902 = %scan3A_112 to %scan3A_114 step %scan3A_115 iter_args(%scan3A_903 = %squeeze3A, %scan3A_904 = %add3A_111) -> (i32, i32)  : i32 {
      %sub3A_905 = arith.subi %scan3A_904, %scan3A_903 : i32
      %shift_right_logical3A = arith.constant 1 : i32
      %shift_right_logical3A_906 = arith.shrui %sub3A_905, %shift_right_logical3A : i32
      %add3A_907 = arith.addi %scan3A_903, %shift_right_logical3A_906 : i32
      %broadcast_in_dim3A_908 = arith.constant 0 : i32
      %broadcast_in_dim3A_909 = vector.broadcast %broadcast_in_dim3A_908 : i32 to vector<16xi32>
      %add3A_910 = vector.broadcast %add3A_907 : i32 to vector<16xi32>
      %add3A_911 = arith.addi %broadcast_in_dim3A_909, %add3A_910 : vector<16xi32>
      %ge3A_912 = arith.constant 0 : i32
      %ge3A_913 = vector.broadcast %ge3A_912 : i32 to vector<16xi32>
      %ge3A_914 = arith.cmpi sge, %add3A_911, %ge3A_913 : vector<16xi32>
      %xor3A_915 = arith.constant 2147483647 : i32
      %xor3A_916 = vector.broadcast %xor3A_915 : i32 to vector<16xi32>
      %xor3A_917 = arith.xori %add3A_911, %xor3A_916 : vector<16xi32>
      %select_n3A_918 = arith.select %ge3A_914, %add3A_911, %xor3A_917 : vector<16xi1>, vector<16xi32>
      %bitcast_convert_type3A_919 = tpu.bitcast %select_n3A_918 : vector<16xi32> -> vector<16xf32>
      %broadcast_in_dim3A_920 = arith.constant 0 : i32
      %broadcast_in_dim3A_921 = vector.broadcast %broadcast_in_dim3A_920 : i32 to vector<16xi32>
      %ge3A_922 = arith.cmpf oge, %scan3A_63#0, %bitcast_convert_type3A_919 : vector<16xf32>
      %convert_element_type3A = arith.extui %ge3A_922 : vector<16xi1> to vector<16xi32>
      %add3A_923 = arith.addi %broadcast_in_dim3A_921, %convert_element_type3A : vector<16xi32>
      %ge3A_924 = arith.cmpf oge, %scan3A_63#1, %bitcast_convert_type3A_919 : vector<16xf32>
      %convert_element_type3A_925 = arith.extui %ge3A_924 : vector<16xi1> to vector<16xi32>
      %add3A_926 = arith.addi %add3A_923, %convert_element_type3A_925 : vector<16xi32>
      %ge3A_927 = arith.cmpf oge, %scan3A_63#2, %bitcast_convert_type3A_919 : vector<16xf32>
      %convert_element_type3A_928 = arith.extui %ge3A_927 : vector<16xi1> to vector<16xi32>
      %add3A_929 = arith.addi %add3A_926, %convert_element_type3A_928 : vector<16xi32>
      %ge3A_930 = arith.cmpf oge, %scan3A_63#3, %bitcast_convert_type3A_919 : vector<16xf32>
      %convert_element_type3A_931 = arith.extui %ge3A_930 : vector<16xi1> to vector<16xi32>
      %add3A_932 = arith.addi %add3A_929, %convert_element_type3A_931 : vector<16xi32>
      %ge3A_933 = arith.cmpf oge, %scan3A_63#4, %bitcast_convert_type3A_919 : vector<16xf32>
      %convert_element_type3A_934 = arith.extui %ge3A_933 : vector<16xi1> to vector<16xi32>
      %add3A_935 = arith.addi %add3A_932, %convert_element_type3A_934 : vector<16xi32>
      %ge3A_936 = arith.cmpf oge, %scan3A_63#5, %bitcast_convert_type3A_919 : vector<16xf32>
      %convert_element_type3A_937 = arith.extui %ge3A_936 : vector<16xi1> to vector<16xi32>
      %add3A_938 = arith.addi %add3A_935, %convert_element_type3A_937 : vector<16xi32>
      %ge3A_939 = arith.cmpf oge, %scan3A_63#6, %bitcast_convert_type3A_919 : vector<16xf32>
      %convert_element_type3A_940 = arith.extui %ge3A_939 : vector<16xi1> to vector<16xi32>
      %add3A_941 = arith.addi %add3A_938, %convert_element_type3A_940 : vector<16xi32>
      %ge3A_942 = arith.cmpf oge, %scan3A_63#7, %bitcast_convert_type3A_919 : vector<16xf32>
      %convert_element_type3A_943 = arith.extui %ge3A_942 : vector<16xi1> to vector<16xi32>
      %add3A_944 = arith.addi %add3A_941, %convert_element_type3A_943 : vector<16xi32>
      %reduce_sum3A = arith.constant true
      %reduce_sum3A_945 = vector.broadcast %reduce_sum3A : i1 to vector<16xi1>
      %reduce_sum3A_946 = tpu.scan <sum>, %add3A_944 masked %reduce_sum3A_945 : vector<16xi32>, vector<16xi1> -> vector<16xi32>
      %reduce_sum3A_947 = vector.extract %reduce_sum3A_946[15] : i32 from vector<16xi32>
      %ge3A_948 = arith.constant 64 : i32
      %ge3A_949 = arith.cmpi sge, %reduce_sum3A_947, %ge3A_948 : i32
      %ne3A_950 = arith.constant 0 : i32
      %ne3A_951 = arith.cmpi ne, %shift_right_logical3A_906, %ne3A_950 : i32
      %and3A_952 = arith.andi %ne3A_951, %ge3A_949 : i1
      %ne3A_953 = arith.constant 0 : i32
      %ne3A_954 = arith.cmpi ne, %shift_right_logical3A_906, %ne3A_953 : i32
      %not3A = arith.constant true
      %not3A_955 = arith.xori %ge3A_949, %not3A : i1
      %and3A_956 = arith.andi %ne3A_954, %not3A_955 : i1
      %select_n3A_957 = arith.select %and3A_952, %add3A_907, %scan3A_903 : i32
      %select_n3A_958 = arith.select %and3A_956, %add3A_907, %scan3A_904 : i32
      scf.yield %select_n3A_957, %select_n3A_958 : i32, i32
    }
    %scan3A_117 = arith.constant 6 : i32
    %broadcast_in_dim3A_118 = arith.constant 0 : i32
    %broadcast_in_dim3A_119 = vector.broadcast %broadcast_in_dim3A_118 : i32 to vector<16xi32>
    %add3A_120 = vector.broadcast %scan3A_116#0 : i32 to vector<16xi32>
    %add3A_121 = arith.addi %broadcast_in_dim3A_119, %add3A_120 : vector<16xi32>
    %ge3A_122 = arith.constant 0 : i32
    %ge3A_123 = vector.broadcast %ge3A_122 : i32 to vector<16xi32>
    %ge3A_124 = arith.cmpi sge, %add3A_121, %ge3A_123 : vector<16xi32>
    %xor3A_125 = arith.constant 2147483647 : i32
    %xor3A_126 = vector.broadcast %xor3A_125 : i32 to vector<16xi32>
    %xor3A_127 = arith.xori %add3A_121, %xor3A_126 : vector<16xi32>
    %select_n3A_128 = arith.select %ge3A_124, %add3A_121, %xor3A_127 : vector<16xi1>, vector<16xi32>
    %bitcast_convert_type3A_129 = tpu.bitcast %select_n3A_128 : vector<16xi32> -> vector<16xf32>
    %slice3A_130 = vector.extract_strided_slice %bitcast_convert_type3A_129 {offsets = [0], sizes = [1], strides = [1]} : vector<16xf32> to vector<1xf32>
    %squeeze3A_131 = vector.extract %slice3A_130[0] : f32 from vector<1xf32>
    %scan3A_132 = arith.constant 0 : i32
    %scan3A_133 = arith.constant 0 : i32
    %scan3A_134 = arith.constant 64 : i32
    %scan3A_135 = arith.addi %scan3A_133, %scan3A_134 : i32
    %scan3A_136 = arith.constant 1 : i32
    %scan3A_137 = scf.for %scan3A_902 = %scan3A_133 to %scan3A_135 step %scan3A_136 iter_args(%scan3A_903 = %scan3A_132) -> (i32)  : i32 {
      %mul3A_904 = arith.constant 8 : i32
      %mul3A_905 = arith.muli %mul3A_904, %scan3A_902 : i32
      %add3A_906 = arith.constant 0 : i32
      %add3A_907 = arith.addi %mul3A_905, %add3A_906 : i32
      %mul3A_908 = arith.constant 16 : i32
      %mul3A_909 = arith.muli %add3A_907, %mul3A_908 : i32
      %get3A_910 = arith.index_cast %mul3A_909 : i32 to index
      %get3A_911 = tpu.vector_load %arg9[%get3A_910] {strides = array<i32>} : memref<8192xf32, #tpu.memory_space<vmem>>, vector<16xf32>,
      %ge3A_912 = vector.broadcast %squeeze3A_131 : f32 to vector<16xf32>
      %ge3A_913 = arith.cmpf oge, %get3A_911, %ge3A_912 : vector<16xf32>
      %all_reduce_population_count3A = tpu.all_reduce %ge3A_913 {dim = 0 : i64, kind = #tpu.reduction_kind<sum>} : vector<16xi1> -> vector<16xi32>
      %slice3A_914 = vector.extract_strided_slice %all_reduce_population_count3A {offsets = [0], sizes = [1], strides = [1]} : vector<16xi32> to vector<1xi32>
      %squeeze3A_915 = vector.extract %slice3A_914[0] : i32 from vector<1xi32>
      %mul3A_916 = arith.constant 8 : i32
      %mul3A_917 = arith.muli %mul3A_916, %scan3A_902 : i32
      %add3A_918 = arith.constant 1 : i32
      %add3A_919 = arith.addi %mul3A_917, %add3A_918 : i32
      %mul3A_920 = arith.constant 16 : i32
      %mul3A_921 = arith.muli %add3A_919, %mul3A_920 : i32
      %get3A_922 = arith.index_cast %mul3A_921 : i32 to index
      %get3A_923 = tpu.vector_load %arg9[%get3A_922] {strides = array<i32>} : memref<8192xf32, #tpu.memory_space<vmem>>, vector<16xf32>,
      %ge3A_924 = vector.broadcast %squeeze3A_131 : f32 to vector<16xf32>
      %ge3A_925 = arith.cmpf oge, %get3A_923, %ge3A_924 : vector<16xf32>
      %all_reduce_population_count3A_926 = tpu.all_reduce %ge3A_925 {dim = 0 : i64, kind = #tpu.reduction_kind<sum>} : vector<16xi1> -> vector<16xi32>
      %slice3A_927 = vector.extract_strided_slice %all_reduce_population_count3A_926 {offsets = [0], sizes = [1], strides = [1]} : vector<16xi32> to vector<1xi32>
      %squeeze3A_928 = vector.extract %slice3A_927[0] : i32 from vector<1xi32>
      %mul3A_929 = arith.constant 8 : i32
      %mul3A_930 = arith.muli %mul3A_929, %scan3A_902 : i32
      %add3A_931 = arith.constant 2 : i32
      %add3A_932 = arith.addi %mul3A_930, %add3A_931 : i32
      %mul3A_933 = arith.constant 16 : i32
      %mul3A_934 = arith.muli %add3A_932, %mul3A_933 : i32
      %get3A_935 = arith.index_cast %mul3A_934 : i32 to index
      %get3A_936 = tpu.vector_load %arg9[%get3A_935] {strides = array<i32>} : memref<8192xf32, #tpu.memory_space<vmem>>, vector<16xf32>,
      %ge3A_937 = vector.broadcast %squeeze3A_131 : f32 to vector<16xf32>
      %ge3A_938 = arith.cmpf oge, %get3A_936, %ge3A_937 : vector<16xf32>
      %all_reduce_population_count3A_939 = tpu.all_reduce %ge3A_938 {dim = 0 : i64, kind = #tpu.reduction_kind<sum>} : vector<16xi1> -> vector<16xi32>
      %slice3A_940 = vector.extract_strided_slice %all_reduce_population_count3A_939 {offsets = [0], sizes = [1], strides = [1]} : vector<16xi32> to vector<1xi32>
      %squeeze3A_941 = vector.extract %slice3A_940[0] : i32 from vector<1xi32>
      %mul3A_942 = arith.constant 8 : i32
      %mul3A_943 = arith.muli %mul3A_942, %scan3A_902 : i32
      %add3A_944 = arith.constant 3 : i32
      %add3A_945 = arith.addi %mul3A_943, %add3A_944 : i32
      %mul3A_946 = arith.constant 16 : i32
      %mul3A_947 = arith.muli %add3A_945, %mul3A_946 : i32
      %get3A_948 = arith.index_cast %mul3A_947 : i32 to index
      %get3A_949 = tpu.vector_load %arg9[%get3A_948] {strides = array<i32>} : memref<8192xf32, #tpu.memory_space<vmem>>, vector<16xf32>,
      %ge3A_950 = vector.broadcast %squeeze3A_131 : f32 to vector<16xf32>
      %ge3A_951 = arith.cmpf oge, %get3A_949, %ge3A_950 : vector<16xf32>
      %all_reduce_population_count3A_952 = tpu.all_reduce %ge3A_951 {dim = 0 : i64, kind = #tpu.reduction_kind<sum>} : vector<16xi1> -> vector<16xi32>
      %slice3A_953 = vector.extract_strided_slice %all_reduce_population_count3A_952 {offsets = [0], sizes = [1], strides = [1]} : vector<16xi32> to vector<1xi32>
      %squeeze3A_954 = vector.extract %slice3A_953[0] : i32 from vector<1xi32>
      %mul3A_955 = arith.constant 8 : i32
      %mul3A_956 = arith.muli %mul3A_955, %scan3A_902 : i32
      %add3A_957 = arith.constant 4 : i32
      %add3A_958 = arith.addi %mul3A_956, %add3A_957 : i32
      %mul3A_959 = arith.constant 16 : i32
      %mul3A_960 = arith.muli %add3A_958, %mul3A_959 : i32
      %get3A_961 = arith.index_cast %mul3A_960 : i32 to index
      %get3A_962 = tpu.vector_load %arg9[%get3A_961] {strides = array<i32>} : memref<8192xf32, #tpu.memory_space<vmem>>, vector<16xf32>,
      %ge3A_963 = vector.broadcast %squeeze3A_131 : f32 to vector<16xf32>
      %ge3A_964 = arith.cmpf oge, %get3A_962, %ge3A_963 : vector<16xf32>
      %all_reduce_population_count3A_965 = tpu.all_reduce %ge3A_964 {dim = 0 : i64, kind = #tpu.reduction_kind<sum>} : vector<16xi1> -> vector<16xi32>
      %slice3A_966 = vector.extract_strided_slice %all_reduce_population_count3A_965 {offsets = [0], sizes = [1], strides = [1]} : vector<16xi32> to vector<1xi32>
      %squeeze3A_967 = vector.extract %slice3A_966[0] : i32 from vector<1xi32>
      %mul3A_968 = arith.constant 8 : i32
      %mul3A_969 = arith.muli %mul3A_968, %scan3A_902 : i32
      %add3A_970 = arith.constant 5 : i32
      %add3A_971 = arith.addi %mul3A_969, %add3A_970 : i32
      %mul3A_972 = arith.constant 16 : i32
      %mul3A_973 = arith.muli %add3A_971, %mul3A_972 : i32
      %get3A_974 = arith.index_cast %mul3A_973 : i32 to index
      %get3A_975 = tpu.vector_load %arg9[%get3A_974] {strides = array<i32>} : memref<8192xf32, #tpu.memory_space<vmem>>, vector<16xf32>,
      %ge3A_976 = vector.broadcast %squeeze3A_131 : f32 to vector<16xf32>
      %ge3A_977 = arith.cmpf oge, %get3A_975, %ge3A_976 : vector<16xf32>
      %all_reduce_population_count3A_978 = tpu.all_reduce %ge3A_977 {dim = 0 : i64, kind = #tpu.reduction_kind<sum>} : vector<16xi1> -> vector<16xi32>
      %slice3A_979 = vector.extract_strided_slice %all_reduce_population_count3A_978 {offsets = [0], sizes = [1], strides = [1]} : vector<16xi32> to vector<1xi32>
      %squeeze3A_980 = vector.extract %slice3A_979[0] : i32 from vector<1xi32>
      %mul3A_981 = arith.constant 8 : i32
      %mul3A_982 = arith.muli %mul3A_981, %scan3A_902 : i32
      %add3A_983 = arith.constant 6 : i32
      %add3A_984 = arith.addi %mul3A_982, %add3A_983 : i32
      %mul3A_985 = arith.constant 16 : i32
      %mul3A_986 = arith.muli %add3A_984, %mul3A_985 : i32
      %get3A_987 = arith.index_cast %mul3A_986 : i32 to index
      %get3A_988 = tpu.vector_load %arg9[%get3A_987] {strides = array<i32>} : memref<8192xf32, #tpu.memory_space<vmem>>, vector<16xf32>,
      %ge3A_989 = vector.broadcast %squeeze3A_131 : f32 to vector<16xf32>
      %ge3A_990 = arith.cmpf oge, %get3A_988, %ge3A_989 : vector<16xf32>
      %all_reduce_population_count3A_991 = tpu.all_reduce %ge3A_990 {dim = 0 : i64, kind = #tpu.reduction_kind<sum>} : vector<16xi1> -> vector<16xi32>
      %slice3A_992 = vector.extract_strided_slice %all_reduce_population_count3A_991 {offsets = [0], sizes = [1], strides = [1]} : vector<16xi32> to vector<1xi32>
      %squeeze3A_993 = vector.extract %slice3A_992[0] : i32 from vector<1xi32>
      %mul3A_994 = arith.constant 8 : i32
      %mul3A_995 = arith.muli %mul3A_994, %scan3A_902 : i32
      %add3A_996 = arith.constant 7 : i32
      %add3A_997 = arith.addi %mul3A_995, %add3A_996 : i32
      %mul3A_998 = arith.constant 16 : i32
      %mul3A_999 = arith.muli %add3A_997, %mul3A_998 : i32
      %get3A_1000 = arith.index_cast %mul3A_999 : i32 to index
      %get3A_1001 = tpu.vector_load %arg9[%get3A_1000] {strides = array<i32>} : memref<8192xf32, #tpu.memory_space<vmem>>, vector<16xf32>,
      %ge3A_1002 = vector.broadcast %squeeze3A_131 : f32 to vector<16xf32>
      %ge3A_1003 = arith.cmpf oge, %get3A_1001, %ge3A_1002 : vector<16xf32>
      %all_reduce_population_count3A_1004 = tpu.all_reduce %ge3A_1003 {dim = 0 : i64, kind = #tpu.reduction_kind<sum>} : vector<16xi1> -> vector<16xi32>
      %slice3A_1005 = vector.extract_strided_slice %all_reduce_population_count3A_1004 {offsets = [0], sizes = [1], strides = [1]} : vector<16xi32> to vector<1xi32>
      %squeeze3A_1006 = vector.extract %slice3A_1005[0] : i32 from vector<1xi32>
      %add3A_1007 = arith.addi %scan3A_903, %squeeze3A_915 : i32
      %add3A_1008 = arith.addi %add3A_1007, %squeeze3A_928 : i32
      %add3A_1009 = arith.addi %add3A_1008, %squeeze3A_941 : i32
      %add3A_1010 = arith.addi %add3A_1009, %squeeze3A_954 : i32
      %add3A_1011 = arith.addi %add3A_1010, %squeeze3A_967 : i32
      %add3A_1012 = arith.addi %add3A_1011, %squeeze3A_980 : i32
      %add3A_1013 = arith.addi %add3A_1012, %squeeze3A_993 : i32
      %mul3A_1014 = arith.constant 8 : i32
      %mul3A_1015 = arith.muli %mul3A_1014, %scan3A_902 : i32
      %add3A_1016 = arith.constant 0 : i32
      %add3A_1017 = arith.addi %mul3A_1015, %add3A_1016 : i32
      %mul3A_1018 = arith.constant 16 : i32
      %mul3A_1019 = arith.muli %add3A_1017, %mul3A_1018 : i32
      %add3A_1020 = vector.broadcast %mul3A_1019 : i32 to vector<16xi32>
      %add3A_1021 = arith.addi %iota3A, %add3A_1020 : vector<16xi32>
      %swap3A_1022 = arith.index_cast %scan3A_903 : i32 to index
      %swap3A_1023 = tpu.vector_load %arg11[%swap3A_1022] masked %ge3A_913 {strides = array<i32>} : memref<8208xi32, #tpu.memory_space<vmem>>, vector<16xi32>, vector<16xi1>
      tpu.vector_store %arg11[%swap3A_1022], %add3A_1021 masked %ge3A_913 {strides = array<i32>} : memref<8208xi32, #tpu.memory_space<vmem>>, vector<16xi32>, vector<16xi1>
      %mul3A_1024 = arith.constant 8 : i32
      %mul3A_1025 = arith.muli %mul3A_1024, %scan3A_902 : i32
      %add3A_1026 = arith.constant 1 : i32
      %add3A_1027 = arith.addi %mul3A_1025, %add3A_1026 : i32
      %mul3A_1028 = arith.constant 16 : i32
      %mul3A_1029 = arith.muli %add3A_1027, %mul3A_1028 : i32
      %add3A_1030 = vector.broadcast %mul3A_1029 : i32 to vector<16xi32>
      %add3A_1031 = arith.addi %iota3A, %add3A_1030 : vector<16xi32>
      %swap3A_1032 = arith.index_cast %add3A_1007 : i32 to index
      %swap3A_1033 = tpu.vector_load %arg11[%swap3A_1032] masked %ge3A_925 {strides = array<i32>} : memref<8208xi32, #tpu.memory_space<vmem>>, vector<16xi32>, vector<16xi1>
      tpu.vector_store %arg11[%swap3A_1032], %add3A_1031 masked %ge3A_925 {strides = array<i32>} : memref<8208xi32, #tpu.memory_space<vmem>>, vector<16xi32>, vector<16xi1>
      %mul3A_1034 = arith.constant 8 : i32
      %mul3A_1035 = arith.muli %mul3A_1034, %scan3A_902 : i32
      %add3A_1036 = arith.constant 2 : i32
      %add3A_1037 = arith.addi %mul3A_1035, %add3A_1036 : i32
      %mul3A_1038 = arith.constant 16 : i32
      %mul3A_1039 = arith.muli %add3A_1037, %mul3A_1038 : i32
      %add3A_1040 = vector.broadcast %mul3A_1039 : i32 to vector<16xi32>
      %add3A_1041 = arith.addi %iota3A, %add3A_1040 : vector<16xi32>
      %swap3A_1042 = arith.index_cast %add3A_1008 : i32 to index
      %swap3A_1043 = tpu.vector_load %arg11[%swap3A_1042] masked %ge3A_938 {strides = array<i32>} : memref<8208xi32, #tpu.memory_space<vmem>>, vector<16xi32>, vector<16xi1>
      tpu.vector_store %arg11[%swap3A_1042], %add3A_1041 masked %ge3A_938 {strides = array<i32>} : memref<8208xi32, #tpu.memory_space<vmem>>, vector<16xi32>, vector<16xi1>
      %mul3A_1044 = arith.constant 8 : i32
      %mul3A_1045 = arith.muli %mul3A_1044, %scan3A_902 : i32
      %add3A_1046 = arith.constant 3 : i32
      %add3A_1047 = arith.addi %mul3A_1045, %add3A_1046 : i32
      %mul3A_1048 = arith.constant 16 : i32
      %mul3A_1049 = arith.muli %add3A_1047, %mul3A_1048 : i32
      %add3A_1050 = vector.broadcast %mul3A_1049 : i32 to vector<16xi32>
      %add3A_1051 = arith.addi %iota3A, %add3A_1050 : vector<16xi32>
      %swap3A_1052 = arith.index_cast %add3A_1009 : i32 to index
      %swap3A_1053 = tpu.vector_load %arg11[%swap3A_1052] masked %ge3A_951 {strides = array<i32>} : memref<8208xi32, #tpu.memory_space<vmem>>, vector<16xi32>, vector<16xi1>
      tpu.vector_store %arg11[%swap3A_1052], %add3A_1051 masked %ge3A_951 {strides = array<i32>} : memref<8208xi32, #tpu.memory_space<vmem>>, vector<16xi32>, vector<16xi1>
      %mul3A_1054 = arith.constant 8 : i32
      %mul3A_1055 = arith.muli %mul3A_1054, %scan3A_902 : i32
      %add3A_1056 = arith.constant 4 : i32
      %add3A_1057 = arith.addi %mul3A_1055, %add3A_1056 : i32
      %mul3A_1058 = arith.constant 16 : i32
      %mul3A_1059 = arith.muli %add3A_1057, %mul3A_1058 : i32
      %add3A_1060 = vector.broadcast %mul3A_1059 : i32 to vector<16xi32>
      %add3A_1061 = arith.addi %iota3A, %add3A_1060 : vector<16xi32>
      %swap3A_1062 = arith.index_cast %add3A_1010 : i32 to index
      %swap3A_1063 = tpu.vector_load %arg11[%swap3A_1062] masked %ge3A_964 {strides = array<i32>} : memref<8208xi32, #tpu.memory_space<vmem>>, vector<16xi32>, vector<16xi1>
      tpu.vector_store %arg11[%swap3A_1062], %add3A_1061 masked %ge3A_964 {strides = array<i32>} : memref<8208xi32, #tpu.memory_space<vmem>>, vector<16xi32>, vector<16xi1>
      %mul3A_1064 = arith.constant 8 : i32
      %mul3A_1065 = arith.muli %mul3A_1064, %scan3A_902 : i32
      %add3A_1066 = arith.constant 5 : i32
      %add3A_1067 = arith.addi %mul3A_1065, %add3A_1066 : i32
      %mul3A_1068 = arith.constant 16 : i32
      %mul3A_1069 = arith.muli %add3A_1067, %mul3A_1068 : i32
      %add3A_1070 = vector.broadcast %mul3A_1069 : i32 to vector<16xi32>
      %add3A_1071 = arith.addi %iota3A, %add3A_1070 : vector<16xi32>
      %swap3A_1072 = arith.index_cast %add3A_1011 : i32 to index
      %swap3A_1073 = tpu.vector_load %arg11[%swap3A_1072] masked %ge3A_977 {strides = array<i32>} : memref<8208xi32, #tpu.memory_space<vmem>>, vector<16xi32>, vector<16xi1>
      tpu.vector_store %arg11[%swap3A_1072], %add3A_1071 masked %ge3A_977 {strides = array<i32>} : memref<8208xi32, #tpu.memory_space<vmem>>, vector<16xi32>, vector<16xi1>
      %mul3A_1074 = arith.constant 8 : i32
      %mul3A_1075 = arith.muli %mul3A_1074, %scan3A_902 : i32
      %add3A_1076 = arith.constant 6 : i32
      %add3A_1077 = arith.addi %mul3A_1075, %add3A_1076 : i32
      %mul3A_1078 = arith.constant 16 : i32
      %mul3A_1079 = arith.muli %add3A_1077, %mul3A_1078 : i32
      %add3A_1080 = vector.broadcast %mul3A_1079 : i32 to vector<16xi32>
      %add3A_1081 = arith.addi %iota3A, %add3A_1080 : vector<16xi32>
      %swap3A_1082 = arith.index_cast %add3A_1012 : i32 to index
      %swap3A_1083 = tpu.vector_load %arg11[%swap3A_1082] masked %ge3A_990 {strides = array<i32>} : memref<8208xi32, #tpu.memory_space<vmem>>, vector<16xi32>, vector<16xi1>
      tpu.vector_store %arg11[%swap3A_1082], %add3A_1081 masked %ge3A_990 {strides = array<i32>} : memref<8208xi32, #tpu.memory_space<vmem>>, vector<16xi32>, vector<16xi1>
      %mul3A_1084 = arith.constant 8 : i32
      %mul3A_1085 = arith.muli %mul3A_1084, %scan3A_902 : i32
      %add3A_1086 = arith.constant 7 : i32
      %add3A_1087 = arith.addi %mul3A_1085, %add3A_1086 : i32
      %mul3A_1088 = arith.constant 16 : i32
      %mul3A_1089 = arith.muli %add3A_1087, %mul3A_1088 : i32
      %add3A_1090 = vector.broadcast %mul3A_1089 : i32 to vector<16xi32>
      %add3A_1091 = arith.addi %iota3A, %add3A_1090 : vector<16xi32>
      %swap3A_1092 = arith.index_cast %add3A_1013 : i32 to index
      %swap3A_1093 = tpu.vector_load %arg11[%swap3A_1092] masked %ge3A_1003 {strides = array<i32>} : memref<8208xi32, #tpu.memory_space<vmem>>, vector<16xi32>, vector<16xi1>
      tpu.vector_store %arg11[%swap3A_1092], %add3A_1091 masked %ge3A_1003 {strides = array<i32>} : memref<8208xi32, #tpu.memory_space<vmem>>, vector<16xi32>, vector<16xi1>
      %add3A_1094 = arith.addi %add3A_1013, %squeeze3A_1006 : i32
      scf.yield %add3A_1094 : i32
    }
    %scan3A_138 = arith.constant 64 : i32
    %add3A_139 = arith.constant 16 : i32
    %add3A_140 = arith.addi %scan3A_137, %add3A_139 : i32
    %sub3A = arith.constant 1 : i32
    %sub3A_141 = arith.subi %add3A_140, %sub3A : i32
    %jit3A = arith.constant 16 : i32
    %div3A = arith.divsi %sub3A_141, %jit3A : i32
    %sign3A = arith.constant 0 : i32
    %sign3A_142 = arith.cmpi sgt, %sub3A_141, %sign3A : i32
    %sign3A_143 = arith.extui %sign3A_142 : i1 to i32
    %sign3A_144 = arith.constant 0 : i32
    %sign3A_145 = arith.cmpi slt, %sub3A_141, %sign3A_144 : i32
    %sign3A_146 = arith.extui %sign3A_145 : i1 to i32
    %sign3A_147 = arith.subi %sign3A_143, %sign3A_146 : i32
    %sign3A_148 = arith.constant 0 : i32
    %sign3A_149 = arith.cmpi sgt, %jit3A, %sign3A_148 : i32
    %sign3A_150 = arith.extui %sign3A_149 : i1 to i32
    %sign3A_151 = arith.constant 0 : i32
    %sign3A_152 = arith.cmpi slt, %jit3A, %sign3A_151 : i32
    %sign3A_153 = arith.extui %sign3A_152 : i1 to i32
    %sign3A_154 = arith.subi %sign3A_150, %sign3A_153 : i32
    %ne3A = arith.cmpi ne, %sign3A_147, %sign3A_154 : i32
    %rem3A = arith.remsi %sub3A_141, %jit3A : i32
    %ne3A_155 = arith.constant 0 : i32
    %ne3A_156 = arith.cmpi ne, %rem3A, %ne3A_155 : i32
    %and3A = arith.andi %ne3A, %ne3A_156 : i1
    %sub3A_157 = arith.constant 1 : i32
    %sub3A_158 = arith.subi %div3A, %sub3A_157 : i32
    %select_n3A_159 = arith.select %and3A, %sub3A_158, %div3A : i32
    %swap3A = arith.index_cast %scan3A_137 : i32 to index
    %swap3A_160 = tpu.vector_load %arg11[%swap3A] {strides = array<i32>} : memref<8208xi32, #tpu.memory_space<vmem>>, vector<16xi32>,
    tpu.vector_store %arg11[%swap3A], %iota3A {strides = array<i32>} : memref<8208xi32, #tpu.memory_space<vmem>>, vector<16xi32>,
    %while3A = arith.constant 0 : i32
    %while3A_161 = arith.constant 0 : i32
    %while3A_162 = arith.subi %select_n3A_159, %while3A : i32
    %while3A_163 = arith.addi %while3A, %while3A_162 : i32
    %while3A_164 = arith.constant 1 : i32
    %while3A_165 = arith.divsi %while3A_162, %while3A_164 : i32
    %while3A_166 = arith.muli %while3A_165, %while3A_164 : i32
    %while3A_167 = arith.addi %while3A, %while3A_166 : i32
    %while3A_168 = arith.constant 1 : i32
    %while3A_169 = scf.for %while3A_902 = %while3A to %while3A_167 step %while3A_168 iter_args(%while3A_903 = %while3A_161) -> (i32)  : i32 {
      %mul3A_904 = arith.constant 16 : i32
      %mul3A_905 = arith.muli %while3A_902, %mul3A_904 : i32
      %get3A_906 = arith.index_cast %mul3A_905 : i32 to index
      %get3A_907 = tpu.vector_load %arg11[%get3A_906] {strides = array<i32>} : memref<8208xi32, #tpu.memory_space<vmem>>, vector<16xi32>,
      %gather3A_908 = tpu.vector_load_idx %arg9[%get3A_907] : memref<8192xf32, #tpu.memory_space<vmem>>[vector<16xi32>], vector<16xf32>,
      %bitcast_convert_type3A_909 = tpu.bitcast %gather3A_908 : vector<16xf32> -> vector<16xi32>
      %ge3A_910 = arith.constant 0 : i32
      %ge3A_911 = vector.broadcast %ge3A_910 : i32 to vector<16xi32>
      %ge3A_912 = arith.cmpi sge, %bitcast_convert_type3A_909, %ge3A_911 : vector<16xi32>
      %xor3A_913 = arith.constant 2147483647 : i32
      %xor3A_914 = vector.broadcast %xor3A_913 : i32 to vector<16xi32>
      %xor3A_915 = arith.xori %bitcast_convert_type3A_909, %xor3A_914 : vector<16xi32>
      %select_n3A_916 = arith.select %ge3A_912, %bitcast_convert_type3A_909, %xor3A_915 : vector<16xi1>, vector<16xi32>
      %mul3A_917 = arith.constant 16 : i32
      %mul3A_918 = arith.muli %while3A_902, %mul3A_917 : i32
      %swap3A_919 = arith.index_cast %mul3A_918 : i32 to index
      %swap3A_920 = tpu.vector_load %arg10[%swap3A_919] {strides = array<i32>} : memref<8208xi32, #tpu.memory_space<vmem>>, vector<16xi32>,
      tpu.vector_store %arg10[%swap3A_919], %select_n3A_916 {strides = array<i32>} : memref<8208xi32, #tpu.memory_space<vmem>>, vector<16xi32>,
      %while3A_921 = arith.constant 0 : i32
      scf.yield %while3A_921 : i32
    }
    %while3A_170 = arith.constant 1 : i32
    %while3A_171 = scf.for %while3A_902 = %while3A_167 to %while3A_163 step %while3A_170 iter_args(%while3A_903 = %while3A_169) -> (i32)  : i32 {
      %mul3A_904 = arith.constant 16 : i32
      %mul3A_905 = arith.muli %while3A_902, %mul3A_904 : i32
      %get3A_906 = arith.index_cast %mul3A_905 : i32 to index
      %get3A_907 = tpu.vector_load %arg11[%get3A_906] {strides = array<i32>} : memref<8208xi32, #tpu.memory_space<vmem>>, vector<16xi32>,
      %gather3A_908 = tpu.vector_load_idx %arg9[%get3A_907] : memref<8192xf32, #tpu.memory_space<vmem>>[vector<16xi32>], vector<16xf32>,
      %bitcast_convert_type3A_909 = tpu.bitcast %gather3A_908 : vector<16xf32> -> vector<16xi32>
      %ge3A_910 = arith.constant 0 : i32
      %ge3A_911 = vector.broadcast %ge3A_910 : i32 to vector<16xi32>
      %ge3A_912 = arith.cmpi sge, %bitcast_convert_type3A_909, %ge3A_911 : vector<16xi32>
      %xor3A_913 = arith.constant 2147483647 : i32
      %xor3A_914 = vector.broadcast %xor3A_913 : i32 to vector<16xi32>
      %xor3A_915 = arith.xori %bitcast_convert_type3A_909, %xor3A_914 : vector<16xi32>
      %select_n3A_916 = arith.select %ge3A_912, %bitcast_convert_type3A_909, %xor3A_915 : vector<16xi1>, vector<16xi32>
      %mul3A_917 = arith.constant 16 : i32
      %mul3A_918 = arith.muli %while3A_902, %mul3A_917 : i32
      %swap3A_919 = arith.index_cast %mul3A_918 : i32 to index
      %swap3A_920 = tpu.vector_load %arg10[%swap3A_919] {strides = array<i32>} : memref<8208xi32, #tpu.memory_space<vmem>>, vector<16xi32>,
      tpu.vector_store %arg10[%swap3A_919], %select_n3A_916 {strides = array<i32>} : memref<8208xi32, #tpu.memory_space<vmem>>, vector<16xi32>,
      %while3A_921 = arith.constant 0 : i32
      scf.yield %while3A_921 : i32
    }
    %broadcast_in_dim3A_172 = arith.constant -2147483648 : i32
    %broadcast_in_dim3A_173 = vector.broadcast %broadcast_in_dim3A_172 : i32 to vector<16xi32>
    %swap3A_174 = arith.index_cast %scan3A_137 : i32 to index
    %swap3A_175 = tpu.vector_load %arg10[%swap3A_174] {strides = array<i32>} : memref<8208xi32, #tpu.memory_space<vmem>>, vector<16xi32>,
    tpu.vector_store %arg10[%swap3A_174], %broadcast_in_dim3A_173 {strides = array<i32>} : memref<8208xi32, #tpu.memory_space<vmem>>, vector<16xi32>,
    %while3A_176 = arith.constant 0 : i32
    %while3A_177:3 = scf.while (%while3A_902 = %scan3A_116#0, %while3A_903 = %add3A_111, %while3A_904 = %while3A_176) : (i32, i32, i32) -> (i32, i32, i32) {
      %sub3A_905 = arith.subi %while3A_903, %while3A_902 : i32
      %ne3A_906 = arith.constant 0 : i32
      %ne3A_907 = arith.cmpi ne, %sub3A_905, %ne3A_906 : i32
      %ne3A_908 = arith.constant 1 : i32
      %ne3A_909 = arith.cmpi ne, %sub3A_905, %ne3A_908 : i32
      %and3A_910 = arith.andi %ne3A_907, %ne3A_909 : i1
      scf.condition(%and3A_910) %while3A_902, %while3A_903, %while3A_904 : i32, i32, i32
    } do {
    ^bb0(%while3A_902: i32, %while3A_903: i32, %while3A_904: i32):
      %sub3A_905 = arith.subi %while3A_903, %while3A_902 : i32
      %shift_right_logical3A = arith.constant 1 : i32
      %shift_right_logical3A_906 = arith.shrui %sub3A_905, %shift_right_logical3A : i32
      %shift_right_logical3A_907 = arith.constant 2 : i32
      %shift_right_logical3A_908 = arith.shrui %sub3A_905, %shift_right_logical3A_907 : i32
      %add3A_909 = arith.addi %while3A_902, %shift_right_logical3A_908 : i32
      %add3A_910 = arith.addi %while3A_902, %shift_right_logical3A_906 : i32
      %add3A_911 = arith.addi %while3A_902, %shift_right_logical3A_906 : i32
      %add3A_912 = arith.addi %add3A_911, %shift_right_logical3A_908 : i32
      %broadcast_in_dim3A_913 = arith.constant 0 : i32
      %broadcast_in_dim3A_914 = vector.broadcast %broadcast_in_dim3A_913 : i32 to vector<16xi32>
      %while3A_915 = arith.constant 0 : i32
      %while3A_916 = arith.subi %select_n3A_159, %while3A_915 : i32
      %while3A_917 = arith.addi %while3A_915, %while3A_916 : i32
      %while3A_918 = arith.constant 1 : i32
      %while3A_919 = arith.divsi %while3A_916, %while3A_918 : i32
      %while3A_920 = arith.muli %while3A_919, %while3A_918 : i32
      %while3A_921 = arith.addi %while3A_915, %while3A_920 : i32
      %while3A_922 = arith.constant 1 : i32
      %while3A_923:3 = scf.for %while3A_952 = %while3A_915 to %while3A_921 step %while3A_922 iter_args(%while3A_953 = %broadcast_in_dim3A_914, %while3A_954 = %broadcast_in_dim3A_914, %while3A_955 = %broadcast_in_dim3A_914) -> (vector<16xi32>, vector<16xi32>, vector<16xi32>)  : i32 {
        %mul3A_956 = arith.constant 16 : i32
        %mul3A_957 = arith.muli %while3A_952, %mul3A_956 : i32
        %get3A_958 = arith.index_cast %mul3A_957 : i32 to index
        %get3A_959 = tpu.vector_load %arg10[%get3A_958] {strides = array<i32>} : memref<8208xi32, #tpu.memory_space<vmem>>, vector<16xi32>,
        %ge3A_960 = vector.broadcast %add3A_909 : i32 to vector<16xi32>
        %ge3A_961 = arith.cmpi sge, %get3A_959, %ge3A_960 : vector<16xi32>
        %convert_element_type3A = arith.extui %ge3A_961 : vector<16xi1> to vector<16xi32>
        %add3A_962 = arith.addi %while3A_953, %convert_element_type3A : vector<16xi32>
        %ge3A_963 = vector.broadcast %add3A_910 : i32 to vector<16xi32>
        %ge3A_964 = arith.cmpi sge, %get3A_959, %ge3A_963 : vector<16xi32>
        %convert_element_type3A_965 = arith.extui %ge3A_964 : vector<16xi1> to vector<16xi32>
        %add3A_966 = arith.addi %while3A_954, %convert_element_type3A_965 : vector<16xi32>
        %ge3A_967 = vector.broadcast %add3A_912 : i32 to vector<16xi32>
        %ge3A_968 = arith.cmpi sge, %get3A_959, %ge3A_967 : vector<16xi32>
        %convert_element_type3A_969 = arith.extui %ge3A_968 : vector<16xi1> to vector<16xi32>
        %add3A_970 = arith.addi %while3A_955, %convert_element_type3A_969 : vector<16xi32>
        scf.yield %add3A_962, %add3A_966, %add3A_970 : vector<16xi32>, vector<16xi32>, vector<16xi32>
      }
      %while3A_924 = arith.constant 1 : i32
      %while3A_925:3 = scf.for %while3A_952 = %while3A_921 to %while3A_917 step %while3A_924 iter_args(%while3A_953 = %while3A_923#0, %while3A_954 = %while3A_923#1, %while3A_955 = %while3A_923#2) -> (vector<16xi32>, vector<16xi32>, vector<16xi32>)  : i32 {
        %mul3A_956 = arith.constant 16 : i32
        %mul3A_957 = arith.muli %while3A_952, %mul3A_956 : i32
        %get3A_958 = arith.index_cast %mul3A_957 : i32 to index
        %get3A_959 = tpu.vector_load %arg10[%get3A_958] {strides = array<i32>} : memref<8208xi32, #tpu.memory_space<vmem>>, vector<16xi32>,
        %ge3A_960 = vector.broadcast %add3A_909 : i32 to vector<16xi32>
        %ge3A_961 = arith.cmpi sge, %get3A_959, %ge3A_960 : vector<16xi32>
        %convert_element_type3A = arith.extui %ge3A_961 : vector<16xi1> to vector<16xi32>
        %add3A_962 = arith.addi %while3A_953, %convert_element_type3A : vector<16xi32>
        %ge3A_963 = vector.broadcast %add3A_910 : i32 to vector<16xi32>
        %ge3A_964 = arith.cmpi sge, %get3A_959, %ge3A_963 : vector<16xi32>
        %convert_element_type3A_965 = arith.extui %ge3A_964 : vector<16xi1> to vector<16xi32>
        %add3A_966 = arith.addi %while3A_954, %convert_element_type3A_965 : vector<16xi32>
        %ge3A_967 = vector.broadcast %add3A_912 : i32 to vector<16xi32>
        %ge3A_968 = arith.cmpi sge, %get3A_959, %ge3A_967 : vector<16xi32>
        %convert_element_type3A_969 = arith.extui %ge3A_968 : vector<16xi1> to vector<16xi32>
        %add3A_970 = arith.addi %while3A_955, %convert_element_type3A_969 : vector<16xi32>
        scf.yield %add3A_962, %add3A_966, %add3A_970 : vector<16xi32>, vector<16xi32>, vector<16xi32>
      }
      %reduce_sum3A = arith.constant true
      %reduce_sum3A_926 = vector.broadcast %reduce_sum3A : i1 to vector<16xi1>
      %reduce_sum3A_927 = tpu.scan <sum>, %while3A_925#0 masked %reduce_sum3A_926 : vector<16xi32>, vector<16xi1> -> vector<16xi32>
      %reduce_sum3A_928 = vector.extract %reduce_sum3A_927[15] : i32 from vector<16xi32>
      %reduce_sum3A_929 = arith.constant true
      %reduce_sum3A_930 = vector.broadcast %reduce_sum3A_929 : i1 to vector<16xi1>
      %reduce_sum3A_931 = tpu.scan <sum>, %while3A_925#1 masked %reduce_sum3A_930 : vector<16xi32>, vector<16xi1> -> vector<16xi32>
      %reduce_sum3A_932 = vector.extract %reduce_sum3A_931[15] : i32 from vector<16xi32>
      %reduce_sum3A_933 = arith.constant true
      %reduce_sum3A_934 = vector.broadcast %reduce_sum3A_933 : i1 to vector<16xi1>
      %reduce_sum3A_935 = tpu.scan <sum>, %while3A_925#2 masked %reduce_sum3A_934 : vector<16xi32>, vector<16xi1> -> vector<16xi32>
      %reduce_sum3A_936 = vector.extract %reduce_sum3A_935[15] : i32 from vector<16xi32>
      %ge3A_937 = arith.constant 64 : i32
      %ge3A_938 = arith.cmpi sge, %reduce_sum3A_928, %ge3A_937 : i32
      %ge3A_939 = arith.constant 64 : i32
      %ge3A_940 = arith.cmpi sge, %reduce_sum3A_932, %ge3A_939 : i32
      %ge3A_941 = arith.constant 64 : i32
      %ge3A_942 = arith.cmpi sge, %reduce_sum3A_936, %ge3A_941 : i32
      %select_n3A_943 = arith.select %ge3A_938, %add3A_909, %while3A_902 : i32
      %select_n3A_944 = arith.select %ge3A_940, %add3A_910, %select_n3A_943 : i32
      %select_n3A_945 = arith.select %ge3A_942, %add3A_912, %select_n3A_944 : i32
      %select_n3A_946 = arith.select %ge3A_938, %add3A_910, %add3A_909 : i32
      %select_n3A_947 = arith.select %ge3A_940, %add3A_912, %select_n3A_946 : i32
      %select_n3A_948 = arith.select %ge3A_942, %while3A_903, %select_n3A_947 : i32
      %select_n3A_949 = arith.select %ge3A_938, %reduce_sum3A_932, %reduce_sum3A_928 : i32
      %select_n3A_950 = arith.select %ge3A_940, %reduce_sum3A_936, %select_n3A_949 : i32
      %select_n3A_951 = arith.select %ge3A_942, %while3A_904, %select_n3A_950 : i32
      scf.yield %select_n3A_945, %select_n3A_948, %select_n3A_951 : i32, i32, i32
    }
    %sub3A_178 = arith.constant 64 : i32
    %sub3A_179 = arith.subi %sub3A_178, %while3A_177#2 : i32
    %while3A_180 = arith.constant 0 : i32
    %while3A_181 = arith.constant 0 : i32
    %while3A_182 = arith.constant 0 : i32
    %while3A_183 = arith.subi %select_n3A_159, %while3A_180 : i32
    %while3A_184 = arith.addi %while3A_180, %while3A_183 : i32
    %while3A_185 = arith.constant 1 : i32
    %while3A_186 = arith.divsi %while3A_183, %while3A_185 : i32
    %while3A_187 = arith.muli %while3A_186, %while3A_185 : i32
    %while3A_188 = arith.addi %while3A_180, %while3A_187 : i32
    %while3A_189 = arith.constant 1 : i32
    %while3A_190:2 = scf.for %while3A_902 = %while3A_180 to %while3A_188 step %while3A_189 iter_args(%while3A_903 = %while3A_181, %while3A_904 = %while3A_182) -> (i32, i32)  : i32 {
      %mul3A_905 = arith.constant 16 : i32
      %mul3A_906 = arith.muli %while3A_902, %mul3A_905 : i32
      %get3A_907 = arith.index_cast %mul3A_906 : i32 to index
      %get3A_908 = tpu.vector_load %arg10[%get3A_907] {strides = array<i32>} : memref<8208xi32, #tpu.memory_space<vmem>>, vector<16xi32>,
      %mul3A_909 = arith.constant 16 : i32
      %mul3A_910 = arith.muli %while3A_902, %mul3A_909 : i32
      %get3A_911 = arith.index_cast %mul3A_910 : i32 to index
      %get3A_912 = tpu.vector_load %arg11[%get3A_911] {strides = array<i32>} : memref<8208xi32, #tpu.memory_space<vmem>>, vector<16xi32>,
      %gt3A = vector.broadcast %while3A_177#0 : i32 to vector<16xi32>
      %gt3A_913 = arith.cmpi sgt, %get3A_908, %gt3A : vector<16xi32>
      %eq3A = vector.broadcast %while3A_177#0 : i32 to vector<16xi32>
      %eq3A_914 = arith.cmpi eq, %get3A_908, %eq3A : vector<16xi32>
      %convert_element_type3A = arith.extui %eq3A_914 : vector<16xi1> to vector<16xi32>
      %broadcast_in_dim3A_915 = arith.constant true
      %broadcast_in_dim3A_916 = vector.broadcast %broadcast_in_dim3A_915 : i1 to vector<16xi1>
      %masked_cumsum3A = tpu.scan <sum>, %convert_element_type3A masked %broadcast_in_dim3A_916 : vector<16xi32>, vector<16xi1> -> vector<16xi32>
      %add3A_917 = vector.broadcast %while3A_904 : i32 to vector<16xi32>
      %add3A_918 = arith.addi %masked_cumsum3A, %add3A_917 : vector<16xi32>
      %le3A = vector.broadcast %sub3A_179 : i32 to vector<16xi32>
      %le3A_919 = arith.cmpi sle, %add3A_918, %le3A : vector<16xi32>
      %and3A_920 = arith.andi %eq3A_914, %le3A_919 : vector<16xi1>
      %or3A = arith.ori %gt3A_913, %and3A_920 : vector<16xi1>
      %swap3A_921 = arith.index_cast %while3A_903 : i32 to index
      %swap3A_922 = tpu.vector_load %arg12[%swap3A_921] masked %or3A {strides = array<i32>} : memref<80xi32, #tpu.memory_space<vmem>>, vector<16xi32>, vector<16xi1>
      tpu.vector_store %arg12[%swap3A_921], %get3A_912 masked %or3A {strides = array<i32>} : memref<80xi32, #tpu.memory_space<vmem>>, vector<16xi32>, vector<16xi1>
      %all_reduce_population_count3A = tpu.all_reduce %or3A {dim = 0 : i64, kind = #tpu.reduction_kind<sum>} : vector<16xi1> -> vector<16xi32>
      %slice3A_923 = vector.extract_strided_slice %all_reduce_population_count3A {offsets = [0], sizes = [1], strides = [1]} : vector<16xi32> to vector<1xi32>
      %squeeze3A_924 = vector.extract %slice3A_923[0] : i32 from vector<1xi32>
      %add3A_925 = arith.addi %while3A_903, %squeeze3A_924 : i32
      %all_reduce_population_count3A_926 = tpu.all_reduce %eq3A_914 {dim = 0 : i64, kind = #tpu.reduction_kind<sum>} : vector<16xi1> -> vector<16xi32>
      %slice3A_927 = vector.extract_strided_slice %all_reduce_population_count3A_926 {offsets = [0], sizes = [1], strides = [1]} : vector<16xi32> to vector<1xi32>
      %squeeze3A_928 = vector.extract %slice3A_927[0] : i32 from vector<1xi32>
      %add3A_929 = arith.addi %while3A_904, %squeeze3A_928 : i32
      scf.yield %add3A_925, %add3A_929 : i32, i32
    }
    %while3A_191 = arith.constant 1 : i32
    %while3A_192:2 = scf.for %while3A_902 = %while3A_188 to %while3A_184 step %while3A_191 iter_args(%while3A_903 = %while3A_190#0, %while3A_904 = %while3A_190#1) -> (i32, i32)  : i32 {
      %mul3A_905 = arith.constant 16 : i32
      %mul3A_906 = arith.muli %while3A_902, %mul3A_905 : i32
      %get3A_907 = arith.index_cast %mul3A_906 : i32 to index
      %get3A_908 = tpu.vector_load %arg10[%get3A_907] {strides = array<i32>} : memref<8208xi32, #tpu.memory_space<vmem>>, vector<16xi32>,
      %mul3A_909 = arith.constant 16 : i32
      %mul3A_910 = arith.muli %while3A_902, %mul3A_909 : i32
      %get3A_911 = arith.index_cast %mul3A_910 : i32 to index
      %get3A_912 = tpu.vector_load %arg11[%get3A_911] {strides = array<i32>} : memref<8208xi32, #tpu.memory_space<vmem>>, vector<16xi32>,
      %gt3A = vector.broadcast %while3A_177#0 : i32 to vector<16xi32>
      %gt3A_913 = arith.cmpi sgt, %get3A_908, %gt3A : vector<16xi32>
      %eq3A = vector.broadcast %while3A_177#0 : i32 to vector<16xi32>
      %eq3A_914 = arith.cmpi eq, %get3A_908, %eq3A : vector<16xi32>
      %convert_element_type3A = arith.extui %eq3A_914 : vector<16xi1> to vector<16xi32>
      %broadcast_in_dim3A_915 = arith.constant true
      %broadcast_in_dim3A_916 = vector.broadcast %broadcast_in_dim3A_915 : i1 to vector<16xi1>
      %masked_cumsum3A = tpu.scan <sum>, %convert_element_type3A masked %broadcast_in_dim3A_916 : vector<16xi32>, vector<16xi1> -> vector<16xi32>
      %add3A_917 = vector.broadcast %while3A_904 : i32 to vector<16xi32>
      %add3A_918 = arith.addi %masked_cumsum3A, %add3A_917 : vector<16xi32>
      %le3A = vector.broadcast %sub3A_179 : i32 to vector<16xi32>
      %le3A_919 = arith.cmpi sle, %add3A_918, %le3A : vector<16xi32>
      %and3A_920 = arith.andi %eq3A_914, %le3A_919 : vector<16xi1>
      %or3A = arith.ori %gt3A_913, %and3A_920 : vector<16xi1>
      %swap3A_921 = arith.index_cast %while3A_903 : i32 to index
      %swap3A_922 = tpu.vector_load %arg12[%swap3A_921] masked %or3A {strides = array<i32>} : memref<80xi32, #tpu.memory_space<vmem>>, vector<16xi32>, vector<16xi1>
      tpu.vector_store %arg12[%swap3A_921], %get3A_912 masked %or3A {strides = array<i32>} : memref<80xi32, #tpu.memory_space<vmem>>, vector<16xi32>, vector<16xi1>
      %all_reduce_population_count3A = tpu.all_reduce %or3A {dim = 0 : i64, kind = #tpu.reduction_kind<sum>} : vector<16xi1> -> vector<16xi32>
      %slice3A_923 = vector.extract_strided_slice %all_reduce_population_count3A {offsets = [0], sizes = [1], strides = [1]} : vector<16xi32> to vector<1xi32>
      %squeeze3A_924 = vector.extract %slice3A_923[0] : i32 from vector<1xi32>
      %add3A_925 = arith.addi %while3A_903, %squeeze3A_924 : i32
      %all_reduce_population_count3A_926 = tpu.all_reduce %eq3A_914 {dim = 0 : i64, kind = #tpu.reduction_kind<sum>} : vector<16xi1> -> vector<16xi32>
      %slice3A_927 = vector.extract_strided_slice %all_reduce_population_count3A_926 {offsets = [0], sizes = [1], strides = [1]} : vector<16xi32> to vector<1xi32>
      %squeeze3A_928 = vector.extract %slice3A_927[0] : i32 from vector<1xi32>
      %add3A_929 = arith.addi %while3A_904, %squeeze3A_928 : i32
      scf.yield %add3A_925, %add3A_929 : i32, i32
    }
    %get3A = arith.constant 0 : index
    %get3A_193 = tpu.vector_load %arg12[%get3A] {strides = array<i32>} : memref<80xi32, #tpu.memory_space<vmem>>, vector<16xi32>,
    %gather3A = tpu.vector_load_idx %arg5[%get3A_193] : memref<8192xf32, #tpu.memory_space<vmem>>[vector<16xi32>], vector<16xf32>,
    %swap3A_194 = arith.constant 0 : index
    %swap3A_195 = tpu.vector_load %arg13[%swap3A_194] {strides = array<i32>} : memref<64xf32, #tpu.memory_space<vmem>>, vector<16xf32>,
    tpu.vector_store %arg13[%swap3A_194], %gather3A {strides = array<i32>} : memref<64xf32, #tpu.memory_space<vmem>>, vector<16xf32>,
    %get3A_196 = arith.constant 16 : index
    %get3A_197 = tpu.vector_load %arg12[%get3A_196] {strides = array<i32>} : memref<80xi32, #tpu.memory_space<vmem>>, vector<16xi32>,
    %gather3A_198 = tpu.vector_load_idx %arg5[%get3A_197] : memref<8192xf32, #tpu.memory_space<vmem>>[vector<16xi32>], vector<16xf32>,
    %swap3A_199 = arith.constant 16 : index
    %swap3A_200 = tpu.vector_load %arg13[%swap3A_199] {strides = array<i32>} : memref<64xf32, #tpu.memory_space<vmem>>, vector<16xf32>,
    tpu.vector_store %arg13[%swap3A_199], %gather3A_198 {strides = array<i32>} : memref<64xf32, #tpu.memory_space<vmem>>, vector<16xf32>,
    %get3A_201 = arith.constant 32 : index
    %get3A_202 = tpu.vector_load %arg12[%get3A_201] {strides = array<i32>} : memref<80xi32, #tpu.memory_space<vmem>>, vector<16xi32>,
    %gather3A_203 = tpu.vector_load_idx %arg5[%get3A_202] : memref<8192xf32, #tpu.memory_space<vmem>>[vector<16xi32>], vector<16xf32>,
    %swap3A_204 = arith.constant 32 : index
    %swap3A_205 = tpu.vector_load %arg13[%swap3A_204] {strides = array<i32>} : memref<64xf32, #tpu.memory_space<vmem>>, vector<16xf32>,
    tpu.vector_store %arg13[%swap3A_204], %gather3A_203 {strides = array<i32>} : memref<64xf32, #tpu.memory_space<vmem>>, vector<16xf32>,
    %get3A_206 = arith.constant 48 : index
    %get3A_207 = tpu.vector_load %arg12[%get3A_206] {strides = array<i32>} : memref<80xi32, #tpu.memory_space<vmem>>, vector<16xi32>,
    %gather3A_208 = tpu.vector_load_idx %arg5[%get3A_207] : memref<8192xf32, #tpu.memory_space<vmem>>[vector<16xi32>], vector<16xf32>,
    %swap3A_209 = arith.constant 48 : index
    %swap3A_210 = tpu.vector_load %arg13[%swap3A_209] {strides = array<i32>} : memref<64xf32, #tpu.memory_space<vmem>>, vector<16xf32>,
    tpu.vector_store %arg13[%swap3A_209], %gather3A_208 {strides = array<i32>} : memref<64xf32, #tpu.memory_space<vmem>>, vector<16xf32>,
    %add3A_211 = arith.constant 0 : i32
    %add3A_212 = arith.addi %mul3A_2, %add3A_211 : i32
    %dma_start3A_213 = arith.constant 0 : i32
    %dma_start3A_214 = tpu.memref_slice %arg4[%add3A_212, %dma_start3A_213] : memref<128x64xf32, #tpu.memory_space<hbm>> -> memref<1x64xf32, #tpu.memory_space<hbm>>
    %dma_start3A_215 = tpu.memref_squeeze %dma_start3A_214 : memref<1x64xf32, #tpu.memory_space<hbm>> -> memref<64xf32, #tpu.memory_space<hbm>>
    %dma_start3A_216 = arith.constant 0 : i32
    %dma_start3A_217 = tpu.memref_slice %arg4[%add3A_212, %dma_start3A_216] : memref<128x64xf32, #tpu.memory_space<hbm>> -> memref<1x64xf32, #tpu.memory_space<hbm>>
    %dma_start3A_218 = tpu.memref_squeeze %dma_start3A_217 : memref<1x64xf32, #tpu.memory_space<hbm>> -> memref<64xf32, #tpu.memory_space<hbm>>
    tpu.enqueue_dma source(%arg13 : memref<64xf32, #tpu.memory_space<vmem>>) target(%dma_start3A_218 : memref<64xf32, #tpu.memory_space<hbm>>) target_semaphore(%arg18 : memref<!tpu.dma_semaphore, #tpu.memory_space<semaphore_mem>>)
    %dma_wait3A_219 = arith.constant 0 : i32
    %dma_wait3A_220 = tpu.memref_slice %arg2[%add3A_30, %dma_wait3A_219] : memref<128x8192xf32, #tpu.memory_space<hbm>> -> memref<1x8192xf32, #tpu.memory_space<hbm>>
    %dma_wait3A_221 = tpu.memref_squeeze %dma_wait3A_220 : memref<1x8192xf32, #tpu.memory_space<hbm>> -> memref<8192xf32, #tpu.memory_space<hbm>>
    %dma_wait3A_222 = arith.constant 0 : i32
    %dma_wait3A_223 = tpu.memref_slice %arg2[%add3A_30, %dma_wait3A_222] : memref<128x8192xf32, #tpu.memory_space<hbm>> -> memref<1x8192xf32, #tpu.memory_space<hbm>>
    %dma_wait3A_224 = tpu.memref_squeeze %dma_wait3A_223 : memref<1x8192xf32, #tpu.memory_space<hbm>> -> memref<8192xf32, #tpu.memory_space<hbm>>
    tpu.wait_dma2 semaphore(%arg18 : memref<!tpu.dma_semaphore, #tpu.memory_space<semaphore_mem>>) src(%dma_wait3A_224 : memref<8192xf32, #tpu.memory_space<hbm>>) dst(%arg6 : memref<8192xf32, #tpu.memory_space<vmem>>)
    %dma_wait3A_225 = arith.constant 0 : i32
    %dma_wait3A_226 = tpu.memref_slice %arg3[%add3A_38, %dma_wait3A_225] : memref<128x8192xi32, #tpu.memory_space<hbm>> -> memref<1x8192xi32, #tpu.memory_space<hbm>>
    %dma_wait3A_227 = tpu.memref_squeeze %dma_wait3A_226 : memref<1x8192xi32, #tpu.memory_space<hbm>> -> memref<8192xi32, #tpu.memory_space<hbm>>
    %dma_wait3A_228 = arith.constant 0 : i32
    %dma_wait3A_229 = tpu.memref_slice %arg3[%add3A_38, %dma_wait3A_228] : memref<128x8192xi32, #tpu.memory_space<hbm>> -> memref<1x8192xi32, #tpu.memory_space<hbm>>
    %dma_wait3A_230 = tpu.memref_squeeze %dma_wait3A_229 : memref<1x8192xi32, #tpu.memory_space<hbm>> -> memref<8192xi32, #tpu.memory_space<hbm>>
    tpu.wait_dma2 semaphore(%arg18 : memref<!tpu.dma_semaphore, #tpu.memory_space<semaphore_mem>>) src(%dma_wait3A_230 : memref<8192xi32, #tpu.memory_space<hbm>>) dst(%arg8 : memref<8192xi32, #tpu.memory_space<vmem>>)
    %add3A_231 = arith.constant 2 : i32
    %add3A_232 = arith.addi %mul3A_2, %add3A_231 : i32
    %dma_start3A_233 = arith.constant 0 : i32
    %dma_start3A_234 = tpu.memref_slice %arg2[%add3A_232, %dma_start3A_233] : memref<128x8192xf32, #tpu.memory_space<hbm>> -> memref<1x8192xf32, #tpu.memory_space<hbm>>
    %dma_start3A_235 = tpu.memref_squeeze %dma_start3A_234 : memref<1x8192xf32, #tpu.memory_space<hbm>> -> memref<8192xf32, #tpu.memory_space<hbm>>
    %dma_start3A_236 = arith.constant 0 : i32
    %dma_start3A_237 = tpu.memref_slice %arg2[%add3A_232, %dma_start3A_236] : memref<128x8192xf32, #tpu.memory_space<hbm>> -> memref<1x8192xf32, #tpu.memory_space<hbm>>
    %dma_start3A_238 = tpu.memref_squeeze %dma_start3A_237 : memref<1x8192xf32, #tpu.memory_space<hbm>> -> memref<8192xf32, #tpu.memory_space<hbm>>
    tpu.enqueue_dma source(%dma_start3A_238 : memref<8192xf32, #tpu.memory_space<hbm>>) target(%arg5 : memref<8192xf32, #tpu.memory_space<vmem>>) target_semaphore(%arg17 : memref<!tpu.dma_semaphore, #tpu.memory_space<semaphore_mem>>)
    %add3A_239 = arith.constant 2 : i32
    %add3A_240 = arith.addi %mul3A_2, %add3A_239 : i32
    %dma_start3A_241 = arith.constant 0 : i32
    %dma_start3A_242 = tpu.memref_slice %arg3[%add3A_240, %dma_start3A_241] : memref<128x8192xi32, #tpu.memory_space<hbm>> -> memref<1x8192xi32, #tpu.memory_space<hbm>>
    %dma_start3A_243 = tpu.memref_squeeze %dma_start3A_242 : memref<1x8192xi32, #tpu.memory_space<hbm>> -> memref<8192xi32, #tpu.memory_space<hbm>>
    %dma_start3A_244 = arith.constant 0 : i32
    %dma_start3A_245 = tpu.memref_slice %arg3[%add3A_240, %dma_start3A_244] : memref<128x8192xi32, #tpu.memory_space<hbm>> -> memref<1x8192xi32, #tpu.memory_space<hbm>>
    %dma_start3A_246 = tpu.memref_squeeze %dma_start3A_245 : memref<1x8192xi32, #tpu.memory_space<hbm>> -> memref<8192xi32, #tpu.memory_space<hbm>>
    tpu.enqueue_dma source(%dma_start3A_246 : memref<8192xi32, #tpu.memory_space<hbm>>) target(%arg7 : memref<8192xi32, #tpu.memory_space<vmem>>) target_semaphore(%arg17 : memref<!tpu.dma_semaphore, #tpu.memory_space<semaphore_mem>>)
    %broadcast_in_dim3A_247 = arith.constant 0xFF800000 : f32
    %broadcast_in_dim3A_248 = vector.broadcast %broadcast_in_dim3A_247 : f32 to vector<16xf32>
    %broadcast_in_dim3A_249 = arith.constant 0xFF800000 : f32
    %broadcast_in_dim3A_250 = vector.broadcast %broadcast_in_dim3A_249 : f32 to vector<16xf32>
    %broadcast_in_dim3A_251 = arith.constant 0xFF800000 : f32
    %broadcast_in_dim3A_252 = vector.broadcast %broadcast_in_dim3A_251 : f32 to vector<16xf32>
    %broadcast_in_dim3A_253 = arith.constant 0xFF800000 : f32
    %broadcast_in_dim3A_254 = vector.broadcast %broadcast_in_dim3A_253 : f32 to vector<16xf32>
    %broadcast_in_dim3A_255 = arith.constant 0xFF800000 : f32
    %broadcast_in_dim3A_256 = vector.broadcast %broadcast_in_dim3A_255 : f32 to vector<16xf32>
    %broadcast_in_dim3A_257 = arith.constant 0xFF800000 : f32
    %broadcast_in_dim3A_258 = vector.broadcast %broadcast_in_dim3A_257 : f32 to vector<16xf32>
    %broadcast_in_dim3A_259 = arith.constant 0xFF800000 : f32
    %broadcast_in_dim3A_260 = vector.broadcast %broadcast_in_dim3A_259 : f32 to vector<16xf32>
    %broadcast_in_dim3A_261 = arith.constant 0xFF800000 : f32
    %broadcast_in_dim3A_262 = vector.broadcast %broadcast_in_dim3A_261 : f32 to vector<16xf32>
    %scan3A_263 = arith.constant 0 : i32
    %scan3A_264 = arith.constant 64 : i32
    %scan3A_265 = arith.addi %scan3A_263, %scan3A_264 : i32
    %scan3A_266 = arith.constant 1 : i32
    %scan3A_267:8 = scf.for %scan3A_902 = %scan3A_263 to %scan3A_265 step %scan3A_266 iter_args(%scan3A_903 = %broadcast_in_dim3A_248, %scan3A_904 = %broadcast_in_dim3A_250, %scan3A_905 = %broadcast_in_dim3A_252, %scan3A_906 = %broadcast_in_dim3A_254, %scan3A_907 = %broadcast_in_dim3A_256, %scan3A_908 = %broadcast_in_dim3A_258, %scan3A_909 = %broadcast_in_dim3A_260, %scan3A_910 = %broadcast_in_dim3A_262) -> (vector<16xf32>, vector<16xf32>, vector<16xf32>, vector<16xf32>, vector<16xf32>, vector<16xf32>, vector<16xf32>, vector<16xf32>)  : i32 {
      %mul3A_911 = arith.constant 8 : i32
      %mul3A_912 = arith.muli %mul3A_911, %scan3A_902 : i32
      %add3A_913 = arith.constant 0 : i32
      %add3A_914 = arith.addi %mul3A_912, %add3A_913 : i32
      %mul3A_915 = arith.constant 16 : i32
      %mul3A_916 = arith.muli %add3A_914, %mul3A_915 : i32
      %get3A_917 = arith.index_cast %mul3A_916 : i32 to index
      %get3A_918 = tpu.vector_load %arg6[%get3A_917] {strides = array<i32>} : memref<8192xf32, #tpu.memory_space<vmem>>, vector<16xf32>,
      %mul3A_919 = arith.constant 16 : i32
      %mul3A_920 = arith.muli %add3A_914, %mul3A_919 : i32
      %get3A_921 = arith.index_cast %mul3A_920 : i32 to index
      %get3A_922 = tpu.vector_load %arg8[%get3A_921] {strides = array<i32>} : memref<8192xi32, #tpu.memory_space<vmem>>, vector<16xi32>,
      %eq3A = arith.constant 0 : i32
      %eq3A_923 = vector.broadcast %eq3A : i32 to vector<16xi32>
      %eq3A_924 = arith.cmpi eq, %get3A_922, %eq3A_923 : vector<16xi32>
      %jit3A_925 = arith.constant 0xFF800000 : f32
      %broadcast_in_dim3A_926 = vector.broadcast %jit3A_925 : f32 to vector<16xf32>
      %select_n3A_927 = arith.select %eq3A_924, %broadcast_in_dim3A_926, %get3A_918 : vector<16xi1>, vector<16xf32>
      %mul3A_928 = arith.constant 16 : i32
      %mul3A_929 = arith.muli %add3A_914, %mul3A_928 : i32
      %swap3A_930 = arith.index_cast %mul3A_929 : i32 to index
      %swap3A_931 = tpu.vector_load %arg9[%swap3A_930] {strides = array<i32>} : memref<8192xf32, #tpu.memory_space<vmem>>, vector<16xf32>,
      tpu.vector_store %arg9[%swap3A_930], %select_n3A_927 {strides = array<i32>} : memref<8192xf32, #tpu.memory_space<vmem>>, vector<16xf32>,
      %max3A_932 = arith.maximumf %scan3A_903, %select_n3A_927 : vector<16xf32>
      %mul3A_933 = arith.constant 8 : i32
      %mul3A_934 = arith.muli %mul3A_933, %scan3A_902 : i32
      %add3A_935 = arith.constant 1 : i32
      %add3A_936 = arith.addi %mul3A_934, %add3A_935 : i32
      %mul3A_937 = arith.constant 16 : i32
      %mul3A_938 = arith.muli %add3A_936, %mul3A_937 : i32
      %get3A_939 = arith.index_cast %mul3A_938 : i32 to index
      %get3A_940 = tpu.vector_load %arg6[%get3A_939] {strides = array<i32>} : memref<8192xf32, #tpu.memory_space<vmem>>, vector<16xf32>,
      %mul3A_941 = arith.constant 16 : i32
      %mul3A_942 = arith.muli %add3A_936, %mul3A_941 : i32
      %get3A_943 = arith.index_cast %mul3A_942 : i32 to index
      %get3A_944 = tpu.vector_load %arg8[%get3A_943] {strides = array<i32>} : memref<8192xi32, #tpu.memory_space<vmem>>, vector<16xi32>,
      %eq3A_945 = arith.constant 0 : i32
      %eq3A_946 = vector.broadcast %eq3A_945 : i32 to vector<16xi32>
      %eq3A_947 = arith.cmpi eq, %get3A_944, %eq3A_946 : vector<16xi32>
      %jit3A_948 = arith.constant 0xFF800000 : f32
      %broadcast_in_dim3A_949 = vector.broadcast %jit3A_948 : f32 to vector<16xf32>
      %select_n3A_950 = arith.select %eq3A_947, %broadcast_in_dim3A_949, %get3A_940 : vector<16xi1>, vector<16xf32>
      %mul3A_951 = arith.constant 16 : i32
      %mul3A_952 = arith.muli %add3A_936, %mul3A_951 : i32
      %swap3A_953 = arith.index_cast %mul3A_952 : i32 to index
      %swap3A_954 = tpu.vector_load %arg9[%swap3A_953] {strides = array<i32>} : memref<8192xf32, #tpu.memory_space<vmem>>, vector<16xf32>,
      tpu.vector_store %arg9[%swap3A_953], %select_n3A_950 {strides = array<i32>} : memref<8192xf32, #tpu.memory_space<vmem>>, vector<16xf32>,
      %max3A_955 = arith.maximumf %scan3A_904, %select_n3A_950 : vector<16xf32>
      %mul3A_956 = arith.constant 8 : i32
      %mul3A_957 = arith.muli %mul3A_956, %scan3A_902 : i32
      %add3A_958 = arith.constant 2 : i32
      %add3A_959 = arith.addi %mul3A_957, %add3A_958 : i32
      %mul3A_960 = arith.constant 16 : i32
      %mul3A_961 = arith.muli %add3A_959, %mul3A_960 : i32
      %get3A_962 = arith.index_cast %mul3A_961 : i32 to index
      %get3A_963 = tpu.vector_load %arg6[%get3A_962] {strides = array<i32>} : memref<8192xf32, #tpu.memory_space<vmem>>, vector<16xf32>,
      %mul3A_964 = arith.constant 16 : i32
      %mul3A_965 = arith.muli %add3A_959, %mul3A_964 : i32
      %get3A_966 = arith.index_cast %mul3A_965 : i32 to index
      %get3A_967 = tpu.vector_load %arg8[%get3A_966] {strides = array<i32>} : memref<8192xi32, #tpu.memory_space<vmem>>, vector<16xi32>,
      %eq3A_968 = arith.constant 0 : i32
      %eq3A_969 = vector.broadcast %eq3A_968 : i32 to vector<16xi32>
      %eq3A_970 = arith.cmpi eq, %get3A_967, %eq3A_969 : vector<16xi32>
      %jit3A_971 = arith.constant 0xFF800000 : f32
      %broadcast_in_dim3A_972 = vector.broadcast %jit3A_971 : f32 to vector<16xf32>
      %select_n3A_973 = arith.select %eq3A_970, %broadcast_in_dim3A_972, %get3A_963 : vector<16xi1>, vector<16xf32>
      %mul3A_974 = arith.constant 16 : i32
      %mul3A_975 = arith.muli %add3A_959, %mul3A_974 : i32
      %swap3A_976 = arith.index_cast %mul3A_975 : i32 to index
      %swap3A_977 = tpu.vector_load %arg9[%swap3A_976] {strides = array<i32>} : memref<8192xf32, #tpu.memory_space<vmem>>, vector<16xf32>,
      tpu.vector_store %arg9[%swap3A_976], %select_n3A_973 {strides = array<i32>} : memref<8192xf32, #tpu.memory_space<vmem>>, vector<16xf32>,
      %max3A_978 = arith.maximumf %scan3A_905, %select_n3A_973 : vector<16xf32>
      %mul3A_979 = arith.constant 8 : i32
      %mul3A_980 = arith.muli %mul3A_979, %scan3A_902 : i32
      %add3A_981 = arith.constant 3 : i32
      %add3A_982 = arith.addi %mul3A_980, %add3A_981 : i32
      %mul3A_983 = arith.constant 16 : i32
      %mul3A_984 = arith.muli %add3A_982, %mul3A_983 : i32
      %get3A_985 = arith.index_cast %mul3A_984 : i32 to index
      %get3A_986 = tpu.vector_load %arg6[%get3A_985] {strides = array<i32>} : memref<8192xf32, #tpu.memory_space<vmem>>, vector<16xf32>,
      %mul3A_987 = arith.constant 16 : i32
      %mul3A_988 = arith.muli %add3A_982, %mul3A_987 : i32
      %get3A_989 = arith.index_cast %mul3A_988 : i32 to index
      %get3A_990 = tpu.vector_load %arg8[%get3A_989] {strides = array<i32>} : memref<8192xi32, #tpu.memory_space<vmem>>, vector<16xi32>,
      %eq3A_991 = arith.constant 0 : i32
      %eq3A_992 = vector.broadcast %eq3A_991 : i32 to vector<16xi32>
      %eq3A_993 = arith.cmpi eq, %get3A_990, %eq3A_992 : vector<16xi32>
      %jit3A_994 = arith.constant 0xFF800000 : f32
      %broadcast_in_dim3A_995 = vector.broadcast %jit3A_994 : f32 to vector<16xf32>
      %select_n3A_996 = arith.select %eq3A_993, %broadcast_in_dim3A_995, %get3A_986 : vector<16xi1>, vector<16xf32>
      %mul3A_997 = arith.constant 16 : i32
      %mul3A_998 = arith.muli %add3A_982, %mul3A_997 : i32
      %swap3A_999 = arith.index_cast %mul3A_998 : i32 to index
      %swap3A_1000 = tpu.vector_load %arg9[%swap3A_999] {strides = array<i32>} : memref<8192xf32, #tpu.memory_space<vmem>>, vector<16xf32>,
      tpu.vector_store %arg9[%swap3A_999], %select_n3A_996 {strides = array<i32>} : memref<8192xf32, #tpu.memory_space<vmem>>, vector<16xf32>,
      %max3A_1001 = arith.maximumf %scan3A_906, %select_n3A_996 : vector<16xf32>
      %mul3A_1002 = arith.constant 8 : i32
      %mul3A_1003 = arith.muli %mul3A_1002, %scan3A_902 : i32
      %add3A_1004 = arith.constant 4 : i32
      %add3A_1005 = arith.addi %mul3A_1003, %add3A_1004 : i32
      %mul3A_1006 = arith.constant 16 : i32
      %mul3A_1007 = arith.muli %add3A_1005, %mul3A_1006 : i32
      %get3A_1008 = arith.index_cast %mul3A_1007 : i32 to index
      %get3A_1009 = tpu.vector_load %arg6[%get3A_1008] {strides = array<i32>} : memref<8192xf32, #tpu.memory_space<vmem>>, vector<16xf32>,
      %mul3A_1010 = arith.constant 16 : i32
      %mul3A_1011 = arith.muli %add3A_1005, %mul3A_1010 : i32
      %get3A_1012 = arith.index_cast %mul3A_1011 : i32 to index
      %get3A_1013 = tpu.vector_load %arg8[%get3A_1012] {strides = array<i32>} : memref<8192xi32, #tpu.memory_space<vmem>>, vector<16xi32>,
      %eq3A_1014 = arith.constant 0 : i32
      %eq3A_1015 = vector.broadcast %eq3A_1014 : i32 to vector<16xi32>
      %eq3A_1016 = arith.cmpi eq, %get3A_1013, %eq3A_1015 : vector<16xi32>
      %jit3A_1017 = arith.constant 0xFF800000 : f32
      %broadcast_in_dim3A_1018 = vector.broadcast %jit3A_1017 : f32 to vector<16xf32>
      %select_n3A_1019 = arith.select %eq3A_1016, %broadcast_in_dim3A_1018, %get3A_1009 : vector<16xi1>, vector<16xf32>
      %mul3A_1020 = arith.constant 16 : i32
      %mul3A_1021 = arith.muli %add3A_1005, %mul3A_1020 : i32
      %swap3A_1022 = arith.index_cast %mul3A_1021 : i32 to index
      %swap3A_1023 = tpu.vector_load %arg9[%swap3A_1022] {strides = array<i32>} : memref<8192xf32, #tpu.memory_space<vmem>>, vector<16xf32>,
      tpu.vector_store %arg9[%swap3A_1022], %select_n3A_1019 {strides = array<i32>} : memref<8192xf32, #tpu.memory_space<vmem>>, vector<16xf32>,
      %max3A_1024 = arith.maximumf %scan3A_907, %select_n3A_1019 : vector<16xf32>
      %mul3A_1025 = arith.constant 8 : i32
      %mul3A_1026 = arith.muli %mul3A_1025, %scan3A_902 : i32
      %add3A_1027 = arith.constant 5 : i32
      %add3A_1028 = arith.addi %mul3A_1026, %add3A_1027 : i32
      %mul3A_1029 = arith.constant 16 : i32
      %mul3A_1030 = arith.muli %add3A_1028, %mul3A_1029 : i32
      %get3A_1031 = arith.index_cast %mul3A_1030 : i32 to index
      %get3A_1032 = tpu.vector_load %arg6[%get3A_1031] {strides = array<i32>} : memref<8192xf32, #tpu.memory_space<vmem>>, vector<16xf32>,
      %mul3A_1033 = arith.constant 16 : i32
      %mul3A_1034 = arith.muli %add3A_1028, %mul3A_1033 : i32
      %get3A_1035 = arith.index_cast %mul3A_1034 : i32 to index
      %get3A_1036 = tpu.vector_load %arg8[%get3A_1035] {strides = array<i32>} : memref<8192xi32, #tpu.memory_space<vmem>>, vector<16xi32>,
      %eq3A_1037 = arith.constant 0 : i32
      %eq3A_1038 = vector.broadcast %eq3A_1037 : i32 to vector<16xi32>
      %eq3A_1039 = arith.cmpi eq, %get3A_1036, %eq3A_1038 : vector<16xi32>
      %jit3A_1040 = arith.constant 0xFF800000 : f32
      %broadcast_in_dim3A_1041 = vector.broadcast %jit3A_1040 : f32 to vector<16xf32>
      %select_n3A_1042 = arith.select %eq3A_1039, %broadcast_in_dim3A_1041, %get3A_1032 : vector<16xi1>, vector<16xf32>
      %mul3A_1043 = arith.constant 16 : i32
      %mul3A_1044 = arith.muli %add3A_1028, %mul3A_1043 : i32
      %swap3A_1045 = arith.index_cast %mul3A_1044 : i32 to index
      %swap3A_1046 = tpu.vector_load %arg9[%swap3A_1045] {strides = array<i32>} : memref<8192xf32, #tpu.memory_space<vmem>>, vector<16xf32>,
      tpu.vector_store %arg9[%swap3A_1045], %select_n3A_1042 {strides = array<i32>} : memref<8192xf32, #tpu.memory_space<vmem>>, vector<16xf32>,
      %max3A_1047 = arith.maximumf %scan3A_908, %select_n3A_1042 : vector<16xf32>
      %mul3A_1048 = arith.constant 8 : i32
      %mul3A_1049 = arith.muli %mul3A_1048, %scan3A_902 : i32
      %add3A_1050 = arith.constant 6 : i32
      %add3A_1051 = arith.addi %mul3A_1049, %add3A_1050 : i32
      %mul3A_1052 = arith.constant 16 : i32
      %mul3A_1053 = arith.muli %add3A_1051, %mul3A_1052 : i32
      %get3A_1054 = arith.index_cast %mul3A_1053 : i32 to index
      %get3A_1055 = tpu.vector_load %arg6[%get3A_1054] {strides = array<i32>} : memref<8192xf32, #tpu.memory_space<vmem>>, vector<16xf32>,
      %mul3A_1056 = arith.constant 16 : i32
      %mul3A_1057 = arith.muli %add3A_1051, %mul3A_1056 : i32
      %get3A_1058 = arith.index_cast %mul3A_1057 : i32 to index
      %get3A_1059 = tpu.vector_load %arg8[%get3A_1058] {strides = array<i32>} : memref<8192xi32, #tpu.memory_space<vmem>>, vector<16xi32>,
      %eq3A_1060 = arith.constant 0 : i32
      %eq3A_1061 = vector.broadcast %eq3A_1060 : i32 to vector<16xi32>
      %eq3A_1062 = arith.cmpi eq, %get3A_1059, %eq3A_1061 : vector<16xi32>
      %jit3A_1063 = arith.constant 0xFF800000 : f32
      %broadcast_in_dim3A_1064 = vector.broadcast %jit3A_1063 : f32 to vector<16xf32>
      %select_n3A_1065 = arith.select %eq3A_1062, %broadcast_in_dim3A_1064, %get3A_1055 : vector<16xi1>, vector<16xf32>
      %mul3A_1066 = arith.constant 16 : i32
      %mul3A_1067 = arith.muli %add3A_1051, %mul3A_1066 : i32
      %swap3A_1068 = arith.index_cast %mul3A_1067 : i32 to index
      %swap3A_1069 = tpu.vector_load %arg9[%swap3A_1068] {strides = array<i32>} : memref<8192xf32, #tpu.memory_space<vmem>>, vector<16xf32>,
      tpu.vector_store %arg9[%swap3A_1068], %select_n3A_1065 {strides = array<i32>} : memref<8192xf32, #tpu.memory_space<vmem>>, vector<16xf32>,
      %max3A_1070 = arith.maximumf %scan3A_909, %select_n3A_1065 : vector<16xf32>
      %mul3A_1071 = arith.constant 8 : i32
      %mul3A_1072 = arith.muli %mul3A_1071, %scan3A_902 : i32
      %add3A_1073 = arith.constant 7 : i32
      %add3A_1074 = arith.addi %mul3A_1072, %add3A_1073 : i32
      %mul3A_1075 = arith.constant 16 : i32
      %mul3A_1076 = arith.muli %add3A_1074, %mul3A_1075 : i32
      %get3A_1077 = arith.index_cast %mul3A_1076 : i32 to index
      %get3A_1078 = tpu.vector_load %arg6[%get3A_1077] {strides = array<i32>} : memref<8192xf32, #tpu.memory_space<vmem>>, vector<16xf32>,
      %mul3A_1079 = arith.constant 16 : i32
      %mul3A_1080 = arith.muli %add3A_1074, %mul3A_1079 : i32
      %get3A_1081 = arith.index_cast %mul3A_1080 : i32 to index
      %get3A_1082 = tpu.vector_load %arg8[%get3A_1081] {strides = array<i32>} : memref<8192xi32, #tpu.memory_space<vmem>>, vector<16xi32>,
      %eq3A_1083 = arith.constant 0 : i32
      %eq3A_1084 = vector.broadcast %eq3A_1083 : i32 to vector<16xi32>
      %eq3A_1085 = arith.cmpi eq, %get3A_1082, %eq3A_1084 : vector<16xi32>
      %jit3A_1086 = arith.constant 0xFF800000 : f32
      %broadcast_in_dim3A_1087 = vector.broadcast %jit3A_1086 : f32 to vector<16xf32>
      %select_n3A_1088 = arith.select %eq3A_1085, %broadcast_in_dim3A_1087, %get3A_1078 : vector<16xi1>, vector<16xf32>
      %mul3A_1089 = arith.constant 16 : i32
      %mul3A_1090 = arith.muli %add3A_1074, %mul3A_1089 : i32
      %swap3A_1091 = arith.index_cast %mul3A_1090 : i32 to index
      %swap3A_1092 = tpu.vector_load %arg9[%swap3A_1091] {strides = array<i32>} : memref<8192xf32, #tpu.memory_space<vmem>>, vector<16xf32>,
      tpu.vector_store %arg9[%swap3A_1091], %select_n3A_1088 {strides = array<i32>} : memref<8192xf32, #tpu.memory_space<vmem>>, vector<16xf32>,
      %max3A_1093 = arith.maximumf %scan3A_910, %select_n3A_1088 : vector<16xf32>
      scf.yield %max3A_932, %max3A_955, %max3A_978, %max3A_1001, %max3A_1024, %max3A_1047, %max3A_1070, %max3A_1093 : vector<16xf32>, vector<16xf32>, vector<16xf32>, vector<16xf32>, vector<16xf32>, vector<16xf32>, vector<16xf32>, vector<16xf32>
    }
    %scan3A_268 = arith.constant 64 : i32
    %min3A_269 = arith.minimumf %scan3A_267#0, %scan3A_267#1 : vector<16xf32>
    %max3A_270 = arith.maximumf %scan3A_267#0, %scan3A_267#1 : vector<16xf32>
    %min3A_271 = arith.minimumf %min3A_269, %scan3A_267#2 : vector<16xf32>
    %max3A_272 = arith.maximumf %max3A_270, %scan3A_267#2 : vector<16xf32>
    %min3A_273 = arith.minimumf %min3A_271, %scan3A_267#3 : vector<16xf32>
    %max3A_274 = arith.maximumf %max3A_272, %scan3A_267#3 : vector<16xf32>
    %min3A_275 = arith.minimumf %min3A_273, %scan3A_267#4 : vector<16xf32>
    %max3A_276 = arith.maximumf %max3A_274, %scan3A_267#4 : vector<16xf32>
    %min3A_277 = arith.minimumf %min3A_275, %scan3A_267#5 : vector<16xf32>
    %max3A_278 = arith.maximumf %max3A_276, %scan3A_267#5 : vector<16xf32>
    %min3A_279 = arith.minimumf %min3A_277, %scan3A_267#6 : vector<16xf32>
    %max3A_280 = arith.maximumf %max3A_278, %scan3A_267#6 : vector<16xf32>
    %min3A_281 = arith.minimumf %min3A_279, %scan3A_267#7 : vector<16xf32>
    %max3A_282 = arith.maximumf %max3A_280, %scan3A_267#7 : vector<16xf32>
    %neg3A_283 = arith.constant 0.000000e+00 : f32
    %neg3A_284 = vector.broadcast %neg3A_283 : f32 to vector<16xf32>
    %neg3A_285 = arith.subf %neg3A_284, %min3A_281 : vector<16xf32>
    %reduce_max3A_286 = arith.constant true
    %reduce_max3A_287 = vector.broadcast %reduce_max3A_286 : i1 to vector<16xi1>
    %reduce_max3A_288 = tpu.scan <max>, %neg3A_285 masked %reduce_max3A_287 : vector<16xf32>, vector<16xi1> -> vector<16xf32>
    %reduce_max3A_289 = vector.extract %reduce_max3A_288[15] : f32 from vector<16xf32>
    %neg3A_290 = arith.constant 0.000000e+00 : f32
    %neg3A_291 = arith.subf %neg3A_290, %reduce_max3A_289 : f32
    %reduce_max3A_292 = arith.constant true
    %reduce_max3A_293 = vector.broadcast %reduce_max3A_292 : i1 to vector<16xi1>
    %reduce_max3A_294 = tpu.scan <max>, %max3A_282 masked %reduce_max3A_293 : vector<16xf32>, vector<16xi1> -> vector<16xf32>
    %reduce_max3A_295 = vector.extract %reduce_max3A_294[15] : f32 from vector<16xf32>
    %broadcast_in_dim3A_296 = arith.constant 0.000000e+00 : f32
    %broadcast_in_dim3A_297 = vector.broadcast %broadcast_in_dim3A_296 : f32 to vector<16xf32>
    %add3A_298 = vector.broadcast %neg3A_291 : f32 to vector<16xf32>
    %add3A_299 = arith.addf %broadcast_in_dim3A_297, %add3A_298 : vector<16xf32>
    %bitcast_convert_type3A_300 = tpu.bitcast %add3A_299 : vector<16xf32> -> vector<16xi32>
    %ge3A_301 = arith.constant 0 : i32
    %ge3A_302 = vector.broadcast %ge3A_301 : i32 to vector<16xi32>
    %ge3A_303 = arith.cmpi sge, %bitcast_convert_type3A_300, %ge3A_302 : vector<16xi32>
    %xor3A_304 = arith.constant 2147483647 : i32
    %xor3A_305 = vector.broadcast %xor3A_304 : i32 to vector<16xi32>
    %xor3A_306 = arith.xori %bitcast_convert_type3A_300, %xor3A_305 : vector<16xi32>
    %select_n3A_307 = arith.select %ge3A_303, %bitcast_convert_type3A_300, %xor3A_306 : vector<16xi1>, vector<16xi32>
    %slice3A_308 = vector.extract_strided_slice %select_n3A_307 {offsets = [0], sizes = [1], strides = [1]} : vector<16xi32> to vector<1xi32>
    %squeeze3A_309 = vector.extract %slice3A_308[0] : i32 from vector<1xi32>
    %broadcast_in_dim3A_310 = arith.constant 0.000000e+00 : f32
    %broadcast_in_dim3A_311 = vector.broadcast %broadcast_in_dim3A_310 : f32 to vector<16xf32>
    %add3A_312 = vector.broadcast %reduce_max3A_295 : f32 to vector<16xf32>
    %add3A_313 = arith.addf %broadcast_in_dim3A_311, %add3A_312 : vector<16xf32>
    %bitcast_convert_type3A_314 = tpu.bitcast %add3A_313 : vector<16xf32> -> vector<16xi32>
    %ge3A_315 = arith.constant 0 : i32
    %ge3A_316 = vector.broadcast %ge3A_315 : i32 to vector<16xi32>
    %ge3A_317 = arith.cmpi sge, %bitcast_convert_type3A_314, %ge3A_316 : vector<16xi32>
    %xor3A_318 = arith.constant 2147483647 : i32
    %xor3A_319 = vector.broadcast %xor3A_318 : i32 to vector<16xi32>
    %xor3A_320 = arith.xori %bitcast_convert_type3A_314, %xor3A_319 : vector<16xi32>
    %select_n3A_321 = arith.select %ge3A_317, %bitcast_convert_type3A_314, %xor3A_320 : vector<16xi1>, vector<16xi32>
    %slice3A_322 = vector.extract_strided_slice %select_n3A_321 {offsets = [0], sizes = [1], strides = [1]} : vector<16xi32> to vector<1xi32>
    %squeeze3A_323 = vector.extract %slice3A_322[0] : i32 from vector<1xi32>
    %add3A_324 = arith.constant 1 : i32
    %add3A_325 = arith.addi %squeeze3A_323, %add3A_324 : i32
    %scan3A_326 = arith.constant 0 : i32
    %scan3A_327 = arith.constant 6 : i32
    %scan3A_328 = arith.addi %scan3A_326, %scan3A_327 : i32
    %scan3A_329 = arith.constant 1 : i32
    %scan3A_330:2 = scf.for %scan3A_902 = %scan3A_326 to %scan3A_328 step %scan3A_329 iter_args(%scan3A_903 = %squeeze3A_309, %scan3A_904 = %add3A_325) -> (i32, i32)  : i32 {
      %sub3A_905 = arith.subi %scan3A_904, %scan3A_903 : i32
      %shift_right_logical3A = arith.constant 1 : i32
      %shift_right_logical3A_906 = arith.shrui %sub3A_905, %shift_right_logical3A : i32
      %add3A_907 = arith.addi %scan3A_903, %shift_right_logical3A_906 : i32
      %broadcast_in_dim3A_908 = arith.constant 0 : i32
      %broadcast_in_dim3A_909 = vector.broadcast %broadcast_in_dim3A_908 : i32 to vector<16xi32>
      %add3A_910 = vector.broadcast %add3A_907 : i32 to vector<16xi32>
      %add3A_911 = arith.addi %broadcast_in_dim3A_909, %add3A_910 : vector<16xi32>
      %ge3A_912 = arith.constant 0 : i32
      %ge3A_913 = vector.broadcast %ge3A_912 : i32 to vector<16xi32>
      %ge3A_914 = arith.cmpi sge, %add3A_911, %ge3A_913 : vector<16xi32>
      %xor3A_915 = arith.constant 2147483647 : i32
      %xor3A_916 = vector.broadcast %xor3A_915 : i32 to vector<16xi32>
      %xor3A_917 = arith.xori %add3A_911, %xor3A_916 : vector<16xi32>
      %select_n3A_918 = arith.select %ge3A_914, %add3A_911, %xor3A_917 : vector<16xi1>, vector<16xi32>
      %bitcast_convert_type3A_919 = tpu.bitcast %select_n3A_918 : vector<16xi32> -> vector<16xf32>
      %broadcast_in_dim3A_920 = arith.constant 0 : i32
      %broadcast_in_dim3A_921 = vector.broadcast %broadcast_in_dim3A_920 : i32 to vector<16xi32>
      %ge3A_922 = arith.cmpf oge, %scan3A_267#0, %bitcast_convert_type3A_919 : vector<16xf32>
      %convert_element_type3A = arith.extui %ge3A_922 : vector<16xi1> to vector<16xi32>
      %add3A_923 = arith.addi %broadcast_in_dim3A_921, %convert_element_type3A : vector<16xi32>
      %ge3A_924 = arith.cmpf oge, %scan3A_267#1, %bitcast_convert_type3A_919 : vector<16xf32>
      %convert_element_type3A_925 = arith.extui %ge3A_924 : vector<16xi1> to vector<16xi32>
      %add3A_926 = arith.addi %add3A_923, %convert_element_type3A_925 : vector<16xi32>
      %ge3A_927 = arith.cmpf oge, %scan3A_267#2, %bitcast_convert_type3A_919 : vector<16xf32>
      %convert_element_type3A_928 = arith.extui %ge3A_927 : vector<16xi1> to vector<16xi32>
      %add3A_929 = arith.addi %add3A_926, %convert_element_type3A_928 : vector<16xi32>
      %ge3A_930 = arith.cmpf oge, %scan3A_267#3, %bitcast_convert_type3A_919 : vector<16xf32>
      %convert_element_type3A_931 = arith.extui %ge3A_930 : vector<16xi1> to vector<16xi32>
      %add3A_932 = arith.addi %add3A_929, %convert_element_type3A_931 : vector<16xi32>
      %ge3A_933 = arith.cmpf oge, %scan3A_267#4, %bitcast_convert_type3A_919 : vector<16xf32>
      %convert_element_type3A_934 = arith.extui %ge3A_933 : vector<16xi1> to vector<16xi32>
      %add3A_935 = arith.addi %add3A_932, %convert_element_type3A_934 : vector<16xi32>
      %ge3A_936 = arith.cmpf oge, %scan3A_267#5, %bitcast_convert_type3A_919 : vector<16xf32>
      %convert_element_type3A_937 = arith.extui %ge3A_936 : vector<16xi1> to vector<16xi32>
      %add3A_938 = arith.addi %add3A_935, %convert_element_type3A_937 : vector<16xi32>
      %ge3A_939 = arith.cmpf oge, %scan3A_267#6, %bitcast_convert_type3A_919 : vector<16xf32>
      %convert_element_type3A_940 = arith.extui %ge3A_939 : vector<16xi1> to vector<16xi32>
      %add3A_941 = arith.addi %add3A_938, %convert_element_type3A_940 : vector<16xi32>
      %ge3A_942 = arith.cmpf oge, %scan3A_267#7, %bitcast_convert_type3A_919 : vector<16xf32>
      %convert_element_type3A_943 = arith.extui %ge3A_942 : vector<16xi1> to vector<16xi32>
      %add3A_944 = arith.addi %add3A_941, %convert_element_type3A_943 : vector<16xi32>
      %reduce_sum3A = arith.constant true
      %reduce_sum3A_945 = vector.broadcast %reduce_sum3A : i1 to vector<16xi1>
      %reduce_sum3A_946 = tpu.scan <sum>, %add3A_944 masked %reduce_sum3A_945 : vector<16xi32>, vector<16xi1> -> vector<16xi32>
      %reduce_sum3A_947 = vector.extract %reduce_sum3A_946[15] : i32 from vector<16xi32>
      %ge3A_948 = arith.constant 64 : i32
      %ge3A_949 = arith.cmpi sge, %reduce_sum3A_947, %ge3A_948 : i32
      %ne3A_950 = arith.constant 0 : i32
      %ne3A_951 = arith.cmpi ne, %shift_right_logical3A_906, %ne3A_950 : i32
      %and3A_952 = arith.andi %ne3A_951, %ge3A_949 : i1
      %ne3A_953 = arith.constant 0 : i32
      %ne3A_954 = arith.cmpi ne, %shift_right_logical3A_906, %ne3A_953 : i32
      %not3A = arith.constant true
      %not3A_955 = arith.xori %ge3A_949, %not3A : i1
      %and3A_956 = arith.andi %ne3A_954, %not3A_955 : i1
      %select_n3A_957 = arith.select %and3A_952, %add3A_907, %scan3A_903 : i32
      %select_n3A_958 = arith.select %and3A_956, %add3A_907, %scan3A_904 : i32
      scf.yield %select_n3A_957, %select_n3A_958 : i32, i32
    }
    %scan3A_331 = arith.constant 6 : i32
    %broadcast_in_dim3A_332 = arith.constant 0 : i32
    %broadcast_in_dim3A_333 = vector.broadcast %broadcast_in_dim3A_332 : i32 to vector<16xi32>
    %add3A_334 = vector.broadcast %scan3A_330#0 : i32 to vector<16xi32>
    %add3A_335 = arith.addi %broadcast_in_dim3A_333, %add3A_334 : vector<16xi32>
    %ge3A_336 = arith.constant 0 : i32
    %ge3A_337 = vector.broadcast %ge3A_336 : i32 to vector<16xi32>
    %ge3A_338 = arith.cmpi sge, %add3A_335, %ge3A_337 : vector<16xi32>
    %xor3A_339 = arith.constant 2147483647 : i32
    %xor3A_340 = vector.broadcast %xor3A_339 : i32 to vector<16xi32>
    %xor3A_341 = arith.xori %add3A_335, %xor3A_340 : vector<16xi32>
    %select_n3A_342 = arith.select %ge3A_338, %add3A_335, %xor3A_341 : vector<16xi1>, vector<16xi32>
    %bitcast_convert_type3A_343 = tpu.bitcast %select_n3A_342 : vector<16xi32> -> vector<16xf32>
    %slice3A_344 = vector.extract_strided_slice %bitcast_convert_type3A_343 {offsets = [0], sizes = [1], strides = [1]} : vector<16xf32> to vector<1xf32>
    %squeeze3A_345 = vector.extract %slice3A_344[0] : f32 from vector<1xf32>
    %scan3A_346 = arith.constant 0 : i32
    %scan3A_347 = arith.constant 0 : i32
    %scan3A_348 = arith.constant 64 : i32
    %scan3A_349 = arith.addi %scan3A_347, %scan3A_348 : i32
    %scan3A_350 = arith.constant 1 : i32
    %scan3A_351 = scf.for %scan3A_902 = %scan3A_347 to %scan3A_349 step %scan3A_350 iter_args(%scan3A_903 = %scan3A_346) -> (i32)  : i32 {
      %mul3A_904 = arith.constant 8 : i32
      %mul3A_905 = arith.muli %mul3A_904, %scan3A_902 : i32
      %add3A_906 = arith.constant 0 : i32
      %add3A_907 = arith.addi %mul3A_905, %add3A_906 : i32
      %mul3A_908 = arith.constant 16 : i32
      %mul3A_909 = arith.muli %add3A_907, %mul3A_908 : i32
      %get3A_910 = arith.index_cast %mul3A_909 : i32 to index
      %get3A_911 = tpu.vector_load %arg9[%get3A_910] {strides = array<i32>} : memref<8192xf32, #tpu.memory_space<vmem>>, vector<16xf32>,
      %ge3A_912 = vector.broadcast %squeeze3A_345 : f32 to vector<16xf32>
      %ge3A_913 = arith.cmpf oge, %get3A_911, %ge3A_912 : vector<16xf32>
      %all_reduce_population_count3A = tpu.all_reduce %ge3A_913 {dim = 0 : i64, kind = #tpu.reduction_kind<sum>} : vector<16xi1> -> vector<16xi32>
      %slice3A_914 = vector.extract_strided_slice %all_reduce_population_count3A {offsets = [0], sizes = [1], strides = [1]} : vector<16xi32> to vector<1xi32>
      %squeeze3A_915 = vector.extract %slice3A_914[0] : i32 from vector<1xi32>
      %mul3A_916 = arith.constant 8 : i32
      %mul3A_917 = arith.muli %mul3A_916, %scan3A_902 : i32
      %add3A_918 = arith.constant 1 : i32
      %add3A_919 = arith.addi %mul3A_917, %add3A_918 : i32
      %mul3A_920 = arith.constant 16 : i32
      %mul3A_921 = arith.muli %add3A_919, %mul3A_920 : i32
      %get3A_922 = arith.index_cast %mul3A_921 : i32 to index
      %get3A_923 = tpu.vector_load %arg9[%get3A_922] {strides = array<i32>} : memref<8192xf32, #tpu.memory_space<vmem>>, vector<16xf32>,
      %ge3A_924 = vector.broadcast %squeeze3A_345 : f32 to vector<16xf32>
      %ge3A_925 = arith.cmpf oge, %get3A_923, %ge3A_924 : vector<16xf32>
      %all_reduce_population_count3A_926 = tpu.all_reduce %ge3A_925 {dim = 0 : i64, kind = #tpu.reduction_kind<sum>} : vector<16xi1> -> vector<16xi32>
      %slice3A_927 = vector.extract_strided_slice %all_reduce_population_count3A_926 {offsets = [0], sizes = [1], strides = [1]} : vector<16xi32> to vector<1xi32>
      %squeeze3A_928 = vector.extract %slice3A_927[0] : i32 from vector<1xi32>
      %mul3A_929 = arith.constant 8 : i32
      %mul3A_930 = arith.muli %mul3A_929, %scan3A_902 : i32
      %add3A_931 = arith.constant 2 : i32
      %add3A_932 = arith.addi %mul3A_930, %add3A_931 : i32
      %mul3A_933 = arith.constant 16 : i32
      %mul3A_934 = arith.muli %add3A_932, %mul3A_933 : i32
      %get3A_935 = arith.index_cast %mul3A_934 : i32 to index
      %get3A_936 = tpu.vector_load %arg9[%get3A_935] {strides = array<i32>} : memref<8192xf32, #tpu.memory_space<vmem>>, vector<16xf32>,
      %ge3A_937 = vector.broadcast %squeeze3A_345 : f32 to vector<16xf32>
      %ge3A_938 = arith.cmpf oge, %get3A_936, %ge3A_937 : vector<16xf32>
      %all_reduce_population_count3A_939 = tpu.all_reduce %ge3A_938 {dim = 0 : i64, kind = #tpu.reduction_kind<sum>} : vector<16xi1> -> vector<16xi32>
      %slice3A_940 = vector.extract_strided_slice %all_reduce_population_count3A_939 {offsets = [0], sizes = [1], strides = [1]} : vector<16xi32> to vector<1xi32>
      %squeeze3A_941 = vector.extract %slice3A_940[0] : i32 from vector<1xi32>
      %mul3A_942 = arith.constant 8 : i32
      %mul3A_943 = arith.muli %mul3A_942, %scan3A_902 : i32
      %add3A_944 = arith.constant 3 : i32
      %add3A_945 = arith.addi %mul3A_943, %add3A_944 : i32
      %mul3A_946 = arith.constant 16 : i32
      %mul3A_947 = arith.muli %add3A_945, %mul3A_946 : i32
      %get3A_948 = arith.index_cast %mul3A_947 : i32 to index
      %get3A_949 = tpu.vector_load %arg9[%get3A_948] {strides = array<i32>} : memref<8192xf32, #tpu.memory_space<vmem>>, vector<16xf32>,
      %ge3A_950 = vector.broadcast %squeeze3A_345 : f32 to vector<16xf32>
      %ge3A_951 = arith.cmpf oge, %get3A_949, %ge3A_950 : vector<16xf32>
      %all_reduce_population_count3A_952 = tpu.all_reduce %ge3A_951 {dim = 0 : i64, kind = #tpu.reduction_kind<sum>} : vector<16xi1> -> vector<16xi32>
      %slice3A_953 = vector.extract_strided_slice %all_reduce_population_count3A_952 {offsets = [0], sizes = [1], strides = [1]} : vector<16xi32> to vector<1xi32>
      %squeeze3A_954 = vector.extract %slice3A_953[0] : i32 from vector<1xi32>
      %mul3A_955 = arith.constant 8 : i32
      %mul3A_956 = arith.muli %mul3A_955, %scan3A_902 : i32
      %add3A_957 = arith.constant 4 : i32
      %add3A_958 = arith.addi %mul3A_956, %add3A_957 : i32
      %mul3A_959 = arith.constant 16 : i32
      %mul3A_960 = arith.muli %add3A_958, %mul3A_959 : i32
      %get3A_961 = arith.index_cast %mul3A_960 : i32 to index
      %get3A_962 = tpu.vector_load %arg9[%get3A_961] {strides = array<i32>} : memref<8192xf32, #tpu.memory_space<vmem>>, vector<16xf32>,
      %ge3A_963 = vector.broadcast %squeeze3A_345 : f32 to vector<16xf32>
      %ge3A_964 = arith.cmpf oge, %get3A_962, %ge3A_963 : vector<16xf32>
      %all_reduce_population_count3A_965 = tpu.all_reduce %ge3A_964 {dim = 0 : i64, kind = #tpu.reduction_kind<sum>} : vector<16xi1> -> vector<16xi32>
      %slice3A_966 = vector.extract_strided_slice %all_reduce_population_count3A_965 {offsets = [0], sizes = [1], strides = [1]} : vector<16xi32> to vector<1xi32>
      %squeeze3A_967 = vector.extract %slice3A_966[0] : i32 from vector<1xi32>
      %mul3A_968 = arith.constant 8 : i32
      %mul3A_969 = arith.muli %mul3A_968, %scan3A_902 : i32
      %add3A_970 = arith.constant 5 : i32
      %add3A_971 = arith.addi %mul3A_969, %add3A_970 : i32
      %mul3A_972 = arith.constant 16 : i32
      %mul3A_973 = arith.muli %add3A_971, %mul3A_972 : i32
      %get3A_974 = arith.index_cast %mul3A_973 : i32 to index
      %get3A_975 = tpu.vector_load %arg9[%get3A_974] {strides = array<i32>} : memref<8192xf32, #tpu.memory_space<vmem>>, vector<16xf32>,
      %ge3A_976 = vector.broadcast %squeeze3A_345 : f32 to vector<16xf32>
      %ge3A_977 = arith.cmpf oge, %get3A_975, %ge3A_976 : vector<16xf32>
      %all_reduce_population_count3A_978 = tpu.all_reduce %ge3A_977 {dim = 0 : i64, kind = #tpu.reduction_kind<sum>} : vector<16xi1> -> vector<16xi32>
      %slice3A_979 = vector.extract_strided_slice %all_reduce_population_count3A_978 {offsets = [0], sizes = [1], strides = [1]} : vector<16xi32> to vector<1xi32>
      %squeeze3A_980 = vector.extract %slice3A_979[0] : i32 from vector<1xi32>
      %mul3A_981 = arith.constant 8 : i32
      %mul3A_982 = arith.muli %mul3A_981, %scan3A_902 : i32
      %add3A_983 = arith.constant 6 : i32
      %add3A_984 = arith.addi %mul3A_982, %add3A_983 : i32
      %mul3A_985 = arith.constant 16 : i32
      %mul3A_986 = arith.muli %add3A_984, %mul3A_985 : i32
      %get3A_987 = arith.index_cast %mul3A_986 : i32 to index
      %get3A_988 = tpu.vector_load %arg9[%get3A_987] {strides = array<i32>} : memref<8192xf32, #tpu.memory_space<vmem>>, vector<16xf32>,
      %ge3A_989 = vector.broadcast %squeeze3A_345 : f32 to vector<16xf32>
      %ge3A_990 = arith.cmpf oge, %get3A_988, %ge3A_989 : vector<16xf32>
      %all_reduce_population_count3A_991 = tpu.all_reduce %ge3A_990 {dim = 0 : i64, kind = #tpu.reduction_kind<sum>} : vector<16xi1> -> vector<16xi32>
      %slice3A_992 = vector.extract_strided_slice %all_reduce_population_count3A_991 {offsets = [0], sizes = [1], strides = [1]} : vector<16xi32> to vector<1xi32>
      %squeeze3A_993 = vector.extract %slice3A_992[0] : i32 from vector<1xi32>
      %mul3A_994 = arith.constant 8 : i32
      %mul3A_995 = arith.muli %mul3A_994, %scan3A_902 : i32
      %add3A_996 = arith.constant 7 : i32
      %add3A_997 = arith.addi %mul3A_995, %add3A_996 : i32
      %mul3A_998 = arith.constant 16 : i32
      %mul3A_999 = arith.muli %add3A_997, %mul3A_998 : i32
      %get3A_1000 = arith.index_cast %mul3A_999 : i32 to index
      %get3A_1001 = tpu.vector_load %arg9[%get3A_1000] {strides = array<i32>} : memref<8192xf32, #tpu.memory_space<vmem>>, vector<16xf32>,
      %ge3A_1002 = vector.broadcast %squeeze3A_345 : f32 to vector<16xf32>
      %ge3A_1003 = arith.cmpf oge, %get3A_1001, %ge3A_1002 : vector<16xf32>
      %all_reduce_population_count3A_1004 = tpu.all_reduce %ge3A_1003 {dim = 0 : i64, kind = #tpu.reduction_kind<sum>} : vector<16xi1> -> vector<16xi32>
      %slice3A_1005 = vector.extract_strided_slice %all_reduce_population_count3A_1004 {offsets = [0], sizes = [1], strides = [1]} : vector<16xi32> to vector<1xi32>
      %squeeze3A_1006 = vector.extract %slice3A_1005[0] : i32 from vector<1xi32>
      %add3A_1007 = arith.addi %scan3A_903, %squeeze3A_915 : i32
      %add3A_1008 = arith.addi %add3A_1007, %squeeze3A_928 : i32
      %add3A_1009 = arith.addi %add3A_1008, %squeeze3A_941 : i32
      %add3A_1010 = arith.addi %add3A_1009, %squeeze3A_954 : i32
      %add3A_1011 = arith.addi %add3A_1010, %squeeze3A_967 : i32
      %add3A_1012 = arith.addi %add3A_1011, %squeeze3A_980 : i32
      %add3A_1013 = arith.addi %add3A_1012, %squeeze3A_993 : i32
      %mul3A_1014 = arith.constant 8 : i32
      %mul3A_1015 = arith.muli %mul3A_1014, %scan3A_902 : i32
      %add3A_1016 = arith.constant 0 : i32
      %add3A_1017 = arith.addi %mul3A_1015, %add3A_1016 : i32
      %mul3A_1018 = arith.constant 16 : i32
      %mul3A_1019 = arith.muli %add3A_1017, %mul3A_1018 : i32
      %add3A_1020 = vector.broadcast %mul3A_1019 : i32 to vector<16xi32>
      %add3A_1021 = arith.addi %iota3A, %add3A_1020 : vector<16xi32>
      %swap3A_1022 = arith.index_cast %scan3A_903 : i32 to index
      %swap3A_1023 = tpu.vector_load %arg11[%swap3A_1022] masked %ge3A_913 {strides = array<i32>} : memref<8208xi32, #tpu.memory_space<vmem>>, vector<16xi32>, vector<16xi1>
      tpu.vector_store %arg11[%swap3A_1022], %add3A_1021 masked %ge3A_913 {strides = array<i32>} : memref<8208xi32, #tpu.memory_space<vmem>>, vector<16xi32>, vector<16xi1>
      %mul3A_1024 = arith.constant 8 : i32
      %mul3A_1025 = arith.muli %mul3A_1024, %scan3A_902 : i32
      %add3A_1026 = arith.constant 1 : i32
      %add3A_1027 = arith.addi %mul3A_1025, %add3A_1026 : i32
      %mul3A_1028 = arith.constant 16 : i32
      %mul3A_1029 = arith.muli %add3A_1027, %mul3A_1028 : i32
      %add3A_1030 = vector.broadcast %mul3A_1029 : i32 to vector<16xi32>
      %add3A_1031 = arith.addi %iota3A, %add3A_1030 : vector<16xi32>
      %swap3A_1032 = arith.index_cast %add3A_1007 : i32 to index
      %swap3A_1033 = tpu.vector_load %arg11[%swap3A_1032] masked %ge3A_925 {strides = array<i32>} : memref<8208xi32, #tpu.memory_space<vmem>>, vector<16xi32>, vector<16xi1>
      tpu.vector_store %arg11[%swap3A_1032], %add3A_1031 masked %ge3A_925 {strides = array<i32>} : memref<8208xi32, #tpu.memory_space<vmem>>, vector<16xi32>, vector<16xi1>
      %mul3A_1034 = arith.constant 8 : i32
      %mul3A_1035 = arith.muli %mul3A_1034, %scan3A_902 : i32
      %add3A_1036 = arith.constant 2 : i32
      %add3A_1037 = arith.addi %mul3A_1035, %add3A_1036 : i32
      %mul3A_1038 = arith.constant 16 : i32
      %mul3A_1039 = arith.muli %add3A_1037, %mul3A_1038 : i32
      %add3A_1040 = vector.broadcast %mul3A_1039 : i32 to vector<16xi32>
      %add3A_1041 = arith.addi %iota3A, %add3A_1040 : vector<16xi32>
      %swap3A_1042 = arith.index_cast %add3A_1008 : i32 to index
      %swap3A_1043 = tpu.vector_load %arg11[%swap3A_1042] masked %ge3A_938 {strides = array<i32>} : memref<8208xi32, #tpu.memory_space<vmem>>, vector<16xi32>, vector<16xi1>
      tpu.vector_store %arg11[%swap3A_1042], %add3A_1041 masked %ge3A_938 {strides = array<i32>} : memref<8208xi32, #tpu.memory_space<vmem>>, vector<16xi32>, vector<16xi1>
      %mul3A_1044 = arith.constant 8 : i32
      %mul3A_1045 = arith.muli %mul3A_1044, %scan3A_902 : i32
      %add3A_1046 = arith.constant 3 : i32
      %add3A_1047 = arith.addi %mul3A_1045, %add3A_1046 : i32
      %mul3A_1048 = arith.constant 16 : i32
      %mul3A_1049 = arith.muli %add3A_1047, %mul3A_1048 : i32
      %add3A_1050 = vector.broadcast %mul3A_1049 : i32 to vector<16xi32>
      %add3A_1051 = arith.addi %iota3A, %add3A_1050 : vector<16xi32>
      %swap3A_1052 = arith.index_cast %add3A_1009 : i32 to index
      %swap3A_1053 = tpu.vector_load %arg11[%swap3A_1052] masked %ge3A_951 {strides = array<i32>} : memref<8208xi32, #tpu.memory_space<vmem>>, vector<16xi32>, vector<16xi1>
      tpu.vector_store %arg11[%swap3A_1052], %add3A_1051 masked %ge3A_951 {strides = array<i32>} : memref<8208xi32, #tpu.memory_space<vmem>>, vector<16xi32>, vector<16xi1>
      %mul3A_1054 = arith.constant 8 : i32
      %mul3A_1055 = arith.muli %mul3A_1054, %scan3A_902 : i32
      %add3A_1056 = arith.constant 4 : i32
      %add3A_1057 = arith.addi %mul3A_1055, %add3A_1056 : i32
      %mul3A_1058 = arith.constant 16 : i32
      %mul3A_1059 = arith.muli %add3A_1057, %mul3A_1058 : i32
      %add3A_1060 = vector.broadcast %mul3A_1059 : i32 to vector<16xi32>
      %add3A_1061 = arith.addi %iota3A, %add3A_1060 : vector<16xi32>
      %swap3A_1062 = arith.index_cast %add3A_1010 : i32 to index
      %swap3A_1063 = tpu.vector_load %arg11[%swap3A_1062] masked %ge3A_964 {strides = array<i32>} : memref<8208xi32, #tpu.memory_space<vmem>>, vector<16xi32>, vector<16xi1>
      tpu.vector_store %arg11[%swap3A_1062], %add3A_1061 masked %ge3A_964 {strides = array<i32>} : memref<8208xi32, #tpu.memory_space<vmem>>, vector<16xi32>, vector<16xi1>
      %mul3A_1064 = arith.constant 8 : i32
      %mul3A_1065 = arith.muli %mul3A_1064, %scan3A_902 : i32
      %add3A_1066 = arith.constant 5 : i32
      %add3A_1067 = arith.addi %mul3A_1065, %add3A_1066 : i32
      %mul3A_1068 = arith.constant 16 : i32
      %mul3A_1069 = arith.muli %add3A_1067, %mul3A_1068 : i32
      %add3A_1070 = vector.broadcast %mul3A_1069 : i32 to vector<16xi32>
      %add3A_1071 = arith.addi %iota3A, %add3A_1070 : vector<16xi32>
      %swap3A_1072 = arith.index_cast %add3A_1011 : i32 to index
      %swap3A_1073 = tpu.vector_load %arg11[%swap3A_1072] masked %ge3A_977 {strides = array<i32>} : memref<8208xi32, #tpu.memory_space<vmem>>, vector<16xi32>, vector<16xi1>
      tpu.vector_store %arg11[%swap3A_1072], %add3A_1071 masked %ge3A_977 {strides = array<i32>} : memref<8208xi32, #tpu.memory_space<vmem>>, vector<16xi32>, vector<16xi1>
      %mul3A_1074 = arith.constant 8 : i32
      %mul3A_1075 = arith.muli %mul3A_1074, %scan3A_902 : i32
      %add3A_1076 = arith.constant 6 : i32
      %add3A_1077 = arith.addi %mul3A_1075, %add3A_1076 : i32
      %mul3A_1078 = arith.constant 16 : i32
      %mul3A_1079 = arith.muli %add3A_1077, %mul3A_1078 : i32
      %add3A_1080 = vector.broadcast %mul3A_1079 : i32 to vector<16xi32>
      %add3A_1081 = arith.addi %iota3A, %add3A_1080 : vector<16xi32>
      %swap3A_1082 = arith.index_cast %add3A_1012 : i32 to index
      %swap3A_1083 = tpu.vector_load %arg11[%swap3A_1082] masked %ge3A_990 {strides = array<i32>} : memref<8208xi32, #tpu.memory_space<vmem>>, vector<16xi32>, vector<16xi1>
      tpu.vector_store %arg11[%swap3A_1082], %add3A_1081 masked %ge3A_990 {strides = array<i32>} : memref<8208xi32, #tpu.memory_space<vmem>>, vector<16xi32>, vector<16xi1>
      %mul3A_1084 = arith.constant 8 : i32
      %mul3A_1085 = arith.muli %mul3A_1084, %scan3A_902 : i32
      %add3A_1086 = arith.constant 7 : i32
      %add3A_1087 = arith.addi %mul3A_1085, %add3A_1086 : i32
      %mul3A_1088 = arith.constant 16 : i32
      %mul3A_1089 = arith.muli %add3A_1087, %mul3A_1088 : i32
      %add3A_1090 = vector.broadcast %mul3A_1089 : i32 to vector<16xi32>
      %add3A_1091 = arith.addi %iota3A, %add3A_1090 : vector<16xi32>
      %swap3A_1092 = arith.index_cast %add3A_1013 : i32 to index
      %swap3A_1093 = tpu.vector_load %arg11[%swap3A_1092] masked %ge3A_1003 {strides = array<i32>} : memref<8208xi32, #tpu.memory_space<vmem>>, vector<16xi32>, vector<16xi1>
      tpu.vector_store %arg11[%swap3A_1092], %add3A_1091 masked %ge3A_1003 {strides = array<i32>} : memref<8208xi32, #tpu.memory_space<vmem>>, vector<16xi32>, vector<16xi1>
      %add3A_1094 = arith.addi %add3A_1013, %squeeze3A_1006 : i32
      scf.yield %add3A_1094 : i32
    }
    %scan3A_352 = arith.constant 64 : i32
    %add3A_353 = arith.constant 16 : i32
    %add3A_354 = arith.addi %scan3A_351, %add3A_353 : i32
    %sub3A_355 = arith.constant 1 : i32
    %sub3A_356 = arith.subi %add3A_354, %sub3A_355 : i32
    %jit3A_357 = arith.constant 16 : i32
    %div3A_358 = arith.divsi %sub3A_356, %jit3A_357 : i32
    %sign3A_359 = arith.constant 0 : i32
    %sign3A_360 = arith.cmpi sgt, %sub3A_356, %sign3A_359 : i32
    %sign3A_361 = arith.extui %sign3A_360 : i1 to i32
    %sign3A_362 = arith.constant 0 : i32
    %sign3A_363 = arith.cmpi slt, %sub3A_356, %sign3A_362 : i32
    %sign3A_364 = arith.extui %sign3A_363 : i1 to i32
    %sign3A_365 = arith.subi %sign3A_361, %sign3A_364 : i32
    %sign3A_366 = arith.constant 0 : i32
    %sign3A_367 = arith.cmpi sgt, %jit3A_357, %sign3A_366 : i32
    %sign3A_368 = arith.extui %sign3A_367 : i1 to i32
    %sign3A_369 = arith.constant 0 : i32
    %sign3A_370 = arith.cmpi slt, %jit3A_357, %sign3A_369 : i32
    %sign3A_371 = arith.extui %sign3A_370 : i1 to i32
    %sign3A_372 = arith.subi %sign3A_368, %sign3A_371 : i32
    %ne3A_373 = arith.cmpi ne, %sign3A_365, %sign3A_372 : i32
    %rem3A_374 = arith.remsi %sub3A_356, %jit3A_357 : i32
    %ne3A_375 = arith.constant 0 : i32
    %ne3A_376 = arith.cmpi ne, %rem3A_374, %ne3A_375 : i32
    %and3A_377 = arith.andi %ne3A_373, %ne3A_376 : i1
    %sub3A_378 = arith.constant 1 : i32
    %sub3A_379 = arith.subi %div3A_358, %sub3A_378 : i32
    %select_n3A_380 = arith.select %and3A_377, %sub3A_379, %div3A_358 : i32
    %swap3A_381 = arith.index_cast %scan3A_351 : i32 to index
    %swap3A_382 = tpu.vector_load %arg11[%swap3A_381] {strides = array<i32>} : memref<8208xi32, #tpu.memory_space<vmem>>, vector<16xi32>,
    tpu.vector_store %arg11[%swap3A_381], %iota3A {strides = array<i32>} : memref<8208xi32, #tpu.memory_space<vmem>>, vector<16xi32>,
    %while3A_383 = arith.constant 0 : i32
    %while3A_384 = arith.constant 0 : i32
    %while3A_385 = arith.subi %select_n3A_380, %while3A_383 : i32
    %while3A_386 = arith.addi %while3A_383, %while3A_385 : i32
    %while3A_387 = arith.constant 1 : i32
    %while3A_388 = arith.divsi %while3A_385, %while3A_387 : i32
    %while3A_389 = arith.muli %while3A_388, %while3A_387 : i32
    %while3A_390 = arith.addi %while3A_383, %while3A_389 : i32
    %while3A_391 = arith.constant 1 : i32
    %while3A_392 = scf.for %while3A_902 = %while3A_383 to %while3A_390 step %while3A_391 iter_args(%while3A_903 = %while3A_384) -> (i32)  : i32 {
      %mul3A_904 = arith.constant 16 : i32
      %mul3A_905 = arith.muli %while3A_902, %mul3A_904 : i32
      %get3A_906 = arith.index_cast %mul3A_905 : i32 to index
      %get3A_907 = tpu.vector_load %arg11[%get3A_906] {strides = array<i32>} : memref<8208xi32, #tpu.memory_space<vmem>>, vector<16xi32>,
      %gather3A_908 = tpu.vector_load_idx %arg9[%get3A_907] : memref<8192xf32, #tpu.memory_space<vmem>>[vector<16xi32>], vector<16xf32>,
      %bitcast_convert_type3A_909 = tpu.bitcast %gather3A_908 : vector<16xf32> -> vector<16xi32>
      %ge3A_910 = arith.constant 0 : i32
      %ge3A_911 = vector.broadcast %ge3A_910 : i32 to vector<16xi32>
      %ge3A_912 = arith.cmpi sge, %bitcast_convert_type3A_909, %ge3A_911 : vector<16xi32>
      %xor3A_913 = arith.constant 2147483647 : i32
      %xor3A_914 = vector.broadcast %xor3A_913 : i32 to vector<16xi32>
      %xor3A_915 = arith.xori %bitcast_convert_type3A_909, %xor3A_914 : vector<16xi32>
      %select_n3A_916 = arith.select %ge3A_912, %bitcast_convert_type3A_909, %xor3A_915 : vector<16xi1>, vector<16xi32>
      %mul3A_917 = arith.constant 16 : i32
      %mul3A_918 = arith.muli %while3A_902, %mul3A_917 : i32
      %swap3A_919 = arith.index_cast %mul3A_918 : i32 to index
      %swap3A_920 = tpu.vector_load %arg10[%swap3A_919] {strides = array<i32>} : memref<8208xi32, #tpu.memory_space<vmem>>, vector<16xi32>,
      tpu.vector_store %arg10[%swap3A_919], %select_n3A_916 {strides = array<i32>} : memref<8208xi32, #tpu.memory_space<vmem>>, vector<16xi32>,
      %while3A_921 = arith.constant 0 : i32
      scf.yield %while3A_921 : i32
    }
    %while3A_393 = arith.constant 1 : i32
    %while3A_394 = scf.for %while3A_902 = %while3A_390 to %while3A_386 step %while3A_393 iter_args(%while3A_903 = %while3A_392) -> (i32)  : i32 {
      %mul3A_904 = arith.constant 16 : i32
      %mul3A_905 = arith.muli %while3A_902, %mul3A_904 : i32
      %get3A_906 = arith.index_cast %mul3A_905 : i32 to index
      %get3A_907 = tpu.vector_load %arg11[%get3A_906] {strides = array<i32>} : memref<8208xi32, #tpu.memory_space<vmem>>, vector<16xi32>,
      %gather3A_908 = tpu.vector_load_idx %arg9[%get3A_907] : memref<8192xf32, #tpu.memory_space<vmem>>[vector<16xi32>], vector<16xf32>,
      %bitcast_convert_type3A_909 = tpu.bitcast %gather3A_908 : vector<16xf32> -> vector<16xi32>
      %ge3A_910 = arith.constant 0 : i32
      %ge3A_911 = vector.broadcast %ge3A_910 : i32 to vector<16xi32>
      %ge3A_912 = arith.cmpi sge, %bitcast_convert_type3A_909, %ge3A_911 : vector<16xi32>
      %xor3A_913 = arith.constant 2147483647 : i32
      %xor3A_914 = vector.broadcast %xor3A_913 : i32 to vector<16xi32>
      %xor3A_915 = arith.xori %bitcast_convert_type3A_909, %xor3A_914 : vector<16xi32>
      %select_n3A_916 = arith.select %ge3A_912, %bitcast_convert_type3A_909, %xor3A_915 : vector<16xi1>, vector<16xi32>
      %mul3A_917 = arith.constant 16 : i32
      %mul3A_918 = arith.muli %while3A_902, %mul3A_917 : i32
      %swap3A_919 = arith.index_cast %mul3A_918 : i32 to index
      %swap3A_920 = tpu.vector_load %arg10[%swap3A_919] {strides = array<i32>} : memref<8208xi32, #tpu.memory_space<vmem>>, vector<16xi32>,
      tpu.vector_store %arg10[%swap3A_919], %select_n3A_916 {strides = array<i32>} : memref<8208xi32, #tpu.memory_space<vmem>>, vector<16xi32>,
      %while3A_921 = arith.constant 0 : i32
      scf.yield %while3A_921 : i32
    }
    %broadcast_in_dim3A_395 = arith.constant -2147483648 : i32
    %broadcast_in_dim3A_396 = vector.broadcast %broadcast_in_dim3A_395 : i32 to vector<16xi32>
    %swap3A_397 = arith.index_cast %scan3A_351 : i32 to index
    %swap3A_398 = tpu.vector_load %arg10[%swap3A_397] {strides = array<i32>} : memref<8208xi32, #tpu.memory_space<vmem>>, vector<16xi32>,
    tpu.vector_store %arg10[%swap3A_397], %broadcast_in_dim3A_396 {strides = array<i32>} : memref<8208xi32, #tpu.memory_space<vmem>>, vector<16xi32>,
    %while3A_399 = arith.constant 0 : i32
    %while3A_400:3 = scf.while (%while3A_902 = %scan3A_330#0, %while3A_903 = %add3A_325, %while3A_904 = %while3A_399) : (i32, i32, i32) -> (i32, i32, i32) {
      %sub3A_905 = arith.subi %while3A_903, %while3A_902 : i32
      %ne3A_906 = arith.constant 0 : i32
      %ne3A_907 = arith.cmpi ne, %sub3A_905, %ne3A_906 : i32
      %ne3A_908 = arith.constant 1 : i32
      %ne3A_909 = arith.cmpi ne, %sub3A_905, %ne3A_908 : i32
      %and3A_910 = arith.andi %ne3A_907, %ne3A_909 : i1
      scf.condition(%and3A_910) %while3A_902, %while3A_903, %while3A_904 : i32, i32, i32
    } do {
    ^bb0(%while3A_902: i32, %while3A_903: i32, %while3A_904: i32):
      %sub3A_905 = arith.subi %while3A_903, %while3A_902 : i32
      %shift_right_logical3A = arith.constant 1 : i32
      %shift_right_logical3A_906 = arith.shrui %sub3A_905, %shift_right_logical3A : i32
      %shift_right_logical3A_907 = arith.constant 2 : i32
      %shift_right_logical3A_908 = arith.shrui %sub3A_905, %shift_right_logical3A_907 : i32
      %add3A_909 = arith.addi %while3A_902, %shift_right_logical3A_908 : i32
      %add3A_910 = arith.addi %while3A_902, %shift_right_logical3A_906 : i32
      %add3A_911 = arith.addi %while3A_902, %shift_right_logical3A_906 : i32
      %add3A_912 = arith.addi %add3A_911, %shift_right_logical3A_908 : i32
      %broadcast_in_dim3A_913 = arith.constant 0 : i32
      %broadcast_in_dim3A_914 = vector.broadcast %broadcast_in_dim3A_913 : i32 to vector<16xi32>
      %while3A_915 = arith.constant 0 : i32
      %while3A_916 = arith.subi %select_n3A_380, %while3A_915 : i32
      %while3A_917 = arith.addi %while3A_915, %while3A_916 : i32
      %while3A_918 = arith.constant 1 : i32
      %while3A_919 = arith.divsi %while3A_916, %while3A_918 : i32
      %while3A_920 = arith.muli %while3A_919, %while3A_918 : i32
      %while3A_921 = arith.addi %while3A_915, %while3A_920 : i32
      %while3A_922 = arith.constant 1 : i32
      %while3A_923:3 = scf.for %while3A_952 = %while3A_915 to %while3A_921 step %while3A_922 iter_args(%while3A_953 = %broadcast_in_dim3A_914, %while3A_954 = %broadcast_in_dim3A_914, %while3A_955 = %broadcast_in_dim3A_914) -> (vector<16xi32>, vector<16xi32>, vector<16xi32>)  : i32 {
        %mul3A_956 = arith.constant 16 : i32
        %mul3A_957 = arith.muli %while3A_952, %mul3A_956 : i32
        %get3A_958 = arith.index_cast %mul3A_957 : i32 to index
        %get3A_959 = tpu.vector_load %arg10[%get3A_958] {strides = array<i32>} : memref<8208xi32, #tpu.memory_space<vmem>>, vector<16xi32>,
        %ge3A_960 = vector.broadcast %add3A_909 : i32 to vector<16xi32>
        %ge3A_961 = arith.cmpi sge, %get3A_959, %ge3A_960 : vector<16xi32>
        %convert_element_type3A = arith.extui %ge3A_961 : vector<16xi1> to vector<16xi32>
        %add3A_962 = arith.addi %while3A_953, %convert_element_type3A : vector<16xi32>
        %ge3A_963 = vector.broadcast %add3A_910 : i32 to vector<16xi32>
        %ge3A_964 = arith.cmpi sge, %get3A_959, %ge3A_963 : vector<16xi32>
        %convert_element_type3A_965 = arith.extui %ge3A_964 : vector<16xi1> to vector<16xi32>
        %add3A_966 = arith.addi %while3A_954, %convert_element_type3A_965 : vector<16xi32>
        %ge3A_967 = vector.broadcast %add3A_912 : i32 to vector<16xi32>
        %ge3A_968 = arith.cmpi sge, %get3A_959, %ge3A_967 : vector<16xi32>
        %convert_element_type3A_969 = arith.extui %ge3A_968 : vector<16xi1> to vector<16xi32>
        %add3A_970 = arith.addi %while3A_955, %convert_element_type3A_969 : vector<16xi32>
        scf.yield %add3A_962, %add3A_966, %add3A_970 : vector<16xi32>, vector<16xi32>, vector<16xi32>
      }
      %while3A_924 = arith.constant 1 : i32
      %while3A_925:3 = scf.for %while3A_952 = %while3A_921 to %while3A_917 step %while3A_924 iter_args(%while3A_953 = %while3A_923#0, %while3A_954 = %while3A_923#1, %while3A_955 = %while3A_923#2) -> (vector<16xi32>, vector<16xi32>, vector<16xi32>)  : i32 {
        %mul3A_956 = arith.constant 16 : i32
        %mul3A_957 = arith.muli %while3A_952, %mul3A_956 : i32
        %get3A_958 = arith.index_cast %mul3A_957 : i32 to index
        %get3A_959 = tpu.vector_load %arg10[%get3A_958] {strides = array<i32>} : memref<8208xi32, #tpu.memory_space<vmem>>, vector<16xi32>,
        %ge3A_960 = vector.broadcast %add3A_909 : i32 to vector<16xi32>
        %ge3A_961 = arith.cmpi sge, %get3A_959, %ge3A_960 : vector<16xi32>
        %convert_element_type3A = arith.extui %ge3A_961 : vector<16xi1> to vector<16xi32>
        %add3A_962 = arith.addi %while3A_953, %convert_element_type3A : vector<16xi32>
        %ge3A_963 = vector.broadcast %add3A_910 : i32 to vector<16xi32>
        %ge3A_964 = arith.cmpi sge, %get3A_959, %ge3A_963 : vector<16xi32>
        %convert_element_type3A_965 = arith.extui %ge3A_964 : vector<16xi1> to vector<16xi32>
        %add3A_966 = arith.addi %while3A_954, %convert_element_type3A_965 : vector<16xi32>
        %ge3A_967 = vector.broadcast %add3A_912 : i32 to vector<16xi32>
        %ge3A_968 = arith.cmpi sge, %get3A_959, %ge3A_967 : vector<16xi32>
        %convert_element_type3A_969 = arith.extui %ge3A_968 : vector<16xi1> to vector<16xi32>
        %add3A_970 = arith.addi %while3A_955, %convert_element_type3A_969 : vector<16xi32>
        scf.yield %add3A_962, %add3A_966, %add3A_970 : vector<16xi32>, vector<16xi32>, vector<16xi32>
      }
      %reduce_sum3A = arith.constant true
      %reduce_sum3A_926 = vector.broadcast %reduce_sum3A : i1 to vector<16xi1>
      %reduce_sum3A_927 = tpu.scan <sum>, %while3A_925#0 masked %reduce_sum3A_926 : vector<16xi32>, vector<16xi1> -> vector<16xi32>
      %reduce_sum3A_928 = vector.extract %reduce_sum3A_927[15] : i32 from vector<16xi32>
      %reduce_sum3A_929 = arith.constant true
      %reduce_sum3A_930 = vector.broadcast %reduce_sum3A_929 : i1 to vector<16xi1>
      %reduce_sum3A_931 = tpu.scan <sum>, %while3A_925#1 masked %reduce_sum3A_930 : vector<16xi32>, vector<16xi1> -> vector<16xi32>
      %reduce_sum3A_932 = vector.extract %reduce_sum3A_931[15] : i32 from vector<16xi32>
      %reduce_sum3A_933 = arith.constant true
      %reduce_sum3A_934 = vector.broadcast %reduce_sum3A_933 : i1 to vector<16xi1>
      %reduce_sum3A_935 = tpu.scan <sum>, %while3A_925#2 masked %reduce_sum3A_934 : vector<16xi32>, vector<16xi1> -> vector<16xi32>
      %reduce_sum3A_936 = vector.extract %reduce_sum3A_935[15] : i32 from vector<16xi32>
      %ge3A_937 = arith.constant 64 : i32
      %ge3A_938 = arith.cmpi sge, %reduce_sum3A_928, %ge3A_937 : i32
      %ge3A_939 = arith.constant 64 : i32
      %ge3A_940 = arith.cmpi sge, %reduce_sum3A_932, %ge3A_939 : i32
      %ge3A_941 = arith.constant 64 : i32
      %ge3A_942 = arith.cmpi sge, %reduce_sum3A_936, %ge3A_941 : i32
      %select_n3A_943 = arith.select %ge3A_938, %add3A_909, %while3A_902 : i32
      %select_n3A_944 = arith.select %ge3A_940, %add3A_910, %select_n3A_943 : i32
      %select_n3A_945 = arith.select %ge3A_942, %add3A_912, %select_n3A_944 : i32
      %select_n3A_946 = arith.select %ge3A_938, %add3A_910, %add3A_909 : i32
      %select_n3A_947 = arith.select %ge3A_940, %add3A_912, %select_n3A_946 : i32
      %select_n3A_948 = arith.select %ge3A_942, %while3A_903, %select_n3A_947 : i32
      %select_n3A_949 = arith.select %ge3A_938, %reduce_sum3A_932, %reduce_sum3A_928 : i32
      %select_n3A_950 = arith.select %ge3A_940, %reduce_sum3A_936, %select_n3A_949 : i32
      %select_n3A_951 = arith.select %ge3A_942, %while3A_904, %select_n3A_950 : i32
      scf.yield %select_n3A_945, %select_n3A_948, %select_n3A_951 : i32, i32, i32
    }
    %sub3A_401 = arith.constant 64 : i32
    %sub3A_402 = arith.subi %sub3A_401, %while3A_400#2 : i32
    %while3A_403 = arith.constant 0 : i32
    %while3A_404 = arith.constant 0 : i32
    %while3A_405 = arith.constant 0 : i32
    %while3A_406 = arith.subi %select_n3A_380, %while3A_403 : i32
    %while3A_407 = arith.addi %while3A_403, %while3A_406 : i32
    %while3A_408 = arith.constant 1 : i32
    %while3A_409 = arith.divsi %while3A_406, %while3A_408 : i32
    %while3A_410 = arith.muli %while3A_409, %while3A_408 : i32
    %while3A_411 = arith.addi %while3A_403, %while3A_410 : i32
    %while3A_412 = arith.constant 1 : i32
    %while3A_413:2 = scf.for %while3A_902 = %while3A_403 to %while3A_411 step %while3A_412 iter_args(%while3A_903 = %while3A_404, %while3A_904 = %while3A_405) -> (i32, i32)  : i32 {
      %mul3A_905 = arith.constant 16 : i32
      %mul3A_906 = arith.muli %while3A_902, %mul3A_905 : i32
      %get3A_907 = arith.index_cast %mul3A_906 : i32 to index
      %get3A_908 = tpu.vector_load %arg10[%get3A_907] {strides = array<i32>} : memref<8208xi32, #tpu.memory_space<vmem>>, vector<16xi32>,
      %mul3A_909 = arith.constant 16 : i32
      %mul3A_910 = arith.muli %while3A_902, %mul3A_909 : i32
      %get3A_911 = arith.index_cast %mul3A_910 : i32 to index
      %get3A_912 = tpu.vector_load %arg11[%get3A_911] {strides = array<i32>} : memref<8208xi32, #tpu.memory_space<vmem>>, vector<16xi32>,
      %gt3A = vector.broadcast %while3A_400#0 : i32 to vector<16xi32>
      %gt3A_913 = arith.cmpi sgt, %get3A_908, %gt3A : vector<16xi32>
      %eq3A = vector.broadcast %while3A_400#0 : i32 to vector<16xi32>
      %eq3A_914 = arith.cmpi eq, %get3A_908, %eq3A : vector<16xi32>
      %convert_element_type3A = arith.extui %eq3A_914 : vector<16xi1> to vector<16xi32>
      %broadcast_in_dim3A_915 = arith.constant true
      %broadcast_in_dim3A_916 = vector.broadcast %broadcast_in_dim3A_915 : i1 to vector<16xi1>
      %masked_cumsum3A = tpu.scan <sum>, %convert_element_type3A masked %broadcast_in_dim3A_916 : vector<16xi32>, vector<16xi1> -> vector<16xi32>
      %add3A_917 = vector.broadcast %while3A_904 : i32 to vector<16xi32>
      %add3A_918 = arith.addi %masked_cumsum3A, %add3A_917 : vector<16xi32>
      %le3A = vector.broadcast %sub3A_402 : i32 to vector<16xi32>
      %le3A_919 = arith.cmpi sle, %add3A_918, %le3A : vector<16xi32>
      %and3A_920 = arith.andi %eq3A_914, %le3A_919 : vector<16xi1>
      %or3A = arith.ori %gt3A_913, %and3A_920 : vector<16xi1>
      %swap3A_921 = arith.index_cast %while3A_903 : i32 to index
      %swap3A_922 = tpu.vector_load %arg12[%swap3A_921] masked %or3A {strides = array<i32>} : memref<80xi32, #tpu.memory_space<vmem>>, vector<16xi32>, vector<16xi1>
      tpu.vector_store %arg12[%swap3A_921], %get3A_912 masked %or3A {strides = array<i32>} : memref<80xi32, #tpu.memory_space<vmem>>, vector<16xi32>, vector<16xi1>
      %all_reduce_population_count3A = tpu.all_reduce %or3A {dim = 0 : i64, kind = #tpu.reduction_kind<sum>} : vector<16xi1> -> vector<16xi32>
      %slice3A_923 = vector.extract_strided_slice %all_reduce_population_count3A {offsets = [0], sizes = [1], strides = [1]} : vector<16xi32> to vector<1xi32>
      %squeeze3A_924 = vector.extract %slice3A_923[0] : i32 from vector<1xi32>
      %add3A_925 = arith.addi %while3A_903, %squeeze3A_924 : i32
      %all_reduce_population_count3A_926 = tpu.all_reduce %eq3A_914 {dim = 0 : i64, kind = #tpu.reduction_kind<sum>} : vector<16xi1> -> vector<16xi32>
      %slice3A_927 = vector.extract_strided_slice %all_reduce_population_count3A_926 {offsets = [0], sizes = [1], strides = [1]} : vector<16xi32> to vector<1xi32>
      %squeeze3A_928 = vector.extract %slice3A_927[0] : i32 from vector<1xi32>
      %add3A_929 = arith.addi %while3A_904, %squeeze3A_928 : i32
      scf.yield %add3A_925, %add3A_929 : i32, i32
    }
    %while3A_414 = arith.constant 1 : i32
    %while3A_415:2 = scf.for %while3A_902 = %while3A_411 to %while3A_407 step %while3A_414 iter_args(%while3A_903 = %while3A_413#0, %while3A_904 = %while3A_413#1) -> (i32, i32)  : i32 {
      %mul3A_905 = arith.constant 16 : i32
      %mul3A_906 = arith.muli %while3A_902, %mul3A_905 : i32
      %get3A_907 = arith.index_cast %mul3A_906 : i32 to index
      %get3A_908 = tpu.vector_load %arg10[%get3A_907] {strides = array<i32>} : memref<8208xi32, #tpu.memory_space<vmem>>, vector<16xi32>,
      %mul3A_909 = arith.constant 16 : i32
      %mul3A_910 = arith.muli %while3A_902, %mul3A_909 : i32
      %get3A_911 = arith.index_cast %mul3A_910 : i32 to index
      %get3A_912 = tpu.vector_load %arg11[%get3A_911] {strides = array<i32>} : memref<8208xi32, #tpu.memory_space<vmem>>, vector<16xi32>,
      %gt3A = vector.broadcast %while3A_400#0 : i32 to vector<16xi32>
      %gt3A_913 = arith.cmpi sgt, %get3A_908, %gt3A : vector<16xi32>
      %eq3A = vector.broadcast %while3A_400#0 : i32 to vector<16xi32>
      %eq3A_914 = arith.cmpi eq, %get3A_908, %eq3A : vector<16xi32>
      %convert_element_type3A = arith.extui %eq3A_914 : vector<16xi1> to vector<16xi32>
      %broadcast_in_dim3A_915 = arith.constant true
      %broadcast_in_dim3A_916 = vector.broadcast %broadcast_in_dim3A_915 : i1 to vector<16xi1>
      %masked_cumsum3A = tpu.scan <sum>, %convert_element_type3A masked %broadcast_in_dim3A_916 : vector<16xi32>, vector<16xi1> -> vector<16xi32>
      %add3A_917 = vector.broadcast %while3A_904 : i32 to vector<16xi32>
      %add3A_918 = arith.addi %masked_cumsum3A, %add3A_917 : vector<16xi32>
      %le3A = vector.broadcast %sub3A_402 : i32 to vector<16xi32>
      %le3A_919 = arith.cmpi sle, %add3A_918, %le3A : vector<16xi32>
      %and3A_920 = arith.andi %eq3A_914, %le3A_919 : vector<16xi1>
      %or3A = arith.ori %gt3A_913, %and3A_920 : vector<16xi1>
      %swap3A_921 = arith.index_cast %while3A_903 : i32 to index
      %swap3A_922 = tpu.vector_load %arg12[%swap3A_921] masked %or3A {strides = array<i32>} : memref<80xi32, #tpu.memory_space<vmem>>, vector<16xi32>, vector<16xi1>
      tpu.vector_store %arg12[%swap3A_921], %get3A_912 masked %or3A {strides = array<i32>} : memref<80xi32, #tpu.memory_space<vmem>>, vector<16xi32>, vector<16xi1>
      %all_reduce_population_count3A = tpu.all_reduce %or3A {dim = 0 : i64, kind = #tpu.reduction_kind<sum>} : vector<16xi1> -> vector<16xi32>
      %slice3A_923 = vector.extract_strided_slice %all_reduce_population_count3A {offsets = [0], sizes = [1], strides = [1]} : vector<16xi32> to vector<1xi32>
      %squeeze3A_924 = vector.extract %slice3A_923[0] : i32 from vector<1xi32>
      %add3A_925 = arith.addi %while3A_903, %squeeze3A_924 : i32
      %all_reduce_population_count3A_926 = tpu.all_reduce %eq3A_914 {dim = 0 : i64, kind = #tpu.reduction_kind<sum>} : vector<16xi1> -> vector<16xi32>
      %slice3A_927 = vector.extract_strided_slice %all_reduce_population_count3A_926 {offsets = [0], sizes = [1], strides = [1]} : vector<16xi32> to vector<1xi32>
      %squeeze3A_928 = vector.extract %slice3A_927[0] : i32 from vector<1xi32>
      %add3A_929 = arith.addi %while3A_904, %squeeze3A_928 : i32
      scf.yield %add3A_925, %add3A_929 : i32, i32
    }
    %get3A_416 = arith.constant 0 : index
    %get3A_417 = tpu.vector_load %arg12[%get3A_416] {strides = array<i32>} : memref<80xi32, #tpu.memory_space<vmem>>, vector<16xi32>,
    %gather3A_418 = tpu.vector_load_idx %arg6[%get3A_417] : memref<8192xf32, #tpu.memory_space<vmem>>[vector<16xi32>], vector<16xf32>,
    %swap3A_419 = arith.constant 0 : index
    %swap3A_420 = tpu.vector_load %arg14[%swap3A_419] {strides = array<i32>} : memref<64xf32, #tpu.memory_space<vmem>>, vector<16xf32>,
    tpu.vector_store %arg14[%swap3A_419], %gather3A_418 {strides = array<i32>} : memref<64xf32, #tpu.memory_space<vmem>>, vector<16xf32>,
    %get3A_421 = arith.constant 16 : index
    %get3A_422 = tpu.vector_load %arg12[%get3A_421] {strides = array<i32>} : memref<80xi32, #tpu.memory_space<vmem>>, vector<16xi32>,
    %gather3A_423 = tpu.vector_load_idx %arg6[%get3A_422] : memref<8192xf32, #tpu.memory_space<vmem>>[vector<16xi32>], vector<16xf32>,
    %swap3A_424 = arith.constant 16 : index
    %swap3A_425 = tpu.vector_load %arg14[%swap3A_424] {strides = array<i32>} : memref<64xf32, #tpu.memory_space<vmem>>, vector<16xf32>,
    tpu.vector_store %arg14[%swap3A_424], %gather3A_423 {strides = array<i32>} : memref<64xf32, #tpu.memory_space<vmem>>, vector<16xf32>,
    %get3A_426 = arith.constant 32 : index
    %get3A_427 = tpu.vector_load %arg12[%get3A_426] {strides = array<i32>} : memref<80xi32, #tpu.memory_space<vmem>>, vector<16xi32>,
    %gather3A_428 = tpu.vector_load_idx %arg6[%get3A_427] : memref<8192xf32, #tpu.memory_space<vmem>>[vector<16xi32>], vector<16xf32>,
    %swap3A_429 = arith.constant 32 : index
    %swap3A_430 = tpu.vector_load %arg14[%swap3A_429] {strides = array<i32>} : memref<64xf32, #tpu.memory_space<vmem>>, vector<16xf32>,
    tpu.vector_store %arg14[%swap3A_429], %gather3A_428 {strides = array<i32>} : memref<64xf32, #tpu.memory_space<vmem>>, vector<16xf32>,
    %get3A_431 = arith.constant 48 : index
    %get3A_432 = tpu.vector_load %arg12[%get3A_431] {strides = array<i32>} : memref<80xi32, #tpu.memory_space<vmem>>, vector<16xi32>,
    %gather3A_433 = tpu.vector_load_idx %arg6[%get3A_432] : memref<8192xf32, #tpu.memory_space<vmem>>[vector<16xi32>], vector<16xf32>,
    %swap3A_434 = arith.constant 48 : index
    %swap3A_435 = tpu.vector_load %arg14[%swap3A_434] {strides = array<i32>} : memref<64xf32, #tpu.memory_space<vmem>>, vector<16xf32>,
    tpu.vector_store %arg14[%swap3A_434], %gather3A_433 {strides = array<i32>} : memref<64xf32, #tpu.memory_space<vmem>>, vector<16xf32>,
    %add3A_436 = arith.constant 1 : i32
    %add3A_437 = arith.addi %mul3A_2, %add3A_436 : i32
    %dma_start3A_438 = arith.constant 0 : i32
    %dma_start3A_439 = tpu.memref_slice %arg4[%add3A_437, %dma_start3A_438] : memref<128x64xf32, #tpu.memory_space<hbm>> -> memref<1x64xf32, #tpu.memory_space<hbm>>
    %dma_start3A_440 = tpu.memref_squeeze %dma_start3A_439 : memref<1x64xf32, #tpu.memory_space<hbm>> -> memref<64xf32, #tpu.memory_space<hbm>>
    %dma_start3A_441 = arith.constant 0 : i32
    %dma_start3A_442 = tpu.memref_slice %arg4[%add3A_437, %dma_start3A_441] : memref<128x64xf32, #tpu.memory_space<hbm>> -> memref<1x64xf32, #tpu.memory_space<hbm>>
    %dma_start3A_443 = tpu.memref_squeeze %dma_start3A_442 : memref<1x64xf32, #tpu.memory_space<hbm>> -> memref<64xf32, #tpu.memory_space<hbm>>
    tpu.enqueue_dma source(%arg14 : memref<64xf32, #tpu.memory_space<vmem>>) target(%dma_start3A_443 : memref<64xf32, #tpu.memory_space<hbm>>) target_semaphore(%arg17 : memref<!tpu.dma_semaphore, #tpu.memory_space<semaphore_mem>>)
    %dma_wait3A_444 = arith.constant 0 : i32
    %dma_wait3A_445 = tpu.memref_slice %arg2[%add3A_232, %dma_wait3A_444] : memref<128x8192xf32, #tpu.memory_space<hbm>> -> memref<1x8192xf32, #tpu.memory_space<hbm>>
    %dma_wait3A_446 = tpu.memref_squeeze %dma_wait3A_445 : memref<1x8192xf32, #tpu.memory_space<hbm>> -> memref<8192xf32, #tpu.memory_space<hbm>>
    %dma_wait3A_447 = arith.constant 0 : i32
    %dma_wait3A_448 = tpu.memref_slice %arg2[%add3A_232, %dma_wait3A_447] : memref<128x8192xf32, #tpu.memory_space<hbm>> -> memref<1x8192xf32, #tpu.memory_space<hbm>>
    %dma_wait3A_449 = tpu.memref_squeeze %dma_wait3A_448 : memref<1x8192xf32, #tpu.memory_space<hbm>> -> memref<8192xf32, #tpu.memory_space<hbm>>
    tpu.wait_dma2 semaphore(%arg17 : memref<!tpu.dma_semaphore, #tpu.memory_space<semaphore_mem>>) src(%dma_wait3A_449 : memref<8192xf32, #tpu.memory_space<hbm>>) dst(%arg5 : memref<8192xf32, #tpu.memory_space<vmem>>)
    %dma_wait3A_450 = arith.constant 0 : i32
    %dma_wait3A_451 = tpu.memref_slice %arg3[%add3A_240, %dma_wait3A_450] : memref<128x8192xi32, #tpu.memory_space<hbm>> -> memref<1x8192xi32, #tpu.memory_space<hbm>>
    %dma_wait3A_452 = tpu.memref_squeeze %dma_wait3A_451 : memref<1x8192xi32, #tpu.memory_space<hbm>> -> memref<8192xi32, #tpu.memory_space<hbm>>
    %dma_wait3A_453 = arith.constant 0 : i32
    %dma_wait3A_454 = tpu.memref_slice %arg3[%add3A_240, %dma_wait3A_453] : memref<128x8192xi32, #tpu.memory_space<hbm>> -> memref<1x8192xi32, #tpu.memory_space<hbm>>
    %dma_wait3A_455 = tpu.memref_squeeze %dma_wait3A_454 : memref<1x8192xi32, #tpu.memory_space<hbm>> -> memref<8192xi32, #tpu.memory_space<hbm>>
    tpu.wait_dma2 semaphore(%arg17 : memref<!tpu.dma_semaphore, #tpu.memory_space<semaphore_mem>>) src(%dma_wait3A_455 : memref<8192xi32, #tpu.memory_space<hbm>>) dst(%arg7 : memref<8192xi32, #tpu.memory_space<vmem>>)
    %add3A_456 = arith.constant 3 : i32
    %add3A_457 = arith.addi %mul3A_2, %add3A_456 : i32
    %dma_start3A_458 = arith.constant 0 : i32
    %dma_start3A_459 = tpu.memref_slice %arg2[%add3A_457, %dma_start3A_458] : memref<128x8192xf32, #tpu.memory_space<hbm>> -> memref<1x8192xf32, #tpu.memory_space<hbm>>
    %dma_start3A_460 = tpu.memref_squeeze %dma_start3A_459 : memref<1x8192xf32, #tpu.memory_space<hbm>> -> memref<8192xf32, #tpu.memory_space<hbm>>
    %dma_start3A_461 = arith.constant 0 : i32
    %dma_start3A_462 = tpu.memref_slice %arg2[%add3A_457, %dma_start3A_461] : memref<128x8192xf32, #tpu.memory_space<hbm>> -> memref<1x8192xf32, #tpu.memory_space<hbm>>
    %dma_start3A_463 = tpu.memref_squeeze %dma_start3A_462 : memref<1x8192xf32, #tpu.memory_space<hbm>> -> memref<8192xf32, #tpu.memory_space<hbm>>
    tpu.enqueue_dma source(%dma_start3A_463 : memref<8192xf32, #tpu.memory_space<hbm>>) target(%arg6 : memref<8192xf32, #tpu.memory_space<vmem>>) target_semaphore(%arg18 : memref<!tpu.dma_semaphore, #tpu.memory_space<semaphore_mem>>)
    %add3A_464 = arith.constant 3 : i32
    %add3A_465 = arith.addi %mul3A_2, %add3A_464 : i32
    %dma_start3A_466 = arith.constant 0 : i32
    %dma_start3A_467 = tpu.memref_slice %arg3[%add3A_465, %dma_start3A_466] : memref<128x8192xi32, #tpu.memory_space<hbm>> -> memref<1x8192xi32, #tpu.memory_space<hbm>>
    %dma_start3A_468 = tpu.memref_squeeze %dma_start3A_467 : memref<1x8192xi32, #tpu.memory_space<hbm>> -> memref<8192xi32, #tpu.memory_space<hbm>>
    %dma_start3A_469 = arith.constant 0 : i32
    %dma_start3A_470 = tpu.memref_slice %arg3[%add3A_465, %dma_start3A_469] : memref<128x8192xi32, #tpu.memory_space<hbm>> -> memref<1x8192xi32, #tpu.memory_space<hbm>>
    %dma_start3A_471 = tpu.memref_squeeze %dma_start3A_470 : memref<1x8192xi32, #tpu.memory_space<hbm>> -> memref<8192xi32, #tpu.memory_space<hbm>>
    tpu.enqueue_dma source(%dma_start3A_471 : memref<8192xi32, #tpu.memory_space<hbm>>) target(%arg8 : memref<8192xi32, #tpu.memory_space<vmem>>) target_semaphore(%arg18 : memref<!tpu.dma_semaphore, #tpu.memory_space<semaphore_mem>>)
    %broadcast_in_dim3A_472 = arith.constant 0xFF800000 : f32
    %broadcast_in_dim3A_473 = vector.broadcast %broadcast_in_dim3A_472 : f32 to vector<16xf32>
    %broadcast_in_dim3A_474 = arith.constant 0xFF800000 : f32
    %broadcast_in_dim3A_475 = vector.broadcast %broadcast_in_dim3A_474 : f32 to vector<16xf32>
    %broadcast_in_dim3A_476 = arith.constant 0xFF800000 : f32
    %broadcast_in_dim3A_477 = vector.broadcast %broadcast_in_dim3A_476 : f32 to vector<16xf32>
    %broadcast_in_dim3A_478 = arith.constant 0xFF800000 : f32
    %broadcast_in_dim3A_479 = vector.broadcast %broadcast_in_dim3A_478 : f32 to vector<16xf32>
    %broadcast_in_dim3A_480 = arith.constant 0xFF800000 : f32
    %broadcast_in_dim3A_481 = vector.broadcast %broadcast_in_dim3A_480 : f32 to vector<16xf32>
    %broadcast_in_dim3A_482 = arith.constant 0xFF800000 : f32
    %broadcast_in_dim3A_483 = vector.broadcast %broadcast_in_dim3A_482 : f32 to vector<16xf32>
    %broadcast_in_dim3A_484 = arith.constant 0xFF800000 : f32
    %broadcast_in_dim3A_485 = vector.broadcast %broadcast_in_dim3A_484 : f32 to vector<16xf32>
    %broadcast_in_dim3A_486 = arith.constant 0xFF800000 : f32
    %broadcast_in_dim3A_487 = vector.broadcast %broadcast_in_dim3A_486 : f32 to vector<16xf32>
    %scan3A_488 = arith.constant 0 : i32
    %scan3A_489 = arith.constant 64 : i32
    %scan3A_490 = arith.addi %scan3A_488, %scan3A_489 : i32
    %scan3A_491 = arith.constant 1 : i32
    %scan3A_492:8 = scf.for %scan3A_902 = %scan3A_488 to %scan3A_490 step %scan3A_491 iter_args(%scan3A_903 = %broadcast_in_dim3A_473, %scan3A_904 = %broadcast_in_dim3A_475, %scan3A_905 = %broadcast_in_dim3A_477, %scan3A_906 = %broadcast_in_dim3A_479, %scan3A_907 = %broadcast_in_dim3A_481, %scan3A_908 = %broadcast_in_dim3A_483, %scan3A_909 = %broadcast_in_dim3A_485, %scan3A_910 = %broadcast_in_dim3A_487) -> (vector<16xf32>, vector<16xf32>, vector<16xf32>, vector<16xf32>, vector<16xf32>, vector<16xf32>, vector<16xf32>, vector<16xf32>)  : i32 {
      %mul3A_911 = arith.constant 8 : i32
      %mul3A_912 = arith.muli %mul3A_911, %scan3A_902 : i32
      %add3A_913 = arith.constant 0 : i32
      %add3A_914 = arith.addi %mul3A_912, %add3A_913 : i32
      %mul3A_915 = arith.constant 16 : i32
      %mul3A_916 = arith.muli %add3A_914, %mul3A_915 : i32
      %get3A_917 = arith.index_cast %mul3A_916 : i32 to index
      %get3A_918 = tpu.vector_load %arg5[%get3A_917] {strides = array<i32>} : memref<8192xf32, #tpu.memory_space<vmem>>, vector<16xf32>,
      %mul3A_919 = arith.constant 16 : i32
      %mul3A_920 = arith.muli %add3A_914, %mul3A_919 : i32
      %get3A_921 = arith.index_cast %mul3A_920 : i32 to index
      %get3A_922 = tpu.vector_load %arg7[%get3A_921] {strides = array<i32>} : memref<8192xi32, #tpu.memory_space<vmem>>, vector<16xi32>,
      %eq3A = arith.constant 0 : i32
      %eq3A_923 = vector.broadcast %eq3A : i32 to vector<16xi32>
      %eq3A_924 = arith.cmpi eq, %get3A_922, %eq3A_923 : vector<16xi32>
      %jit3A_925 = arith.constant 0xFF800000 : f32
      %broadcast_in_dim3A_926 = vector.broadcast %jit3A_925 : f32 to vector<16xf32>
      %select_n3A_927 = arith.select %eq3A_924, %broadcast_in_dim3A_926, %get3A_918 : vector<16xi1>, vector<16xf32>
      %mul3A_928 = arith.constant 16 : i32
      %mul3A_929 = arith.muli %add3A_914, %mul3A_928 : i32
      %swap3A_930 = arith.index_cast %mul3A_929 : i32 to index
      %swap3A_931 = tpu.vector_load %arg9[%swap3A_930] {strides = array<i32>} : memref<8192xf32, #tpu.memory_space<vmem>>, vector<16xf32>,
      tpu.vector_store %arg9[%swap3A_930], %select_n3A_927 {strides = array<i32>} : memref<8192xf32, #tpu.memory_space<vmem>>, vector<16xf32>,
      %max3A_932 = arith.maximumf %scan3A_903, %select_n3A_927 : vector<16xf32>
      %mul3A_933 = arith.constant 8 : i32
      %mul3A_934 = arith.muli %mul3A_933, %scan3A_902 : i32
      %add3A_935 = arith.constant 1 : i32
      %add3A_936 = arith.addi %mul3A_934, %add3A_935 : i32
      %mul3A_937 = arith.constant 16 : i32
      %mul3A_938 = arith.muli %add3A_936, %mul3A_937 : i32
      %get3A_939 = arith.index_cast %mul3A_938 : i32 to index
      %get3A_940 = tpu.vector_load %arg5[%get3A_939] {strides = array<i32>} : memref<8192xf32, #tpu.memory_space<vmem>>, vector<16xf32>,
      %mul3A_941 = arith.constant 16 : i32
      %mul3A_942 = arith.muli %add3A_936, %mul3A_941 : i32
      %get3A_943 = arith.index_cast %mul3A_942 : i32 to index
      %get3A_944 = tpu.vector_load %arg7[%get3A_943] {strides = array<i32>} : memref<8192xi32, #tpu.memory_space<vmem>>, vector<16xi32>,
      %eq3A_945 = arith.constant 0 : i32
      %eq3A_946 = vector.broadcast %eq3A_945 : i32 to vector<16xi32>
      %eq3A_947 = arith.cmpi eq, %get3A_944, %eq3A_946 : vector<16xi32>
      %jit3A_948 = arith.constant 0xFF800000 : f32
      %broadcast_in_dim3A_949 = vector.broadcast %jit3A_948 : f32 to vector<16xf32>
      %select_n3A_950 = arith.select %eq3A_947, %broadcast_in_dim3A_949, %get3A_940 : vector<16xi1>, vector<16xf32>
      %mul3A_951 = arith.constant 16 : i32
      %mul3A_952 = arith.muli %add3A_936, %mul3A_951 : i32
      %swap3A_953 = arith.index_cast %mul3A_952 : i32 to index
      %swap3A_954 = tpu.vector_load %arg9[%swap3A_953] {strides = array<i32>} : memref<8192xf32, #tpu.memory_space<vmem>>, vector<16xf32>,
      tpu.vector_store %arg9[%swap3A_953], %select_n3A_950 {strides = array<i32>} : memref<8192xf32, #tpu.memory_space<vmem>>, vector<16xf32>,
      %max3A_955 = arith.maximumf %scan3A_904, %select_n3A_950 : vector<16xf32>
      %mul3A_956 = arith.constant 8 : i32
      %mul3A_957 = arith.muli %mul3A_956, %scan3A_902 : i32
      %add3A_958 = arith.constant 2 : i32
      %add3A_959 = arith.addi %mul3A_957, %add3A_958 : i32
      %mul3A_960 = arith.constant 16 : i32
      %mul3A_961 = arith.muli %add3A_959, %mul3A_960 : i32
      %get3A_962 = arith.index_cast %mul3A_961 : i32 to index
      %get3A_963 = tpu.vector_load %arg5[%get3A_962] {strides = array<i32>} : memref<8192xf32, #tpu.memory_space<vmem>>, vector<16xf32>,
      %mul3A_964 = arith.constant 16 : i32
      %mul3A_965 = arith.muli %add3A_959, %mul3A_964 : i32
      %get3A_966 = arith.index_cast %mul3A_965 : i32 to index
      %get3A_967 = tpu.vector_load %arg7[%get3A_966] {strides = array<i32>} : memref<8192xi32, #tpu.memory_space<vmem>>, vector<16xi32>,
      %eq3A_968 = arith.constant 0 : i32
      %eq3A_969 = vector.broadcast %eq3A_968 : i32 to vector<16xi32>
      %eq3A_970 = arith.cmpi eq, %get3A_967, %eq3A_969 : vector<16xi32>
      %jit3A_971 = arith.constant 0xFF800000 : f32
      %broadcast_in_dim3A_972 = vector.broadcast %jit3A_971 : f32 to vector<16xf32>
      %select_n3A_973 = arith.select %eq3A_970, %broadcast_in_dim3A_972, %get3A_963 : vector<16xi1>, vector<16xf32>
      %mul3A_974 = arith.constant 16 : i32
      %mul3A_975 = arith.muli %add3A_959, %mul3A_974 : i32
      %swap3A_976 = arith.index_cast %mul3A_975 : i32 to index
      %swap3A_977 = tpu.vector_load %arg9[%swap3A_976] {strides = array<i32>} : memref<8192xf32, #tpu.memory_space<vmem>>, vector<16xf32>,
      tpu.vector_store %arg9[%swap3A_976], %select_n3A_973 {strides = array<i32>} : memref<8192xf32, #tpu.memory_space<vmem>>, vector<16xf32>,
      %max3A_978 = arith.maximumf %scan3A_905, %select_n3A_973 : vector<16xf32>
      %mul3A_979 = arith.constant 8 : i32
      %mul3A_980 = arith.muli %mul3A_979, %scan3A_902 : i32
      %add3A_981 = arith.constant 3 : i32
      %add3A_982 = arith.addi %mul3A_980, %add3A_981 : i32
      %mul3A_983 = arith.constant 16 : i32
      %mul3A_984 = arith.muli %add3A_982, %mul3A_983 : i32
      %get3A_985 = arith.index_cast %mul3A_984 : i32 to index
      %get3A_986 = tpu.vector_load %arg5[%get3A_985] {strides = array<i32>} : memref<8192xf32, #tpu.memory_space<vmem>>, vector<16xf32>,
      %mul3A_987 = arith.constant 16 : i32
      %mul3A_988 = arith.muli %add3A_982, %mul3A_987 : i32
      %get3A_989 = arith.index_cast %mul3A_988 : i32 to index
      %get3A_990 = tpu.vector_load %arg7[%get3A_989] {strides = array<i32>} : memref<8192xi32, #tpu.memory_space<vmem>>, vector<16xi32>,
      %eq3A_991 = arith.constant 0 : i32
      %eq3A_992 = vector.broadcast %eq3A_991 : i32 to vector<16xi32>
      %eq3A_993 = arith.cmpi eq, %get3A_990, %eq3A_992 : vector<16xi32>
      %jit3A_994 = arith.constant 0xFF800000 : f32
      %broadcast_in_dim3A_995 = vector.broadcast %jit3A_994 : f32 to vector<16xf32>
      %select_n3A_996 = arith.select %eq3A_993, %broadcast_in_dim3A_995, %get3A_986 : vector<16xi1>, vector<16xf32>
      %mul3A_997 = arith.constant 16 : i32
      %mul3A_998 = arith.muli %add3A_982, %mul3A_997 : i32
      %swap3A_999 = arith.index_cast %mul3A_998 : i32 to index
      %swap3A_1000 = tpu.vector_load %arg9[%swap3A_999] {strides = array<i32>} : memref<8192xf32, #tpu.memory_space<vmem>>, vector<16xf32>,
      tpu.vector_store %arg9[%swap3A_999], %select_n3A_996 {strides = array<i32>} : memref<8192xf32, #tpu.memory_space<vmem>>, vector<16xf32>,
      %max3A_1001 = arith.maximumf %scan3A_906, %select_n3A_996 : vector<16xf32>
      %mul3A_1002 = arith.constant 8 : i32
      %mul3A_1003 = arith.muli %mul3A_1002, %scan3A_902 : i32
      %add3A_1004 = arith.constant 4 : i32
      %add3A_1005 = arith.addi %mul3A_1003, %add3A_1004 : i32
      %mul3A_1006 = arith.constant 16 : i32
      %mul3A_1007 = arith.muli %add3A_1005, %mul3A_1006 : i32
      %get3A_1008 = arith.index_cast %mul3A_1007 : i32 to index
      %get3A_1009 = tpu.vector_load %arg5[%get3A_1008] {strides = array<i32>} : memref<8192xf32, #tpu.memory_space<vmem>>, vector<16xf32>,
      %mul3A_1010 = arith.constant 16 : i32
      %mul3A_1011 = arith.muli %add3A_1005, %mul3A_1010 : i32
      %get3A_1012 = arith.index_cast %mul3A_1011 : i32 to index
      %get3A_1013 = tpu.vector_load %arg7[%get3A_1012] {strides = array<i32>} : memref<8192xi32, #tpu.memory_space<vmem>>, vector<16xi32>,
      %eq3A_1014 = arith.constant 0 : i32
      %eq3A_1015 = vector.broadcast %eq3A_1014 : i32 to vector<16xi32>
      %eq3A_1016 = arith.cmpi eq, %get3A_1013, %eq3A_1015 : vector<16xi32>
      %jit3A_1017 = arith.constant 0xFF800000 : f32
      %broadcast_in_dim3A_1018 = vector.broadcast %jit3A_1017 : f32 to vector<16xf32>
      %select_n3A_1019 = arith.select %eq3A_1016, %broadcast_in_dim3A_1018, %get3A_1009 : vector<16xi1>, vector<16xf32>
      %mul3A_1020 = arith.constant 16 : i32
      %mul3A_1021 = arith.muli %add3A_1005, %mul3A_1020 : i32
      %swap3A_1022 = arith.index_cast %mul3A_1021 : i32 to index
      %swap3A_1023 = tpu.vector_load %arg9[%swap3A_1022] {strides = array<i32>} : memref<8192xf32, #tpu.memory_space<vmem>>, vector<16xf32>,
      tpu.vector_store %arg9[%swap3A_1022], %select_n3A_1019 {strides = array<i32>} : memref<8192xf32, #tpu.memory_space<vmem>>, vector<16xf32>,
      %max3A_1024 = arith.maximumf %scan3A_907, %select_n3A_1019 : vector<16xf32>
      %mul3A_1025 = arith.constant 8 : i32
      %mul3A_1026 = arith.muli %mul3A_1025, %scan3A_902 : i32
      %add3A_1027 = arith.constant 5 : i32
      %add3A_1028 = arith.addi %mul3A_1026, %add3A_1027 : i32
      %mul3A_1029 = arith.constant 16 : i32
      %mul3A_1030 = arith.muli %add3A_1028, %mul3A_1029 : i32
      %get3A_1031 = arith.index_cast %mul3A_1030 : i32 to index
      %get3A_1032 = tpu.vector_load %arg5[%get3A_1031] {strides = array<i32>} : memref<8192xf32, #tpu.memory_space<vmem>>, vector<16xf32>,
      %mul3A_1033 = arith.constant 16 : i32
      %mul3A_1034 = arith.muli %add3A_1028, %mul3A_1033 : i32
      %get3A_1035 = arith.index_cast %mul3A_1034 : i32 to index
      %get3A_1036 = tpu.vector_load %arg7[%get3A_1035] {strides = array<i32>} : memref<8192xi32, #tpu.memory_space<vmem>>, vector<16xi32>,
      %eq3A_1037 = arith.constant 0 : i32
      %eq3A_1038 = vector.broadcast %eq3A_1037 : i32 to vector<16xi32>
      %eq3A_1039 = arith.cmpi eq, %get3A_1036, %eq3A_1038 : vector<16xi32>
      %jit3A_1040 = arith.constant 0xFF800000 : f32
      %broadcast_in_dim3A_1041 = vector.broadcast %jit3A_1040 : f32 to vector<16xf32>
      %select_n3A_1042 = arith.select %eq3A_1039, %broadcast_in_dim3A_1041, %get3A_1032 : vector<16xi1>, vector<16xf32>
      %mul3A_1043 = arith.constant 16 : i32
      %mul3A_1044 = arith.muli %add3A_1028, %mul3A_1043 : i32
      %swap3A_1045 = arith.index_cast %mul3A_1044 : i32 to index
      %swap3A_1046 = tpu.vector_load %arg9[%swap3A_1045] {strides = array<i32>} : memref<8192xf32, #tpu.memory_space<vmem>>, vector<16xf32>,
      tpu.vector_store %arg9[%swap3A_1045], %select_n3A_1042 {strides = array<i32>} : memref<8192xf32, #tpu.memory_space<vmem>>, vector<16xf32>,
      %max3A_1047 = arith.maximumf %scan3A_908, %select_n3A_1042 : vector<16xf32>
      %mul3A_1048 = arith.constant 8 : i32
      %mul3A_1049 = arith.muli %mul3A_1048, %scan3A_902 : i32
      %add3A_1050 = arith.constant 6 : i32
      %add3A_1051 = arith.addi %mul3A_1049, %add3A_1050 : i32
      %mul3A_1052 = arith.constant 16 : i32
      %mul3A_1053 = arith.muli %add3A_1051, %mul3A_1052 : i32
      %get3A_1054 = arith.index_cast %mul3A_1053 : i32 to index
      %get3A_1055 = tpu.vector_load %arg5[%get3A_1054] {strides = array<i32>} : memref<8192xf32, #tpu.memory_space<vmem>>, vector<16xf32>,
      %mul3A_1056 = arith.constant 16 : i32
      %mul3A_1057 = arith.muli %add3A_1051, %mul3A_1056 : i32
      %get3A_1058 = arith.index_cast %mul3A_1057 : i32 to index
      %get3A_1059 = tpu.vector_load %arg7[%get3A_1058] {strides = array<i32>} : memref<8192xi32, #tpu.memory_space<vmem>>, vector<16xi32>,
      %eq3A_1060 = arith.constant 0 : i32
      %eq3A_1061 = vector.broadcast %eq3A_1060 : i32 to vector<16xi32>
      %eq3A_1062 = arith.cmpi eq, %get3A_1059, %eq3A_1061 : vector<16xi32>
      %jit3A_1063 = arith.constant 0xFF800000 : f32
      %broadcast_in_dim3A_1064 = vector.broadcast %jit3A_1063 : f32 to vector<16xf32>
      %select_n3A_1065 = arith.select %eq3A_1062, %broadcast_in_dim3A_1064, %get3A_1055 : vector<16xi1>, vector<16xf32>
      %mul3A_1066 = arith.constant 16 : i32
      %mul3A_1067 = arith.muli %add3A_1051, %mul3A_1066 : i32
      %swap3A_1068 = arith.index_cast %mul3A_1067 : i32 to index
      %swap3A_1069 = tpu.vector_load %arg9[%swap3A_1068] {strides = array<i32>} : memref<8192xf32, #tpu.memory_space<vmem>>, vector<16xf32>,
      tpu.vector_store %arg9[%swap3A_1068], %select_n3A_1065 {strides = array<i32>} : memref<8192xf32, #tpu.memory_space<vmem>>, vector<16xf32>,
      %max3A_1070 = arith.maximumf %scan3A_909, %select_n3A_1065 : vector<16xf32>
      %mul3A_1071 = arith.constant 8 : i32
      %mul3A_1072 = arith.muli %mul3A_1071, %scan3A_902 : i32
      %add3A_1073 = arith.constant 7 : i32
      %add3A_1074 = arith.addi %mul3A_1072, %add3A_1073 : i32
      %mul3A_1075 = arith.constant 16 : i32
      %mul3A_1076 = arith.muli %add3A_1074, %mul3A_1075 : i32
      %get3A_1077 = arith.index_cast %mul3A_1076 : i32 to index
      %get3A_1078 = tpu.vector_load %arg5[%get3A_1077] {strides = array<i32>} : memref<8192xf32, #tpu.memory_space<vmem>>, vector<16xf32>,
      %mul3A_1079 = arith.constant 16 : i32
      %mul3A_1080 = arith.muli %add3A_1074, %mul3A_1079 : i32
      %get3A_1081 = arith.index_cast %mul3A_1080 : i32 to index
      %get3A_1082 = tpu.vector_load %arg7[%get3A_1081] {strides = array<i32>} : memref<8192xi32, #tpu.memory_space<vmem>>, vector<16xi32>,
      %eq3A_1083 = arith.constant 0 : i32
      %eq3A_1084 = vector.broadcast %eq3A_1083 : i32 to vector<16xi32>
      %eq3A_1085 = arith.cmpi eq, %get3A_1082, %eq3A_1084 : vector<16xi32>
      %jit3A_1086 = arith.constant 0xFF800000 : f32
      %broadcast_in_dim3A_1087 = vector.broadcast %jit3A_1086 : f32 to vector<16xf32>
      %select_n3A_1088 = arith.select %eq3A_1085, %broadcast_in_dim3A_1087, %get3A_1078 : vector<16xi1>, vector<16xf32>
      %mul3A_1089 = arith.constant 16 : i32
      %mul3A_1090 = arith.muli %add3A_1074, %mul3A_1089 : i32
      %swap3A_1091 = arith.index_cast %mul3A_1090 : i32 to index
      %swap3A_1092 = tpu.vector_load %arg9[%swap3A_1091] {strides = array<i32>} : memref<8192xf32, #tpu.memory_space<vmem>>, vector<16xf32>,
      tpu.vector_store %arg9[%swap3A_1091], %select_n3A_1088 {strides = array<i32>} : memref<8192xf32, #tpu.memory_space<vmem>>, vector<16xf32>,
      %max3A_1093 = arith.maximumf %scan3A_910, %select_n3A_1088 : vector<16xf32>
      scf.yield %max3A_932, %max3A_955, %max3A_978, %max3A_1001, %max3A_1024, %max3A_1047, %max3A_1070, %max3A_1093 : vector<16xf32>, vector<16xf32>, vector<16xf32>, vector<16xf32>, vector<16xf32>, vector<16xf32>, vector<16xf32>, vector<16xf32>
    }
    %scan3A_493 = arith.constant 64 : i32
    %min3A_494 = arith.minimumf %scan3A_492#0, %scan3A_492#1 : vector<16xf32>
    %max3A_495 = arith.maximumf %scan3A_492#0, %scan3A_492#1 : vector<16xf32>
    %min3A_496 = arith.minimumf %min3A_494, %scan3A_492#2 : vector<16xf32>
    %max3A_497 = arith.maximumf %max3A_495, %scan3A_492#2 : vector<16xf32>
    %min3A_498 = arith.minimumf %min3A_496, %scan3A_492#3 : vector<16xf32>
    %max3A_499 = arith.maximumf %max3A_497, %scan3A_492#3 : vector<16xf32>
    %min3A_500 = arith.minimumf %min3A_498, %scan3A_492#4 : vector<16xf32>
    %max3A_501 = arith.maximumf %max3A_499, %scan3A_492#4 : vector<16xf32>
    %min3A_502 = arith.minimumf %min3A_500, %scan3A_492#5 : vector<16xf32>
    %max3A_503 = arith.maximumf %max3A_501, %scan3A_492#5 : vector<16xf32>
    %min3A_504 = arith.minimumf %min3A_502, %scan3A_492#6 : vector<16xf32>
    %max3A_505 = arith.maximumf %max3A_503, %scan3A_492#6 : vector<16xf32>
    %min3A_506 = arith.minimumf %min3A_504, %scan3A_492#7 : vector<16xf32>
    %max3A_507 = arith.maximumf %max3A_505, %scan3A_492#7 : vector<16xf32>
    %neg3A_508 = arith.constant 0.000000e+00 : f32
    %neg3A_509 = vector.broadcast %neg3A_508 : f32 to vector<16xf32>
    %neg3A_510 = arith.subf %neg3A_509, %min3A_506 : vector<16xf32>
    %reduce_max3A_511 = arith.constant true
    %reduce_max3A_512 = vector.broadcast %reduce_max3A_511 : i1 to vector<16xi1>
    %reduce_max3A_513 = tpu.scan <max>, %neg3A_510 masked %reduce_max3A_512 : vector<16xf32>, vector<16xi1> -> vector<16xf32>
    %reduce_max3A_514 = vector.extract %reduce_max3A_513[15] : f32 from vector<16xf32>
    %neg3A_515 = arith.constant 0.000000e+00 : f32
    %neg3A_516 = arith.subf %neg3A_515, %reduce_max3A_514 : f32
    %reduce_max3A_517 = arith.constant true
    %reduce_max3A_518 = vector.broadcast %reduce_max3A_517 : i1 to vector<16xi1>
    %reduce_max3A_519 = tpu.scan <max>, %max3A_507 masked %reduce_max3A_518 : vector<16xf32>, vector<16xi1> -> vector<16xf32>
    %reduce_max3A_520 = vector.extract %reduce_max3A_519[15] : f32 from vector<16xf32>
    %broadcast_in_dim3A_521 = arith.constant 0.000000e+00 : f32
    %broadcast_in_dim3A_522 = vector.broadcast %broadcast_in_dim3A_521 : f32 to vector<16xf32>
    %add3A_523 = vector.broadcast %neg3A_516 : f32 to vector<16xf32>
    %add3A_524 = arith.addf %broadcast_in_dim3A_522, %add3A_523 : vector<16xf32>
    %bitcast_convert_type3A_525 = tpu.bitcast %add3A_524 : vector<16xf32> -> vector<16xi32>
    %ge3A_526 = arith.constant 0 : i32
    %ge3A_527 = vector.broadcast %ge3A_526 : i32 to vector<16xi32>
    %ge3A_528 = arith.cmpi sge, %bitcast_convert_type3A_525, %ge3A_527 : vector<16xi32>
    %xor3A_529 = arith.constant 2147483647 : i32
    %xor3A_530 = vector.broadcast %xor3A_529 : i32 to vector<16xi32>
    %xor3A_531 = arith.xori %bitcast_convert_type3A_525, %xor3A_530 : vector<16xi32>
    %select_n3A_532 = arith.select %ge3A_528, %bitcast_convert_type3A_525, %xor3A_531 : vector<16xi1>, vector<16xi32>
    %slice3A_533 = vector.extract_strided_slice %select_n3A_532 {offsets = [0], sizes = [1], strides = [1]} : vector<16xi32> to vector<1xi32>
    %squeeze3A_534 = vector.extract %slice3A_533[0] : i32 from vector<1xi32>
    %broadcast_in_dim3A_535 = arith.constant 0.000000e+00 : f32
    %broadcast_in_dim3A_536 = vector.broadcast %broadcast_in_dim3A_535 : f32 to vector<16xf32>
    %add3A_537 = vector.broadcast %reduce_max3A_520 : f32 to vector<16xf32>
    %add3A_538 = arith.addf %broadcast_in_dim3A_536, %add3A_537 : vector<16xf32>
    %bitcast_convert_type3A_539 = tpu.bitcast %add3A_538 : vector<16xf32> -> vector<16xi32>
    %ge3A_540 = arith.constant 0 : i32
    %ge3A_541 = vector.broadcast %ge3A_540 : i32 to vector<16xi32>
    %ge3A_542 = arith.cmpi sge, %bitcast_convert_type3A_539, %ge3A_541 : vector<16xi32>
    %xor3A_543 = arith.constant 2147483647 : i32
    %xor3A_544 = vector.broadcast %xor3A_543 : i32 to vector<16xi32>
    %xor3A_545 = arith.xori %bitcast_convert_type3A_539, %xor3A_544 : vector<16xi32>
    %select_n3A_546 = arith.select %ge3A_542, %bitcast_convert_type3A_539, %xor3A_545 : vector<16xi1>, vector<16xi32>
    %slice3A_547 = vector.extract_strided_slice %select_n3A_546 {offsets = [0], sizes = [1], strides = [1]} : vector<16xi32> to vector<1xi32>
    %squeeze3A_548 = vector.extract %slice3A_547[0] : i32 from vector<1xi32>
    %add3A_549 = arith.constant 1 : i32
    %add3A_550 = arith.addi %squeeze3A_548, %add3A_549 : i32
    %scan3A_551 = arith.constant 0 : i32
    %scan3A_552 = arith.constant 6 : i32
    %scan3A_553 = arith.addi %scan3A_551, %scan3A_552 : i32
    %scan3A_554 = arith.constant 1 : i32
    %scan3A_555:2 = scf.for %scan3A_902 = %scan3A_551 to %scan3A_553 step %scan3A_554 iter_args(%scan3A_903 = %squeeze3A_534, %scan3A_904 = %add3A_550) -> (i32, i32)  : i32 {
      %sub3A_905 = arith.subi %scan3A_904, %scan3A_903 : i32
      %shift_right_logical3A = arith.constant 1 : i32
      %shift_right_logical3A_906 = arith.shrui %sub3A_905, %shift_right_logical3A : i32
      %add3A_907 = arith.addi %scan3A_903, %shift_right_logical3A_906 : i32
      %broadcast_in_dim3A_908 = arith.constant 0 : i32
      %broadcast_in_dim3A_909 = vector.broadcast %broadcast_in_dim3A_908 : i32 to vector<16xi32>
      %add3A_910 = vector.broadcast %add3A_907 : i32 to vector<16xi32>
      %add3A_911 = arith.addi %broadcast_in_dim3A_909, %add3A_910 : vector<16xi32>
      %ge3A_912 = arith.constant 0 : i32
      %ge3A_913 = vector.broadcast %ge3A_912 : i32 to vector<16xi32>
      %ge3A_914 = arith.cmpi sge, %add3A_911, %ge3A_913 : vector<16xi32>
      %xor3A_915 = arith.constant 2147483647 : i32
      %xor3A_916 = vector.broadcast %xor3A_915 : i32 to vector<16xi32>
      %xor3A_917 = arith.xori %add3A_911, %xor3A_916 : vector<16xi32>
      %select_n3A_918 = arith.select %ge3A_914, %add3A_911, %xor3A_917 : vector<16xi1>, vector<16xi32>
      %bitcast_convert_type3A_919 = tpu.bitcast %select_n3A_918 : vector<16xi32> -> vector<16xf32>
      %broadcast_in_dim3A_920 = arith.constant 0 : i32
      %broadcast_in_dim3A_921 = vector.broadcast %broadcast_in_dim3A_920 : i32 to vector<16xi32>
      %ge3A_922 = arith.cmpf oge, %scan3A_492#0, %bitcast_convert_type3A_919 : vector<16xf32>
      %convert_element_type3A = arith.extui %ge3A_922 : vector<16xi1> to vector<16xi32>
      %add3A_923 = arith.addi %broadcast_in_dim3A_921, %convert_element_type3A : vector<16xi32>
      %ge3A_924 = arith.cmpf oge, %scan3A_492#1, %bitcast_convert_type3A_919 : vector<16xf32>
      %convert_element_type3A_925 = arith.extui %ge3A_924 : vector<16xi1> to vector<16xi32>
      %add3A_926 = arith.addi %add3A_923, %convert_element_type3A_925 : vector<16xi32>
      %ge3A_927 = arith.cmpf oge, %scan3A_492#2, %bitcast_convert_type3A_919 : vector<16xf32>
      %convert_element_type3A_928 = arith.extui %ge3A_927 : vector<16xi1> to vector<16xi32>
      %add3A_929 = arith.addi %add3A_926, %convert_element_type3A_928 : vector<16xi32>
      %ge3A_930 = arith.cmpf oge, %scan3A_492#3, %bitcast_convert_type3A_919 : vector<16xf32>
      %convert_element_type3A_931 = arith.extui %ge3A_930 : vector<16xi1> to vector<16xi32>
      %add3A_932 = arith.addi %add3A_929, %convert_element_type3A_931 : vector<16xi32>
      %ge3A_933 = arith.cmpf oge, %scan3A_492#4, %bitcast_convert_type3A_919 : vector<16xf32>
      %convert_element_type3A_934 = arith.extui %ge3A_933 : vector<16xi1> to vector<16xi32>
      %add3A_935 = arith.addi %add3A_932, %convert_element_type3A_934 : vector<16xi32>
      %ge3A_936 = arith.cmpf oge, %scan3A_492#5, %bitcast_convert_type3A_919 : vector<16xf32>
      %convert_element_type3A_937 = arith.extui %ge3A_936 : vector<16xi1> to vector<16xi32>
      %add3A_938 = arith.addi %add3A_935, %convert_element_type3A_937 : vector<16xi32>
      %ge3A_939 = arith.cmpf oge, %scan3A_492#6, %bitcast_convert_type3A_919 : vector<16xf32>
      %convert_element_type3A_940 = arith.extui %ge3A_939 : vector<16xi1> to vector<16xi32>
      %add3A_941 = arith.addi %add3A_938, %convert_element_type3A_940 : vector<16xi32>
      %ge3A_942 = arith.cmpf oge, %scan3A_492#7, %bitcast_convert_type3A_919 : vector<16xf32>
      %convert_element_type3A_943 = arith.extui %ge3A_942 : vector<16xi1> to vector<16xi32>
      %add3A_944 = arith.addi %add3A_941, %convert_element_type3A_943 : vector<16xi32>
      %reduce_sum3A = arith.constant true
      %reduce_sum3A_945 = vector.broadcast %reduce_sum3A : i1 to vector<16xi1>
      %reduce_sum3A_946 = tpu.scan <sum>, %add3A_944 masked %reduce_sum3A_945 : vector<16xi32>, vector<16xi1> -> vector<16xi32>
      %reduce_sum3A_947 = vector.extract %reduce_sum3A_946[15] : i32 from vector<16xi32>
      %ge3A_948 = arith.constant 64 : i32
      %ge3A_949 = arith.cmpi sge, %reduce_sum3A_947, %ge3A_948 : i32
      %ne3A_950 = arith.constant 0 : i32
      %ne3A_951 = arith.cmpi ne, %shift_right_logical3A_906, %ne3A_950 : i32
      %and3A_952 = arith.andi %ne3A_951, %ge3A_949 : i1
      %ne3A_953 = arith.constant 0 : i32
      %ne3A_954 = arith.cmpi ne, %shift_right_logical3A_906, %ne3A_953 : i32
      %not3A = arith.constant true
      %not3A_955 = arith.xori %ge3A_949, %not3A : i1
      %and3A_956 = arith.andi %ne3A_954, %not3A_955 : i1
      %select_n3A_957 = arith.select %and3A_952, %add3A_907, %scan3A_903 : i32
      %select_n3A_958 = arith.select %and3A_956, %add3A_907, %scan3A_904 : i32
      scf.yield %select_n3A_957, %select_n3A_958 : i32, i32
    }
    %scan3A_556 = arith.constant 6 : i32
    %broadcast_in_dim3A_557 = arith.constant 0 : i32
    %broadcast_in_dim3A_558 = vector.broadcast %broadcast_in_dim3A_557 : i32 to vector<16xi32>
    %add3A_559 = vector.broadcast %scan3A_555#0 : i32 to vector<16xi32>
    %add3A_560 = arith.addi %broadcast_in_dim3A_558, %add3A_559 : vector<16xi32>
    %ge3A_561 = arith.constant 0 : i32
    %ge3A_562 = vector.broadcast %ge3A_561 : i32 to vector<16xi32>
    %ge3A_563 = arith.cmpi sge, %add3A_560, %ge3A_562 : vector<16xi32>
    %xor3A_564 = arith.constant 2147483647 : i32
    %xor3A_565 = vector.broadcast %xor3A_564 : i32 to vector<16xi32>
    %xor3A_566 = arith.xori %add3A_560, %xor3A_565 : vector<16xi32>
    %select_n3A_567 = arith.select %ge3A_563, %add3A_560, %xor3A_566 : vector<16xi1>, vector<16xi32>
    %bitcast_convert_type3A_568 = tpu.bitcast %select_n3A_567 : vector<16xi32> -> vector<16xf32>
    %slice3A_569 = vector.extract_strided_slice %bitcast_convert_type3A_568 {offsets = [0], sizes = [1], strides = [1]} : vector<16xf32> to vector<1xf32>
    %squeeze3A_570 = vector.extract %slice3A_569[0] : f32 from vector<1xf32>
    %scan3A_571 = arith.constant 0 : i32
    %scan3A_572 = arith.constant 0 : i32
    %scan3A_573 = arith.constant 64 : i32
    %scan3A_574 = arith.addi %scan3A_572, %scan3A_573 : i32
    %scan3A_575 = arith.constant 1 : i32
    %scan3A_576 = scf.for %scan3A_902 = %scan3A_572 to %scan3A_574 step %scan3A_575 iter_args(%scan3A_903 = %scan3A_571) -> (i32)  : i32 {
      %mul3A_904 = arith.constant 8 : i32
      %mul3A_905 = arith.muli %mul3A_904, %scan3A_902 : i32
      %add3A_906 = arith.constant 0 : i32
      %add3A_907 = arith.addi %mul3A_905, %add3A_906 : i32
      %mul3A_908 = arith.constant 16 : i32
      %mul3A_909 = arith.muli %add3A_907, %mul3A_908 : i32
      %get3A_910 = arith.index_cast %mul3A_909 : i32 to index
      %get3A_911 = tpu.vector_load %arg9[%get3A_910] {strides = array<i32>} : memref<8192xf32, #tpu.memory_space<vmem>>, vector<16xf32>,
      %ge3A_912 = vector.broadcast %squeeze3A_570 : f32 to vector<16xf32>
      %ge3A_913 = arith.cmpf oge, %get3A_911, %ge3A_912 : vector<16xf32>
      %all_reduce_population_count3A = tpu.all_reduce %ge3A_913 {dim = 0 : i64, kind = #tpu.reduction_kind<sum>} : vector<16xi1> -> vector<16xi32>
      %slice3A_914 = vector.extract_strided_slice %all_reduce_population_count3A {offsets = [0], sizes = [1], strides = [1]} : vector<16xi32> to vector<1xi32>
      %squeeze3A_915 = vector.extract %slice3A_914[0] : i32 from vector<1xi32>
      %mul3A_916 = arith.constant 8 : i32
      %mul3A_917 = arith.muli %mul3A_916, %scan3A_902 : i32
      %add3A_918 = arith.constant 1 : i32
      %add3A_919 = arith.addi %mul3A_917, %add3A_918 : i32
      %mul3A_920 = arith.constant 16 : i32
      %mul3A_921 = arith.muli %add3A_919, %mul3A_920 : i32
      %get3A_922 = arith.index_cast %mul3A_921 : i32 to index
      %get3A_923 = tpu.vector_load %arg9[%get3A_922] {strides = array<i32>} : memref<8192xf32, #tpu.memory_space<vmem>>, vector<16xf32>,
      %ge3A_924 = vector.broadcast %squeeze3A_570 : f32 to vector<16xf32>
      %ge3A_925 = arith.cmpf oge, %get3A_923, %ge3A_924 : vector<16xf32>
      %all_reduce_population_count3A_926 = tpu.all_reduce %ge3A_925 {dim = 0 : i64, kind = #tpu.reduction_kind<sum>} : vector<16xi1> -> vector<16xi32>
      %slice3A_927 = vector.extract_strided_slice %all_reduce_population_count3A_926 {offsets = [0], sizes = [1], strides = [1]} : vector<16xi32> to vector<1xi32>
      %squeeze3A_928 = vector.extract %slice3A_927[0] : i32 from vector<1xi32>
      %mul3A_929 = arith.constant 8 : i32
      %mul3A_930 = arith.muli %mul3A_929, %scan3A_902 : i32
      %add3A_931 = arith.constant 2 : i32
      %add3A_932 = arith.addi %mul3A_930, %add3A_931 : i32
      %mul3A_933 = arith.constant 16 : i32
      %mul3A_934 = arith.muli %add3A_932, %mul3A_933 : i32
      %get3A_935 = arith.index_cast %mul3A_934 : i32 to index
      %get3A_936 = tpu.vector_load %arg9[%get3A_935] {strides = array<i32>} : memref<8192xf32, #tpu.memory_space<vmem>>, vector<16xf32>,
      %ge3A_937 = vector.broadcast %squeeze3A_570 : f32 to vector<16xf32>
      %ge3A_938 = arith.cmpf oge, %get3A_936, %ge3A_937 : vector<16xf32>
      %all_reduce_population_count3A_939 = tpu.all_reduce %ge3A_938 {dim = 0 : i64, kind = #tpu.reduction_kind<sum>} : vector<16xi1> -> vector<16xi32>
      %slice3A_940 = vector.extract_strided_slice %all_reduce_population_count3A_939 {offsets = [0], sizes = [1], strides = [1]} : vector<16xi32> to vector<1xi32>
      %squeeze3A_941 = vector.extract %slice3A_940[0] : i32 from vector<1xi32>
      %mul3A_942 = arith.constant 8 : i32
      %mul3A_943 = arith.muli %mul3A_942, %scan3A_902 : i32
      %add3A_944 = arith.constant 3 : i32
      %add3A_945 = arith.addi %mul3A_943, %add3A_944 : i32
      %mul3A_946 = arith.constant 16 : i32
      %mul3A_947 = arith.muli %add3A_945, %mul3A_946 : i32
      %get3A_948 = arith.index_cast %mul3A_947 : i32 to index
      %get3A_949 = tpu.vector_load %arg9[%get3A_948] {strides = array<i32>} : memref<8192xf32, #tpu.memory_space<vmem>>, vector<16xf32>,
      %ge3A_950 = vector.broadcast %squeeze3A_570 : f32 to vector<16xf32>
      %ge3A_951 = arith.cmpf oge, %get3A_949, %ge3A_950 : vector<16xf32>
      %all_reduce_population_count3A_952 = tpu.all_reduce %ge3A_951 {dim = 0 : i64, kind = #tpu.reduction_kind<sum>} : vector<16xi1> -> vector<16xi32>
      %slice3A_953 = vector.extract_strided_slice %all_reduce_population_count3A_952 {offsets = [0], sizes = [1], strides = [1]} : vector<16xi32> to vector<1xi32>
      %squeeze3A_954 = vector.extract %slice3A_953[0] : i32 from vector<1xi32>
      %mul3A_955 = arith.constant 8 : i32
      %mul3A_956 = arith.muli %mul3A_955, %scan3A_902 : i32
      %add3A_957 = arith.constant 4 : i32
      %add3A_958 = arith.addi %mul3A_956, %add3A_957 : i32
      %mul3A_959 = arith.constant 16 : i32
      %mul3A_960 = arith.muli %add3A_958, %mul3A_959 : i32
      %get3A_961 = arith.index_cast %mul3A_960 : i32 to index
      %get3A_962 = tpu.vector_load %arg9[%get3A_961] {strides = array<i32>} : memref<8192xf32, #tpu.memory_space<vmem>>, vector<16xf32>,
      %ge3A_963 = vector.broadcast %squeeze3A_570 : f32 to vector<16xf32>
      %ge3A_964 = arith.cmpf oge, %get3A_962, %ge3A_963 : vector<16xf32>
      %all_reduce_population_count3A_965 = tpu.all_reduce %ge3A_964 {dim = 0 : i64, kind = #tpu.reduction_kind<sum>} : vector<16xi1> -> vector<16xi32>
      %slice3A_966 = vector.extract_strided_slice %all_reduce_population_count3A_965 {offsets = [0], sizes = [1], strides = [1]} : vector<16xi32> to vector<1xi32>
      %squeeze3A_967 = vector.extract %slice3A_966[0] : i32 from vector<1xi32>
      %mul3A_968 = arith.constant 8 : i32
      %mul3A_969 = arith.muli %mul3A_968, %scan3A_902 : i32
      %add3A_970 = arith.constant 5 : i32
      %add3A_971 = arith.addi %mul3A_969, %add3A_970 : i32
      %mul3A_972 = arith.constant 16 : i32
      %mul3A_973 = arith.muli %add3A_971, %mul3A_972 : i32
      %get3A_974 = arith.index_cast %mul3A_973 : i32 to index
      %get3A_975 = tpu.vector_load %arg9[%get3A_974] {strides = array<i32>} : memref<8192xf32, #tpu.memory_space<vmem>>, vector<16xf32>,
      %ge3A_976 = vector.broadcast %squeeze3A_570 : f32 to vector<16xf32>
      %ge3A_977 = arith.cmpf oge, %get3A_975, %ge3A_976 : vector<16xf32>
      %all_reduce_population_count3A_978 = tpu.all_reduce %ge3A_977 {dim = 0 : i64, kind = #tpu.reduction_kind<sum>} : vector<16xi1> -> vector<16xi32>
      %slice3A_979 = vector.extract_strided_slice %all_reduce_population_count3A_978 {offsets = [0], sizes = [1], strides = [1]} : vector<16xi32> to vector<1xi32>
      %squeeze3A_980 = vector.extract %slice3A_979[0] : i32 from vector<1xi32>
      %mul3A_981 = arith.constant 8 : i32
      %mul3A_982 = arith.muli %mul3A_981, %scan3A_902 : i32
      %add3A_983 = arith.constant 6 : i32
      %add3A_984 = arith.addi %mul3A_982, %add3A_983 : i32
      %mul3A_985 = arith.constant 16 : i32
      %mul3A_986 = arith.muli %add3A_984, %mul3A_985 : i32
      %get3A_987 = arith.index_cast %mul3A_986 : i32 to index
      %get3A_988 = tpu.vector_load %arg9[%get3A_987] {strides = array<i32>} : memref<8192xf32, #tpu.memory_space<vmem>>, vector<16xf32>,
      %ge3A_989 = vector.broadcast %squeeze3A_570 : f32 to vector<16xf32>
      %ge3A_990 = arith.cmpf oge, %get3A_988, %ge3A_989 : vector<16xf32>
      %all_reduce_population_count3A_991 = tpu.all_reduce %ge3A_990 {dim = 0 : i64, kind = #tpu.reduction_kind<sum>} : vector<16xi1> -> vector<16xi32>
      %slice3A_992 = vector.extract_strided_slice %all_reduce_population_count3A_991 {offsets = [0], sizes = [1], strides = [1]} : vector<16xi32> to vector<1xi32>
      %squeeze3A_993 = vector.extract %slice3A_992[0] : i32 from vector<1xi32>
      %mul3A_994 = arith.constant 8 : i32
      %mul3A_995 = arith.muli %mul3A_994, %scan3A_902 : i32
      %add3A_996 = arith.constant 7 : i32
      %add3A_997 = arith.addi %mul3A_995, %add3A_996 : i32
      %mul3A_998 = arith.constant 16 : i32
      %mul3A_999 = arith.muli %add3A_997, %mul3A_998 : i32
      %get3A_1000 = arith.index_cast %mul3A_999 : i32 to index
      %get3A_1001 = tpu.vector_load %arg9[%get3A_1000] {strides = array<i32>} : memref<8192xf32, #tpu.memory_space<vmem>>, vector<16xf32>,
      %ge3A_1002 = vector.broadcast %squeeze3A_570 : f32 to vector<16xf32>
      %ge3A_1003 = arith.cmpf oge, %get3A_1001, %ge3A_1002 : vector<16xf32>
      %all_reduce_population_count3A_1004 = tpu.all_reduce %ge3A_1003 {dim = 0 : i64, kind = #tpu.reduction_kind<sum>} : vector<16xi1> -> vector<16xi32>
      %slice3A_1005 = vector.extract_strided_slice %all_reduce_population_count3A_1004 {offsets = [0], sizes = [1], strides = [1]} : vector<16xi32> to vector<1xi32>
      %squeeze3A_1006 = vector.extract %slice3A_1005[0] : i32 from vector<1xi32>
      %add3A_1007 = arith.addi %scan3A_903, %squeeze3A_915 : i32
      %add3A_1008 = arith.addi %add3A_1007, %squeeze3A_928 : i32
      %add3A_1009 = arith.addi %add3A_1008, %squeeze3A_941 : i32
      %add3A_1010 = arith.addi %add3A_1009, %squeeze3A_954 : i32
      %add3A_1011 = arith.addi %add3A_1010, %squeeze3A_967 : i32
      %add3A_1012 = arith.addi %add3A_1011, %squeeze3A_980 : i32
      %add3A_1013 = arith.addi %add3A_1012, %squeeze3A_993 : i32
      %mul3A_1014 = arith.constant 8 : i32
      %mul3A_1015 = arith.muli %mul3A_1014, %scan3A_902 : i32
      %add3A_1016 = arith.constant 0 : i32
      %add3A_1017 = arith.addi %mul3A_1015, %add3A_1016 : i32
      %mul3A_1018 = arith.constant 16 : i32
      %mul3A_1019 = arith.muli %add3A_1017, %mul3A_1018 : i32
      %add3A_1020 = vector.broadcast %mul3A_1019 : i32 to vector<16xi32>
      %add3A_1021 = arith.addi %iota3A, %add3A_1020 : vector<16xi32>
      %swap3A_1022 = arith.index_cast %scan3A_903 : i32 to index
      %swap3A_1023 = tpu.vector_load %arg11[%swap3A_1022] masked %ge3A_913 {strides = array<i32>} : memref<8208xi32, #tpu.memory_space<vmem>>, vector<16xi32>, vector<16xi1>
      tpu.vector_store %arg11[%swap3A_1022], %add3A_1021 masked %ge3A_913 {strides = array<i32>} : memref<8208xi32, #tpu.memory_space<vmem>>, vector<16xi32>, vector<16xi1>
      %mul3A_1024 = arith.constant 8 : i32
      %mul3A_1025 = arith.muli %mul3A_1024, %scan3A_902 : i32
      %add3A_1026 = arith.constant 1 : i32
      %add3A_1027 = arith.addi %mul3A_1025, %add3A_1026 : i32
      %mul3A_1028 = arith.constant 16 : i32
      %mul3A_1029 = arith.muli %add3A_1027, %mul3A_1028 : i32
      %add3A_1030 = vector.broadcast %mul3A_1029 : i32 to vector<16xi32>
      %add3A_1031 = arith.addi %iota3A, %add3A_1030 : vector<16xi32>
      %swap3A_1032 = arith.index_cast %add3A_1007 : i32 to index
      %swap3A_1033 = tpu.vector_load %arg11[%swap3A_1032] masked %ge3A_925 {strides = array<i32>} : memref<8208xi32, #tpu.memory_space<vmem>>, vector<16xi32>, vector<16xi1>
      tpu.vector_store %arg11[%swap3A_1032], %add3A_1031 masked %ge3A_925 {strides = array<i32>} : memref<8208xi32, #tpu.memory_space<vmem>>, vector<16xi32>, vector<16xi1>
      %mul3A_1034 = arith.constant 8 : i32
      %mul3A_1035 = arith.muli %mul3A_1034, %scan3A_902 : i32
      %add3A_1036 = arith.constant 2 : i32
      %add3A_1037 = arith.addi %mul3A_1035, %add3A_1036 : i32
      %mul3A_1038 = arith.constant 16 : i32
      %mul3A_1039 = arith.muli %add3A_1037, %mul3A_1038 : i32
      %add3A_1040 = vector.broadcast %mul3A_1039 : i32 to vector<16xi32>
      %add3A_1041 = arith.addi %iota3A, %add3A_1040 : vector<16xi32>
      %swap3A_1042 = arith.index_cast %add3A_1008 : i32 to index
      %swap3A_1043 = tpu.vector_load %arg11[%swap3A_1042] masked %ge3A_938 {strides = array<i32>} : memref<8208xi32, #tpu.memory_space<vmem>>, vector<16xi32>, vector<16xi1>
      tpu.vector_store %arg11[%swap3A_1042], %add3A_1041 masked %ge3A_938 {strides = array<i32>} : memref<8208xi32, #tpu.memory_space<vmem>>, vector<16xi32>, vector<16xi1>
      %mul3A_1044 = arith.constant 8 : i32
      %mul3A_1045 = arith.muli %mul3A_1044, %scan3A_902 : i32
      %add3A_1046 = arith.constant 3 : i32
      %add3A_1047 = arith.addi %mul3A_1045, %add3A_1046 : i32
      %mul3A_1048 = arith.constant 16 : i32
      %mul3A_1049 = arith.muli %add3A_1047, %mul3A_1048 : i32
      %add3A_1050 = vector.broadcast %mul3A_1049 : i32 to vector<16xi32>
      %add3A_1051 = arith.addi %iota3A, %add3A_1050 : vector<16xi32>
      %swap3A_1052 = arith.index_cast %add3A_1009 : i32 to index
      %swap3A_1053 = tpu.vector_load %arg11[%swap3A_1052] masked %ge3A_951 {strides = array<i32>} : memref<8208xi32, #tpu.memory_space<vmem>>, vector<16xi32>, vector<16xi1>
      tpu.vector_store %arg11[%swap3A_1052], %add3A_1051 masked %ge3A_951 {strides = array<i32>} : memref<8208xi32, #tpu.memory_space<vmem>>, vector<16xi32>, vector<16xi1>
      %mul3A_1054 = arith.constant 8 : i32
      %mul3A_1055 = arith.muli %mul3A_1054, %scan3A_902 : i32
      %add3A_1056 = arith.constant 4 : i32
      %add3A_1057 = arith.addi %mul3A_1055, %add3A_1056 : i32
      %mul3A_1058 = arith.constant 16 : i32
      %mul3A_1059 = arith.muli %add3A_1057, %mul3A_1058 : i32
      %add3A_1060 = vector.broadcast %mul3A_1059 : i32 to vector<16xi32>
      %add3A_1061 = arith.addi %iota3A, %add3A_1060 : vector<16xi32>
      %swap3A_1062 = arith.index_cast %add3A_1010 : i32 to index
      %swap3A_1063 = tpu.vector_load %arg11[%swap3A_1062] masked %ge3A_964 {strides = array<i32>} : memref<8208xi32, #tpu.memory_space<vmem>>, vector<16xi32>, vector<16xi1>
      tpu.vector_store %arg11[%swap3A_1062], %add3A_1061 masked %ge3A_964 {strides = array<i32>} : memref<8208xi32, #tpu.memory_space<vmem>>, vector<16xi32>, vector<16xi1>
      %mul3A_1064 = arith.constant 8 : i32
      %mul3A_1065 = arith.muli %mul3A_1064, %scan3A_902 : i32
      %add3A_1066 = arith.constant 5 : i32
      %add3A_1067 = arith.addi %mul3A_1065, %add3A_1066 : i32
      %mul3A_1068 = arith.constant 16 : i32
      %mul3A_1069 = arith.muli %add3A_1067, %mul3A_1068 : i32
      %add3A_1070 = vector.broadcast %mul3A_1069 : i32 to vector<16xi32>
      %add3A_1071 = arith.addi %iota3A, %add3A_1070 : vector<16xi32>
      %swap3A_1072 = arith.index_cast %add3A_1011 : i32 to index
      %swap3A_1073 = tpu.vector_load %arg11[%swap3A_1072] masked %ge3A_977 {strides = array<i32>} : memref<8208xi32, #tpu.memory_space<vmem>>, vector<16xi32>, vector<16xi1>
      tpu.vector_store %arg11[%swap3A_1072], %add3A_1071 masked %ge3A_977 {strides = array<i32>} : memref<8208xi32, #tpu.memory_space<vmem>>, vector<16xi32>, vector<16xi1>
      %mul3A_1074 = arith.constant 8 : i32
      %mul3A_1075 = arith.muli %mul3A_1074, %scan3A_902 : i32
      %add3A_1076 = arith.constant 6 : i32
      %add3A_1077 = arith.addi %mul3A_1075, %add3A_1076 : i32
      %mul3A_1078 = arith.constant 16 : i32
      %mul3A_1079 = arith.muli %add3A_1077, %mul3A_1078 : i32
      %add3A_1080 = vector.broadcast %mul3A_1079 : i32 to vector<16xi32>
      %add3A_1081 = arith.addi %iota3A, %add3A_1080 : vector<16xi32>
      %swap3A_1082 = arith.index_cast %add3A_1012 : i32 to index
      %swap3A_1083 = tpu.vector_load %arg11[%swap3A_1082] masked %ge3A_990 {strides = array<i32>} : memref<8208xi32, #tpu.memory_space<vmem>>, vector<16xi32>, vector<16xi1>
      tpu.vector_store %arg11[%swap3A_1082], %add3A_1081 masked %ge3A_990 {strides = array<i32>} : memref<8208xi32, #tpu.memory_space<vmem>>, vector<16xi32>, vector<16xi1>
      %mul3A_1084 = arith.constant 8 : i32
      %mul3A_1085 = arith.muli %mul3A_1084, %scan3A_902 : i32
      %add3A_1086 = arith.constant 7 : i32
      %add3A_1087 = arith.addi %mul3A_1085, %add3A_1086 : i32
      %mul3A_1088 = arith.constant 16 : i32
      %mul3A_1089 = arith.muli %add3A_1087, %mul3A_1088 : i32
      %add3A_1090 = vector.broadcast %mul3A_1089 : i32 to vector<16xi32>
      %add3A_1091 = arith.addi %iota3A, %add3A_1090 : vector<16xi32>
      %swap3A_1092 = arith.index_cast %add3A_1013 : i32 to index
      %swap3A_1093 = tpu.vector_load %arg11[%swap3A_1092] masked %ge3A_1003 {strides = array<i32>} : memref<8208xi32, #tpu.memory_space<vmem>>, vector<16xi32>, vector<16xi1>
      tpu.vector_store %arg11[%swap3A_1092], %add3A_1091 masked %ge3A_1003 {strides = array<i32>} : memref<8208xi32, #tpu.memory_space<vmem>>, vector<16xi32>, vector<16xi1>
      %add3A_1094 = arith.addi %add3A_1013, %squeeze3A_1006 : i32
      scf.yield %add3A_1094 : i32
    }
    %scan3A_577 = arith.constant 64 : i32
    %add3A_578 = arith.constant 16 : i32
    %add3A_579 = arith.addi %scan3A_576, %add3A_578 : i32
    %sub3A_580 = arith.constant 1 : i32
    %sub3A_581 = arith.subi %add3A_579, %sub3A_580 : i32
    %jit3A_582 = arith.constant 16 : i32
    %div3A_583 = arith.divsi %sub3A_581, %jit3A_582 : i32
    %sign3A_584 = arith.constant 0 : i32
    %sign3A_585 = arith.cmpi sgt, %sub3A_581, %sign3A_584 : i32
    %sign3A_586 = arith.extui %sign3A_585 : i1 to i32
    %sign3A_587 = arith.constant 0 : i32
    %sign3A_588 = arith.cmpi slt, %sub3A_581, %sign3A_587 : i32
    %sign3A_589 = arith.extui %sign3A_588 : i1 to i32
    %sign3A_590 = arith.subi %sign3A_586, %sign3A_589 : i32
    %sign3A_591 = arith.constant 0 : i32
    %sign3A_592 = arith.cmpi sgt, %jit3A_582, %sign3A_591 : i32
    %sign3A_593 = arith.extui %sign3A_592 : i1 to i32
    %sign3A_594 = arith.constant 0 : i32
    %sign3A_595 = arith.cmpi slt, %jit3A_582, %sign3A_594 : i32
    %sign3A_596 = arith.extui %sign3A_595 : i1 to i32
    %sign3A_597 = arith.subi %sign3A_593, %sign3A_596 : i32
    %ne3A_598 = arith.cmpi ne, %sign3A_590, %sign3A_597 : i32
    %rem3A_599 = arith.remsi %sub3A_581, %jit3A_582 : i32
    %ne3A_600 = arith.constant 0 : i32
    %ne3A_601 = arith.cmpi ne, %rem3A_599, %ne3A_600 : i32
    %and3A_602 = arith.andi %ne3A_598, %ne3A_601 : i1
    %sub3A_603 = arith.constant 1 : i32
    %sub3A_604 = arith.subi %div3A_583, %sub3A_603 : i32
    %select_n3A_605 = arith.select %and3A_602, %sub3A_604, %div3A_583 : i32
    %swap3A_606 = arith.index_cast %scan3A_576 : i32 to index
    %swap3A_607 = tpu.vector_load %arg11[%swap3A_606] {strides = array<i32>} : memref<8208xi32, #tpu.memory_space<vmem>>, vector<16xi32>,
    tpu.vector_store %arg11[%swap3A_606], %iota3A {strides = array<i32>} : memref<8208xi32, #tpu.memory_space<vmem>>, vector<16xi32>,
    %while3A_608 = arith.constant 0 : i32
    %while3A_609 = arith.constant 0 : i32
    %while3A_610 = arith.subi %select_n3A_605, %while3A_608 : i32
    %while3A_611 = arith.addi %while3A_608, %while3A_610 : i32
    %while3A_612 = arith.constant 1 : i32
    %while3A_613 = arith.divsi %while3A_610, %while3A_612 : i32
    %while3A_614 = arith.muli %while3A_613, %while3A_612 : i32
    %while3A_615 = arith.addi %while3A_608, %while3A_614 : i32
    %while3A_616 = arith.constant 1 : i32
    %while3A_617 = scf.for %while3A_902 = %while3A_608 to %while3A_615 step %while3A_616 iter_args(%while3A_903 = %while3A_609) -> (i32)  : i32 {
      %mul3A_904 = arith.constant 16 : i32
      %mul3A_905 = arith.muli %while3A_902, %mul3A_904 : i32
      %get3A_906 = arith.index_cast %mul3A_905 : i32 to index
      %get3A_907 = tpu.vector_load %arg11[%get3A_906] {strides = array<i32>} : memref<8208xi32, #tpu.memory_space<vmem>>, vector<16xi32>,
      %gather3A_908 = tpu.vector_load_idx %arg9[%get3A_907] : memref<8192xf32, #tpu.memory_space<vmem>>[vector<16xi32>], vector<16xf32>,
      %bitcast_convert_type3A_909 = tpu.bitcast %gather3A_908 : vector<16xf32> -> vector<16xi32>
      %ge3A_910 = arith.constant 0 : i32
      %ge3A_911 = vector.broadcast %ge3A_910 : i32 to vector<16xi32>
      %ge3A_912 = arith.cmpi sge, %bitcast_convert_type3A_909, %ge3A_911 : vector<16xi32>
      %xor3A_913 = arith.constant 2147483647 : i32
      %xor3A_914 = vector.broadcast %xor3A_913 : i32 to vector<16xi32>
      %xor3A_915 = arith.xori %bitcast_convert_type3A_909, %xor3A_914 : vector<16xi32>
      %select_n3A_916 = arith.select %ge3A_912, %bitcast_convert_type3A_909, %xor3A_915 : vector<16xi1>, vector<16xi32>
      %mul3A_917 = arith.constant 16 : i32
      %mul3A_918 = arith.muli %while3A_902, %mul3A_917 : i32
      %swap3A_919 = arith.index_cast %mul3A_918 : i32 to index
      %swap3A_920 = tpu.vector_load %arg10[%swap3A_919] {strides = array<i32>} : memref<8208xi32, #tpu.memory_space<vmem>>, vector<16xi32>,
      tpu.vector_store %arg10[%swap3A_919], %select_n3A_916 {strides = array<i32>} : memref<8208xi32, #tpu.memory_space<vmem>>, vector<16xi32>,
      %while3A_921 = arith.constant 0 : i32
      scf.yield %while3A_921 : i32
    }
    %while3A_618 = arith.constant 1 : i32
    %while3A_619 = scf.for %while3A_902 = %while3A_615 to %while3A_611 step %while3A_618 iter_args(%while3A_903 = %while3A_617) -> (i32)  : i32 {
      %mul3A_904 = arith.constant 16 : i32
      %mul3A_905 = arith.muli %while3A_902, %mul3A_904 : i32
      %get3A_906 = arith.index_cast %mul3A_905 : i32 to index
      %get3A_907 = tpu.vector_load %arg11[%get3A_906] {strides = array<i32>} : memref<8208xi32, #tpu.memory_space<vmem>>, vector<16xi32>,
      %gather3A_908 = tpu.vector_load_idx %arg9[%get3A_907] : memref<8192xf32, #tpu.memory_space<vmem>>[vector<16xi32>], vector<16xf32>,
      %bitcast_convert_type3A_909 = tpu.bitcast %gather3A_908 : vector<16xf32> -> vector<16xi32>
      %ge3A_910 = arith.constant 0 : i32
      %ge3A_911 = vector.broadcast %ge3A_910 : i32 to vector<16xi32>
      %ge3A_912 = arith.cmpi sge, %bitcast_convert_type3A_909, %ge3A_911 : vector<16xi32>
      %xor3A_913 = arith.constant 2147483647 : i32
      %xor3A_914 = vector.broadcast %xor3A_913 : i32 to vector<16xi32>
      %xor3A_915 = arith.xori %bitcast_convert_type3A_909, %xor3A_914 : vector<16xi32>
      %select_n3A_916 = arith.select %ge3A_912, %bitcast_convert_type3A_909, %xor3A_915 : vector<16xi1>, vector<16xi32>
      %mul3A_917 = arith.constant 16 : i32
      %mul3A_918 = arith.muli %while3A_902, %mul3A_917 : i32
      %swap3A_919 = arith.index_cast %mul3A_918 : i32 to index
      %swap3A_920 = tpu.vector_load %arg10[%swap3A_919] {strides = array<i32>} : memref<8208xi32, #tpu.memory_space<vmem>>, vector<16xi32>,
      tpu.vector_store %arg10[%swap3A_919], %select_n3A_916 {strides = array<i32>} : memref<8208xi32, #tpu.memory_space<vmem>>, vector<16xi32>,
      %while3A_921 = arith.constant 0 : i32
      scf.yield %while3A_921 : i32
    }
    %broadcast_in_dim3A_620 = arith.constant -2147483648 : i32
    %broadcast_in_dim3A_621 = vector.broadcast %broadcast_in_dim3A_620 : i32 to vector<16xi32>
    %swap3A_622 = arith.index_cast %scan3A_576 : i32 to index
    %swap3A_623 = tpu.vector_load %arg10[%swap3A_622] {strides = array<i32>} : memref<8208xi32, #tpu.memory_space<vmem>>, vector<16xi32>,
    tpu.vector_store %arg10[%swap3A_622], %broadcast_in_dim3A_621 {strides = array<i32>} : memref<8208xi32, #tpu.memory_space<vmem>>, vector<16xi32>,
    %while3A_624 = arith.constant 0 : i32
    %while3A_625:3 = scf.while (%while3A_902 = %scan3A_555#0, %while3A_903 = %add3A_550, %while3A_904 = %while3A_624) : (i32, i32, i32) -> (i32, i32, i32) {
      %sub3A_905 = arith.subi %while3A_903, %while3A_902 : i32
      %ne3A_906 = arith.constant 0 : i32
      %ne3A_907 = arith.cmpi ne, %sub3A_905, %ne3A_906 : i32
      %ne3A_908 = arith.constant 1 : i32
      %ne3A_909 = arith.cmpi ne, %sub3A_905, %ne3A_908 : i32
      %and3A_910 = arith.andi %ne3A_907, %ne3A_909 : i1
      scf.condition(%and3A_910) %while3A_902, %while3A_903, %while3A_904 : i32, i32, i32
    } do {
    ^bb0(%while3A_902: i32, %while3A_903: i32, %while3A_904: i32):
      %sub3A_905 = arith.subi %while3A_903, %while3A_902 : i32
      %shift_right_logical3A = arith.constant 1 : i32
      %shift_right_logical3A_906 = arith.shrui %sub3A_905, %shift_right_logical3A : i32
      %shift_right_logical3A_907 = arith.constant 2 : i32
      %shift_right_logical3A_908 = arith.shrui %sub3A_905, %shift_right_logical3A_907 : i32
      %add3A_909 = arith.addi %while3A_902, %shift_right_logical3A_908 : i32
      %add3A_910 = arith.addi %while3A_902, %shift_right_logical3A_906 : i32
      %add3A_911 = arith.addi %while3A_902, %shift_right_logical3A_906 : i32
      %add3A_912 = arith.addi %add3A_911, %shift_right_logical3A_908 : i32
      %broadcast_in_dim3A_913 = arith.constant 0 : i32
      %broadcast_in_dim3A_914 = vector.broadcast %broadcast_in_dim3A_913 : i32 to vector<16xi32>
      %while3A_915 = arith.constant 0 : i32
      %while3A_916 = arith.subi %select_n3A_605, %while3A_915 : i32
      %while3A_917 = arith.addi %while3A_915, %while3A_916 : i32
      %while3A_918 = arith.constant 1 : i32
      %while3A_919 = arith.divsi %while3A_916, %while3A_918 : i32
      %while3A_920 = arith.muli %while3A_919, %while3A_918 : i32
      %while3A_921 = arith.addi %while3A_915, %while3A_920 : i32
      %while3A_922 = arith.constant 1 : i32
      %while3A_923:3 = scf.for %while3A_952 = %while3A_915 to %while3A_921 step %while3A_922 iter_args(%while3A_953 = %broadcast_in_dim3A_914, %while3A_954 = %broadcast_in_dim3A_914, %while3A_955 = %broadcast_in_dim3A_914) -> (vector<16xi32>, vector<16xi32>, vector<16xi32>)  : i32 {
        %mul3A_956 = arith.constant 16 : i32
        %mul3A_957 = arith.muli %while3A_952, %mul3A_956 : i32
        %get3A_958 = arith.index_cast %mul3A_957 : i32 to index
        %get3A_959 = tpu.vector_load %arg10[%get3A_958] {strides = array<i32>} : memref<8208xi32, #tpu.memory_space<vmem>>, vector<16xi32>,
        %ge3A_960 = vector.broadcast %add3A_909 : i32 to vector<16xi32>
        %ge3A_961 = arith.cmpi sge, %get3A_959, %ge3A_960 : vector<16xi32>
        %convert_element_type3A = arith.extui %ge3A_961 : vector<16xi1> to vector<16xi32>
        %add3A_962 = arith.addi %while3A_953, %convert_element_type3A : vector<16xi32>
        %ge3A_963 = vector.broadcast %add3A_910 : i32 to vector<16xi32>
        %ge3A_964 = arith.cmpi sge, %get3A_959, %ge3A_963 : vector<16xi32>
        %convert_element_type3A_965 = arith.extui %ge3A_964 : vector<16xi1> to vector<16xi32>
        %add3A_966 = arith.addi %while3A_954, %convert_element_type3A_965 : vector<16xi32>
        %ge3A_967 = vector.broadcast %add3A_912 : i32 to vector<16xi32>
        %ge3A_968 = arith.cmpi sge, %get3A_959, %ge3A_967 : vector<16xi32>
        %convert_element_type3A_969 = arith.extui %ge3A_968 : vector<16xi1> to vector<16xi32>
        %add3A_970 = arith.addi %while3A_955, %convert_element_type3A_969 : vector<16xi32>
        scf.yield %add3A_962, %add3A_966, %add3A_970 : vector<16xi32>, vector<16xi32>, vector<16xi32>
      }
      %while3A_924 = arith.constant 1 : i32
      %while3A_925:3 = scf.for %while3A_952 = %while3A_921 to %while3A_917 step %while3A_924 iter_args(%while3A_953 = %while3A_923#0, %while3A_954 = %while3A_923#1, %while3A_955 = %while3A_923#2) -> (vector<16xi32>, vector<16xi32>, vector<16xi32>)  : i32 {
        %mul3A_956 = arith.constant 16 : i32
        %mul3A_957 = arith.muli %while3A_952, %mul3A_956 : i32
        %get3A_958 = arith.index_cast %mul3A_957 : i32 to index
        %get3A_959 = tpu.vector_load %arg10[%get3A_958] {strides = array<i32>} : memref<8208xi32, #tpu.memory_space<vmem>>, vector<16xi32>,
        %ge3A_960 = vector.broadcast %add3A_909 : i32 to vector<16xi32>
        %ge3A_961 = arith.cmpi sge, %get3A_959, %ge3A_960 : vector<16xi32>
        %convert_element_type3A = arith.extui %ge3A_961 : vector<16xi1> to vector<16xi32>
        %add3A_962 = arith.addi %while3A_953, %convert_element_type3A : vector<16xi32>
        %ge3A_963 = vector.broadcast %add3A_910 : i32 to vector<16xi32>
        %ge3A_964 = arith.cmpi sge, %get3A_959, %ge3A_963 : vector<16xi32>
        %convert_element_type3A_965 = arith.extui %ge3A_964 : vector<16xi1> to vector<16xi32>
        %add3A_966 = arith.addi %while3A_954, %convert_element_type3A_965 : vector<16xi32>
        %ge3A_967 = vector.broadcast %add3A_912 : i32 to vector<16xi32>
        %ge3A_968 = arith.cmpi sge, %get3A_959, %ge3A_967 : vector<16xi32>
        %convert_element_type3A_969 = arith.extui %ge3A_968 : vector<16xi1> to vector<16xi32>
        %add3A_970 = arith.addi %while3A_955, %convert_element_type3A_969 : vector<16xi32>
        scf.yield %add3A_962, %add3A_966, %add3A_970 : vector<16xi32>, vector<16xi32>, vector<16xi32>
      }
      %reduce_sum3A = arith.constant true
      %reduce_sum3A_926 = vector.broadcast %reduce_sum3A : i1 to vector<16xi1>
      %reduce_sum3A_927 = tpu.scan <sum>, %while3A_925#0 masked %reduce_sum3A_926 : vector<16xi32>, vector<16xi1> -> vector<16xi32>
      %reduce_sum3A_928 = vector.extract %reduce_sum3A_927[15] : i32 from vector<16xi32>
      %reduce_sum3A_929 = arith.constant true
      %reduce_sum3A_930 = vector.broadcast %reduce_sum3A_929 : i1 to vector<16xi1>
      %reduce_sum3A_931 = tpu.scan <sum>, %while3A_925#1 masked %reduce_sum3A_930 : vector<16xi32>, vector<16xi1> -> vector<16xi32>
      %reduce_sum3A_932 = vector.extract %reduce_sum3A_931[15] : i32 from vector<16xi32>
      %reduce_sum3A_933 = arith.constant true
      %reduce_sum3A_934 = vector.broadcast %reduce_sum3A_933 : i1 to vector<16xi1>
      %reduce_sum3A_935 = tpu.scan <sum>, %while3A_925#2 masked %reduce_sum3A_934 : vector<16xi32>, vector<16xi1> -> vector<16xi32>
      %reduce_sum3A_936 = vector.extract %reduce_sum3A_935[15] : i32 from vector<16xi32>
      %ge3A_937 = arith.constant 64 : i32
      %ge3A_938 = arith.cmpi sge, %reduce_sum3A_928, %ge3A_937 : i32
      %ge3A_939 = arith.constant 64 : i32
      %ge3A_940 = arith.cmpi sge, %reduce_sum3A_932, %ge3A_939 : i32
      %ge3A_941 = arith.constant 64 : i32
      %ge3A_942 = arith.cmpi sge, %reduce_sum3A_936, %ge3A_941 : i32
      %select_n3A_943 = arith.select %ge3A_938, %add3A_909, %while3A_902 : i32
      %select_n3A_944 = arith.select %ge3A_940, %add3A_910, %select_n3A_943 : i32
      %select_n3A_945 = arith.select %ge3A_942, %add3A_912, %select_n3A_944 : i32
      %select_n3A_946 = arith.select %ge3A_938, %add3A_910, %add3A_909 : i32
      %select_n3A_947 = arith.select %ge3A_940, %add3A_912, %select_n3A_946 : i32
      %select_n3A_948 = arith.select %ge3A_942, %while3A_903, %select_n3A_947 : i32
      %select_n3A_949 = arith.select %ge3A_938, %reduce_sum3A_932, %reduce_sum3A_928 : i32
      %select_n3A_950 = arith.select %ge3A_940, %reduce_sum3A_936, %select_n3A_949 : i32
      %select_n3A_951 = arith.select %ge3A_942, %while3A_904, %select_n3A_950 : i32
      scf.yield %select_n3A_945, %select_n3A_948, %select_n3A_951 : i32, i32, i32
    }
    %sub3A_626 = arith.constant 64 : i32
    %sub3A_627 = arith.subi %sub3A_626, %while3A_625#2 : i32
    %while3A_628 = arith.constant 0 : i32
    %while3A_629 = arith.constant 0 : i32
    %while3A_630 = arith.constant 0 : i32
    %while3A_631 = arith.subi %select_n3A_605, %while3A_628 : i32
    %while3A_632 = arith.addi %while3A_628, %while3A_631 : i32
    %while3A_633 = arith.constant 1 : i32
    %while3A_634 = arith.divsi %while3A_631, %while3A_633 : i32
    %while3A_635 = arith.muli %while3A_634, %while3A_633 : i32
    %while3A_636 = arith.addi %while3A_628, %while3A_635 : i32
    %while3A_637 = arith.constant 1 : i32
    %while3A_638:2 = scf.for %while3A_902 = %while3A_628 to %while3A_636 step %while3A_637 iter_args(%while3A_903 = %while3A_629, %while3A_904 = %while3A_630) -> (i32, i32)  : i32 {
      %mul3A_905 = arith.constant 16 : i32
      %mul3A_906 = arith.muli %while3A_902, %mul3A_905 : i32
      %get3A_907 = arith.index_cast %mul3A_906 : i32 to index
      %get3A_908 = tpu.vector_load %arg10[%get3A_907] {strides = array<i32>} : memref<8208xi32, #tpu.memory_space<vmem>>, vector<16xi32>,
      %mul3A_909 = arith.constant 16 : i32
      %mul3A_910 = arith.muli %while3A_902, %mul3A_909 : i32
      %get3A_911 = arith.index_cast %mul3A_910 : i32 to index
      %get3A_912 = tpu.vector_load %arg11[%get3A_911] {strides = array<i32>} : memref<8208xi32, #tpu.memory_space<vmem>>, vector<16xi32>,
      %gt3A = vector.broadcast %while3A_625#0 : i32 to vector<16xi32>
      %gt3A_913 = arith.cmpi sgt, %get3A_908, %gt3A : vector<16xi32>
      %eq3A = vector.broadcast %while3A_625#0 : i32 to vector<16xi32>
      %eq3A_914 = arith.cmpi eq, %get3A_908, %eq3A : vector<16xi32>
      %convert_element_type3A = arith.extui %eq3A_914 : vector<16xi1> to vector<16xi32>
      %broadcast_in_dim3A_915 = arith.constant true
      %broadcast_in_dim3A_916 = vector.broadcast %broadcast_in_dim3A_915 : i1 to vector<16xi1>
      %masked_cumsum3A = tpu.scan <sum>, %convert_element_type3A masked %broadcast_in_dim3A_916 : vector<16xi32>, vector<16xi1> -> vector<16xi32>
      %add3A_917 = vector.broadcast %while3A_904 : i32 to vector<16xi32>
      %add3A_918 = arith.addi %masked_cumsum3A, %add3A_917 : vector<16xi32>
      %le3A = vector.broadcast %sub3A_627 : i32 to vector<16xi32>
      %le3A_919 = arith.cmpi sle, %add3A_918, %le3A : vector<16xi32>
      %and3A_920 = arith.andi %eq3A_914, %le3A_919 : vector<16xi1>
      %or3A = arith.ori %gt3A_913, %and3A_920 : vector<16xi1>
      %swap3A_921 = arith.index_cast %while3A_903 : i32 to index
      %swap3A_922 = tpu.vector_load %arg12[%swap3A_921] masked %or3A {strides = array<i32>} : memref<80xi32, #tpu.memory_space<vmem>>, vector<16xi32>, vector<16xi1>
      tpu.vector_store %arg12[%swap3A_921], %get3A_912 masked %or3A {strides = array<i32>} : memref<80xi32, #tpu.memory_space<vmem>>, vector<16xi32>, vector<16xi1>
      %all_reduce_population_count3A = tpu.all_reduce %or3A {dim = 0 : i64, kind = #tpu.reduction_kind<sum>} : vector<16xi1> -> vector<16xi32>
      %slice3A_923 = vector.extract_strided_slice %all_reduce_population_count3A {offsets = [0], sizes = [1], strides = [1]} : vector<16xi32> to vector<1xi32>
      %squeeze3A_924 = vector.extract %slice3A_923[0] : i32 from vector<1xi32>
      %add3A_925 = arith.addi %while3A_903, %squeeze3A_924 : i32
      %all_reduce_population_count3A_926 = tpu.all_reduce %eq3A_914 {dim = 0 : i64, kind = #tpu.reduction_kind<sum>} : vector<16xi1> -> vector<16xi32>
      %slice3A_927 = vector.extract_strided_slice %all_reduce_population_count3A_926 {offsets = [0], sizes = [1], strides = [1]} : vector<16xi32> to vector<1xi32>
      %squeeze3A_928 = vector.extract %slice3A_927[0] : i32 from vector<1xi32>
      %add3A_929 = arith.addi %while3A_904, %squeeze3A_928 : i32
      scf.yield %add3A_925, %add3A_929 : i32, i32
    }
    %while3A_639 = arith.constant 1 : i32
    %while3A_640:2 = scf.for %while3A_902 = %while3A_636 to %while3A_632 step %while3A_639 iter_args(%while3A_903 = %while3A_638#0, %while3A_904 = %while3A_638#1) -> (i32, i32)  : i32 {
      %mul3A_905 = arith.constant 16 : i32
      %mul3A_906 = arith.muli %while3A_902, %mul3A_905 : i32
      %get3A_907 = arith.index_cast %mul3A_906 : i32 to index
      %get3A_908 = tpu.vector_load %arg10[%get3A_907] {strides = array<i32>} : memref<8208xi32, #tpu.memory_space<vmem>>, vector<16xi32>,
      %mul3A_909 = arith.constant 16 : i32
      %mul3A_910 = arith.muli %while3A_902, %mul3A_909 : i32
      %get3A_911 = arith.index_cast %mul3A_910 : i32 to index
      %get3A_912 = tpu.vector_load %arg11[%get3A_911] {strides = array<i32>} : memref<8208xi32, #tpu.memory_space<vmem>>, vector<16xi32>,
      %gt3A = vector.broadcast %while3A_625#0 : i32 to vector<16xi32>
      %gt3A_913 = arith.cmpi sgt, %get3A_908, %gt3A : vector<16xi32>
      %eq3A = vector.broadcast %while3A_625#0 : i32 to vector<16xi32>
      %eq3A_914 = arith.cmpi eq, %get3A_908, %eq3A : vector<16xi32>
      %convert_element_type3A = arith.extui %eq3A_914 : vector<16xi1> to vector<16xi32>
      %broadcast_in_dim3A_915 = arith.constant true
      %broadcast_in_dim3A_916 = vector.broadcast %broadcast_in_dim3A_915 : i1 to vector<16xi1>
      %masked_cumsum3A = tpu.scan <sum>, %convert_element_type3A masked %broadcast_in_dim3A_916 : vector<16xi32>, vector<16xi1> -> vector<16xi32>
      %add3A_917 = vector.broadcast %while3A_904 : i32 to vector<16xi32>
      %add3A_918 = arith.addi %masked_cumsum3A, %add3A_917 : vector<16xi32>
      %le3A = vector.broadcast %sub3A_627 : i32 to vector<16xi32>
      %le3A_919 = arith.cmpi sle, %add3A_918, %le3A : vector<16xi32>
      %and3A_920 = arith.andi %eq3A_914, %le3A_919 : vector<16xi1>
      %or3A = arith.ori %gt3A_913, %and3A_920 : vector<16xi1>
      %swap3A_921 = arith.index_cast %while3A_903 : i32 to index
      %swap3A_922 = tpu.vector_load %arg12[%swap3A_921] masked %or3A {strides = array<i32>} : memref<80xi32, #tpu.memory_space<vmem>>, vector<16xi32>, vector<16xi1>
      tpu.vector_store %arg12[%swap3A_921], %get3A_912 masked %or3A {strides = array<i32>} : memref<80xi32, #tpu.memory_space<vmem>>, vector<16xi32>, vector<16xi1>
      %all_reduce_population_count3A = tpu.all_reduce %or3A {dim = 0 : i64, kind = #tpu.reduction_kind<sum>} : vector<16xi1> -> vector<16xi32>
      %slice3A_923 = vector.extract_strided_slice %all_reduce_population_count3A {offsets = [0], sizes = [1], strides = [1]} : vector<16xi32> to vector<1xi32>
      %squeeze3A_924 = vector.extract %slice3A_923[0] : i32 from vector<1xi32>
      %add3A_925 = arith.addi %while3A_903, %squeeze3A_924 : i32
      %all_reduce_population_count3A_926 = tpu.all_reduce %eq3A_914 {dim = 0 : i64, kind = #tpu.reduction_kind<sum>} : vector<16xi1> -> vector<16xi32>
      %slice3A_927 = vector.extract_strided_slice %all_reduce_population_count3A_926 {offsets = [0], sizes = [1], strides = [1]} : vector<16xi32> to vector<1xi32>
      %squeeze3A_928 = vector.extract %slice3A_927[0] : i32 from vector<1xi32>
      %add3A_929 = arith.addi %while3A_904, %squeeze3A_928 : i32
      scf.yield %add3A_925, %add3A_929 : i32, i32
    }
    %get3A_641 = arith.constant 0 : index
    %get3A_642 = tpu.vector_load %arg12[%get3A_641] {strides = array<i32>} : memref<80xi32, #tpu.memory_space<vmem>>, vector<16xi32>,
    %gather3A_643 = tpu.vector_load_idx %arg5[%get3A_642] : memref<8192xf32, #tpu.memory_space<vmem>>[vector<16xi32>], vector<16xf32>,
    %swap3A_644 = arith.constant 0 : index
    %swap3A_645 = tpu.vector_load %arg15[%swap3A_644] {strides = array<i32>} : memref<64xf32, #tpu.memory_space<vmem>>, vector<16xf32>,
    tpu.vector_store %arg15[%swap3A_644], %gather3A_643 {strides = array<i32>} : memref<64xf32, #tpu.memory_space<vmem>>, vector<16xf32>,
    %get3A_646 = arith.constant 16 : index
    %get3A_647 = tpu.vector_load %arg12[%get3A_646] {strides = array<i32>} : memref<80xi32, #tpu.memory_space<vmem>>, vector<16xi32>,
    %gather3A_648 = tpu.vector_load_idx %arg5[%get3A_647] : memref<8192xf32, #tpu.memory_space<vmem>>[vector<16xi32>], vector<16xf32>,
    %swap3A_649 = arith.constant 16 : index
    %swap3A_650 = tpu.vector_load %arg15[%swap3A_649] {strides = array<i32>} : memref<64xf32, #tpu.memory_space<vmem>>, vector<16xf32>,
    tpu.vector_store %arg15[%swap3A_649], %gather3A_648 {strides = array<i32>} : memref<64xf32, #tpu.memory_space<vmem>>, vector<16xf32>,
    %get3A_651 = arith.constant 32 : index
    %get3A_652 = tpu.vector_load %arg12[%get3A_651] {strides = array<i32>} : memref<80xi32, #tpu.memory_space<vmem>>, vector<16xi32>,
    %gather3A_653 = tpu.vector_load_idx %arg5[%get3A_652] : memref<8192xf32, #tpu.memory_space<vmem>>[vector<16xi32>], vector<16xf32>,
    %swap3A_654 = arith.constant 32 : index
    %swap3A_655 = tpu.vector_load %arg15[%swap3A_654] {strides = array<i32>} : memref<64xf32, #tpu.memory_space<vmem>>, vector<16xf32>,
    tpu.vector_store %arg15[%swap3A_654], %gather3A_653 {strides = array<i32>} : memref<64xf32, #tpu.memory_space<vmem>>, vector<16xf32>,
    %get3A_656 = arith.constant 48 : index
    %get3A_657 = tpu.vector_load %arg12[%get3A_656] {strides = array<i32>} : memref<80xi32, #tpu.memory_space<vmem>>, vector<16xi32>,
    %gather3A_658 = tpu.vector_load_idx %arg5[%get3A_657] : memref<8192xf32, #tpu.memory_space<vmem>>[vector<16xi32>], vector<16xf32>,
    %swap3A_659 = arith.constant 48 : index
    %swap3A_660 = tpu.vector_load %arg15[%swap3A_659] {strides = array<i32>} : memref<64xf32, #tpu.memory_space<vmem>>, vector<16xf32>,
    tpu.vector_store %arg15[%swap3A_659], %gather3A_658 {strides = array<i32>} : memref<64xf32, #tpu.memory_space<vmem>>, vector<16xf32>,
    %add3A_661 = arith.constant 2 : i32
    %add3A_662 = arith.addi %mul3A_2, %add3A_661 : i32
    %dma_start3A_663 = arith.constant 0 : i32
    %dma_start3A_664 = tpu.memref_slice %arg4[%add3A_662, %dma_start3A_663] : memref<128x64xf32, #tpu.memory_space<hbm>> -> memref<1x64xf32, #tpu.memory_space<hbm>>
    %dma_start3A_665 = tpu.memref_squeeze %dma_start3A_664 : memref<1x64xf32, #tpu.memory_space<hbm>> -> memref<64xf32, #tpu.memory_space<hbm>>
    %dma_start3A_666 = arith.constant 0 : i32
    %dma_start3A_667 = tpu.memref_slice %arg4[%add3A_662, %dma_start3A_666] : memref<128x64xf32, #tpu.memory_space<hbm>> -> memref<1x64xf32, #tpu.memory_space<hbm>>
    %dma_start3A_668 = tpu.memref_squeeze %dma_start3A_667 : memref<1x64xf32, #tpu.memory_space<hbm>> -> memref<64xf32, #tpu.memory_space<hbm>>
    tpu.enqueue_dma source(%arg15 : memref<64xf32, #tpu.memory_space<vmem>>) target(%dma_start3A_668 : memref<64xf32, #tpu.memory_space<hbm>>) target_semaphore(%arg18 : memref<!tpu.dma_semaphore, #tpu.memory_space<semaphore_mem>>)
    %dma_wait3A_669 = arith.constant 0 : i32
    %dma_wait3A_670 = tpu.memref_slice %arg2[%add3A_457, %dma_wait3A_669] : memref<128x8192xf32, #tpu.memory_space<hbm>> -> memref<1x8192xf32, #tpu.memory_space<hbm>>
    %dma_wait3A_671 = tpu.memref_squeeze %dma_wait3A_670 : memref<1x8192xf32, #tpu.memory_space<hbm>> -> memref<8192xf32, #tpu.memory_space<hbm>>
    %dma_wait3A_672 = arith.constant 0 : i32
    %dma_wait3A_673 = tpu.memref_slice %arg2[%add3A_457, %dma_wait3A_672] : memref<128x8192xf32, #tpu.memory_space<hbm>> -> memref<1x8192xf32, #tpu.memory_space<hbm>>
    %dma_wait3A_674 = tpu.memref_squeeze %dma_wait3A_673 : memref<1x8192xf32, #tpu.memory_space<hbm>> -> memref<8192xf32, #tpu.memory_space<hbm>>
    tpu.wait_dma2 semaphore(%arg18 : memref<!tpu.dma_semaphore, #tpu.memory_space<semaphore_mem>>) src(%dma_wait3A_674 : memref<8192xf32, #tpu.memory_space<hbm>>) dst(%arg6 : memref<8192xf32, #tpu.memory_space<vmem>>)
    %dma_wait3A_675 = arith.constant 0 : i32
    %dma_wait3A_676 = tpu.memref_slice %arg3[%add3A_465, %dma_wait3A_675] : memref<128x8192xi32, #tpu.memory_space<hbm>> -> memref<1x8192xi32, #tpu.memory_space<hbm>>
    %dma_wait3A_677 = tpu.memref_squeeze %dma_wait3A_676 : memref<1x8192xi32, #tpu.memory_space<hbm>> -> memref<8192xi32, #tpu.memory_space<hbm>>
    %dma_wait3A_678 = arith.constant 0 : i32
    %dma_wait3A_679 = tpu.memref_slice %arg3[%add3A_465, %dma_wait3A_678] : memref<128x8192xi32, #tpu.memory_space<hbm>> -> memref<1x8192xi32, #tpu.memory_space<hbm>>
    %dma_wait3A_680 = tpu.memref_squeeze %dma_wait3A_679 : memref<1x8192xi32, #tpu.memory_space<hbm>> -> memref<8192xi32, #tpu.memory_space<hbm>>
    tpu.wait_dma2 semaphore(%arg18 : memref<!tpu.dma_semaphore, #tpu.memory_space<semaphore_mem>>) src(%dma_wait3A_680 : memref<8192xi32, #tpu.memory_space<hbm>>) dst(%arg8 : memref<8192xi32, #tpu.memory_space<vmem>>)
    %broadcast_in_dim3A_681 = arith.constant 0xFF800000 : f32
    %broadcast_in_dim3A_682 = vector.broadcast %broadcast_in_dim3A_681 : f32 to vector<16xf32>
    %broadcast_in_dim3A_683 = arith.constant 0xFF800000 : f32
    %broadcast_in_dim3A_684 = vector.broadcast %broadcast_in_dim3A_683 : f32 to vector<16xf32>
    %broadcast_in_dim3A_685 = arith.constant 0xFF800000 : f32
    %broadcast_in_dim3A_686 = vector.broadcast %broadcast_in_dim3A_685 : f32 to vector<16xf32>
    %broadcast_in_dim3A_687 = arith.constant 0xFF800000 : f32
    %broadcast_in_dim3A_688 = vector.broadcast %broadcast_in_dim3A_687 : f32 to vector<16xf32>
    %broadcast_in_dim3A_689 = arith.constant 0xFF800000 : f32
    %broadcast_in_dim3A_690 = vector.broadcast %broadcast_in_dim3A_689 : f32 to vector<16xf32>
    %broadcast_in_dim3A_691 = arith.constant 0xFF800000 : f32
    %broadcast_in_dim3A_692 = vector.broadcast %broadcast_in_dim3A_691 : f32 to vector<16xf32>
    %broadcast_in_dim3A_693 = arith.constant 0xFF800000 : f32
    %broadcast_in_dim3A_694 = vector.broadcast %broadcast_in_dim3A_693 : f32 to vector<16xf32>
    %broadcast_in_dim3A_695 = arith.constant 0xFF800000 : f32
    %broadcast_in_dim3A_696 = vector.broadcast %broadcast_in_dim3A_695 : f32 to vector<16xf32>
    %scan3A_697 = arith.constant 0 : i32
    %scan3A_698 = arith.constant 64 : i32
    %scan3A_699 = arith.addi %scan3A_697, %scan3A_698 : i32
    %scan3A_700 = arith.constant 1 : i32
    %scan3A_701:8 = scf.for %scan3A_902 = %scan3A_697 to %scan3A_699 step %scan3A_700 iter_args(%scan3A_903 = %broadcast_in_dim3A_682, %scan3A_904 = %broadcast_in_dim3A_684, %scan3A_905 = %broadcast_in_dim3A_686, %scan3A_906 = %broadcast_in_dim3A_688, %scan3A_907 = %broadcast_in_dim3A_690, %scan3A_908 = %broadcast_in_dim3A_692, %scan3A_909 = %broadcast_in_dim3A_694, %scan3A_910 = %broadcast_in_dim3A_696) -> (vector<16xf32>, vector<16xf32>, vector<16xf32>, vector<16xf32>, vector<16xf32>, vector<16xf32>, vector<16xf32>, vector<16xf32>)  : i32 {
      %mul3A_911 = arith.constant 8 : i32
      %mul3A_912 = arith.muli %mul3A_911, %scan3A_902 : i32
      %add3A_913 = arith.constant 0 : i32
      %add3A_914 = arith.addi %mul3A_912, %add3A_913 : i32
      %mul3A_915 = arith.constant 16 : i32
      %mul3A_916 = arith.muli %add3A_914, %mul3A_915 : i32
      %get3A_917 = arith.index_cast %mul3A_916 : i32 to index
      %get3A_918 = tpu.vector_load %arg6[%get3A_917] {strides = array<i32>} : memref<8192xf32, #tpu.memory_space<vmem>>, vector<16xf32>,
      %mul3A_919 = arith.constant 16 : i32
      %mul3A_920 = arith.muli %add3A_914, %mul3A_919 : i32
      %get3A_921 = arith.index_cast %mul3A_920 : i32 to index
      %get3A_922 = tpu.vector_load %arg8[%get3A_921] {strides = array<i32>} : memref<8192xi32, #tpu.memory_space<vmem>>, vector<16xi32>,
      %eq3A = arith.constant 0 : i32
      %eq3A_923 = vector.broadcast %eq3A : i32 to vector<16xi32>
      %eq3A_924 = arith.cmpi eq, %get3A_922, %eq3A_923 : vector<16xi32>
      %jit3A_925 = arith.constant 0xFF800000 : f32
      %broadcast_in_dim3A_926 = vector.broadcast %jit3A_925 : f32 to vector<16xf32>
      %select_n3A_927 = arith.select %eq3A_924, %broadcast_in_dim3A_926, %get3A_918 : vector<16xi1>, vector<16xf32>
      %mul3A_928 = arith.constant 16 : i32
      %mul3A_929 = arith.muli %add3A_914, %mul3A_928 : i32
      %swap3A_930 = arith.index_cast %mul3A_929 : i32 to index
      %swap3A_931 = tpu.vector_load %arg9[%swap3A_930] {strides = array<i32>} : memref<8192xf32, #tpu.memory_space<vmem>>, vector<16xf32>,
      tpu.vector_store %arg9[%swap3A_930], %select_n3A_927 {strides = array<i32>} : memref<8192xf32, #tpu.memory_space<vmem>>, vector<16xf32>,
      %max3A_932 = arith.maximumf %scan3A_903, %select_n3A_927 : vector<16xf32>
      %mul3A_933 = arith.constant 8 : i32
      %mul3A_934 = arith.muli %mul3A_933, %scan3A_902 : i32
      %add3A_935 = arith.constant 1 : i32
      %add3A_936 = arith.addi %mul3A_934, %add3A_935 : i32
      %mul3A_937 = arith.constant 16 : i32
      %mul3A_938 = arith.muli %add3A_936, %mul3A_937 : i32
      %get3A_939 = arith.index_cast %mul3A_938 : i32 to index
      %get3A_940 = tpu.vector_load %arg6[%get3A_939] {strides = array<i32>} : memref<8192xf32, #tpu.memory_space<vmem>>, vector<16xf32>,
      %mul3A_941 = arith.constant 16 : i32
      %mul3A_942 = arith.muli %add3A_936, %mul3A_941 : i32
      %get3A_943 = arith.index_cast %mul3A_942 : i32 to index
      %get3A_944 = tpu.vector_load %arg8[%get3A_943] {strides = array<i32>} : memref<8192xi32, #tpu.memory_space<vmem>>, vector<16xi32>,
      %eq3A_945 = arith.constant 0 : i32
      %eq3A_946 = vector.broadcast %eq3A_945 : i32 to vector<16xi32>
      %eq3A_947 = arith.cmpi eq, %get3A_944, %eq3A_946 : vector<16xi32>
      %jit3A_948 = arith.constant 0xFF800000 : f32
      %broadcast_in_dim3A_949 = vector.broadcast %jit3A_948 : f32 to vector<16xf32>
      %select_n3A_950 = arith.select %eq3A_947, %broadcast_in_dim3A_949, %get3A_940 : vector<16xi1>, vector<16xf32>
      %mul3A_951 = arith.constant 16 : i32
      %mul3A_952 = arith.muli %add3A_936, %mul3A_951 : i32
      %swap3A_953 = arith.index_cast %mul3A_952 : i32 to index
      %swap3A_954 = tpu.vector_load %arg9[%swap3A_953] {strides = array<i32>} : memref<8192xf32, #tpu.memory_space<vmem>>, vector<16xf32>,
      tpu.vector_store %arg9[%swap3A_953], %select_n3A_950 {strides = array<i32>} : memref<8192xf32, #tpu.memory_space<vmem>>, vector<16xf32>,
      %max3A_955 = arith.maximumf %scan3A_904, %select_n3A_950 : vector<16xf32>
      %mul3A_956 = arith.constant 8 : i32
      %mul3A_957 = arith.muli %mul3A_956, %scan3A_902 : i32
      %add3A_958 = arith.constant 2 : i32
      %add3A_959 = arith.addi %mul3A_957, %add3A_958 : i32
      %mul3A_960 = arith.constant 16 : i32
      %mul3A_961 = arith.muli %add3A_959, %mul3A_960 : i32
      %get3A_962 = arith.index_cast %mul3A_961 : i32 to index
      %get3A_963 = tpu.vector_load %arg6[%get3A_962] {strides = array<i32>} : memref<8192xf32, #tpu.memory_space<vmem>>, vector<16xf32>,
      %mul3A_964 = arith.constant 16 : i32
      %mul3A_965 = arith.muli %add3A_959, %mul3A_964 : i32
      %get3A_966 = arith.index_cast %mul3A_965 : i32 to index
      %get3A_967 = tpu.vector_load %arg8[%get3A_966] {strides = array<i32>} : memref<8192xi32, #tpu.memory_space<vmem>>, vector<16xi32>,
      %eq3A_968 = arith.constant 0 : i32
      %eq3A_969 = vector.broadcast %eq3A_968 : i32 to vector<16xi32>
      %eq3A_970 = arith.cmpi eq, %get3A_967, %eq3A_969 : vector<16xi32>
      %jit3A_971 = arith.constant 0xFF800000 : f32
      %broadcast_in_dim3A_972 = vector.broadcast %jit3A_971 : f32 to vector<16xf32>
      %select_n3A_973 = arith.select %eq3A_970, %broadcast_in_dim3A_972, %get3A_963 : vector<16xi1>, vector<16xf32>
      %mul3A_974 = arith.constant 16 : i32
      %mul3A_975 = arith.muli %add3A_959, %mul3A_974 : i32
      %swap3A_976 = arith.index_cast %mul3A_975 : i32 to index
      %swap3A_977 = tpu.vector_load %arg9[%swap3A_976] {strides = array<i32>} : memref<8192xf32, #tpu.memory_space<vmem>>, vector<16xf32>,
      tpu.vector_store %arg9[%swap3A_976], %select_n3A_973 {strides = array<i32>} : memref<8192xf32, #tpu.memory_space<vmem>>, vector<16xf32>,
      %max3A_978 = arith.maximumf %scan3A_905, %select_n3A_973 : vector<16xf32>
      %mul3A_979 = arith.constant 8 : i32
      %mul3A_980 = arith.muli %mul3A_979, %scan3A_902 : i32
      %add3A_981 = arith.constant 3 : i32
      %add3A_982 = arith.addi %mul3A_980, %add3A_981 : i32
      %mul3A_983 = arith.constant 16 : i32
      %mul3A_984 = arith.muli %add3A_982, %mul3A_983 : i32
      %get3A_985 = arith.index_cast %mul3A_984 : i32 to index
      %get3A_986 = tpu.vector_load %arg6[%get3A_985] {strides = array<i32>} : memref<8192xf32, #tpu.memory_space<vmem>>, vector<16xf32>,
      %mul3A_987 = arith.constant 16 : i32
      %mul3A_988 = arith.muli %add3A_982, %mul3A_987 : i32
      %get3A_989 = arith.index_cast %mul3A_988 : i32 to index
      %get3A_990 = tpu.vector_load %arg8[%get3A_989] {strides = array<i32>} : memref<8192xi32, #tpu.memory_space<vmem>>, vector<16xi32>,
      %eq3A_991 = arith.constant 0 : i32
      %eq3A_992 = vector.broadcast %eq3A_991 : i32 to vector<16xi32>
      %eq3A_993 = arith.cmpi eq, %get3A_990, %eq3A_992 : vector<16xi32>
      %jit3A_994 = arith.constant 0xFF800000 : f32
      %broadcast_in_dim3A_995 = vector.broadcast %jit3A_994 : f32 to vector<16xf32>
      %select_n3A_996 = arith.select %eq3A_993, %broadcast_in_dim3A_995, %get3A_986 : vector<16xi1>, vector<16xf32>
      %mul3A_997 = arith.constant 16 : i32
      %mul3A_998 = arith.muli %add3A_982, %mul3A_997 : i32
      %swap3A_999 = arith.index_cast %mul3A_998 : i32 to index
      %swap3A_1000 = tpu.vector_load %arg9[%swap3A_999] {strides = array<i32>} : memref<8192xf32, #tpu.memory_space<vmem>>, vector<16xf32>,
      tpu.vector_store %arg9[%swap3A_999], %select_n3A_996 {strides = array<i32>} : memref<8192xf32, #tpu.memory_space<vmem>>, vector<16xf32>,
      %max3A_1001 = arith.maximumf %scan3A_906, %select_n3A_996 : vector<16xf32>
      %mul3A_1002 = arith.constant 8 : i32
      %mul3A_1003 = arith.muli %mul3A_1002, %scan3A_902 : i32
      %add3A_1004 = arith.constant 4 : i32
      %add3A_1005 = arith.addi %mul3A_1003, %add3A_1004 : i32
      %mul3A_1006 = arith.constant 16 : i32
      %mul3A_1007 = arith.muli %add3A_1005, %mul3A_1006 : i32
      %get3A_1008 = arith.index_cast %mul3A_1007 : i32 to index
      %get3A_1009 = tpu.vector_load %arg6[%get3A_1008] {strides = array<i32>} : memref<8192xf32, #tpu.memory_space<vmem>>, vector<16xf32>,
      %mul3A_1010 = arith.constant 16 : i32
      %mul3A_1011 = arith.muli %add3A_1005, %mul3A_1010 : i32
      %get3A_1012 = arith.index_cast %mul3A_1011 : i32 to index
      %get3A_1013 = tpu.vector_load %arg8[%get3A_1012] {strides = array<i32>} : memref<8192xi32, #tpu.memory_space<vmem>>, vector<16xi32>,
      %eq3A_1014 = arith.constant 0 : i32
      %eq3A_1015 = vector.broadcast %eq3A_1014 : i32 to vector<16xi32>
      %eq3A_1016 = arith.cmpi eq, %get3A_1013, %eq3A_1015 : vector<16xi32>
      %jit3A_1017 = arith.constant 0xFF800000 : f32
      %broadcast_in_dim3A_1018 = vector.broadcast %jit3A_1017 : f32 to vector<16xf32>
      %select_n3A_1019 = arith.select %eq3A_1016, %broadcast_in_dim3A_1018, %get3A_1009 : vector<16xi1>, vector<16xf32>
      %mul3A_1020 = arith.constant 16 : i32
      %mul3A_1021 = arith.muli %add3A_1005, %mul3A_1020 : i32
      %swap3A_1022 = arith.index_cast %mul3A_1021 : i32 to index
      %swap3A_1023 = tpu.vector_load %arg9[%swap3A_1022] {strides = array<i32>} : memref<8192xf32, #tpu.memory_space<vmem>>, vector<16xf32>,
      tpu.vector_store %arg9[%swap3A_1022], %select_n3A_1019 {strides = array<i32>} : memref<8192xf32, #tpu.memory_space<vmem>>, vector<16xf32>,
      %max3A_1024 = arith.maximumf %scan3A_907, %select_n3A_1019 : vector<16xf32>
      %mul3A_1025 = arith.constant 8 : i32
      %mul3A_1026 = arith.muli %mul3A_1025, %scan3A_902 : i32
      %add3A_1027 = arith.constant 5 : i32
      %add3A_1028 = arith.addi %mul3A_1026, %add3A_1027 : i32
      %mul3A_1029 = arith.constant 16 : i32
      %mul3A_1030 = arith.muli %add3A_1028, %mul3A_1029 : i32
      %get3A_1031 = arith.index_cast %mul3A_1030 : i32 to index
      %get3A_1032 = tpu.vector_load %arg6[%get3A_1031] {strides = array<i32>} : memref<8192xf32, #tpu.memory_space<vmem>>, vector<16xf32>,
      %mul3A_1033 = arith.constant 16 : i32
      %mul3A_1034 = arith.muli %add3A_1028, %mul3A_1033 : i32
      %get3A_1035 = arith.index_cast %mul3A_1034 : i32 to index
      %get3A_1036 = tpu.vector_load %arg8[%get3A_1035] {strides = array<i32>} : memref<8192xi32, #tpu.memory_space<vmem>>, vector<16xi32>,
      %eq3A_1037 = arith.constant 0 : i32
      %eq3A_1038 = vector.broadcast %eq3A_1037 : i32 to vector<16xi32>
      %eq3A_1039 = arith.cmpi eq, %get3A_1036, %eq3A_1038 : vector<16xi32>
      %jit3A_1040 = arith.constant 0xFF800000 : f32
      %broadcast_in_dim3A_1041 = vector.broadcast %jit3A_1040 : f32 to vector<16xf32>
      %select_n3A_1042 = arith.select %eq3A_1039, %broadcast_in_dim3A_1041, %get3A_1032 : vector<16xi1>, vector<16xf32>
      %mul3A_1043 = arith.constant 16 : i32
      %mul3A_1044 = arith.muli %add3A_1028, %mul3A_1043 : i32
      %swap3A_1045 = arith.index_cast %mul3A_1044 : i32 to index
      %swap3A_1046 = tpu.vector_load %arg9[%swap3A_1045] {strides = array<i32>} : memref<8192xf32, #tpu.memory_space<vmem>>, vector<16xf32>,
      tpu.vector_store %arg9[%swap3A_1045], %select_n3A_1042 {strides = array<i32>} : memref<8192xf32, #tpu.memory_space<vmem>>, vector<16xf32>,
      %max3A_1047 = arith.maximumf %scan3A_908, %select_n3A_1042 : vector<16xf32>
      %mul3A_1048 = arith.constant 8 : i32
      %mul3A_1049 = arith.muli %mul3A_1048, %scan3A_902 : i32
      %add3A_1050 = arith.constant 6 : i32
      %add3A_1051 = arith.addi %mul3A_1049, %add3A_1050 : i32
      %mul3A_1052 = arith.constant 16 : i32
      %mul3A_1053 = arith.muli %add3A_1051, %mul3A_1052 : i32
      %get3A_1054 = arith.index_cast %mul3A_1053 : i32 to index
      %get3A_1055 = tpu.vector_load %arg6[%get3A_1054] {strides = array<i32>} : memref<8192xf32, #tpu.memory_space<vmem>>, vector<16xf32>,
      %mul3A_1056 = arith.constant 16 : i32
      %mul3A_1057 = arith.muli %add3A_1051, %mul3A_1056 : i32
      %get3A_1058 = arith.index_cast %mul3A_1057 : i32 to index
      %get3A_1059 = tpu.vector_load %arg8[%get3A_1058] {strides = array<i32>} : memref<8192xi32, #tpu.memory_space<vmem>>, vector<16xi32>,
      %eq3A_1060 = arith.constant 0 : i32
      %eq3A_1061 = vector.broadcast %eq3A_1060 : i32 to vector<16xi32>
      %eq3A_1062 = arith.cmpi eq, %get3A_1059, %eq3A_1061 : vector<16xi32>
      %jit3A_1063 = arith.constant 0xFF800000 : f32
      %broadcast_in_dim3A_1064 = vector.broadcast %jit3A_1063 : f32 to vector<16xf32>
      %select_n3A_1065 = arith.select %eq3A_1062, %broadcast_in_dim3A_1064, %get3A_1055 : vector<16xi1>, vector<16xf32>
      %mul3A_1066 = arith.constant 16 : i32
      %mul3A_1067 = arith.muli %add3A_1051, %mul3A_1066 : i32
      %swap3A_1068 = arith.index_cast %mul3A_1067 : i32 to index
      %swap3A_1069 = tpu.vector_load %arg9[%swap3A_1068] {strides = array<i32>} : memref<8192xf32, #tpu.memory_space<vmem>>, vector<16xf32>,
      tpu.vector_store %arg9[%swap3A_1068], %select_n3A_1065 {strides = array<i32>} : memref<8192xf32, #tpu.memory_space<vmem>>, vector<16xf32>,
      %max3A_1070 = arith.maximumf %scan3A_909, %select_n3A_1065 : vector<16xf32>
      %mul3A_1071 = arith.constant 8 : i32
      %mul3A_1072 = arith.muli %mul3A_1071, %scan3A_902 : i32
      %add3A_1073 = arith.constant 7 : i32
      %add3A_1074 = arith.addi %mul3A_1072, %add3A_1073 : i32
      %mul3A_1075 = arith.constant 16 : i32
      %mul3A_1076 = arith.muli %add3A_1074, %mul3A_1075 : i32
      %get3A_1077 = arith.index_cast %mul3A_1076 : i32 to index
      %get3A_1078 = tpu.vector_load %arg6[%get3A_1077] {strides = array<i32>} : memref<8192xf32, #tpu.memory_space<vmem>>, vector<16xf32>,
      %mul3A_1079 = arith.constant 16 : i32
      %mul3A_1080 = arith.muli %add3A_1074, %mul3A_1079 : i32
      %get3A_1081 = arith.index_cast %mul3A_1080 : i32 to index
      %get3A_1082 = tpu.vector_load %arg8[%get3A_1081] {strides = array<i32>} : memref<8192xi32, #tpu.memory_space<vmem>>, vector<16xi32>,
      %eq3A_1083 = arith.constant 0 : i32
      %eq3A_1084 = vector.broadcast %eq3A_1083 : i32 to vector<16xi32>
      %eq3A_1085 = arith.cmpi eq, %get3A_1082, %eq3A_1084 : vector<16xi32>
      %jit3A_1086 = arith.constant 0xFF800000 : f32
      %broadcast_in_dim3A_1087 = vector.broadcast %jit3A_1086 : f32 to vector<16xf32>
      %select_n3A_1088 = arith.select %eq3A_1085, %broadcast_in_dim3A_1087, %get3A_1078 : vector<16xi1>, vector<16xf32>
      %mul3A_1089 = arith.constant 16 : i32
      %mul3A_1090 = arith.muli %add3A_1074, %mul3A_1089 : i32
      %swap3A_1091 = arith.index_cast %mul3A_1090 : i32 to index
      %swap3A_1092 = tpu.vector_load %arg9[%swap3A_1091] {strides = array<i32>} : memref<8192xf32, #tpu.memory_space<vmem>>, vector<16xf32>,
      tpu.vector_store %arg9[%swap3A_1091], %select_n3A_1088 {strides = array<i32>} : memref<8192xf32, #tpu.memory_space<vmem>>, vector<16xf32>,
      %max3A_1093 = arith.maximumf %scan3A_910, %select_n3A_1088 : vector<16xf32>
      scf.yield %max3A_932, %max3A_955, %max3A_978, %max3A_1001, %max3A_1024, %max3A_1047, %max3A_1070, %max3A_1093 : vector<16xf32>, vector<16xf32>, vector<16xf32>, vector<16xf32>, vector<16xf32>, vector<16xf32>, vector<16xf32>, vector<16xf32>
    }
    %scan3A_702 = arith.constant 64 : i32
    %min3A_703 = arith.minimumf %scan3A_701#0, %scan3A_701#1 : vector<16xf32>
    %max3A_704 = arith.maximumf %scan3A_701#0, %scan3A_701#1 : vector<16xf32>
    %min3A_705 = arith.minimumf %min3A_703, %scan3A_701#2 : vector<16xf32>
    %max3A_706 = arith.maximumf %max3A_704, %scan3A_701#2 : vector<16xf32>
    %min3A_707 = arith.minimumf %min3A_705, %scan3A_701#3 : vector<16xf32>
    %max3A_708 = arith.maximumf %max3A_706, %scan3A_701#3 : vector<16xf32>
    %min3A_709 = arith.minimumf %min3A_707, %scan3A_701#4 : vector<16xf32>
    %max3A_710 = arith.maximumf %max3A_708, %scan3A_701#4 : vector<16xf32>
    %min3A_711 = arith.minimumf %min3A_709, %scan3A_701#5 : vector<16xf32>
    %max3A_712 = arith.maximumf %max3A_710, %scan3A_701#5 : vector<16xf32>
    %min3A_713 = arith.minimumf %min3A_711, %scan3A_701#6 : vector<16xf32>
    %max3A_714 = arith.maximumf %max3A_712, %scan3A_701#6 : vector<16xf32>
    %min3A_715 = arith.minimumf %min3A_713, %scan3A_701#7 : vector<16xf32>
    %max3A_716 = arith.maximumf %max3A_714, %scan3A_701#7 : vector<16xf32>
    %neg3A_717 = arith.constant 0.000000e+00 : f32
    %neg3A_718 = vector.broadcast %neg3A_717 : f32 to vector<16xf32>
    %neg3A_719 = arith.subf %neg3A_718, %min3A_715 : vector<16xf32>
    %reduce_max3A_720 = arith.constant true
    %reduce_max3A_721 = vector.broadcast %reduce_max3A_720 : i1 to vector<16xi1>
    %reduce_max3A_722 = tpu.scan <max>, %neg3A_719 masked %reduce_max3A_721 : vector<16xf32>, vector<16xi1> -> vector<16xf32>
    %reduce_max3A_723 = vector.extract %reduce_max3A_722[15] : f32 from vector<16xf32>
    %neg3A_724 = arith.constant 0.000000e+00 : f32
    %neg3A_725 = arith.subf %neg3A_724, %reduce_max3A_723 : f32
    %reduce_max3A_726 = arith.constant true
    %reduce_max3A_727 = vector.broadcast %reduce_max3A_726 : i1 to vector<16xi1>
    %reduce_max3A_728 = tpu.scan <max>, %max3A_716 masked %reduce_max3A_727 : vector<16xf32>, vector<16xi1> -> vector<16xf32>
    %reduce_max3A_729 = vector.extract %reduce_max3A_728[15] : f32 from vector<16xf32>
    %broadcast_in_dim3A_730 = arith.constant 0.000000e+00 : f32
    %broadcast_in_dim3A_731 = vector.broadcast %broadcast_in_dim3A_730 : f32 to vector<16xf32>
    %add3A_732 = vector.broadcast %neg3A_725 : f32 to vector<16xf32>
    %add3A_733 = arith.addf %broadcast_in_dim3A_731, %add3A_732 : vector<16xf32>
    %bitcast_convert_type3A_734 = tpu.bitcast %add3A_733 : vector<16xf32> -> vector<16xi32>
    %ge3A_735 = arith.constant 0 : i32
    %ge3A_736 = vector.broadcast %ge3A_735 : i32 to vector<16xi32>
    %ge3A_737 = arith.cmpi sge, %bitcast_convert_type3A_734, %ge3A_736 : vector<16xi32>
    %xor3A_738 = arith.constant 2147483647 : i32
    %xor3A_739 = vector.broadcast %xor3A_738 : i32 to vector<16xi32>
    %xor3A_740 = arith.xori %bitcast_convert_type3A_734, %xor3A_739 : vector<16xi32>
    %select_n3A_741 = arith.select %ge3A_737, %bitcast_convert_type3A_734, %xor3A_740 : vector<16xi1>, vector<16xi32>
    %slice3A_742 = vector.extract_strided_slice %select_n3A_741 {offsets = [0], sizes = [1], strides = [1]} : vector<16xi32> to vector<1xi32>
    %squeeze3A_743 = vector.extract %slice3A_742[0] : i32 from vector<1xi32>
    %broadcast_in_dim3A_744 = arith.constant 0.000000e+00 : f32
    %broadcast_in_dim3A_745 = vector.broadcast %broadcast_in_dim3A_744 : f32 to vector<16xf32>
    %add3A_746 = vector.broadcast %reduce_max3A_729 : f32 to vector<16xf32>
    %add3A_747 = arith.addf %broadcast_in_dim3A_745, %add3A_746 : vector<16xf32>
    %bitcast_convert_type3A_748 = tpu.bitcast %add3A_747 : vector<16xf32> -> vector<16xi32>
    %ge3A_749 = arith.constant 0 : i32
    %ge3A_750 = vector.broadcast %ge3A_749 : i32 to vector<16xi32>
    %ge3A_751 = arith.cmpi sge, %bitcast_convert_type3A_748, %ge3A_750 : vector<16xi32>
    %xor3A_752 = arith.constant 2147483647 : i32
    %xor3A_753 = vector.broadcast %xor3A_752 : i32 to vector<16xi32>
    %xor3A_754 = arith.xori %bitcast_convert_type3A_748, %xor3A_753 : vector<16xi32>
    %select_n3A_755 = arith.select %ge3A_751, %bitcast_convert_type3A_748, %xor3A_754 : vector<16xi1>, vector<16xi32>
    %slice3A_756 = vector.extract_strided_slice %select_n3A_755 {offsets = [0], sizes = [1], strides = [1]} : vector<16xi32> to vector<1xi32>
    %squeeze3A_757 = vector.extract %slice3A_756[0] : i32 from vector<1xi32>
    %add3A_758 = arith.constant 1 : i32
    %add3A_759 = arith.addi %squeeze3A_757, %add3A_758 : i32
    %scan3A_760 = arith.constant 0 : i32
    %scan3A_761 = arith.constant 6 : i32
    %scan3A_762 = arith.addi %scan3A_760, %scan3A_761 : i32
    %scan3A_763 = arith.constant 1 : i32
    %scan3A_764:2 = scf.for %scan3A_902 = %scan3A_760 to %scan3A_762 step %scan3A_763 iter_args(%scan3A_903 = %squeeze3A_743, %scan3A_904 = %add3A_759) -> (i32, i32)  : i32 {
      %sub3A_905 = arith.subi %scan3A_904, %scan3A_903 : i32
      %shift_right_logical3A = arith.constant 1 : i32
      %shift_right_logical3A_906 = arith.shrui %sub3A_905, %shift_right_logical3A : i32
      %add3A_907 = arith.addi %scan3A_903, %shift_right_logical3A_906 : i32
      %broadcast_in_dim3A_908 = arith.constant 0 : i32
      %broadcast_in_dim3A_909 = vector.broadcast %broadcast_in_dim3A_908 : i32 to vector<16xi32>
      %add3A_910 = vector.broadcast %add3A_907 : i32 to vector<16xi32>
      %add3A_911 = arith.addi %broadcast_in_dim3A_909, %add3A_910 : vector<16xi32>
      %ge3A_912 = arith.constant 0 : i32
      %ge3A_913 = vector.broadcast %ge3A_912 : i32 to vector<16xi32>
      %ge3A_914 = arith.cmpi sge, %add3A_911, %ge3A_913 : vector<16xi32>
      %xor3A_915 = arith.constant 2147483647 : i32
      %xor3A_916 = vector.broadcast %xor3A_915 : i32 to vector<16xi32>
      %xor3A_917 = arith.xori %add3A_911, %xor3A_916 : vector<16xi32>
      %select_n3A_918 = arith.select %ge3A_914, %add3A_911, %xor3A_917 : vector<16xi1>, vector<16xi32>
      %bitcast_convert_type3A_919 = tpu.bitcast %select_n3A_918 : vector<16xi32> -> vector<16xf32>
      %broadcast_in_dim3A_920 = arith.constant 0 : i32
      %broadcast_in_dim3A_921 = vector.broadcast %broadcast_in_dim3A_920 : i32 to vector<16xi32>
      %ge3A_922 = arith.cmpf oge, %scan3A_701#0, %bitcast_convert_type3A_919 : vector<16xf32>
      %convert_element_type3A = arith.extui %ge3A_922 : vector<16xi1> to vector<16xi32>
      %add3A_923 = arith.addi %broadcast_in_dim3A_921, %convert_element_type3A : vector<16xi32>
      %ge3A_924 = arith.cmpf oge, %scan3A_701#1, %bitcast_convert_type3A_919 : vector<16xf32>
      %convert_element_type3A_925 = arith.extui %ge3A_924 : vector<16xi1> to vector<16xi32>
      %add3A_926 = arith.addi %add3A_923, %convert_element_type3A_925 : vector<16xi32>
      %ge3A_927 = arith.cmpf oge, %scan3A_701#2, %bitcast_convert_type3A_919 : vector<16xf32>
      %convert_element_type3A_928 = arith.extui %ge3A_927 : vector<16xi1> to vector<16xi32>
      %add3A_929 = arith.addi %add3A_926, %convert_element_type3A_928 : vector<16xi32>
      %ge3A_930 = arith.cmpf oge, %scan3A_701#3, %bitcast_convert_type3A_919 : vector<16xf32>
      %convert_element_type3A_931 = arith.extui %ge3A_930 : vector<16xi1> to vector<16xi32>
      %add3A_932 = arith.addi %add3A_929, %convert_element_type3A_931 : vector<16xi32>
      %ge3A_933 = arith.cmpf oge, %scan3A_701#4, %bitcast_convert_type3A_919 : vector<16xf32>
      %convert_element_type3A_934 = arith.extui %ge3A_933 : vector<16xi1> to vector<16xi32>
      %add3A_935 = arith.addi %add3A_932, %convert_element_type3A_934 : vector<16xi32>
      %ge3A_936 = arith.cmpf oge, %scan3A_701#5, %bitcast_convert_type3A_919 : vector<16xf32>
      %convert_element_type3A_937 = arith.extui %ge3A_936 : vector<16xi1> to vector<16xi32>
      %add3A_938 = arith.addi %add3A_935, %convert_element_type3A_937 : vector<16xi32>
      %ge3A_939 = arith.cmpf oge, %scan3A_701#6, %bitcast_convert_type3A_919 : vector<16xf32>
      %convert_element_type3A_940 = arith.extui %ge3A_939 : vector<16xi1> to vector<16xi32>
      %add3A_941 = arith.addi %add3A_938, %convert_element_type3A_940 : vector<16xi32>
      %ge3A_942 = arith.cmpf oge, %scan3A_701#7, %bitcast_convert_type3A_919 : vector<16xf32>
      %convert_element_type3A_943 = arith.extui %ge3A_942 : vector<16xi1> to vector<16xi32>
      %add3A_944 = arith.addi %add3A_941, %convert_element_type3A_943 : vector<16xi32>
      %reduce_sum3A = arith.constant true
      %reduce_sum3A_945 = vector.broadcast %reduce_sum3A : i1 to vector<16xi1>
      %reduce_sum3A_946 = tpu.scan <sum>, %add3A_944 masked %reduce_sum3A_945 : vector<16xi32>, vector<16xi1> -> vector<16xi32>
      %reduce_sum3A_947 = vector.extract %reduce_sum3A_946[15] : i32 from vector<16xi32>
      %ge3A_948 = arith.constant 64 : i32
      %ge3A_949 = arith.cmpi sge, %reduce_sum3A_947, %ge3A_948 : i32
      %ne3A_950 = arith.constant 0 : i32
      %ne3A_951 = arith.cmpi ne, %shift_right_logical3A_906, %ne3A_950 : i32
      %and3A_952 = arith.andi %ne3A_951, %ge3A_949 : i1
      %ne3A_953 = arith.constant 0 : i32
      %ne3A_954 = arith.cmpi ne, %shift_right_logical3A_906, %ne3A_953 : i32
      %not3A = arith.constant true
      %not3A_955 = arith.xori %ge3A_949, %not3A : i1
      %and3A_956 = arith.andi %ne3A_954, %not3A_955 : i1
      %select_n3A_957 = arith.select %and3A_952, %add3A_907, %scan3A_903 : i32
      %select_n3A_958 = arith.select %and3A_956, %add3A_907, %scan3A_904 : i32
      scf.yield %select_n3A_957, %select_n3A_958 : i32, i32
    }
    %scan3A_765 = arith.constant 6 : i32
    %broadcast_in_dim3A_766 = arith.constant 0 : i32
    %broadcast_in_dim3A_767 = vector.broadcast %broadcast_in_dim3A_766 : i32 to vector<16xi32>
    %add3A_768 = vector.broadcast %scan3A_764#0 : i32 to vector<16xi32>
    %add3A_769 = arith.addi %broadcast_in_dim3A_767, %add3A_768 : vector<16xi32>
    %ge3A_770 = arith.constant 0 : i32
    %ge3A_771 = vector.broadcast %ge3A_770 : i32 to vector<16xi32>
    %ge3A_772 = arith.cmpi sge, %add3A_769, %ge3A_771 : vector<16xi32>
    %xor3A_773 = arith.constant 2147483647 : i32
    %xor3A_774 = vector.broadcast %xor3A_773 : i32 to vector<16xi32>
    %xor3A_775 = arith.xori %add3A_769, %xor3A_774 : vector<16xi32>
    %select_n3A_776 = arith.select %ge3A_772, %add3A_769, %xor3A_775 : vector<16xi1>, vector<16xi32>
    %bitcast_convert_type3A_777 = tpu.bitcast %select_n3A_776 : vector<16xi32> -> vector<16xf32>
    %slice3A_778 = vector.extract_strided_slice %bitcast_convert_type3A_777 {offsets = [0], sizes = [1], strides = [1]} : vector<16xf32> to vector<1xf32>
    %squeeze3A_779 = vector.extract %slice3A_778[0] : f32 from vector<1xf32>
    %scan3A_780 = arith.constant 0 : i32
    %scan3A_781 = arith.constant 0 : i32
    %scan3A_782 = arith.constant 64 : i32
    %scan3A_783 = arith.addi %scan3A_781, %scan3A_782 : i32
    %scan3A_784 = arith.constant 1 : i32
    %scan3A_785 = scf.for %scan3A_902 = %scan3A_781 to %scan3A_783 step %scan3A_784 iter_args(%scan3A_903 = %scan3A_780) -> (i32)  : i32 {
      %mul3A_904 = arith.constant 8 : i32
      %mul3A_905 = arith.muli %mul3A_904, %scan3A_902 : i32
      %add3A_906 = arith.constant 0 : i32
      %add3A_907 = arith.addi %mul3A_905, %add3A_906 : i32
      %mul3A_908 = arith.constant 16 : i32
      %mul3A_909 = arith.muli %add3A_907, %mul3A_908 : i32
      %get3A_910 = arith.index_cast %mul3A_909 : i32 to index
      %get3A_911 = tpu.vector_load %arg9[%get3A_910] {strides = array<i32>} : memref<8192xf32, #tpu.memory_space<vmem>>, vector<16xf32>,
      %ge3A_912 = vector.broadcast %squeeze3A_779 : f32 to vector<16xf32>
      %ge3A_913 = arith.cmpf oge, %get3A_911, %ge3A_912 : vector<16xf32>
      %all_reduce_population_count3A = tpu.all_reduce %ge3A_913 {dim = 0 : i64, kind = #tpu.reduction_kind<sum>} : vector<16xi1> -> vector<16xi32>
      %slice3A_914 = vector.extract_strided_slice %all_reduce_population_count3A {offsets = [0], sizes = [1], strides = [1]} : vector<16xi32> to vector<1xi32>
      %squeeze3A_915 = vector.extract %slice3A_914[0] : i32 from vector<1xi32>
      %mul3A_916 = arith.constant 8 : i32
      %mul3A_917 = arith.muli %mul3A_916, %scan3A_902 : i32
      %add3A_918 = arith.constant 1 : i32
      %add3A_919 = arith.addi %mul3A_917, %add3A_918 : i32
      %mul3A_920 = arith.constant 16 : i32
      %mul3A_921 = arith.muli %add3A_919, %mul3A_920 : i32
      %get3A_922 = arith.index_cast %mul3A_921 : i32 to index
      %get3A_923 = tpu.vector_load %arg9[%get3A_922] {strides = array<i32>} : memref<8192xf32, #tpu.memory_space<vmem>>, vector<16xf32>,
      %ge3A_924 = vector.broadcast %squeeze3A_779 : f32 to vector<16xf32>
      %ge3A_925 = arith.cmpf oge, %get3A_923, %ge3A_924 : vector<16xf32>
      %all_reduce_population_count3A_926 = tpu.all_reduce %ge3A_925 {dim = 0 : i64, kind = #tpu.reduction_kind<sum>} : vector<16xi1> -> vector<16xi32>
      %slice3A_927 = vector.extract_strided_slice %all_reduce_population_count3A_926 {offsets = [0], sizes = [1], strides = [1]} : vector<16xi32> to vector<1xi32>
      %squeeze3A_928 = vector.extract %slice3A_927[0] : i32 from vector<1xi32>
      %mul3A_929 = arith.constant 8 : i32
      %mul3A_930 = arith.muli %mul3A_929, %scan3A_902 : i32
      %add3A_931 = arith.constant 2 : i32
      %add3A_932 = arith.addi %mul3A_930, %add3A_931 : i32
      %mul3A_933 = arith.constant 16 : i32
      %mul3A_934 = arith.muli %add3A_932, %mul3A_933 : i32
      %get3A_935 = arith.index_cast %mul3A_934 : i32 to index
      %get3A_936 = tpu.vector_load %arg9[%get3A_935] {strides = array<i32>} : memref<8192xf32, #tpu.memory_space<vmem>>, vector<16xf32>,
      %ge3A_937 = vector.broadcast %squeeze3A_779 : f32 to vector<16xf32>
      %ge3A_938 = arith.cmpf oge, %get3A_936, %ge3A_937 : vector<16xf32>
      %all_reduce_population_count3A_939 = tpu.all_reduce %ge3A_938 {dim = 0 : i64, kind = #tpu.reduction_kind<sum>} : vector<16xi1> -> vector<16xi32>
      %slice3A_940 = vector.extract_strided_slice %all_reduce_population_count3A_939 {offsets = [0], sizes = [1], strides = [1]} : vector<16xi32> to vector<1xi32>
      %squeeze3A_941 = vector.extract %slice3A_940[0] : i32 from vector<1xi32>
      %mul3A_942 = arith.constant 8 : i32
      %mul3A_943 = arith.muli %mul3A_942, %scan3A_902 : i32
      %add3A_944 = arith.constant 3 : i32
      %add3A_945 = arith.addi %mul3A_943, %add3A_944 : i32
      %mul3A_946 = arith.constant 16 : i32
      %mul3A_947 = arith.muli %add3A_945, %mul3A_946 : i32
      %get3A_948 = arith.index_cast %mul3A_947 : i32 to index
      %get3A_949 = tpu.vector_load %arg9[%get3A_948] {strides = array<i32>} : memref<8192xf32, #tpu.memory_space<vmem>>, vector<16xf32>,
      %ge3A_950 = vector.broadcast %squeeze3A_779 : f32 to vector<16xf32>
      %ge3A_951 = arith.cmpf oge, %get3A_949, %ge3A_950 : vector<16xf32>
      %all_reduce_population_count3A_952 = tpu.all_reduce %ge3A_951 {dim = 0 : i64, kind = #tpu.reduction_kind<sum>} : vector<16xi1> -> vector<16xi32>
      %slice3A_953 = vector.extract_strided_slice %all_reduce_population_count3A_952 {offsets = [0], sizes = [1], strides = [1]} : vector<16xi32> to vector<1xi32>
      %squeeze3A_954 = vector.extract %slice3A_953[0] : i32 from vector<1xi32>
      %mul3A_955 = arith.constant 8 : i32
      %mul3A_956 = arith.muli %mul3A_955, %scan3A_902 : i32
      %add3A_957 = arith.constant 4 : i32
      %add3A_958 = arith.addi %mul3A_956, %add3A_957 : i32
      %mul3A_959 = arith.constant 16 : i32
      %mul3A_960 = arith.muli %add3A_958, %mul3A_959 : i32
      %get3A_961 = arith.index_cast %mul3A_960 : i32 to index
      %get3A_962 = tpu.vector_load %arg9[%get3A_961] {strides = array<i32>} : memref<8192xf32, #tpu.memory_space<vmem>>, vector<16xf32>,
      %ge3A_963 = vector.broadcast %squeeze3A_779 : f32 to vector<16xf32>
      %ge3A_964 = arith.cmpf oge, %get3A_962, %ge3A_963 : vector<16xf32>
      %all_reduce_population_count3A_965 = tpu.all_reduce %ge3A_964 {dim = 0 : i64, kind = #tpu.reduction_kind<sum>} : vector<16xi1> -> vector<16xi32>
      %slice3A_966 = vector.extract_strided_slice %all_reduce_population_count3A_965 {offsets = [0], sizes = [1], strides = [1]} : vector<16xi32> to vector<1xi32>
      %squeeze3A_967 = vector.extract %slice3A_966[0] : i32 from vector<1xi32>
      %mul3A_968 = arith.constant 8 : i32
      %mul3A_969 = arith.muli %mul3A_968, %scan3A_902 : i32
      %add3A_970 = arith.constant 5 : i32
      %add3A_971 = arith.addi %mul3A_969, %add3A_970 : i32
      %mul3A_972 = arith.constant 16 : i32
      %mul3A_973 = arith.muli %add3A_971, %mul3A_972 : i32
      %get3A_974 = arith.index_cast %mul3A_973 : i32 to index
      %get3A_975 = tpu.vector_load %arg9[%get3A_974] {strides = array<i32>} : memref<8192xf32, #tpu.memory_space<vmem>>, vector<16xf32>,
      %ge3A_976 = vector.broadcast %squeeze3A_779 : f32 to vector<16xf32>
      %ge3A_977 = arith.cmpf oge, %get3A_975, %ge3A_976 : vector<16xf32>
      %all_reduce_population_count3A_978 = tpu.all_reduce %ge3A_977 {dim = 0 : i64, kind = #tpu.reduction_kind<sum>} : vector<16xi1> -> vector<16xi32>
      %slice3A_979 = vector.extract_strided_slice %all_reduce_population_count3A_978 {offsets = [0], sizes = [1], strides = [1]} : vector<16xi32> to vector<1xi32>
      %squeeze3A_980 = vector.extract %slice3A_979[0] : i32 from vector<1xi32>
      %mul3A_981 = arith.constant 8 : i32
      %mul3A_982 = arith.muli %mul3A_981, %scan3A_902 : i32
      %add3A_983 = arith.constant 6 : i32
      %add3A_984 = arith.addi %mul3A_982, %add3A_983 : i32
      %mul3A_985 = arith.constant 16 : i32
      %mul3A_986 = arith.muli %add3A_984, %mul3A_985 : i32
      %get3A_987 = arith.index_cast %mul3A_986 : i32 to index
      %get3A_988 = tpu.vector_load %arg9[%get3A_987] {strides = array<i32>} : memref<8192xf32, #tpu.memory_space<vmem>>, vector<16xf32>,
      %ge3A_989 = vector.broadcast %squeeze3A_779 : f32 to vector<16xf32>
      %ge3A_990 = arith.cmpf oge, %get3A_988, %ge3A_989 : vector<16xf32>
      %all_reduce_population_count3A_991 = tpu.all_reduce %ge3A_990 {dim = 0 : i64, kind = #tpu.reduction_kind<sum>} : vector<16xi1> -> vector<16xi32>
      %slice3A_992 = vector.extract_strided_slice %all_reduce_population_count3A_991 {offsets = [0], sizes = [1], strides = [1]} : vector<16xi32> to vector<1xi32>
      %squeeze3A_993 = vector.extract %slice3A_992[0] : i32 from vector<1xi32>
      %mul3A_994 = arith.constant 8 : i32
      %mul3A_995 = arith.muli %mul3A_994, %scan3A_902 : i32
      %add3A_996 = arith.constant 7 : i32
      %add3A_997 = arith.addi %mul3A_995, %add3A_996 : i32
      %mul3A_998 = arith.constant 16 : i32
      %mul3A_999 = arith.muli %add3A_997, %mul3A_998 : i32
      %get3A_1000 = arith.index_cast %mul3A_999 : i32 to index
      %get3A_1001 = tpu.vector_load %arg9[%get3A_1000] {strides = array<i32>} : memref<8192xf32, #tpu.memory_space<vmem>>, vector<16xf32>,
      %ge3A_1002 = vector.broadcast %squeeze3A_779 : f32 to vector<16xf32>
      %ge3A_1003 = arith.cmpf oge, %get3A_1001, %ge3A_1002 : vector<16xf32>
      %all_reduce_population_count3A_1004 = tpu.all_reduce %ge3A_1003 {dim = 0 : i64, kind = #tpu.reduction_kind<sum>} : vector<16xi1> -> vector<16xi32>
      %slice3A_1005 = vector.extract_strided_slice %all_reduce_population_count3A_1004 {offsets = [0], sizes = [1], strides = [1]} : vector<16xi32> to vector<1xi32>
      %squeeze3A_1006 = vector.extract %slice3A_1005[0] : i32 from vector<1xi32>
      %add3A_1007 = arith.addi %scan3A_903, %squeeze3A_915 : i32
      %add3A_1008 = arith.addi %add3A_1007, %squeeze3A_928 : i32
      %add3A_1009 = arith.addi %add3A_1008, %squeeze3A_941 : i32
      %add3A_1010 = arith.addi %add3A_1009, %squeeze3A_954 : i32
      %add3A_1011 = arith.addi %add3A_1010, %squeeze3A_967 : i32
      %add3A_1012 = arith.addi %add3A_1011, %squeeze3A_980 : i32
      %add3A_1013 = arith.addi %add3A_1012, %squeeze3A_993 : i32
      %mul3A_1014 = arith.constant 8 : i32
      %mul3A_1015 = arith.muli %mul3A_1014, %scan3A_902 : i32
      %add3A_1016 = arith.constant 0 : i32
      %add3A_1017 = arith.addi %mul3A_1015, %add3A_1016 : i32
      %mul3A_1018 = arith.constant 16 : i32
      %mul3A_1019 = arith.muli %add3A_1017, %mul3A_1018 : i32
      %add3A_1020 = vector.broadcast %mul3A_1019 : i32 to vector<16xi32>
      %add3A_1021 = arith.addi %iota3A, %add3A_1020 : vector<16xi32>
      %swap3A_1022 = arith.index_cast %scan3A_903 : i32 to index
      %swap3A_1023 = tpu.vector_load %arg11[%swap3A_1022] masked %ge3A_913 {strides = array<i32>} : memref<8208xi32, #tpu.memory_space<vmem>>, vector<16xi32>, vector<16xi1>
      tpu.vector_store %arg11[%swap3A_1022], %add3A_1021 masked %ge3A_913 {strides = array<i32>} : memref<8208xi32, #tpu.memory_space<vmem>>, vector<16xi32>, vector<16xi1>
      %mul3A_1024 = arith.constant 8 : i32
      %mul3A_1025 = arith.muli %mul3A_1024, %scan3A_902 : i32
      %add3A_1026 = arith.constant 1 : i32
      %add3A_1027 = arith.addi %mul3A_1025, %add3A_1026 : i32
      %mul3A_1028 = arith.constant 16 : i32
      %mul3A_1029 = arith.muli %add3A_1027, %mul3A_1028 : i32
      %add3A_1030 = vector.broadcast %mul3A_1029 : i32 to vector<16xi32>
      %add3A_1031 = arith.addi %iota3A, %add3A_1030 : vector<16xi32>
      %swap3A_1032 = arith.index_cast %add3A_1007 : i32 to index
      %swap3A_1033 = tpu.vector_load %arg11[%swap3A_1032] masked %ge3A_925 {strides = array<i32>} : memref<8208xi32, #tpu.memory_space<vmem>>, vector<16xi32>, vector<16xi1>
      tpu.vector_store %arg11[%swap3A_1032], %add3A_1031 masked %ge3A_925 {strides = array<i32>} : memref<8208xi32, #tpu.memory_space<vmem>>, vector<16xi32>, vector<16xi1>
      %mul3A_1034 = arith.constant 8 : i32
      %mul3A_1035 = arith.muli %mul3A_1034, %scan3A_902 : i32
      %add3A_1036 = arith.constant 2 : i32
      %add3A_1037 = arith.addi %mul3A_1035, %add3A_1036 : i32
      %mul3A_1038 = arith.constant 16 : i32
      %mul3A_1039 = arith.muli %add3A_1037, %mul3A_1038 : i32
      %add3A_1040 = vector.broadcast %mul3A_1039 : i32 to vector<16xi32>
      %add3A_1041 = arith.addi %iota3A, %add3A_1040 : vector<16xi32>
      %swap3A_1042 = arith.index_cast %add3A_1008 : i32 to index
      %swap3A_1043 = tpu.vector_load %arg11[%swap3A_1042] masked %ge3A_938 {strides = array<i32>} : memref<8208xi32, #tpu.memory_space<vmem>>, vector<16xi32>, vector<16xi1>
      tpu.vector_store %arg11[%swap3A_1042], %add3A_1041 masked %ge3A_938 {strides = array<i32>} : memref<8208xi32, #tpu.memory_space<vmem>>, vector<16xi32>, vector<16xi1>
      %mul3A_1044 = arith.constant 8 : i32
      %mul3A_1045 = arith.muli %mul3A_1044, %scan3A_902 : i32
      %add3A_1046 = arith.constant 3 : i32
      %add3A_1047 = arith.addi %mul3A_1045, %add3A_1046 : i32
      %mul3A_1048 = arith.constant 16 : i32
      %mul3A_1049 = arith.muli %add3A_1047, %mul3A_1048 : i32
      %add3A_1050 = vector.broadcast %mul3A_1049 : i32 to vector<16xi32>
      %add3A_1051 = arith.addi %iota3A, %add3A_1050 : vector<16xi32>
      %swap3A_1052 = arith.index_cast %add3A_1009 : i32 to index
      %swap3A_1053 = tpu.vector_load %arg11[%swap3A_1052] masked %ge3A_951 {strides = array<i32>} : memref<8208xi32, #tpu.memory_space<vmem>>, vector<16xi32>, vector<16xi1>
      tpu.vector_store %arg11[%swap3A_1052], %add3A_1051 masked %ge3A_951 {strides = array<i32>} : memref<8208xi32, #tpu.memory_space<vmem>>, vector<16xi32>, vector<16xi1>
      %mul3A_1054 = arith.constant 8 : i32
      %mul3A_1055 = arith.muli %mul3A_1054, %scan3A_902 : i32
      %add3A_1056 = arith.constant 4 : i32
      %add3A_1057 = arith.addi %mul3A_1055, %add3A_1056 : i32
      %mul3A_1058 = arith.constant 16 : i32
      %mul3A_1059 = arith.muli %add3A_1057, %mul3A_1058 : i32
      %add3A_1060 = vector.broadcast %mul3A_1059 : i32 to vector<16xi32>
      %add3A_1061 = arith.addi %iota3A, %add3A_1060 : vector<16xi32>
      %swap3A_1062 = arith.index_cast %add3A_1010 : i32 to index
      %swap3A_1063 = tpu.vector_load %arg11[%swap3A_1062] masked %ge3A_964 {strides = array<i32>} : memref<8208xi32, #tpu.memory_space<vmem>>, vector<16xi32>, vector<16xi1>
      tpu.vector_store %arg11[%swap3A_1062], %add3A_1061 masked %ge3A_964 {strides = array<i32>} : memref<8208xi32, #tpu.memory_space<vmem>>, vector<16xi32>, vector<16xi1>
      %mul3A_1064 = arith.constant 8 : i32
      %mul3A_1065 = arith.muli %mul3A_1064, %scan3A_902 : i32
      %add3A_1066 = arith.constant 5 : i32
      %add3A_1067 = arith.addi %mul3A_1065, %add3A_1066 : i32
      %mul3A_1068 = arith.constant 16 : i32
      %mul3A_1069 = arith.muli %add3A_1067, %mul3A_1068 : i32
      %add3A_1070 = vector.broadcast %mul3A_1069 : i32 to vector<16xi32>
      %add3A_1071 = arith.addi %iota3A, %add3A_1070 : vector<16xi32>
      %swap3A_1072 = arith.index_cast %add3A_1011 : i32 to index
      %swap3A_1073 = tpu.vector_load %arg11[%swap3A_1072] masked %ge3A_977 {strides = array<i32>} : memref<8208xi32, #tpu.memory_space<vmem>>, vector<16xi32>, vector<16xi1>
      tpu.vector_store %arg11[%swap3A_1072], %add3A_1071 masked %ge3A_977 {strides = array<i32>} : memref<8208xi32, #tpu.memory_space<vmem>>, vector<16xi32>, vector<16xi1>
      %mul3A_1074 = arith.constant 8 : i32
      %mul3A_1075 = arith.muli %mul3A_1074, %scan3A_902 : i32
      %add3A_1076 = arith.constant 6 : i32
      %add3A_1077 = arith.addi %mul3A_1075, %add3A_1076 : i32
      %mul3A_1078 = arith.constant 16 : i32
      %mul3A_1079 = arith.muli %add3A_1077, %mul3A_1078 : i32
      %add3A_1080 = vector.broadcast %mul3A_1079 : i32 to vector<16xi32>
      %add3A_1081 = arith.addi %iota3A, %add3A_1080 : vector<16xi32>
      %swap3A_1082 = arith.index_cast %add3A_1012 : i32 to index
      %swap3A_1083 = tpu.vector_load %arg11[%swap3A_1082] masked %ge3A_990 {strides = array<i32>} : memref<8208xi32, #tpu.memory_space<vmem>>, vector<16xi32>, vector<16xi1>
      tpu.vector_store %arg11[%swap3A_1082], %add3A_1081 masked %ge3A_990 {strides = array<i32>} : memref<8208xi32, #tpu.memory_space<vmem>>, vector<16xi32>, vector<16xi1>
      %mul3A_1084 = arith.constant 8 : i32
      %mul3A_1085 = arith.muli %mul3A_1084, %scan3A_902 : i32
      %add3A_1086 = arith.constant 7 : i32
      %add3A_1087 = arith.addi %mul3A_1085, %add3A_1086 : i32
      %mul3A_1088 = arith.constant 16 : i32
      %mul3A_1089 = arith.muli %add3A_1087, %mul3A_1088 : i32
      %add3A_1090 = vector.broadcast %mul3A_1089 : i32 to vector<16xi32>
      %add3A_1091 = arith.addi %iota3A, %add3A_1090 : vector<16xi32>
      %swap3A_1092 = arith.index_cast %add3A_1013 : i32 to index
      %swap3A_1093 = tpu.vector_load %arg11[%swap3A_1092] masked %ge3A_1003 {strides = array<i32>} : memref<8208xi32, #tpu.memory_space<vmem>>, vector<16xi32>, vector<16xi1>
      tpu.vector_store %arg11[%swap3A_1092], %add3A_1091 masked %ge3A_1003 {strides = array<i32>} : memref<8208xi32, #tpu.memory_space<vmem>>, vector<16xi32>, vector<16xi1>
      %add3A_1094 = arith.addi %add3A_1013, %squeeze3A_1006 : i32
      scf.yield %add3A_1094 : i32
    }
    %scan3A_786 = arith.constant 64 : i32
    %add3A_787 = arith.constant 16 : i32
    %add3A_788 = arith.addi %scan3A_785, %add3A_787 : i32
    %sub3A_789 = arith.constant 1 : i32
    %sub3A_790 = arith.subi %add3A_788, %sub3A_789 : i32
    %jit3A_791 = arith.constant 16 : i32
    %div3A_792 = arith.divsi %sub3A_790, %jit3A_791 : i32
    %sign3A_793 = arith.constant 0 : i32
    %sign3A_794 = arith.cmpi sgt, %sub3A_790, %sign3A_793 : i32
    %sign3A_795 = arith.extui %sign3A_794 : i1 to i32
    %sign3A_796 = arith.constant 0 : i32
    %sign3A_797 = arith.cmpi slt, %sub3A_790, %sign3A_796 : i32
    %sign3A_798 = arith.extui %sign3A_797 : i1 to i32
    %sign3A_799 = arith.subi %sign3A_795, %sign3A_798 : i32
    %sign3A_800 = arith.constant 0 : i32
    %sign3A_801 = arith.cmpi sgt, %jit3A_791, %sign3A_800 : i32
    %sign3A_802 = arith.extui %sign3A_801 : i1 to i32
    %sign3A_803 = arith.constant 0 : i32
    %sign3A_804 = arith.cmpi slt, %jit3A_791, %sign3A_803 : i32
    %sign3A_805 = arith.extui %sign3A_804 : i1 to i32
    %sign3A_806 = arith.subi %sign3A_802, %sign3A_805 : i32
    %ne3A_807 = arith.cmpi ne, %sign3A_799, %sign3A_806 : i32
    %rem3A_808 = arith.remsi %sub3A_790, %jit3A_791 : i32
    %ne3A_809 = arith.constant 0 : i32
    %ne3A_810 = arith.cmpi ne, %rem3A_808, %ne3A_809 : i32
    %and3A_811 = arith.andi %ne3A_807, %ne3A_810 : i1
    %sub3A_812 = arith.constant 1 : i32
    %sub3A_813 = arith.subi %div3A_792, %sub3A_812 : i32
    %select_n3A_814 = arith.select %and3A_811, %sub3A_813, %div3A_792 : i32
    %swap3A_815 = arith.index_cast %scan3A_785 : i32 to index
    %swap3A_816 = tpu.vector_load %arg11[%swap3A_815] {strides = array<i32>} : memref<8208xi32, #tpu.memory_space<vmem>>, vector<16xi32>,
    tpu.vector_store %arg11[%swap3A_815], %iota3A {strides = array<i32>} : memref<8208xi32, #tpu.memory_space<vmem>>, vector<16xi32>,
    %while3A_817 = arith.constant 0 : i32
    %while3A_818 = arith.constant 0 : i32
    %while3A_819 = arith.subi %select_n3A_814, %while3A_817 : i32
    %while3A_820 = arith.addi %while3A_817, %while3A_819 : i32
    %while3A_821 = arith.constant 1 : i32
    %while3A_822 = arith.divsi %while3A_819, %while3A_821 : i32
    %while3A_823 = arith.muli %while3A_822, %while3A_821 : i32
    %while3A_824 = arith.addi %while3A_817, %while3A_823 : i32
    %while3A_825 = arith.constant 1 : i32
    %while3A_826 = scf.for %while3A_902 = %while3A_817 to %while3A_824 step %while3A_825 iter_args(%while3A_903 = %while3A_818) -> (i32)  : i32 {
      %mul3A_904 = arith.constant 16 : i32
      %mul3A_905 = arith.muli %while3A_902, %mul3A_904 : i32
      %get3A_906 = arith.index_cast %mul3A_905 : i32 to index
      %get3A_907 = tpu.vector_load %arg11[%get3A_906] {strides = array<i32>} : memref<8208xi32, #tpu.memory_space<vmem>>, vector<16xi32>,
      %gather3A_908 = tpu.vector_load_idx %arg9[%get3A_907] : memref<8192xf32, #tpu.memory_space<vmem>>[vector<16xi32>], vector<16xf32>,
      %bitcast_convert_type3A_909 = tpu.bitcast %gather3A_908 : vector<16xf32> -> vector<16xi32>
      %ge3A_910 = arith.constant 0 : i32
      %ge3A_911 = vector.broadcast %ge3A_910 : i32 to vector<16xi32>
      %ge3A_912 = arith.cmpi sge, %bitcast_convert_type3A_909, %ge3A_911 : vector<16xi32>
      %xor3A_913 = arith.constant 2147483647 : i32
      %xor3A_914 = vector.broadcast %xor3A_913 : i32 to vector<16xi32>
      %xor3A_915 = arith.xori %bitcast_convert_type3A_909, %xor3A_914 : vector<16xi32>
      %select_n3A_916 = arith.select %ge3A_912, %bitcast_convert_type3A_909, %xor3A_915 : vector<16xi1>, vector<16xi32>
      %mul3A_917 = arith.constant 16 : i32
      %mul3A_918 = arith.muli %while3A_902, %mul3A_917 : i32
      %swap3A_919 = arith.index_cast %mul3A_918 : i32 to index
      %swap3A_920 = tpu.vector_load %arg10[%swap3A_919] {strides = array<i32>} : memref<8208xi32, #tpu.memory_space<vmem>>, vector<16xi32>,
      tpu.vector_store %arg10[%swap3A_919], %select_n3A_916 {strides = array<i32>} : memref<8208xi32, #tpu.memory_space<vmem>>, vector<16xi32>,
      %while3A_921 = arith.constant 0 : i32
      scf.yield %while3A_921 : i32
    }
    %while3A_827 = arith.constant 1 : i32
    %while3A_828 = scf.for %while3A_902 = %while3A_824 to %while3A_820 step %while3A_827 iter_args(%while3A_903 = %while3A_826) -> (i32)  : i32 {
      %mul3A_904 = arith.constant 16 : i32
      %mul3A_905 = arith.muli %while3A_902, %mul3A_904 : i32
      %get3A_906 = arith.index_cast %mul3A_905 : i32 to index
      %get3A_907 = tpu.vector_load %arg11[%get3A_906] {strides = array<i32>} : memref<8208xi32, #tpu.memory_space<vmem>>, vector<16xi32>,
      %gather3A_908 = tpu.vector_load_idx %arg9[%get3A_907] : memref<8192xf32, #tpu.memory_space<vmem>>[vector<16xi32>], vector<16xf32>,
      %bitcast_convert_type3A_909 = tpu.bitcast %gather3A_908 : vector<16xf32> -> vector<16xi32>
      %ge3A_910 = arith.constant 0 : i32
      %ge3A_911 = vector.broadcast %ge3A_910 : i32 to vector<16xi32>
      %ge3A_912 = arith.cmpi sge, %bitcast_convert_type3A_909, %ge3A_911 : vector<16xi32>
      %xor3A_913 = arith.constant 2147483647 : i32
      %xor3A_914 = vector.broadcast %xor3A_913 : i32 to vector<16xi32>
      %xor3A_915 = arith.xori %bitcast_convert_type3A_909, %xor3A_914 : vector<16xi32>
      %select_n3A_916 = arith.select %ge3A_912, %bitcast_convert_type3A_909, %xor3A_915 : vector<16xi1>, vector<16xi32>
      %mul3A_917 = arith.constant 16 : i32
      %mul3A_918 = arith.muli %while3A_902, %mul3A_917 : i32
      %swap3A_919 = arith.index_cast %mul3A_918 : i32 to index
      %swap3A_920 = tpu.vector_load %arg10[%swap3A_919] {strides = array<i32>} : memref<8208xi32, #tpu.memory_space<vmem>>, vector<16xi32>,
      tpu.vector_store %arg10[%swap3A_919], %select_n3A_916 {strides = array<i32>} : memref<8208xi32, #tpu.memory_space<vmem>>, vector<16xi32>,
      %while3A_921 = arith.constant 0 : i32
      scf.yield %while3A_921 : i32
    }
    %broadcast_in_dim3A_829 = arith.constant -2147483648 : i32
    %broadcast_in_dim3A_830 = vector.broadcast %broadcast_in_dim3A_829 : i32 to vector<16xi32>
    %swap3A_831 = arith.index_cast %scan3A_785 : i32 to index
    %swap3A_832 = tpu.vector_load %arg10[%swap3A_831] {strides = array<i32>} : memref<8208xi32, #tpu.memory_space<vmem>>, vector<16xi32>,
    tpu.vector_store %arg10[%swap3A_831], %broadcast_in_dim3A_830 {strides = array<i32>} : memref<8208xi32, #tpu.memory_space<vmem>>, vector<16xi32>,
    %while3A_833 = arith.constant 0 : i32
    %while3A_834:3 = scf.while (%while3A_902 = %scan3A_764#0, %while3A_903 = %add3A_759, %while3A_904 = %while3A_833) : (i32, i32, i32) -> (i32, i32, i32) {
      %sub3A_905 = arith.subi %while3A_903, %while3A_902 : i32
      %ne3A_906 = arith.constant 0 : i32
      %ne3A_907 = arith.cmpi ne, %sub3A_905, %ne3A_906 : i32
      %ne3A_908 = arith.constant 1 : i32
      %ne3A_909 = arith.cmpi ne, %sub3A_905, %ne3A_908 : i32
      %and3A_910 = arith.andi %ne3A_907, %ne3A_909 : i1
      scf.condition(%and3A_910) %while3A_902, %while3A_903, %while3A_904 : i32, i32, i32
    } do {
    ^bb0(%while3A_902: i32, %while3A_903: i32, %while3A_904: i32):
      %sub3A_905 = arith.subi %while3A_903, %while3A_902 : i32
      %shift_right_logical3A = arith.constant 1 : i32
      %shift_right_logical3A_906 = arith.shrui %sub3A_905, %shift_right_logical3A : i32
      %shift_right_logical3A_907 = arith.constant 2 : i32
      %shift_right_logical3A_908 = arith.shrui %sub3A_905, %shift_right_logical3A_907 : i32
      %add3A_909 = arith.addi %while3A_902, %shift_right_logical3A_908 : i32
      %add3A_910 = arith.addi %while3A_902, %shift_right_logical3A_906 : i32
      %add3A_911 = arith.addi %while3A_902, %shift_right_logical3A_906 : i32
      %add3A_912 = arith.addi %add3A_911, %shift_right_logical3A_908 : i32
      %broadcast_in_dim3A_913 = arith.constant 0 : i32
      %broadcast_in_dim3A_914 = vector.broadcast %broadcast_in_dim3A_913 : i32 to vector<16xi32>
      %while3A_915 = arith.constant 0 : i32
      %while3A_916 = arith.subi %select_n3A_814, %while3A_915 : i32
      %while3A_917 = arith.addi %while3A_915, %while3A_916 : i32
      %while3A_918 = arith.constant 1 : i32
      %while3A_919 = arith.divsi %while3A_916, %while3A_918 : i32
      %while3A_920 = arith.muli %while3A_919, %while3A_918 : i32
      %while3A_921 = arith.addi %while3A_915, %while3A_920 : i32
      %while3A_922 = arith.constant 1 : i32
      %while3A_923:3 = scf.for %while3A_952 = %while3A_915 to %while3A_921 step %while3A_922 iter_args(%while3A_953 = %broadcast_in_dim3A_914, %while3A_954 = %broadcast_in_dim3A_914, %while3A_955 = %broadcast_in_dim3A_914) -> (vector<16xi32>, vector<16xi32>, vector<16xi32>)  : i32 {
        %mul3A_956 = arith.constant 16 : i32
        %mul3A_957 = arith.muli %while3A_952, %mul3A_956 : i32
        %get3A_958 = arith.index_cast %mul3A_957 : i32 to index
        %get3A_959 = tpu.vector_load %arg10[%get3A_958] {strides = array<i32>} : memref<8208xi32, #tpu.memory_space<vmem>>, vector<16xi32>,
        %ge3A_960 = vector.broadcast %add3A_909 : i32 to vector<16xi32>
        %ge3A_961 = arith.cmpi sge, %get3A_959, %ge3A_960 : vector<16xi32>
        %convert_element_type3A = arith.extui %ge3A_961 : vector<16xi1> to vector<16xi32>
        %add3A_962 = arith.addi %while3A_953, %convert_element_type3A : vector<16xi32>
        %ge3A_963 = vector.broadcast %add3A_910 : i32 to vector<16xi32>
        %ge3A_964 = arith.cmpi sge, %get3A_959, %ge3A_963 : vector<16xi32>
        %convert_element_type3A_965 = arith.extui %ge3A_964 : vector<16xi1> to vector<16xi32>
        %add3A_966 = arith.addi %while3A_954, %convert_element_type3A_965 : vector<16xi32>
        %ge3A_967 = vector.broadcast %add3A_912 : i32 to vector<16xi32>
        %ge3A_968 = arith.cmpi sge, %get3A_959, %ge3A_967 : vector<16xi32>
        %convert_element_type3A_969 = arith.extui %ge3A_968 : vector<16xi1> to vector<16xi32>
        %add3A_970 = arith.addi %while3A_955, %convert_element_type3A_969 : vector<16xi32>
        scf.yield %add3A_962, %add3A_966, %add3A_970 : vector<16xi32>, vector<16xi32>, vector<16xi32>
      }
      %while3A_924 = arith.constant 1 : i32
      %while3A_925:3 = scf.for %while3A_952 = %while3A_921 to %while3A_917 step %while3A_924 iter_args(%while3A_953 = %while3A_923#0, %while3A_954 = %while3A_923#1, %while3A_955 = %while3A_923#2) -> (vector<16xi32>, vector<16xi32>, vector<16xi32>)  : i32 {
        %mul3A_956 = arith.constant 16 : i32
        %mul3A_957 = arith.muli %while3A_952, %mul3A_956 : i32
        %get3A_958 = arith.index_cast %mul3A_957 : i32 to index
        %get3A_959 = tpu.vector_load %arg10[%get3A_958] {strides = array<i32>} : memref<8208xi32, #tpu.memory_space<vmem>>, vector<16xi32>,
        %ge3A_960 = vector.broadcast %add3A_909 : i32 to vector<16xi32>
        %ge3A_961 = arith.cmpi sge, %get3A_959, %ge3A_960 : vector<16xi32>
        %convert_element_type3A = arith.extui %ge3A_961 : vector<16xi1> to vector<16xi32>
        %add3A_962 = arith.addi %while3A_953, %convert_element_type3A : vector<16xi32>
        %ge3A_963 = vector.broadcast %add3A_910 : i32 to vector<16xi32>
        %ge3A_964 = arith.cmpi sge, %get3A_959, %ge3A_963 : vector<16xi32>
        %convert_element_type3A_965 = arith.extui %ge3A_964 : vector<16xi1> to vector<16xi32>
        %add3A_966 = arith.addi %while3A_954, %convert_element_type3A_965 : vector<16xi32>
        %ge3A_967 = vector.broadcast %add3A_912 : i32 to vector<16xi32>
        %ge3A_968 = arith.cmpi sge, %get3A_959, %ge3A_967 : vector<16xi32>
        %convert_element_type3A_969 = arith.extui %ge3A_968 : vector<16xi1> to vector<16xi32>
        %add3A_970 = arith.addi %while3A_955, %convert_element_type3A_969 : vector<16xi32>
        scf.yield %add3A_962, %add3A_966, %add3A_970 : vector<16xi32>, vector<16xi32>, vector<16xi32>
      }
      %reduce_sum3A = arith.constant true
      %reduce_sum3A_926 = vector.broadcast %reduce_sum3A : i1 to vector<16xi1>
      %reduce_sum3A_927 = tpu.scan <sum>, %while3A_925#0 masked %reduce_sum3A_926 : vector<16xi32>, vector<16xi1> -> vector<16xi32>
      %reduce_sum3A_928 = vector.extract %reduce_sum3A_927[15] : i32 from vector<16xi32>
      %reduce_sum3A_929 = arith.constant true
      %reduce_sum3A_930 = vector.broadcast %reduce_sum3A_929 : i1 to vector<16xi1>
      %reduce_sum3A_931 = tpu.scan <sum>, %while3A_925#1 masked %reduce_sum3A_930 : vector<16xi32>, vector<16xi1> -> vector<16xi32>
      %reduce_sum3A_932 = vector.extract %reduce_sum3A_931[15] : i32 from vector<16xi32>
      %reduce_sum3A_933 = arith.constant true
      %reduce_sum3A_934 = vector.broadcast %reduce_sum3A_933 : i1 to vector<16xi1>
      %reduce_sum3A_935 = tpu.scan <sum>, %while3A_925#2 masked %reduce_sum3A_934 : vector<16xi32>, vector<16xi1> -> vector<16xi32>
      %reduce_sum3A_936 = vector.extract %reduce_sum3A_935[15] : i32 from vector<16xi32>
      %ge3A_937 = arith.constant 64 : i32
      %ge3A_938 = arith.cmpi sge, %reduce_sum3A_928, %ge3A_937 : i32
      %ge3A_939 = arith.constant 64 : i32
      %ge3A_940 = arith.cmpi sge, %reduce_sum3A_932, %ge3A_939 : i32
      %ge3A_941 = arith.constant 64 : i32
      %ge3A_942 = arith.cmpi sge, %reduce_sum3A_936, %ge3A_941 : i32
      %select_n3A_943 = arith.select %ge3A_938, %add3A_909, %while3A_902 : i32
      %select_n3A_944 = arith.select %ge3A_940, %add3A_910, %select_n3A_943 : i32
      %select_n3A_945 = arith.select %ge3A_942, %add3A_912, %select_n3A_944 : i32
      %select_n3A_946 = arith.select %ge3A_938, %add3A_910, %add3A_909 : i32
      %select_n3A_947 = arith.select %ge3A_940, %add3A_912, %select_n3A_946 : i32
      %select_n3A_948 = arith.select %ge3A_942, %while3A_903, %select_n3A_947 : i32
      %select_n3A_949 = arith.select %ge3A_938, %reduce_sum3A_932, %reduce_sum3A_928 : i32
      %select_n3A_950 = arith.select %ge3A_940, %reduce_sum3A_936, %select_n3A_949 : i32
      %select_n3A_951 = arith.select %ge3A_942, %while3A_904, %select_n3A_950 : i32
      scf.yield %select_n3A_945, %select_n3A_948, %select_n3A_951 : i32, i32, i32
    }
    %sub3A_835 = arith.constant 64 : i32
    %sub3A_836 = arith.subi %sub3A_835, %while3A_834#2 : i32
    %while3A_837 = arith.constant 0 : i32
    %while3A_838 = arith.constant 0 : i32
    %while3A_839 = arith.constant 0 : i32
    %while3A_840 = arith.subi %select_n3A_814, %while3A_837 : i32
    %while3A_841 = arith.addi %while3A_837, %while3A_840 : i32
    %while3A_842 = arith.constant 1 : i32
    %while3A_843 = arith.divsi %while3A_840, %while3A_842 : i32
    %while3A_844 = arith.muli %while3A_843, %while3A_842 : i32
    %while3A_845 = arith.addi %while3A_837, %while3A_844 : i32
    %while3A_846 = arith.constant 1 : i32
    %while3A_847:2 = scf.for %while3A_902 = %while3A_837 to %while3A_845 step %while3A_846 iter_args(%while3A_903 = %while3A_838, %while3A_904 = %while3A_839) -> (i32, i32)  : i32 {
      %mul3A_905 = arith.constant 16 : i32
      %mul3A_906 = arith.muli %while3A_902, %mul3A_905 : i32
      %get3A_907 = arith.index_cast %mul3A_906 : i32 to index
      %get3A_908 = tpu.vector_load %arg10[%get3A_907] {strides = array<i32>} : memref<8208xi32, #tpu.memory_space<vmem>>, vector<16xi32>,
      %mul3A_909 = arith.constant 16 : i32
      %mul3A_910 = arith.muli %while3A_902, %mul3A_909 : i32
      %get3A_911 = arith.index_cast %mul3A_910 : i32 to index
      %get3A_912 = tpu.vector_load %arg11[%get3A_911] {strides = array<i32>} : memref<8208xi32, #tpu.memory_space<vmem>>, vector<16xi32>,
      %gt3A = vector.broadcast %while3A_834#0 : i32 to vector<16xi32>
      %gt3A_913 = arith.cmpi sgt, %get3A_908, %gt3A : vector<16xi32>
      %eq3A = vector.broadcast %while3A_834#0 : i32 to vector<16xi32>
      %eq3A_914 = arith.cmpi eq, %get3A_908, %eq3A : vector<16xi32>
      %convert_element_type3A = arith.extui %eq3A_914 : vector<16xi1> to vector<16xi32>
      %broadcast_in_dim3A_915 = arith.constant true
      %broadcast_in_dim3A_916 = vector.broadcast %broadcast_in_dim3A_915 : i1 to vector<16xi1>
      %masked_cumsum3A = tpu.scan <sum>, %convert_element_type3A masked %broadcast_in_dim3A_916 : vector<16xi32>, vector<16xi1> -> vector<16xi32>
      %add3A_917 = vector.broadcast %while3A_904 : i32 to vector<16xi32>
      %add3A_918 = arith.addi %masked_cumsum3A, %add3A_917 : vector<16xi32>
      %le3A = vector.broadcast %sub3A_836 : i32 to vector<16xi32>
      %le3A_919 = arith.cmpi sle, %add3A_918, %le3A : vector<16xi32>
      %and3A_920 = arith.andi %eq3A_914, %le3A_919 : vector<16xi1>
      %or3A = arith.ori %gt3A_913, %and3A_920 : vector<16xi1>
      %swap3A_921 = arith.index_cast %while3A_903 : i32 to index
      %swap3A_922 = tpu.vector_load %arg12[%swap3A_921] masked %or3A {strides = array<i32>} : memref<80xi32, #tpu.memory_space<vmem>>, vector<16xi32>, vector<16xi1>
      tpu.vector_store %arg12[%swap3A_921], %get3A_912 masked %or3A {strides = array<i32>} : memref<80xi32, #tpu.memory_space<vmem>>, vector<16xi32>, vector<16xi1>
      %all_reduce_population_count3A = tpu.all_reduce %or3A {dim = 0 : i64, kind = #tpu.reduction_kind<sum>} : vector<16xi1> -> vector<16xi32>
      %slice3A_923 = vector.extract_strided_slice %all_reduce_population_count3A {offsets = [0], sizes = [1], strides = [1]} : vector<16xi32> to vector<1xi32>
      %squeeze3A_924 = vector.extract %slice3A_923[0] : i32 from vector<1xi32>
      %add3A_925 = arith.addi %while3A_903, %squeeze3A_924 : i32
      %all_reduce_population_count3A_926 = tpu.all_reduce %eq3A_914 {dim = 0 : i64, kind = #tpu.reduction_kind<sum>} : vector<16xi1> -> vector<16xi32>
      %slice3A_927 = vector.extract_strided_slice %all_reduce_population_count3A_926 {offsets = [0], sizes = [1], strides = [1]} : vector<16xi32> to vector<1xi32>
      %squeeze3A_928 = vector.extract %slice3A_927[0] : i32 from vector<1xi32>
      %add3A_929 = arith.addi %while3A_904, %squeeze3A_928 : i32
      scf.yield %add3A_925, %add3A_929 : i32, i32
    }
    %while3A_848 = arith.constant 1 : i32
    %while3A_849:2 = scf.for %while3A_902 = %while3A_845 to %while3A_841 step %while3A_848 iter_args(%while3A_903 = %while3A_847#0, %while3A_904 = %while3A_847#1) -> (i32, i32)  : i32 {
      %mul3A_905 = arith.constant 16 : i32
      %mul3A_906 = arith.muli %while3A_902, %mul3A_905 : i32
      %get3A_907 = arith.index_cast %mul3A_906 : i32 to index
      %get3A_908 = tpu.vector_load %arg10[%get3A_907] {strides = array<i32>} : memref<8208xi32, #tpu.memory_space<vmem>>, vector<16xi32>,
      %mul3A_909 = arith.constant 16 : i32
      %mul3A_910 = arith.muli %while3A_902, %mul3A_909 : i32
      %get3A_911 = arith.index_cast %mul3A_910 : i32 to index
      %get3A_912 = tpu.vector_load %arg11[%get3A_911] {strides = array<i32>} : memref<8208xi32, #tpu.memory_space<vmem>>, vector<16xi32>,
      %gt3A = vector.broadcast %while3A_834#0 : i32 to vector<16xi32>
      %gt3A_913 = arith.cmpi sgt, %get3A_908, %gt3A : vector<16xi32>
      %eq3A = vector.broadcast %while3A_834#0 : i32 to vector<16xi32>
      %eq3A_914 = arith.cmpi eq, %get3A_908, %eq3A : vector<16xi32>
      %convert_element_type3A = arith.extui %eq3A_914 : vector<16xi1> to vector<16xi32>
      %broadcast_in_dim3A_915 = arith.constant true
      %broadcast_in_dim3A_916 = vector.broadcast %broadcast_in_dim3A_915 : i1 to vector<16xi1>
      %masked_cumsum3A = tpu.scan <sum>, %convert_element_type3A masked %broadcast_in_dim3A_916 : vector<16xi32>, vector<16xi1> -> vector<16xi32>
      %add3A_917 = vector.broadcast %while3A_904 : i32 to vector<16xi32>
      %add3A_918 = arith.addi %masked_cumsum3A, %add3A_917 : vector<16xi32>
      %le3A = vector.broadcast %sub3A_836 : i32 to vector<16xi32>
      %le3A_919 = arith.cmpi sle, %add3A_918, %le3A : vector<16xi32>
      %and3A_920 = arith.andi %eq3A_914, %le3A_919 : vector<16xi1>
      %or3A = arith.ori %gt3A_913, %and3A_920 : vector<16xi1>
      %swap3A_921 = arith.index_cast %while3A_903 : i32 to index
      %swap3A_922 = tpu.vector_load %arg12[%swap3A_921] masked %or3A {strides = array<i32>} : memref<80xi32, #tpu.memory_space<vmem>>, vector<16xi32>, vector<16xi1>
      tpu.vector_store %arg12[%swap3A_921], %get3A_912 masked %or3A {strides = array<i32>} : memref<80xi32, #tpu.memory_space<vmem>>, vector<16xi32>, vector<16xi1>
      %all_reduce_population_count3A = tpu.all_reduce %or3A {dim = 0 : i64, kind = #tpu.reduction_kind<sum>} : vector<16xi1> -> vector<16xi32>
      %slice3A_923 = vector.extract_strided_slice %all_reduce_population_count3A {offsets = [0], sizes = [1], strides = [1]} : vector<16xi32> to vector<1xi32>
      %squeeze3A_924 = vector.extract %slice3A_923[0] : i32 from vector<1xi32>
      %add3A_925 = arith.addi %while3A_903, %squeeze3A_924 : i32
      %all_reduce_population_count3A_926 = tpu.all_reduce %eq3A_914 {dim = 0 : i64, kind = #tpu.reduction_kind<sum>} : vector<16xi1> -> vector<16xi32>
      %slice3A_927 = vector.extract_strided_slice %all_reduce_population_count3A_926 {offsets = [0], sizes = [1], strides = [1]} : vector<16xi32> to vector<1xi32>
      %squeeze3A_928 = vector.extract %slice3A_927[0] : i32 from vector<1xi32>
      %add3A_929 = arith.addi %while3A_904, %squeeze3A_928 : i32
      scf.yield %add3A_925, %add3A_929 : i32, i32
    }
    %get3A_850 = arith.constant 0 : index
    %get3A_851 = tpu.vector_load %arg12[%get3A_850] {strides = array<i32>} : memref<80xi32, #tpu.memory_space<vmem>>, vector<16xi32>,
    %gather3A_852 = tpu.vector_load_idx %arg6[%get3A_851] : memref<8192xf32, #tpu.memory_space<vmem>>[vector<16xi32>], vector<16xf32>,
    %swap3A_853 = arith.constant 0 : index
    %swap3A_854 = tpu.vector_load %arg16[%swap3A_853] {strides = array<i32>} : memref<64xf32, #tpu.memory_space<vmem>>, vector<16xf32>,
    tpu.vector_store %arg16[%swap3A_853], %gather3A_852 {strides = array<i32>} : memref<64xf32, #tpu.memory_space<vmem>>, vector<16xf32>,
    %get3A_855 = arith.constant 16 : index
    %get3A_856 = tpu.vector_load %arg12[%get3A_855] {strides = array<i32>} : memref<80xi32, #tpu.memory_space<vmem>>, vector<16xi32>,
    %gather3A_857 = tpu.vector_load_idx %arg6[%get3A_856] : memref<8192xf32, #tpu.memory_space<vmem>>[vector<16xi32>], vector<16xf32>,
    %swap3A_858 = arith.constant 16 : index
    %swap3A_859 = tpu.vector_load %arg16[%swap3A_858] {strides = array<i32>} : memref<64xf32, #tpu.memory_space<vmem>>, vector<16xf32>,
    tpu.vector_store %arg16[%swap3A_858], %gather3A_857 {strides = array<i32>} : memref<64xf32, #tpu.memory_space<vmem>>, vector<16xf32>,
    %get3A_860 = arith.constant 32 : index
    %get3A_861 = tpu.vector_load %arg12[%get3A_860] {strides = array<i32>} : memref<80xi32, #tpu.memory_space<vmem>>, vector<16xi32>,
    %gather3A_862 = tpu.vector_load_idx %arg6[%get3A_861] : memref<8192xf32, #tpu.memory_space<vmem>>[vector<16xi32>], vector<16xf32>,
    %swap3A_863 = arith.constant 32 : index
    %swap3A_864 = tpu.vector_load %arg16[%swap3A_863] {strides = array<i32>} : memref<64xf32, #tpu.memory_space<vmem>>, vector<16xf32>,
    tpu.vector_store %arg16[%swap3A_863], %gather3A_862 {strides = array<i32>} : memref<64xf32, #tpu.memory_space<vmem>>, vector<16xf32>,
    %get3A_865 = arith.constant 48 : index
    %get3A_866 = tpu.vector_load %arg12[%get3A_865] {strides = array<i32>} : memref<80xi32, #tpu.memory_space<vmem>>, vector<16xi32>,
    %gather3A_867 = tpu.vector_load_idx %arg6[%get3A_866] : memref<8192xf32, #tpu.memory_space<vmem>>[vector<16xi32>], vector<16xf32>,
    %swap3A_868 = arith.constant 48 : index
    %swap3A_869 = tpu.vector_load %arg16[%swap3A_868] {strides = array<i32>} : memref<64xf32, #tpu.memory_space<vmem>>, vector<16xf32>,
    tpu.vector_store %arg16[%swap3A_868], %gather3A_867 {strides = array<i32>} : memref<64xf32, #tpu.memory_space<vmem>>, vector<16xf32>,
    %add3A_870 = arith.constant 3 : i32
    %add3A_871 = arith.addi %mul3A_2, %add3A_870 : i32
    %dma_start3A_872 = arith.constant 0 : i32
    %dma_start3A_873 = tpu.memref_slice %arg4[%add3A_871, %dma_start3A_872] : memref<128x64xf32, #tpu.memory_space<hbm>> -> memref<1x64xf32, #tpu.memory_space<hbm>>
    %dma_start3A_874 = tpu.memref_squeeze %dma_start3A_873 : memref<1x64xf32, #tpu.memory_space<hbm>> -> memref<64xf32, #tpu.memory_space<hbm>>
    %dma_start3A_875 = arith.constant 0 : i32
    %dma_start3A_876 = tpu.memref_slice %arg4[%add3A_871, %dma_start3A_875] : memref<128x64xf32, #tpu.memory_space<hbm>> -> memref<1x64xf32, #tpu.memory_space<hbm>>
    %dma_start3A_877 = tpu.memref_squeeze %dma_start3A_876 : memref<1x64xf32, #tpu.memory_space<hbm>> -> memref<64xf32, #tpu.memory_space<hbm>>
    tpu.enqueue_dma source(%arg16 : memref<64xf32, #tpu.memory_space<vmem>>) target(%dma_start3A_877 : memref<64xf32, #tpu.memory_space<hbm>>) target_semaphore(%arg17 : memref<!tpu.dma_semaphore, #tpu.memory_space<semaphore_mem>>)
    %dma_wait3A_878 = arith.constant 0 : i32
    %dma_wait3A_879 = tpu.memref_slice %arg4[%add3A_212, %dma_wait3A_878] : memref<128x64xf32, #tpu.memory_space<hbm>> -> memref<1x64xf32, #tpu.memory_space<hbm>>
    %dma_wait3A_880 = tpu.memref_squeeze %dma_wait3A_879 : memref<1x64xf32, #tpu.memory_space<hbm>> -> memref<64xf32, #tpu.memory_space<hbm>>
    %dma_wait3A_881 = arith.constant 0 : i32
    %dma_wait3A_882 = tpu.memref_slice %arg4[%add3A_212, %dma_wait3A_881] : memref<128x64xf32, #tpu.memory_space<hbm>> -> memref<1x64xf32, #tpu.memory_space<hbm>>
    %dma_wait3A_883 = tpu.memref_squeeze %dma_wait3A_882 : memref<1x64xf32, #tpu.memory_space<hbm>> -> memref<64xf32, #tpu.memory_space<hbm>>
    tpu.wait_dma2 semaphore(%arg18 : memref<!tpu.dma_semaphore, #tpu.memory_space<semaphore_mem>>) src(%arg13 : memref<64xf32, #tpu.memory_space<vmem>>) dst(%dma_wait3A_883 : memref<64xf32, #tpu.memory_space<hbm>>)
    %dma_wait3A_884 = arith.constant 0 : i32
    %dma_wait3A_885 = tpu.memref_slice %arg4[%add3A_437, %dma_wait3A_884] : memref<128x64xf32, #tpu.memory_space<hbm>> -> memref<1x64xf32, #tpu.memory_space<hbm>>
    %dma_wait3A_886 = tpu.memref_squeeze %dma_wait3A_885 : memref<1x64xf32, #tpu.memory_space<hbm>> -> memref<64xf32, #tpu.memory_space<hbm>>
    %dma_wait3A_887 = arith.constant 0 : i32
    %dma_wait3A_888 = tpu.memref_slice %arg4[%add3A_437, %dma_wait3A_887] : memref<128x64xf32, #tpu.memory_space<hbm>> -> memref<1x64xf32, #tpu.memory_space<hbm>>
    %dma_wait3A_889 = tpu.memref_squeeze %dma_wait3A_888 : memref<1x64xf32, #tpu.memory_space<hbm>> -> memref<64xf32, #tpu.memory_space<hbm>>
    tpu.wait_dma2 semaphore(%arg17 : memref<!tpu.dma_semaphore, #tpu.memory_space<semaphore_mem>>) src(%arg14 : memref<64xf32, #tpu.memory_space<vmem>>) dst(%dma_wait3A_889 : memref<64xf32, #tpu.memory_space<hbm>>)
    %dma_wait3A_890 = arith.constant 0 : i32
    %dma_wait3A_891 = tpu.memref_slice %arg4[%add3A_662, %dma_wait3A_890] : memref<128x64xf32, #tpu.memory_space<hbm>> -> memref<1x64xf32, #tpu.memory_space<hbm>>
    %dma_wait3A_892 = tpu.memref_squeeze %dma_wait3A_891 : memref<1x64xf32, #tpu.memory_space<hbm>> -> memref<64xf32, #tpu.memory_space<hbm>>
    %dma_wait3A_893 = arith.constant 0 : i32
    %dma_wait3A_894 = tpu.memref_slice %arg4[%add3A_662, %dma_wait3A_893] : memref<128x64xf32, #tpu.memory_space<hbm>> -> memref<1x64xf32, #tpu.memory_space<hbm>>
    %dma_wait3A_895 = tpu.memref_squeeze %dma_wait3A_894 : memref<1x64xf32, #tpu.memory_space<hbm>> -> memref<64xf32, #tpu.memory_space<hbm>>
    tpu.wait_dma2 semaphore(%arg18 : memref<!tpu.dma_semaphore, #tpu.memory_space<semaphore_mem>>) src(%arg15 : memref<64xf32, #tpu.memory_space<vmem>>) dst(%dma_wait3A_895 : memref<64xf32, #tpu.memory_space<hbm>>)
    %dma_wait3A_896 = arith.constant 0 : i32
    %dma_wait3A_897 = tpu.memref_slice %arg4[%add3A_871, %dma_wait3A_896] : memref<128x64xf32, #tpu.memory_space<hbm>> -> memref<1x64xf32, #tpu.memory_space<hbm>>
    %dma_wait3A_898 = tpu.memref_squeeze %dma_wait3A_897 : memref<1x64xf32, #tpu.memory_space<hbm>> -> memref<64xf32, #tpu.memory_space<hbm>>
    %dma_wait3A_899 = arith.constant 0 : i32
    %dma_wait3A_900 = tpu.memref_slice %arg4[%add3A_871, %dma_wait3A_899] : memref<128x64xf32, #tpu.memory_space<hbm>> -> memref<1x64xf32, #tpu.memory_space<hbm>>
    %dma_wait3A_901 = tpu.memref_squeeze %dma_wait3A_900 : memref<1x64xf32, #tpu.memory_space<hbm>> -> memref<64xf32, #tpu.memory_space<hbm>>
    tpu.wait_dma2 semaphore(%arg17 : memref<!tpu.dma_semaphore, #tpu.memory_space<semaphore_mem>>) src(%arg16 : memref<64xf32, #tpu.memory_space<vmem>>) dst(%dma_wait3A_901 : memref<64xf32, #tpu.memory_space<hbm>>)
    return
  }
}

</mosaic_0001>

<sc_bundles>
// kernel: _kmax_sc.3.cloned.1.call-start
scs
__scs_entry_jumppad:
0x0: {  	(pc) =	sbr.rel $0x88, $3  }
0x1: {  	(tag) =	ssettag $0x0;
	lr =	simm.s32 $0x1  }
0x2: {  	[smem:$0x3F9F] =	sst lr;
	_ =	strace $0xD0000000  }
0x3: {  	_ = 	snop  }
0x4: {  	_ = 	snop  }
0x5: {  	_ = 	snop  }
0x6: {  	_ = 	snop  }
0x7: {  	_ = 	snop  }
__scs_overlays_trampoline_lowered:
0x8: {  	[smem:$0x3FAE] =	sst s0  }
0x9: {  	[smem:$0x3FAF] =	sst s1  }
0xa: {  	[smem:$0x3FB0] =	sst s2  }
0xb: {  	[smem:$0x3FB1] =	sst s3  }
0xc: {  	[smem:$0x3FB2] =	sst s4  }
0xd: {  	[smem:$0x3FB3] =	sst s5  }
0xe: {  	[smem:$0x3FB4] =	sst s6  }
0xf: {  	[smem:$0x3FB5] =	sst s7  }
0x10: {  	[smem:$0x3FB6] =	sst s8  }
0x11: {  	[smem:$0x3FB7] =	sst s9;
	s0 =	simm.s32 @!p0 $0x0  }
0x12: {  	s1 =	sld [smem:$0x3F9D];
	s0 =	simm.s32 @p0 $0x1  }
0x13: {  	[smem:$0x3FB8] =	sst s0;
	s0 =	simm.s32 @!p1 $0x0  }
0x14: {  	s2 =	sld [smem:$0x3F9C];
	s0 =	simm.s32 @p1 $0x1  }
0x15: {  	[smem:$0x3FB9] =	sst s0;
	s0 =	simm.s32 @!p2 $0x0  }
0x16: {  	s3 =	sld [smem:$0x3FDB];
	s0 =	simm.s32 @p2 $0x1  }
0x17: {  	s4 =	simm.s32 $0x1BF5;
	[smem:$0x3FBB] =	sst s0  }
0x18: {  	s0 =	sld [smem:$0x3F9E];
	_ =	swait.ge [sflag:s4], $0x0  }
0x19: {  	s7 =	sld [smem:$0x3F9F]  }
0x1a: {  	s8 =	sadd.s32 $0xFFFFE003, lr  }
0x1b: {  	s9 =	sadd.s32 $0xFFFFFEF7, lr;
	s5 =	simm.s32 $0xFFFFFFFF;
	p2 =	slt.u32 s8, $0xFFFFF086  }
0x1c: {  	p1 =	slt.u32 s9, $0xF7A;
	s5 =	simm.s32 @!p2 $0x0  }
0x1d: {  	s5 =	simm.s32 @p1 $0x1;
	p0 =	seq.s32 s7, s2  }
0x1e: {  	s7 =	smul.u32 @!p0 $0xF7A, s2;
	p2 =	seq.s32 @!p0 s5, $0x0  }
0x1f: {  	s9 =	smul.u32 $0xF7A, s1;
	s8 =	simm.s32 @!p0 $0x1BF5;
	p2 =	por !p2, p0  }
0x20: {  	[sflag:s8] =	ssyncset.s32 @!p0 $0xFFFFF086;
	s6 =	sadd.s32 @!p0 s3, s7;
	s7 =	simm.s32 @!p0 $0x108  }
0x21: {  	s3 =	sadd.s32 s3, s9;
	s6 =	sadd.s32 @!p0 $0x88, s6;
	s7 =	simm.s32 @p2 $0x1082  }
0x22: {  	[simem:s7], [sflag:s8] =	dma.local @!p0 [hbm:s6], $0xF7A  }
0x23: {  	s9 =	sor.u32 $0xD0000000, s2;
	s6 =	simm.s32 $0x108;
	_ =	swait.ge @!p0 [sflag:s8], $0x0  }
0x24: {  	s3 =	sadd.s32 $0x88, s3;
	s6 =	simm.s32 @!p1 $0x1082;
	[sflag:s4] =	ssyncset.s32 $0xFFFFF086  }
0x25: {  	[simem:s6], [sflag:s4] =	dma.local [hbm:s3], $0xF7A  }
0x26: {  	[smem:$0x3F9F] =	sst s1;
	(tag) =	ssettag s2;
	_ =	strace s9  }
0x27: {  	s1 =	sld [smem:$0x3FAF]  }
0x28: {  	s2 =	sld [smem:$0x3FB0]  }
0x29: {  	s4 =	sld [smem:$0x3FB2]  }
0x2a: {  	p0 =	seq.s32 s5, $0x0;
	s5 =	sld [smem:$0x3FB3]  }
0x2b: {  	s6 =	sld [smem:$0x3FB4]  }
0x2c: {  	s7 =	sld [smem:$0x3FB5]  }
0x2d: {  	s3 =	simm.s32 $0x108;
	s8 =	sld [smem:$0x3FB6]  }
0x2e: {  	s3 =	simm.s32 @!p0 $0x1082;
	s9 =	sld [smem:$0x3FB7]  }
0x2f: {  	lr =	sadd.s32 s0, s3;
	s0 =	sld [smem:$0x3FAE]  }
0x30: {  	s3 =	sld [smem:$0x3FB1]  }
0x31: {  	[smem:$0x3FBA] =	sst s10  }
0x32: {  	s10 =	sld [smem:$0x3FB8];
	_ =	sdelay $0x3  }
0x33: {  	p0 =	seq.s32 s10, $0x1;
	s10 =	sld [smem:$0x3FBA];
	_ =	sdelay $0x3  }
0x34: {  	[smem:$0x3FBA] =	sst s10  }
0x35: {  	s10 =	sld [smem:$0x3FB9];
	_ =	sdelay $0x3  }
0x36: {  	p1 =	seq.s32 s10, $0x1;
	s10 =	sld [smem:$0x3FBA];
	_ =	sdelay $0x3  }
0x37: {  	[smem:$0x3FBA] =	sst s10  }
0x38: {  	s10 =	sld [smem:$0x3FBB]  }
0x39: {  	_ = 	snop;
	(pc) =	sbr.ind lr, $3  }
0x3a: {  	_ = 	snop  }
0x3b: {  	_ = 	snop  }
0x3c: {  	p2 =	seq.s32 s10, $0x1;
	s10 =	sld [smem:$0x3FBA]  }
0x3d: {  	_ =	shalt  }
0x3e: {  	_ =	shalt  }
0x3f: {  	_ =	shalt  }
0x40: {  	_ =	shalt  }
0x41: {  	_ =	shalt  }
0x42: {  	_ =	shalt  }
0x43: {  	_ =	shalt  }
0x44: {  	_ =	shalt  }
0x45: {  	_ =	shalt  }
0x46: {  	_ =	shalt  }
0x47: {  	_ =	shalt  }
0x48: {  	_ =	shalt  }
0x49: {  	_ =	shalt  }
0x4a: {  	_ =	shalt  }
0x4b: {  	_ =	shalt  }
0x4c: {  	_ =	shalt  }
0x4d: {  	_ =	shalt  }
0x4e: {  	_ =	shalt  }
0x4f: {  	_ =	shalt  }
0x50: {  	_ =	shalt  }
0x51: {  	_ =	shalt  }
0x52: {  	_ =	shalt  }
0x53: {  	_ =	shalt  }
0x54: {  	_ =	shalt  }
0x55: {  	_ =	shalt  }
0x56: {  	_ =	shalt  }
0x57: {  	_ =	shalt  }
0x58: {  	_ =	shalt  }
0x59: {  	_ =	shalt  }
0x5a: {  	_ =	shalt  }
0x5b: {  	_ =	shalt  }
0x5c: {  	_ =	shalt  }
0x5d: {  	_ =	shalt  }
0x5e: {  	_ =	shalt  }
0x5f: {  	_ =	shalt  }
0x60: {  	_ =	shalt  }
0x61: {  	_ =	shalt  }
0x62: {  	_ =	shalt  }
0x63: {  	_ =	shalt  }
0x64: {  	_ =	shalt  }
0x65: {  	_ =	shalt  }
0x66: {  	_ =	shalt  }
0x67: {  	_ =	shalt  }
0x68: {  	_ =	shalt  }
0x69: {  	_ =	shalt  }
0x6a: {  	_ =	shalt  }
0x6b: {  	_ =	shalt  }
0x6c: {  	_ =	shalt  }
0x6d: {  	_ =	shalt  }
0x6e: {  	_ =	shalt  }
0x6f: {  	_ =	shalt  }
0x70: {  	_ =	shalt  }
0x71: {  	_ =	shalt  }
0x72: {  	_ =	shalt  }
0x73: {  	_ =	shalt  }
0x74: {  	_ =	shalt  }
0x75: {  	_ =	shalt  }
0x76: {  	_ =	shalt  }
0x77: {  	_ =	shalt  }
0x78: {  	_ =	shalt  }
0x79: {  	_ =	shalt  }
0x7a: {  	_ =	shalt  }
0x7b: {  	_ =	shalt  }
0x7c: {  	_ =	shalt  }
0x7d: {  	_ =	shalt  }
0x7e: {  	_ =	shalt  }
0x7f: {  	_ =	shalt  }
0x80: {  	_ =	shalt  }
0x81: {  	_ =	shalt  }
0x82: {  	_ =	shalt  }
0x83: {  	_ =	shalt  }
0x84: {  	_ =	shalt  }
0x85: {  	_ =	shalt  }
0x86: {  	_ =	shalt  }
0x87: {  	_ =	shalt  }
.Lfunc_end0:
.L_simem_size_0:
called_computation_lowered:
.L_overlay_start_0:
0x88: {  	s2 =	sld [smem:$0x3FD9]  }
0x89: {  	s3 =	sld [smem:$0x3FFE];
	_ =	sdelay $0x1  }
0x8a: {  	s1 =	srdreg.scid  }
0x8b: {  	s0 =	sand.u32 $0x1, s1  }
0x8c: {  	s17 =	sshll.u32 s0, $0xA;
	s2 =	sadd.s32 s3, s2  }
0x8d: {  	s2 =	sadd.s32 s2, s17  }
0x8e: {  	[smem:$0x3FC6] =	sst s2  }
0x8f: {  	_ = 	snop  }
0x90: {  	s2 =	sld [smem:$0x3FC9]  }
0x91: {  	s18 =	sld [smem:$0x3FC8];
	(tm) =	ssettm $0x1  }
0x92: {  	s4 =	sld [smem:$0x3FFB];
	_ =	sdelay $0x3  }
0x93: {  	_ =	strace s4  }
0x94: {  	s4 =	sld [smem:$0x3FFC];
	_ =	sdelay $0x3  }
0x95: {  	_ =	strace s4  }
0x96: {  	s4 =	sld [smem:$0x3FFD];
	_ =	sdelay $0x3  }
0x97: {  	_ =	strace s4  }
0x98: {  	_ =	strace $0x8FFFFFFF  }
0x99: {  	s19 =	sld [smem:$0x3FDB];
	_ =	sdelay $0x1  }
0x9a: {  	s5 =	simm.s32 $_scs_section_size  }
0x9b: {  	s6 =	simm.s32 $_size__tile_overlayer_lowered;
	s7 =	simm.s32 $_tile_overlayer_lowered  }
0x9c: {  	s22 =	simm.s32 $0x1BFF;
	s21 =	sshll.u32 s7, $0x1;
	s4 =	sadd.s32 s5, s19  }
0x9d: {  	s8 =	simm.s32 $0x0;
	s20 =	sshll.u32 s6, $0x1;
	s6 =	sadd.s32 s21, s4  }
0x9e: {  	[timem:s8], [sflag:s22] =	dma.local [hbm:s6], s20  }
0x9f: {  	_ =	swait.ge [sflag:s22], s20  }
0xa0: {  	s5 =	ssub.s32 $0x0, s20;
	[sflag:s22] =	ssyncset.done $0x0  }
0xa1: {  	[sflag:s22] =	ssyncadd.s32 s5;
	_ =	sdelay $0x1  }
0xa2: {  	s23 =	simm.s32 $0x1B8B  }
0xa3: {  	_ =	swait.ge [sflag:s23], $0x1  }
0xa4: {  	[sflag:s23] =	ssyncset.done $0x0  }
0xa5: {  	s25 =	simm.s32 $0x1B8E;
	s24 =	sld [smem:$0x3FFE];
	[sflag:s23] =	ssyncadd.s32 $0xFFFFFFFF  }
0xa6: {  	s26 =	simm.s32 $execute0_lowered;
	[smem:$0x3FD2] =	sst s25  }
0xa7: {  	s6 =	sshll.u32 s26, $0x1;
	_ =	strace $0x80000046;
	[dreg:$0x1] =	wrdreg $0xFFFFFFFF  }
0xa8: {  	s28 =	simm.s32 $_size_execute0_lowered;
	s4 =	sadd.s32 s4, s6;
	[dreg:$0x0] =	wrdreg $0x0  }
0xa9: {  	s6 =	sshll.u32 s28, $0x1;
	[dreg:$0x2] =	wrdreg s4  }
0xaa: {  	[dreg:$0x3] =	wrdreg s6  }
0xab: {  	[dreg:$0x4] =	wrdreg $0xC0  }
0xac: {  	_ =	task [dreg:s8], $0x5FFFF  }
0xad: {  	[dreg:$0x1] =	wrdreg $0xFFFFFFFF  }
0xae: {  	[dreg:$0x0] =	wrdreg $0x60  }
0xaf: {  	[dreg:$0x2] =	wrdreg s2  }
0xb0: {  	[dreg:$0x3] =	wrdreg s18  }
0xb1: {  	[dreg:$0x4] =	wrdreg s24  }
0xb2: {  	[dreg:$0x5] =	wrdreg $0x9  }
0xb3: {  	_ =	task.clear_ibuf [dreg:s8], $0x6FFFF;
	_ =	strace $0x90000046  }
0xb4: {  	s29 =	simm.s32 $0x9;
	_ =	strace $0x80000048  }
0xb5: {  	_ =	swait.ge [sflag:s29], $0x1  }
0xb6: {  	[sflag:s29] =	ssyncadd.s32 $0xFFFFFFFF  }
0xb7: {  	_ =	strace $0x90000048  }
0xb8: {  	_ =	sfence  }
0xb9: {  	s30 =	sld [smem:$0x0];
	_ =	sdelay $0x2  }
0xba: {  	s31 =	sshll.u32 s1, $0xD;
	s1 =	sshrl.u32 s1, $0x2  }
0xbb: {  	s3 =	sand.u32 $0x4000, s31;
	s1 =	sadd.s32 s1, s30  }
0xbc: {  	s0 =	sor.u32 s3, s0;
	s1 =	sshll.u32 s1, $0x11  }
0xbd: {  	s0 =	sor.u32 s1, s0  }
0xbe: {  	s0 =	sadd.s32 $0x8F2B, s0  }
0xbf: {  	[sflag:s0] =	ssyncadd.remote.s32 $0x1  }
0xc0: {  	_ =	sfence.sel $0xFFFF  }
0xc1: {  	[dreg:$0x0] =	wrdreg $0xFFFFFFFF;
	(pc) =	sbr.abs _section_cstart, $3  }
0xc2: {  	[dreg:$0x1] =	wrdreg $0xFFFFFFFF  }
0xc3: {  	_ =	task.clear_ibuf [dreg:s8], $0x2FFFF;
	_ =	strace $0x9FFFFFFF  }
0xc4: {  	(tm) =	ssettm $0x7FFFFFFF  }
0xc5: {  	_ =	shalt  }
tec
execute0_lowered:
.L_overlay_start_1:
0x0: {  	(tag) =	ssettag $0x1  }
0x1: {  	s0 =	rddreg [dreg:$0x0]  }
0x2: {  	s1 =	rddreg [dreg:$0x1]  }
0x3: {  	s3 =	rddreg [dreg:$0x2];
	s4 =	srdreg.scid;
	s2 =	simm.s32 $0x0  }
0x4: {  	s6 =	stileid.u32;
	s19 =	simm.s32 $0x1;
	s20 =	simm.s32 $0x2000  }
0x5: {  	s22 =	simm.s32 $0x8000;
	s29 =	simm.s32 $0x0;
	s4 =	sand.u32 $0x1, s4  }
0x6: {  	[smem:$0x7FF] =	sst s2;
	s10 =	sshll.u32 s6, $0x10;
	s14 =	sadd.s32 $0x400, s3  }
0x7: {  	s12 =	sshll.u32 s6, $0xA;
	s9 =	sshll.u32 s4, $0x9;
	s4 =	ssub.s32 $0x2, s4  }
0x8: {  	_ =	strace $0x80000047;
	s5 =	sor.u32 s9, s10;
	s24 =	sshrl.u32 s4, $0x1  }
0x9: {  	s11 =	sor.u32 $0x80, s9;
	s7 =	sor.u32 s9, s12;
	s13 =	sor.u32 $0x100, s9  }
0xa: {  	s17 =	sor.u32 $0x180, s9;
	s5 =	sshrl.u32 s5, $0x3;
	s15 =	ssub.s32 s4, s24  }
0xb: {  	s25 =	sor.u32 s10, s11;
	s7 =	sshrl.u32 s7, $0x3;
	s8 =	sor.u32 s10, s13  }
0xc: {  	s11 =	sor.u32 s12, s11;
	s28 =	sor.u32 s10, s17;
	s13 =	sor.u32 s12, s13  }
0xd: {  	s17 =	sor.u32 s12, s17;
	s24 =	simm.s32 $0x2;
	s3 =	sadd.s32 s0, s5  }
0xe: {  	s4 =	sadd.s32 s1, s5;
	s26 =	sshrl.u32 s25, $0x3;
	s7 =	sadd.s32 s14, s7  }
0xf: {  	s16 =	sshrl.u32 s8, $0x3;
	s11 =	sshrl.u32 s11, $0x3;
	s30 =	sshrl.u32 s13, $0x3  }
.Ltmp0:
0x10: {  	s31 =	sshrl.u32 s17, $0x3;
	s15 =	smax.u32 s15, $0x1;
	(pc) =	sbr.rel .LBB2_1-.Ltmp0, $4  }
0x11: {  	s17 =	simm.s32 $0x400;
	s5 =	sadd.s32 s0, s26;
	s6 =	sadd.s32 s1, s26  }
0x12: {  	s8 =	sadd.s32 s0, s16;
	s9 =	sadd.s32 s1, s16;
	s10 =	sadd.s32 s14, s11  }
0x13: {  	s16 =	sshrl.u32 s28, $0x3;
	s13 =	sadd.s32 s14, s30;
	s14 =	sadd.s32 s14, s31  }
0x14: {  	v0 =	vimm.s32 $0x0;
	v1 =	vlaneseq.u32;
	v2 =	vimm.s32 $0x80000000;
	s11 =	sadd.s32 s0, s16;
	s12 =	sadd.s32 s1, s16;
	s16 =	simm.s32 $0x80  }
.LBB2_108:
0x15: {  	s26 =	simm.s32 $0x0  }
.LBB2_112:
0x16: {  	vm0 =	vmor vm0, vm1  }
0x17: {  	v3 =	vmpcnt.ones.xlane vm0;
	_ =	sdelay $0x1  }
0x18: {  	(v2sf) =	vpush v3, $0x0;
	_ =	sdelay $0xc  }
0x19: {  	s0 =	sadd.s32 @p0 s26, s18  }
0x1a: {  	s1 =	smov.u32 @p0 s0;
	s30 =	spop (v2sf)  }
0x1b: {  	[tilespmem:s1+$0xE100] =	vst.msk vm0, v5;
	s31 =	spop (v2sf)  }
.LBB2_113:
0x1c: {  	v3 =	vld [tilespmem:$0xE100];
	_ =	sdelay $0x5  }
0x1d: {  	v4 =	vld [tilespmem:$0xE110];
	_ =	sdelay $0x1  }
0x1e: {  	v3 =	vld.idx.msk [tilespmem:v3+s20+$0x0], $0xffff;
	_ =	sdelay $0x3  }
0x1f: {  	v5 =	vld [tilespmem:$0xE120]  }
0x20: {  	[tilespmem:$0xE300] =	vst v3  }
0x21: {  	v3 =	vld.idx.msk [tilespmem:v4+s20+$0x0], $0xffff;
	_ =	sdelay $0x3  }
0x22: {  	v63 =	vld [tilespmem:$0xE130]  }
0x23: {  	[tilespmem:$0xE310] =	vst v3  }
0x24: {  	v3 =	vld.idx.msk [tilespmem:v5+s20+$0x0], $0xffff;
	_ =	sdelay $0x4  }
0x25: {  	[tilespmem:$0xE320] =	vst v3  }
0x26: {  	v3 =	vld.idx.msk [tilespmem:v63+s20+$0x0], $0xffff;
	_ =	sdelay $0x4  }
0x27: {  	s0 =	simm.s32 $0xE300;
	[tilespmem:$0xE330] =	vst v3  }
0x28: {  	[hbm4b:s14+s2] =	stream.linear.scatter [tilespmem:s0], [sflag:$0x1], $0x80, $0x38;
	[tilespmem:$0xE380] =	vst v63  }
0x29: {  	_ =	swait.ge [sflag:s24], $0x80  }
0x2a: {  	[sflag:s24] =	ssyncset.done $0x0  }
0x2b: {  	[sflag:s24] =	ssyncadd.s32 $0xFFFFFF80  }
0x2c: {  	_ =	swait.ge [sflag:s19], $0x80  }
0x2d: {  	[sflag:s19] =	ssyncset.done $0x0  }
0x2e: {  	s29 =	sadd.s32 $0x1, s29;
	[sflag:s19] =	ssyncadd.s32 $0xFFFFFF80  }
0x2f: {  	p0 =	sne.s32 s29, s15;
	_ =	swait.ge [sflag:s24], $0x80  }
.Ltmp1:
0x30: {  	[sflag:s24] =	ssyncset.done $0x0;
	(pc) =	sbr.rel @!p0 .LBB2_114-.Ltmp1, $4  }
0x31: {  	[sflag:s24] =	ssyncadd.s32 $0xFFFFFF80  }
0x32: {  	_ =	swait.ge [sflag:s19], $0x80  }
0x33: {  	[sflag:s19] =	ssyncset.done $0x0  }
0x34: {  	[sflag:s19] =	ssyncadd.s32 $0xFFFFFF80  }
.LBB2_1:
0x35: {  	[tilespmem:s2], [sflag:$0x1] =	stream.strided.gather [hbm4b:s3+s16], $0x2000, s17, s16, $0x38;
	[tilespmem:$0xE380] =	vst v63  }
0x36: {  	s0 =	simm.s32 $0x4000  }
0x37: {  	[tilespmem:s0], [sflag:$0x1] =	stream.strided.gather [hbm4b:s4+s16], $0x2000, s17, s16, $0x38;
	[tilespmem:$0xE380] =	vst v63  }
0x38: {  	_ =	swait.ge [sflag:s19], $0x2000  }
0x39: {  	[sflag:s19] =	ssyncset.done $0x0  }
0x3a: {  	[sflag:s19] =	ssyncadd.s32 $0xFFFFE000  }
0x3b: {  	_ =	swait.ge [sflag:s19], $0x2000  }
0x3c: {  	[sflag:s19] =	ssyncset.done $0x0  }
0x3d: {  	[sflag:s19] =	ssyncadd.s32 $0xFFFFE000  }
0x3e: {  	[tilespmem:s20], [sflag:$0x2] =	stream.strided.gather [hbm4b:s5+s16], $0x2000, s17, s16, $0x38;
	[tilespmem:$0xE380] =	vst v63  }
0x3f: {  	s31 =	simm.s32 $0x6000;
	s30 =	simm.s32 $0x0  }
0x40: {  	[tilespmem:s31], [sflag:$0x2] =	stream.strided.gather [hbm4b:s6+s16], $0x2000, s17, s16, $0x38;
	[tilespmem:$0xE380] =	vst v63  }
0x41: {  	v3 =	vld [tilespmem:s30+$0x4070]  }
0x42: {  	v4 =	vld [tilespmem:s30+$0x70]  }
0x43: {  	v6 =	vld [tilespmem:s30+$0x4000]  }
0x44: {  	v7 =	vld [tilespmem:s30+$0x4010]  }
0x45: {  	v8 =	vld [tilespmem:s30+$0x4020]  }
0x46: {  	v9 =	vld [tilespmem:s30+$0x4030]  }
0x47: {  	v10 =	vld [tilespmem:s30+$0x4050]  }
0x48: {  	v12 =	vld [tilespmem:s30+$0x0]  }
0x49: {  	v16 =	vld [tilespmem:s30+$0x10]  }
0x4a: {  	v5 =	vimm.f32 $-Inf;
	v15 =	vld [tilespmem:s30+$0x4060]  }
0x4b: {  	vm0 =	veq.s32 v3, $0x0;
	v3 =	vld [tilespmem:s30+$0x4040];
	vm5 =	veq.s32 v7, $0x0;
	vm4 =	veq.s32 v8, $0x0  }
0x4c: {  	v14 =	vld [tilespmem:s30+$0x20];
	vm3 =	veq.s32 v9, $0x0;
	vm1 =	veq.s32 v10, $0x0;
	v7 =	vimm.f32 $-Inf  }
0x4d: {  	v13 =	vld [tilespmem:s30+$0x30];
	v9 =	vimm.f32 $-Inf;
	v10 =	vimm.f32 $-Inf;
	v8 =	vimm.f32 $-Inf  }
0x4e: {  	v11 =	vld [tilespmem:s30+$0x40];
	v4 =	vsel vm0, $0xFF800000, v4;
	vm0 =	veq.s32 v6, $0x0;
	v16 =	vsel vm5, $0xFF800000, v16  }
0x4f: {  	[tilespmem:s30+$0x8070] =	vst v4;
	v4 =	vmax.f32 v5, v4;
	v6 =	vsel vm0, $0xFF800000, v12;
	vm0 =	veq.s32 v15, $0x0;
	v12 =	vld [tilespmem:s30+$0x50]  }
0x50: {  	s1 =	simm.s32 $0x400;
	s0 =	simm.s32 $0x80;
	v15 =	vld [tilespmem:s30+$0x60];
	[tilespmem:s30+$0x8000] =	vst v6;
	vm2 =	veq.s32 v3, $0x0;
	v3 =	vmax.f32 v5, v6;
	v6 =	vimm.f32 $-Inf  }
.LBB2_2:
0x51: {  	p0 =	sne.s32 s1, $0x7E00;
	v17 =	vld [tilespmem:s0+$0x4070];
	[tilespmem:s30+$0x8010] =	vst v16;
	v5 =	vmax.f32 v5, v16;
	v14 =	vsel vm4, $0xFF800000, v14  }
0x52: {  	v16 =	vld [tilespmem:s0+$0x70];
	[tilespmem:s30+$0x8020] =	vst v14;
	v6 =	vmax.f32 v6, v14;
	v13 =	vsel vm3, $0xFF800000, v13  }
0x53: {  	v14 =	vld [tilespmem:s0+$0x4000];
	[tilespmem:s30+$0x8030] =	vst v13;
	v7 =	vmax.f32 v7, v13;
	v11 =	vsel vm2, $0xFF800000, v11  }
0x54: {  	v13 =	vld [tilespmem:s0+$0x4010];
	[tilespmem:s30+$0x8040] =	vst v11;
	v9 =	vmax.f32 v9, v11;
	v11 =	vsel vm1, $0xFF800000, v12  }
0x55: {  	v12 =	vld [tilespmem:s0+$0x4020];
	[tilespmem:s30+$0x8050] =	vst v11;
	v10 =	vmax.f32 v10, v11;
	v11 =	vsel vm0, $0xFF800000, v15  }
0x56: {  	v15 =	vld [tilespmem:s0+$0x4030];
	vm0 =	veq.s32 v17, $0x0;
	[tilespmem:s30+$0x8060] =	vst v11;
	v8 =	vmax.f32 v8, v11;
	s30 =	smov.u32 s0  }
0x57: {  	v11 =	vld [tilespmem:s30+$0x4040];
	v16 =	vsel vm0, $0xFF800000, v16  }
0x58: {  	vm5 =	veq.s32 v14, $0x0;
	v17 =	vld [tilespmem:s30+$0x4050];
	[tilespmem:s30+$0x8070] =	vst v16;
	v4 =	vmax.f32 v4, v16  }
0x59: {  	vm6 =	veq.s32 v13, $0x0;
	v16 =	vld [tilespmem:s30+$0x4060]  }
0x5a: {  	v18 =	vld [tilespmem:s30+$0x0];
	vm4 =	veq.s32 v12, $0x0  }
0x5b: {  	v19 =	vld [tilespmem:s30+$0x10];
	vm3 =	veq.s32 v15, $0x0  }
.Ltmp2:
0x5c: {  	v14 =	vld [tilespmem:s30+$0x20];
	vm2 =	veq.s32 v11, $0x0;
	(pc) =	sbr.rel @p0 .LBB2_2-.Ltmp2, $4  }
0x5d: {  	v13 =	vld [tilespmem:s30+$0x30];
	vm1 =	veq.s32 v17, $0x0  }
0x5e: {  	v11 =	vld [tilespmem:s30+$0x40];
	vm0 =	veq.s32 v16, $0x0  }
0x5f: {  	v15 =	vsel vm5, $0xFF800000, v18;
	v12 =	vld [tilespmem:s30+$0x50]  }
0x60: {  	s0 =	sshra.s32 s1, $0x2;
	s1 =	sadd.s32 $0x200, s1;
	[tilespmem:s30+$0x8000] =	vst v15;
	v3 =	vmax.f32 v3, v15;
	v16 =	vsel vm6, $0xFF800000, v19;
	v15 =	vld [tilespmem:s30+$0x60]  }
0x61: {  	v17 =	vld [tilespmem:s0+$0x4070];
	[tilespmem:s30+$0x8010] =	vst v16;
	v14 =	vsel vm4, $0xFF800000, v14  }
0x62: {  	v18 =	vld [tilespmem:s0+$0x70];
	[tilespmem:s30+$0x8020] =	vst v14;
	v13 =	vsel vm3, $0xFF800000, v13  }
0x63: {  	v19 =	vld [tilespmem:s0+$0x4000];
	[tilespmem:s30+$0x8030] =	vst v13;
	v11 =	vsel vm2, $0xFF800000, v11  }
0x64: {  	v20 =	vld [tilespmem:s0+$0x4010];
	[tilespmem:s30+$0x8040] =	vst v11;
	v12 =	vsel vm1, $0xFF800000, v12  }
0x65: {  	v21 =	vld [tilespmem:s0+$0x4020];
	[tilespmem:s30+$0x8050] =	vst v12;
	v15 =	vsel vm0, $0xFF800000, v15  }
0x66: {  	v22 =	vld [tilespmem:s0+$0x4030];
	[tilespmem:s30+$0x8060] =	vst v15  }
0x67: {  	v50 =	vld [tilespmem:s0+$0x4040]  }
0x68: {  	v23 =	vld [tilespmem:s0+$0x4050]  }
0x69: {  	v24 =	vld [tilespmem:s0+$0x4060]  }
0x6a: {  	v25 =	vld [tilespmem:s0+$0x0]  }
0x6b: {  	v5 =	vmax.f32 v5, v16;
	v26 =	vld [tilespmem:s0+$0x10]  }
0x6c: {  	v6 =	vmax.f32 v6, v14;
	v7 =	vmax.f32 v7, v13;
	v9 =	vmax.f32 v9, v11;
	v27 =	vld [tilespmem:s0+$0x20]  }
0x6d: {  	v11 =	vmax.f32 v10, v12;
	vm6 =	veq.s32 v17, $0x0;
	v53 =	vmax.f32 v8, v15;
	v51 =	vld [tilespmem:s0+$0x30]  }
0x6e: {  	v52 =	vld [tilespmem:s0+$0x40];
	vm7 =	veq.s32 v19, $0x0;
	vm8 =	veq.s32 v20, $0x0;
	vm9 =	veq.s32 v21, $0x0  }
0x6f: {  	v54 =	vld [tilespmem:s0+$0x50];
	vm10 =	veq.s32 v22, $0x0;
	v8 =	vsel vm7, $0xFF800000, v25;
	vm11 =	veq.s32 v50, $0x0  }
0x70: {  	v56 =	vld [tilespmem:s0+$0x60];
	vm12 =	veq.s32 v23, $0x0;
	v55 =	vsel vm8, $0xFF800000, v26;
	vm13 =	veq.s32 v24, $0x0  }
0x71: {  	v57 =	vsel vm9, $0xFF800000, v27;
	v3 =	vmax.f32 v3, v8;
	v10 =	vmax.f32 v5, v55  }
0x72: {  	v13 =	vsel vm10, $0xFF800000, v51;
	[tilespmem:s0+$0x8000] =	vst v8;
	v5 =	vmax.f32 v6, v57;
	v8 =	vmin.f32 v3, v10  }
0x73: {  	v6 =	vmax.f32 v7, v13;
	v12 =	vsel vm11, $0xFF800000, v52;
	v8 =	vmin.f32 v8, v5  }
0x74: {  	v15 =	vsel vm12, $0xFF800000, v54;
	v7 =	vmax.f32 v9, v12;
	v9 =	vmin.f32 v8, v6  }
0x75: {  	v8 =	vmax.f32 v11, v15;
	v11 =	vsel vm13, $0xFF800000, v56;
	v58 =	vmin.f32 v9, v7  }
0x76: {  	v18 =	vsel vm6, $0xFF800000, v18;
	v9 =	vmax.f32 v53, v11;
	v59 =	vmin.f32 v58, v8  }
0x77: {  	v4 =	vmax.f32 v4, v18;
	v14 =	vmin.f32 v59, v9  }
0x78: {  	v14 =	vmin.f32 v14, v4  }
0x79: {  	v14 =	vsub.f32 $0.0e+00, v14;
	_ =	sdelay $0x1  }
0x7a: {  	(xrf0) =	vmax.scan.msk.f32 $0xffff, v14;
	_ =	sdelay $0x5  }
0x7b: {  	v14, _, _ =	vpop (xrf0)  }
0x7c: {  	(v2sf) =	vpush v14, $0xF;
	_ =	sdelay $0x3  }
0x7d: {  	v60 =	vmax.f32 v3, v10  }
0x7e: {  	v14 =	vmax.f32 v60, v5  }
0x7f: {  	v14 =	vmax.f32 v14, v6  }
0x80: {  	v14 =	vmax.f32 v14, v7  }
0x81: {  	v14 =	vmax.f32 v14, v8  }
0x82: {  	v14 =	vmax.f32 v14, v9  }
0x83: {  	v14 =	vmax.f32 v14, v4  }
0x84: {  	(xrf0) =	vmax.scan.msk.f32 $0xffff, v14;
	_ =	sdelay $0x3  }
0x85: {  	s1 =	spop (v2sf)  }
0x86: {  	s1 =	ssub.f32 $0.0e+00, s1  }
0x87: {  	v14, _, _ =	vpop (xrf0)  }
0x88: {  	v14 =	vadd.f32 $0.0e+00, v14;
	v61 =	vmov s1  }
0x89: {  	v62 =	vbroadcast v61, $0x0  }
0x8a: {  	v14 =	vbroadcast v14, $0xF  }
0x8b: {  	v17 =	vxor.u32 $0x7FFFFFFF, v61;
	vm14 =	vlt.s32 v62, $0x0  }
0x8c: {  	v63 =	vxor.u32 $0x7FFFFFFF, v14;
	vm15 =	vlt.s32 v14, $0x0;
	v17 =	vsel vm14, v17, v62  }
0x8d: {  	v14 =	vsel vm15, v63, v14;
	(v2sf) =	vpush v17, $0x0  }
0x8e: {  	(v2sf) =	vpush v14, $0x0;
	_ =	sdelay $0xa  }
0x8f: {  	[tilespmem:s0+$0x8070] =	vst v18  }
0x90: {  	[tilespmem:s0+$0x8010] =	vst v55  }
0x91: {  	[tilespmem:s0+$0x8020] =	vst v57  }
0x92: {  	[tilespmem:s0+$0x8030] =	vst v13;
	s30 =	spop (v2sf)  }
0x93: {  	[tilespmem:s0+$0x8040] =	vst v12;
	s28 =	spop (v2sf)  }
0x94: {  	[tilespmem:s0+$0x8050] =	vst v15;
	s31 =	sadd.s32 $0x1, s28  }
0x95: {  	[tilespmem:s0+$0x8060] =	vst v11;
	s0 =	simm.s32 $0x5;
	s18 =	ssub.s32 s31, s30;
	s1 =	smov.u32 s31  }
.LBB2_4:
0x96: {  	p0 =	sne.s32 s0, $0x1;
	s18 =	sshrl.u32 s18, $0x1  }
0x97: {  	s23 =	sadd.s32 s30, s18;
	p1 =	sne.s32 s18, $0x0  }
0x98: {  	v11 =	vmov s23  }
0x99: {  	v12 =	vxor.u32 $0x7FFFFFFF, v11;
	vm0 =	vlt.s32 v11, $0x0  }
0x9a: {  	v11 =	vnsel vm0, s23, v12  }
0x9b: {  	vm0 =	vge.f32 v3, v11;
	vm1 =	vge.f32 v10, v11  }
0x9c: {  	v12 =	vsel vm0, $0x1, v0;
	v13 =	vsel vm1, $0x1, v0;
	vm0 =	vge.f32 v5, v11  }
0x9d: {  	v12 =	vadd.s32 v13, v12;
	v13 =	vsel vm0, $0x1, v0;
	vm0 =	vge.f32 v6, v11  }
0x9e: {  	v12 =	vadd.s32 v13, v12;
	v13 =	vsel vm0, $0x1, v0;
	vm0 =	vge.f32 v7, v11  }
0x9f: {  	v12 =	vadd.s32 v13, v12;
	v13 =	vsel vm0, $0x1, v0;
	vm0 =	vge.f32 v8, v11  }
0xa0: {  	v12 =	vadd.s32 v13, v12;
	v13 =	vsel vm0, $0x1, v0;
	vm0 =	vge.f32 v9, v11  }
0xa1: {  	v12 =	vadd.s32 v13, v12;
	v13 =	vsel vm0, $0x1, v0;
	vm0 =	vge.f32 v4, v11  }
0xa2: {  	v11 =	vadd.s32 v13, v12;
	v12 =	vsel vm0, $0x1, v0  }
0xa3: {  	v11 =	vadd.s32 v12, v11  }
0xa4: {  	(xrf0) =	vadd.scan.msk.s32 $0xffff, v11;
	_ =	sdelay $0x5  }
0xa5: {  	v11, _, _ =	vpop (xrf0)  }
0xa6: {  	(v2sf) =	vpush v11, $0xF;
	_ =	sdelay $0xe  }
.Ltmp3:
0xa7: {  	s18 =	spop (v2sf);
	(pc) =	sbr.rel @p0 .LBB2_4-.Ltmp3, $4  }
0xa8: {  	p2 =	sgt.s32 s18, $0x3F;
	p3 =	slt.s32 s18, $0x40;
	s18 =	smov.u32 s1  }
0xa9: {  	s30 =	smov.u32 @p2 s23;
	s18 =	smov.u32 @p3 s23  }
0xaa: {  	s1 =	smov.u32 @p1 s18  }
0xab: {  	s0 =	sadd.s32 $0xFFFFFFFF, s0;
	s18 =	ssub.s32 s1, s30  }
0xac: {  	s0 =	sshrl.u32 s18, $0x1  }
0xad: {  	s0 =	sadd.s32 s30, s0  }
0xae: {  	v11 =	vmov s0  }
0xaf: {  	v12 =	vxor.u32 $0x7FFFFFFF, v11;
	vm0 =	vlt.s32 v11, $0x0  }
0xb0: {  	v11 =	vnsel vm0, s0, v12  }
0xb1: {  	vm0 =	vge.f32 v3, v11;
	vm1 =	vge.f32 v10, v11  }
0xb2: {  	v3 =	vsel vm0, $0x1, v0;
	v10 =	vsel vm1, $0x1, v0;
	vm0 =	vge.f32 v5, v11  }
0xb3: {  	v3 =	vadd.s32 v10, v3;
	v5 =	vsel vm0, $0x1, v0;
	vm0 =	vge.f32 v6, v11  }
0xb4: {  	v3 =	vadd.s32 v5, v3;
	v5 =	vsel vm0, $0x1, v0;
	vm0 =	vge.f32 v7, v11  }
0xb5: {  	v3 =	vadd.s32 v5, v3;
	v5 =	vsel vm0, $0x1, v0;
	vm0 =	vge.f32 v8, v11  }
0xb6: {  	v3 =	vadd.s32 v5, v3;
	v5 =	vsel vm0, $0x1, v0;
	vm0 =	vge.f32 v9, v11  }
0xb7: {  	v3 =	vadd.s32 v5, v3;
	v5 =	vsel vm0, $0x1, v0;
	vm0 =	vge.f32 v4, v11  }
0xb8: {  	v3 =	vadd.s32 v5, v3;
	v4 =	vsel vm0, $0x1, v0  }
0xb9: {  	v3 =	vadd.s32 v4, v3  }
0xba: {  	(xrf0) =	vadd.scan.msk.s32 $0xffff, v3;
	_ =	sdelay $0x5  }
0xbb: {  	v3, _, _ =	vpop (xrf0)  }
0xbc: {  	(v2sf) =	vpush v3, $0xF;
	_ =	sdelay $0xe  }
0xbd: {  	s1 =	spop (v2sf)  }
0xbe: {  	p0 =	sgt.s32 s1, $0x3F  }
0xbf: {  	s30 =	smov.u32 @p0 s0;
	s0 =	simm.s32 $0x8040  }
0xc0: {  	v3 =	vmov s30;
	v4 =	vld [tilespmem:s0+$0xFFFFFFC0]  }
0xc1: {  	v6 =	vld [tilespmem:s0+$0xFFFFFFD0];
	v5 =	vxor.u32 $0x7FFFFFFF, v3;
	vm0 =	vlt.s32 v3, $0x0  }
0xc2: {  	v3 =	vnsel vm0, s30, v5;
	v5 =	vld [tilespmem:s0+$0xFFFFFFE0]  }
0xc3: {  	v7 =	vld [tilespmem:s0+$0xFFFFFFF0];
	v3 =	vbroadcast v3, $0x0  }
0xc4: {  	v60 =	vld [tilespmem:s0+$0x0]  }
0xc5: {  	vm7 =	vge.f32 v4, v3;
	v4 =	vld [tilespmem:s0+$0x10]  }
0xc6: {  	vm6 =	vge.f32 v6, v3;
	v6 =	vld [tilespmem:s0+$0x20];
	v61 =	vmpcnt.ones.xlane vm7  }
0xc7: {  	v62 =	vmpcnt.ones.xlane vm6;
	vm5 =	vge.f32 v5, v3;
	v5 =	vld [tilespmem:s0+$0x30]  }
0xc8: {  	vm4 =	vge.f32 v7, v3;
	v63 =	vmpcnt.ones.xlane vm5;
	(v2sf) =	vpush v61, $0x0  }
0xc9: {  	vm3 =	vge.f32 v60, v3;
	v7 =	vmpcnt.ones.xlane vm4;
	(v2sf) =	vpush v62, $0x0  }
0xca: {  	v8 =	vmpcnt.ones.xlane vm3;
	vm2 =	vge.f32 v4, v3;
	(v2sf) =	vpush v63, $0x0  }
0xcb: {  	vm1 =	vge.f32 v6, v3;
	v4 =	vmpcnt.ones.xlane vm2;
	(v2sf) =	vpush v7, $0x0  }
0xcc: {  	v6 =	vmpcnt.ones.xlane vm1;
	vm0 =	vge.f32 v5, v3;
	(v2sf) =	vpush v8, $0x0  }
0xcd: {  	v5 =	vmpcnt.ones.xlane vm0;
	(v2sf) =	vpush v4, $0x0  }
0xce: {  	(v2sf) =	vpush v6, $0x0  }
0xcf: {  	(v2sf) =	vpush v5, $0x0;
	_ =	sdelay $0x6  }
0xd0: {  	s25 =	simm.s32 $0x0  }
0xd1: {  	s26 =	simm.s32 $0x0;
	s28 =	simm.s32 $0x10;
	v4 =	vor.u32 s25, v1;
	s23 =	spop (v2sf)  }
0xd2: {  	s21 =	simm.s32 $0x20;
	[tilespmem:s26+$0xC080] =	vst.msk vm7, v4;
	v4 =	vor.u32 s28, v1;
	s23 =	sadd.s32 $0x0, s23;
	s26 =	spop (v2sf)  }
0xd3: {  	s25 =	simm.s32 $0x30;
	s1 =	sadd.s32 s23, s26;
	[tilespmem:s23+$0xC080] =	vst.msk vm6, v4;
	v4 =	vor.u32 s21, v1;
	s28 =	spop (v2sf)  }
0xd4: {  	s21 =	simm.s32 $0x40;
	s18 =	sadd.s32 s1, s28;
	[tilespmem:s1+$0xC080] =	vst.msk vm5, v4;
	v4 =	vor.u32 s25, v1;
	s25 =	spop (v2sf)  }
0xd5: {  	s26 =	simm.s32 $0x50;
	s1 =	sadd.s32 s18, s25;
	[tilespmem:s18+$0xC080] =	vst.msk vm4, v4;
	v4 =	vor.u32 s21, v1;
	s28 =	spop (v2sf)  }
0xd6: {  	s23 =	simm.s32 $0x60;
	s18 =	sadd.s32 s1, s28;
	[tilespmem:s1+$0xC080] =	vst.msk vm3, v4;
	v4 =	vor.u32 s26, v1;
	s21 =	spop (v2sf)  }
0xd7: {  	s26 =	simm.s32 $0x70;
	s28 =	sadd.s32 s18, s21;
	[tilespmem:s18+$0xC080] =	vst.msk vm2, v4;
	v4 =	vor.u32 s23, v1;
	s25 =	spop (v2sf)  }
0xd8: {  	s1 =	simm.s32 $0xF0;
	s25 =	sadd.s32 s28, s25;
	[tilespmem:s28+$0xC080] =	vst.msk vm1, v4;
	v4 =	vor.u32 s26, v1;
	s18 =	spop (v2sf)  }
.LBB2_6:
0xd9: {  	p0 =	sne.s32 s1, $0x1FF0;
	[tilespmem:s25+$0xC080] =	vst.msk vm0, v4;
	s25 =	sadd.s32 s25, s18;
	s0 =	sadd.s32 $0x80, s0  }
0xda: {  	s23 =	smov.u32 s1;
	s1 =	sadd.s32 $0x80, s1;
	v4 =	vld [tilespmem:s0+$0xFFFFFFC0]  }
0xdb: {  	v5 =	vld [tilespmem:s0+$0xFFFFFFD0]  }
0xdc: {  	v6 =	vld [tilespmem:s0+$0xFFFFFFE0]  }
0xdd: {  	v7 =	vld [tilespmem:s0+$0xFFFFFFF0]  }
0xde: {  	v8 =	vld [tilespmem:s0+$0x0]  }
0xdf: {  	vm0 =	vge.f32 v4, v3;
	v4 =	vld [tilespmem:s0+$0x10]  }
0xe0: {  	s18 =	sadd.s32 $0xFFFFFF90, s23;
	v9 =	vmpcnt.ones.xlane vm0;
	vm6 =	vge.f32 v5, v3;
	v5 =	vld [tilespmem:s0+$0x20]  }
0xe1: {  	v11 =	vor.u32 s18, v1;
	v10 =	vmpcnt.ones.xlane vm6;
	vm5 =	vge.f32 v6, v3;
	v6 =	vld [tilespmem:s0+$0x30]  }
0xe2: {  	v12 =	vmpcnt.ones.xlane vm5;
	vm4 =	vge.f32 v7, v3;
	[tilespmem:s25+$0xC080] =	vst.msk vm0, v11;
	(v2sf) =	vpush v9, $0x0  }
0xe3: {  	v7 =	vmpcnt.ones.xlane vm4;
	vm3 =	vge.f32 v8, v3;
	(v2sf) =	vpush v10, $0x0  }
0xe4: {  	v8 =	vmpcnt.ones.xlane vm3;
	vm2 =	vge.f32 v4, v3;
	(v2sf) =	vpush v12, $0x0  }
0xe5: {  	v4 =	vmpcnt.ones.xlane vm2;
	vm1 =	vge.f32 v5, v3;
	(v2sf) =	vpush v7, $0x0  }
0xe6: {  	v5 =	vmpcnt.ones.xlane vm1;
	vm0 =	vge.f32 v6, v3;
	(v2sf) =	vpush v8, $0x0  }
0xe7: {  	v6 =	vmpcnt.ones.xlane vm0;
	(v2sf) =	vpush v4, $0x0  }
0xe8: {  	(v2sf) =	vpush v5, $0x0  }
0xe9: {  	(v2sf) =	vpush v6, $0x0;
	_ =	sdelay $0x7  }
0xea: {  	s26 =	sadd.s32 $0xFFFFFFD0, s23;
	s18 =	sadd.s32 $0xFFFFFFA0, s23;
	s28 =	spop (v2sf)  }
0xeb: {  	s21 =	sadd.s32 $0xFFFFFFB0, s23;
	v4 =	vor.u32 s18, v1;
	s25 =	sadd.s32 s25, s28;
	s18 =	spop (v2sf)  }
0xec: {  	s28 =	sadd.s32 $0xFFFFFFC0, s23;
	s18 =	sadd.s32 s25, s18;
	[tilespmem:s25+$0xC080] =	vst.msk vm6, v4;
	v4 =	vor.u32 s21, v1;
	s21 =	spop (v2sf)  }
.Ltmp4:
0xed: {  	s21 =	sadd.s32 s18, s21;
	[tilespmem:s18+$0xC080] =	vst.msk vm5, v4;
	v4 =	vor.u32 s28, v1;
	s18 =	spop (v2sf);
	(pc) =	sbr.rel @p0 .LBB2_6-.Ltmp4, $4  }
0xee: {  	s25 =	sadd.s32 $0xFFFFFFE0, s23;
	s18 =	sadd.s32 s21, s18;
	[tilespmem:s21+$0xC080] =	vst.msk vm4, v4;
	v4 =	vor.u32 s26, v1;
	s21 =	spop (v2sf)  }
0xef: {  	s26 =	sadd.s32 $0xFFFFFFF0, s23;
	s21 =	sadd.s32 s18, s21;
	[tilespmem:s18+$0xC080] =	vst.msk vm3, v4;
	v4 =	vor.u32 s25, v1;
	s18 =	spop (v2sf)  }
0xf0: {  	s18 =	sadd.s32 s21, s18;
	[tilespmem:s21+$0xC080] =	vst.msk vm2, v4;
	v4 =	vor.u32 s26, v1;
	s21 =	spop (v2sf)  }
0xf1: {  	s25 =	sadd.s32 s18, s21;
	[tilespmem:s18+$0xC080] =	vst.msk vm1, v4;
	v4 =	vor.u32 s23, v1;
	s18 =	spop (v2sf)  }
0xf2: {  	s1 =	sadd.s32 s25, s18  }
0xf3: {  	s0 =	sadd.s32 $0xF, s1  }
0xf4: {  	s26 =	sand.u32 $0xF, s0  }
0xf5: {  	s28 =	sshra.s32 s0, $0x1F;
	p1 =	slt.s32 s0, $0x1;
	p0 =	sne.s32 s26, $0x0  }
0xf6: {  	s18 =	sshrl.u32 s28, $0x1C;
	p0 =	por !p1, !p0  }
0xf7: {  	s0 =	sadd.s32 s18, s0;
	s18 =	simm.s32 $0x1;
	p0 =	por !p0, !p0  }
0xf8: {  	s0 =	sshra.s32 s0, $0x4;
	s18 =	simm.s32 @!p0 $0x0  }
0xf9: {  	s0 =	ssub.s32 s0, s18  }
0xfa: {  	p0 =	slt.s32 s0, $0x1  }
.Ltmp5:
0xfb: {  	_ = 	snop;
	(pc) =	sbr.rel @p0 .LBB2_14-.Ltmp5, $3  }
0xfc: {  	_ =	sdelay $0x1  }
0xfd: {  	[tilespmem:s25+$0xC080] =	vst.msk vm0, v4  }
0xfe: {  	[tilespmem:s1+$0xC080] =	vst v1  }
0xff: {  	p2 =	sne.s32 s0, $0x1  }
.Ltmp6:
0x100: {  	_ = 	snop;
	(pc) =	sbr.rel @!p2 .LBB2_9-.Ltmp6, $3  }
0x101: {  	_ =	sdelay $0x1  }
0x102: {  	s18 =	simm.s32 $0xC080  }
0x103: {  	s23 =	simm.s32 $0xA000;
	p1 =	por $0x0, $0x0;
	v3 =	vld [tilespmem:s18+$0x0];
	s18 =	sadd.s32 $0xFFFFFFFF, s0  }
0x104: {  	_ =	sdelay $0x7  }
0x105: {  	v3 =	vld.idx.msk [tilespmem:v3+s22+$0x0], $0xffff;
	_ =	sdelay $0x2  }
0x106: {  	p2 =	sne.s32 s18, $0x1  }
.Ltmp7:
0x107: {  	_ = 	snop;
	(pc) =	sbr.rel @!p2 .LBB2_11-.Ltmp7, $4  }
0x108: {  	v4 =	vxor.u32 $0x7FFFFFFF, v3;
	vm0 =	vlt.s32 v3, $0x0  }
0x109: {  	v3 =	vsel vm0, v4, v3  }
0x10a: {  	s26 =	simm.s32 $0xC090;
	[tilespmem:s23+$0x0] =	vst v3  }
0x10b: {  	s28 =	sadd.s32 $0xFFFFFFFF, s18;
	p1 =	por $0x1, $0x1;
	s25 =	simm.s32 $0xA000;
	v3 =	vld [tilespmem:s26+$0x0]  }
.LBB2_12:
0x10c: {  	p2 =	sne.s32 s28, $0x1;
	_ =	sdelay $0x6  }
0x10d: {  	v3 =	vld.idx.msk [tilespmem:v3+s22+$0x0], $0xffff;
	_ =	sdelay $0x4  }
.Ltmp8:
0x10e: {  	(pc) =	sbr.rel @p2 .LBB2_12-.Ltmp8, $4  }
0x10f: {  	v4 =	vxor.u32 $0x7FFFFFFF, v3;
	vm0 =	vlt.s32 v3, $0x0  }
0x110: {  	s25 =	sadd.s32 $0x10, s25;
	v3 =	vsel vm0, v4, v3  }
0x111: {  	s26 =	sadd.s32 $0x10, s26;
	[tilespmem:s25+$0x0] =	vst v3  }
0x112: {  	s28 =	sadd.s32 $0xFFFFFFFF, s28;
	v3 =	vld [tilespmem:s26+$0x0]  }
.LBB2_13:
0x113: {  	_ =	sdelay $0x7  }
0x114: {  	v3 =	vld.idx.msk [tilespmem:v3+s22+$0x0], $0xffff;
	_ =	sdelay $0x4  }
0x115: {  	s18 =	sadd.s32 @p1 $0x10, s25;
	v4 =	vxor.u32 $0x7FFFFFFF, v3;
	vm0 =	vlt.s32 v3, $0x0  }
0x116: {  	s23 =	smov.u32 @p1 s18;
	v3 =	vsel vm0, v4, v3  }
0x117: {  	[tilespmem:s23+$0x0] =	vst v3  }
.LBB2_14:
0x118: {  	s25 =	ssub.s32 s31, s30  }
0x119: {  	p1 =	slt.u32 s25, $0x2  }
.Ltmp9:
0x11a: {  	_ = 	snop;
	(pc) =	sbr.rel @p1 .LBB2_22-.Ltmp9, $4  }
.Ltmp10:
0x11b: {  	_ = 	snop;
	(pc) =	sbr.rel @!p1 .LBB2_15-.Ltmp10, $4  }
0x11c: {  	_ = 	snop  }
0x11d: {  	_ = 	snop  }
0x11e: {  	[tilespmem:s1+$0xA000] =	vst v2;
	s1 =	simm.s32 $0x0;
	s18 =	simm.s32 $0x40  }
0x11f: {  	_ = 	snop  }
.LBB2_16:
0x120: {  	v3 =	vimm.s32 $0x0;
	v4 =	vimm.s32 $0x0;
	v5 =	vimm.s32 $0x0  }
.LBB2_20:
0x121: {  	(xrf0) =	vadd.scan.msk.s32 $0xffff, v3  }
0x122: {  	(xrf0) =	vadd.scan.msk.s32 $0xffff, v4  }
0x123: {  	(xrf0) =	vadd.scan.msk.s32 $0xffff, v5;
	_ =	sdelay $0x3  }
0x124: {  	v3, _, _ =	vpop (xrf0)  }
0x125: {  	v4, _, _ =	vpop (xrf0);
	(v2sf) =	vpush v3, $0xF  }
0x126: {  	(v2sf) =	vpush v4, $0xF;
	v3, _, _ =	vpop (xrf0)  }
0x127: {  	(v2sf) =	vpush v3, $0xF;
	_ =	sdelay $0xc  }
0x128: {  	s18 =	spop (v2sf)  }
0x129: {  	s21 =	spop (v2sf)  }
0x12a: {  	p1 =	sgt.s32 s18, $0x3F;
	s28 =	spop (v2sf)  }
0x12b: {  	p2 =	sgt.s32 s21, $0x3F;
	s30 =	smov.u32 @p1 s23;
	s23 =	smov.u32 @p1 s25  }
0x12c: {  	p3 =	sgt.s32 s28, $0x3F;
	s30 =	smov.u32 @p2 s25;
	s23 =	smov.u32 @p2 s26  }
0x12d: {  	s30 =	smov.u32 @p3 s26;
	s23 =	smov.u32 @p3 s31  }
0x12e: {  	s25 =	ssub.s32 s23, s30  }
0x12f: {  	s18 =	smov.u32 @p1 s21;
	p1 =	sgt.u32 s25, $0x1  }
.Ltmp11:
0x130: {  	_ = 	snop;
	(pc) =	sbr.rel @!p1 .LBB2_21-.Ltmp11, $4  }
0x131: {  	_ = 	snop  }
0x132: {  	s18 =	smov.u32 @p2 s28  }
0x133: {  	s18 =	smov.u32 @p3 s1  }
0x134: {  	s1 =	smov.u32 s18;
	s31 =	smov.u32 s23  }
.LBB2_15:
.Ltmp12:
0x135: {  	(pc) =	sbr.rel @p0 .LBB2_16-.Ltmp12, $4  }
0x136: {  	_ = 	snop  }
0x137: {  	s18 =	sshrl.u32 s25, $0x1  }
0x138: {  	s21 =	sshrl.u32 s25, $0x2;
	s25 =	sadd.s32 s30, s18  }
0x139: {  	s23 =	sadd.s32 s30, s21;
	s26 =	sadd.s32 s21, s25  }
0x13a: {  	s18 =	simm.s32 $0xA000  }
0x13b: {  	v7 =	vld [tilespmem:s18+$0x0]  }
0x13c: {  	p1 =	sne.s32 s0, $0x1  }
.Ltmp13:
0x13d: {  	_ = 	snop;
	(pc) =	sbr.rel @!p1 .LBB2_19-.Ltmp13, $4  }
0x13e: {  	_ = 	snop  }
0x13f: {  	v4 =	vmov s23;
	v5 =	vmov s25;
	v6 =	vmov s26  }
0x140: {  	v3 =	vimm.s32 $0x0;
	v8 =	vimm.s32 $0x0;
	vm0 =	vge.s32 v7, v4  }
0x141: {  	s28 =	sadd.s32 $0xFFFFFFFF, s0;
	s18 =	simm.s32 $0xA010;
	vm1 =	vge.s32 v7, v5;
	vm2 =	vge.s32 v7, v6;
	v7 =	vimm.s32 $0x0  }
.LBB2_18:
0x142: {  	v9 =	vld [tilespmem:s18+$0x0];
	p1 =	sne.s32 s28, $0x1;
	s28 =	sadd.s32 $0xFFFFFFFF, s28;
	v10 =	vsel vm0, $0x1, v0;
	v11 =	vsel vm1, $0x1, v0;
	v12 =	vsel vm2, $0x1, v0  }
.Ltmp14:
0x143: {  	v3 =	vadd.s32 v10, v3;
	v7 =	vadd.s32 v11, v7;
	v8 =	vadd.s32 v12, v8;
	(pc) =	sbr.rel @p1 .LBB2_18-.Ltmp14, $2  }
0x144: {  	_ =	sdelay $0x2  }
0x145: {  	s18 =	sadd.s32 $0x10, s18;
	vm0 =	vge.s32 v9, v4;
	vm1 =	vge.s32 v9, v5;
	vm2 =	vge.s32 v9, v6  }
.LBB2_19:
.Ltmp15:
0x146: {  	(pc) =	sbr.rel .LBB2_20-.Ltmp15, $3  }
0x147: {  	_ =	sdelay $0x1  }
0x148: {  	v4 =	vsel vm0, $0x1, v0;
	v5 =	vsel vm1, $0x1, v0;
	v6 =	vsel vm2, $0x1, v0  }
0x149: {  	v3 =	vadd.s32 v4, v3;
	v4 =	vadd.s32 v5, v7;
	v5 =	vadd.s32 v6, v8  }
.LBB2_21:
0x14a: {  	s18 =	ssub.s32 $0x40, s18  }
.LBB2_22:
.Ltmp16:
0x14b: {  	(pc) =	sbr.rel @p0 .LBB2_29-.Ltmp16, $1  }
0x14c: {  	_ =	sdelay $0x3  }
0x14d: {  	s1 =	simm.s32 $0xA000  }
0x14e: {  	v6 =	vld [tilespmem:s1+$0x0];
	_ =	sdelay $0x3  }
0x14f: {  	v3 =	vmov s30  }
0x150: {  	vm1 =	veq.s32 v6, v3  }
0x151: {  	v4 =	vsel vm1, $0x1, v0  }
0x152: {  	(xrf0) =	vadd.scan.msk.s32 $0xffff, v4;
	_ =	sdelay $0x3  }
0x153: {  	p1 =	sne.s32 s0, $0x1  }
.Ltmp17:
0x154: {  	_ = 	snop;
	(pc) =	sbr.rel @!p1 .LBB2_24-.Ltmp17, $4  }
0x155: {  	s1 =	simm.s32 $0x0;
	v5, _, _ =	vpop (xrf0)  }
0x156: {  	v7 =	vmpcnt.ones.xlane vm1;
	v4 =	vmov s18;
	v5 =	vadd.s32 s1, v5  }
0x157: {  	s21 =	simm.s32 $0xC080;
	vm2 =	vle.s32 v5, v4  }
0x158: {  	p0 =	por $0x0, $0x0;
	vm0 =	vgt.s32 v6, v3;
	s18 =	sadd.s32 $0xFFFFFFFF, s0;
	(v2sf) =	vpush v7, $0x0;
	v5 =	vld [tilespmem:s21+$0x0];
	vm1 =	vmand vm1, vm2  }
0x159: {  	_ =	sdelay $0x2  }
0x15a: {  	vm0 =	vmor vm0, vm1  }
0x15b: {  	s0 =	simm.s32 $0xA010;
	[tilespmem:s1+$0xE100] =	vst.msk vm0, v5  }
0x15c: {  	v6 =	vld [tilespmem:s0+$0x0]  }
0x15d: {  	v5 =	vmpcnt.ones.xlane vm0;
	_ =	sdelay $0x1  }
0x15e: {  	(v2sf) =	vpush v5, $0x0;
	_ =	sdelay $0x1  }
0x15f: {  	vm1 =	veq.s32 v6, v3  }
0x160: {  	v5 =	vsel vm1, $0x1, v0  }
0x161: {  	(xrf0) =	vadd.scan.msk.s32 $0xffff, v5  }
0x162: {  	v7 =	vmpcnt.ones.xlane vm1;
	_ =	sdelay $0x1  }
0x163: {  	s21 =	spop (v2sf);
	(v2sf) =	vpush v7, $0x0;
	_ =	sdelay $0x2  }
0x164: {  	p1 =	sne.s32 s18, $0x1;
	s23 =	sadd.s32 $0x0, s21;
	v5, _, _ =	vpop (xrf0)  }
.Ltmp18:
0x165: {  	s30 =	simm.s32 $0xC090;
	v5 =	vadd.s32 s23, v5;
	(pc) =	sbr.rel @!p1 .LBB2_26-.Ltmp18, $3  }
0x166: {  	vm2 =	vle.s32 v5, v4;
	v5 =	vld [tilespmem:s30+$0x0];
	_ =	sdelay $0x1  }
0x167: {  	s25 =	sadd.s32 $0xFFFFFFFF, s18  }
0x168: {  	p0 =	por $0x1, $0x1;
	s26 =	simm.s32 $0x0;
	vm0 =	vgt.s32 v6, v3;
	vm1 =	vmand vm1, vm2;
	s18 =	spop (v2sf)  }
.LBB2_27:
0x169: {  	p1 =	sne.s32 s25, $0x1;
	s25 =	sadd.s32 $0xFFFFFFFF, s25;
	vm0 =	vmor vm0, vm1;
	s26 =	sadd.s32 s26, s18  }
0x16a: {  	s0 =	sadd.s32 $0x10, s0;
	[tilespmem:s26+$0xE100] =	vst.msk vm0, v5;
	v5 =	vmpcnt.ones.xlane vm0  }
0x16b: {  	v6 =	vld [tilespmem:s0+$0x0]  }
0x16c: {  	(v2sf) =	vpush v5, $0x0;
	_ =	sdelay $0x2  }
0x16d: {  	s18 =	spop (v2sf)  }
0x16e: {  	vm1 =	veq.s32 v6, v3;
	s23 =	sadd.s32 s23, s18  }
0x16f: {  	v5 =	vsel vm1, $0x1, v0;
	v7 =	vmpcnt.ones.xlane vm1  }
0x170: {  	(xrf0) =	vadd.scan.msk.s32 $0xffff, v5  }
0x171: {  	(v2sf) =	vpush v7, $0x0;
	_ =	sdelay $0x3  }
.Ltmp19:
0x172: {  	s30 =	sadd.s32 $0x10, s30;
	(pc) =	sbr.rel @p1 .LBB2_27-.Ltmp19, $4  }
0x173: {  	v5 =	vld [tilespmem:s30+$0x0];
	v7, _, _ =	vpop (xrf0)  }
0x174: {  	v7 =	vadd.s32 s23, v7  }
0x175: {  	vm2 =	vle.s32 v7, v4  }
0x176: {  	vm0 =	vgt.s32 v6, v3;
	vm1 =	vmand vm1, vm2;
	s18 =	spop (v2sf)  }
.LBB2_28:
0x177: {  	vm0 =	vmor vm0, vm1  }
0x178: {  	v3 =	vmpcnt.ones.xlane vm0;
	_ =	sdelay $0x1  }
0x179: {  	(v2sf) =	vpush v3, $0x0;
	_ =	sdelay $0xc  }
0x17a: {  	s0 =	sadd.s32 @p0 s26, s18  }
0x17b: {  	s1 =	smov.u32 @p0 s0;
	s30 =	spop (v2sf)  }
0x17c: {  	[tilespmem:s1+$0xE100] =	vst.msk vm0, v5;
	s31 =	spop (v2sf)  }
.LBB2_29:
0x17d: {  	v3 =	vld [tilespmem:$0xE100];
	_ =	sdelay $0x5  }
0x17e: {  	v4 =	vld [tilespmem:$0xE110]  }
0x17f: {  	s0 =	simm.s32 $0x0  }
0x180: {  	v3 =	vld.idx.msk [tilespmem:v3+s0+$0x0], $0xffff;
	_ =	sdelay $0x3  }
0x181: {  	v5 =	vld [tilespmem:$0xE120]  }
0x182: {  	[tilespmem:$0xE180] =	vst v3  }
0x183: {  	v3 =	vld.idx.msk [tilespmem:v4+s0+$0x0], $0xffff;
	_ =	sdelay $0x3  }
0x184: {  	v4 =	vld [tilespmem:$0xE130]  }
0x185: {  	[tilespmem:$0xE190] =	vst v3  }
0x186: {  	v3 =	vld.idx.msk [tilespmem:v5+s0+$0x0], $0xffff;
	_ =	sdelay $0x4  }
0x187: {  	[tilespmem:$0xE1A0] =	vst v3  }
0x188: {  	v3 =	vld.idx.msk [tilespmem:v4+s0+$0x0], $0xffff;
	_ =	sdelay $0x4  }
0x189: {  	s1 =	simm.s32 $0xE180;
	[tilespmem:$0xE1B0] =	vst v3  }
0x18a: {  	[hbm4b:s7+s0] =	stream.linear.scatter [tilespmem:s1], [sflag:$0x2], $0x80, $0x38;
	[tilespmem:$0xE380] =	vst v63  }
0x18b: {  	_ =	swait.ge [sflag:s24], $0x2000  }
0x18c: {  	[sflag:s24] =	ssyncset.done $0x0  }
0x18d: {  	[sflag:s24] =	ssyncadd.s32 $0xFFFFE000  }
0x18e: {  	_ =	swait.ge [sflag:s24], $0x2000  }
0x18f: {  	[sflag:s24] =	ssyncset.done $0x0  }
0x190: {  	[sflag:s24] =	ssyncadd.s32 $0xFFFFE000  }
0x191: {  	[tilespmem:s0], [sflag:$0x1] =	stream.strided.gather [hbm4b:s8+s16], $0x2000, s17, s16, $0x38;
	[tilespmem:$0xE380] =	vst v63  }
0x192: {  	s31 =	simm.s32 $0x4000;
	s30 =	simm.s32 $0x0  }
0x193: {  	[tilespmem:s31], [sflag:$0x1] =	stream.strided.gather [hbm4b:s9+s16], $0x2000, s17, s16, $0x38;
	[tilespmem:$0xE380] =	vst v63  }
0x194: {  	v3 =	vld [tilespmem:s30+$0x6070]  }
0x195: {  	v4 =	vld [tilespmem:s30+$0x2070]  }
0x196: {  	v6 =	vld [tilespmem:s30+$0x6000]  }
0x197: {  	v7 =	vld [tilespmem:s30+$0x6010]  }
0x198: {  	v8 =	vld [tilespmem:s30+$0x6020]  }
0x199: {  	v9 =	vld [tilespmem:s30+$0x6030]  }
0x19a: {  	v10 =	vld [tilespmem:s30+$0x6050]  }
0x19b: {  	v12 =	vld [tilespmem:s30+$0x2000]  }
0x19c: {  	v16 =	vld [tilespmem:s30+$0x2010]  }
0x19d: {  	v5 =	vimm.f32 $-Inf;
	v15 =	vld [tilespmem:s30+$0x6060]  }
0x19e: {  	vm0 =	veq.s32 v3, $0x0;
	v3 =	vld [tilespmem:s30+$0x6040];
	vm5 =	veq.s32 v7, $0x0;
	vm4 =	veq.s32 v8, $0x0  }
0x19f: {  	v14 =	vld [tilespmem:s30+$0x2020];
	vm3 =	veq.s32 v9, $0x0;
	vm1 =	veq.s32 v10, $0x0;
	v7 =	vimm.f32 $-Inf  }
0x1a0: {  	v13 =	vld [tilespmem:s30+$0x2030];
	v9 =	vimm.f32 $-Inf;
	v10 =	vimm.f32 $-Inf;
	v8 =	vimm.f32 $-Inf  }
0x1a1: {  	v11 =	vld [tilespmem:s30+$0x2040];
	v4 =	vsel vm0, $0xFF800000, v4;
	vm0 =	veq.s32 v6, $0x0;
	v16 =	vsel vm5, $0xFF800000, v16  }
0x1a2: {  	[tilespmem:s30+$0x8070] =	vst v4;
	v4 =	vmax.f32 v5, v4;
	v6 =	vsel vm0, $0xFF800000, v12;
	vm0 =	veq.s32 v15, $0x0;
	v12 =	vld [tilespmem:s30+$0x2050]  }
0x1a3: {  	s1 =	simm.s32 $0x400;
	s0 =	simm.s32 $0x80;
	v15 =	vld [tilespmem:s30+$0x2060];
	[tilespmem:s30+$0x8000] =	vst v6;
	vm2 =	veq.s32 v3, $0x0;
	v3 =	vmax.f32 v5, v6;
	v6 =	vimm.f32 $-Inf  }
.LBB2_30:
0x1a4: {  	p0 =	sne.s32 s1, $0x7E00;
	v17 =	vld [tilespmem:s0+$0x6070];
	[tilespmem:s30+$0x8010] =	vst v16;
	v5 =	vmax.f32 v5, v16;
	v14 =	vsel vm4, $0xFF800000, v14  }
0x1a5: {  	v16 =	vld [tilespmem:s0+$0x2070];
	[tilespmem:s30+$0x8020] =	vst v14;
	v6 =	vmax.f32 v6, v14;
	v13 =	vsel vm3, $0xFF800000, v13  }
0x1a6: {  	v14 =	vld [tilespmem:s0+$0x6000];
	[tilespmem:s30+$0x8030] =	vst v13;
	v7 =	vmax.f32 v7, v13;
	v11 =	vsel vm2, $0xFF800000, v11  }
0x1a7: {  	v13 =	vld [tilespmem:s0+$0x6010];
	[tilespmem:s30+$0x8040] =	vst v11;
	v9 =	vmax.f32 v9, v11;
	v11 =	vsel vm1, $0xFF800000, v12  }
0x1a8: {  	v12 =	vld [tilespmem:s0+$0x6020];
	[tilespmem:s30+$0x8050] =	vst v11;
	v10 =	vmax.f32 v10, v11;
	v11 =	vsel vm0, $0xFF800000, v15  }
0x1a9: {  	v15 =	vld [tilespmem:s0+$0x6030];
	vm0 =	veq.s32 v17, $0x0;
	[tilespmem:s30+$0x8060] =	vst v11;
	v8 =	vmax.f32 v8, v11;
	s30 =	smov.u32 s0  }
0x1aa: {  	v11 =	vld [tilespmem:s30+$0x6040];
	v16 =	vsel vm0, $0xFF800000, v16  }
0x1ab: {  	vm5 =	veq.s32 v14, $0x0;
	v17 =	vld [tilespmem:s30+$0x6050];
	[tilespmem:s30+$0x8070] =	vst v16;
	v4 =	vmax.f32 v4, v16  }
0x1ac: {  	vm6 =	veq.s32 v13, $0x0;
	v16 =	vld [tilespmem:s30+$0x6060]  }
0x1ad: {  	v18 =	vld [tilespmem:s30+$0x2000];
	vm4 =	veq.s32 v12, $0x0  }
0x1ae: {  	v19 =	vld [tilespmem:s30+$0x2010];
	vm3 =	veq.s32 v15, $0x0  }
.Ltmp20:
0x1af: {  	v14 =	vld [tilespmem:s30+$0x2020];
	vm2 =	veq.s32 v11, $0x0;
	(pc) =	sbr.rel @p0 .LBB2_30-.Ltmp20, $4  }
0x1b0: {  	v13 =	vld [tilespmem:s30+$0x2030];
	vm1 =	veq.s32 v17, $0x0  }
0x1b1: {  	v11 =	vld [tilespmem:s30+$0x2040];
	vm0 =	veq.s32 v16, $0x0  }
0x1b2: {  	v15 =	vsel vm5, $0xFF800000, v18;
	v12 =	vld [tilespmem:s30+$0x2050]  }
0x1b3: {  	s0 =	sshra.s32 s1, $0x2;
	s1 =	sadd.s32 $0x200, s1;
	[tilespmem:s30+$0x8000] =	vst v15;
	v3 =	vmax.f32 v3, v15;
	v16 =	vsel vm6, $0xFF800000, v19;
	v15 =	vld [tilespmem:s30+$0x2060]  }
0x1b4: {  	v17 =	vld [tilespmem:s0+$0x6070];
	[tilespmem:s30+$0x8010] =	vst v16;
	v14 =	vsel vm4, $0xFF800000, v14  }
0x1b5: {  	v18 =	vld [tilespmem:s0+$0x2070];
	[tilespmem:s30+$0x8020] =	vst v14;
	v13 =	vsel vm3, $0xFF800000, v13  }
0x1b6: {  	v19 =	vld [tilespmem:s0+$0x6000];
	[tilespmem:s30+$0x8030] =	vst v13;
	v11 =	vsel vm2, $0xFF800000, v11  }
0x1b7: {  	v20 =	vld [tilespmem:s0+$0x6010];
	[tilespmem:s30+$0x8040] =	vst v11;
	v12 =	vsel vm1, $0xFF800000, v12  }
0x1b8: {  	v21 =	vld [tilespmem:s0+$0x6020];
	[tilespmem:s30+$0x8050] =	vst v12;
	v15 =	vsel vm0, $0xFF800000, v15  }
0x1b9: {  	v22 =	vld [tilespmem:s0+$0x6030];
	[tilespmem:s30+$0x8060] =	vst v15  }
0x1ba: {  	v50 =	vld [tilespmem:s0+$0x6040]  }
0x1bb: {  	v23 =	vld [tilespmem:s0+$0x6050]  }
0x1bc: {  	v24 =	vld [tilespmem:s0+$0x6060]  }
0x1bd: {  	v25 =	vld [tilespmem:s0+$0x2000]  }
0x1be: {  	v5 =	vmax.f32 v5, v16;
	v26 =	vld [tilespmem:s0+$0x2010]  }
0x1bf: {  	v6 =	vmax.f32 v6, v14;
	v7 =	vmax.f32 v7, v13;
	v9 =	vmax.f32 v9, v11;
	v27 =	vld [tilespmem:s0+$0x2020]  }
0x1c0: {  	v11 =	vmax.f32 v10, v12;
	vm6 =	veq.s32 v17, $0x0;
	v53 =	vmax.f32 v8, v15;
	v51 =	vld [tilespmem:s0+$0x2030]  }
0x1c1: {  	v52 =	vld [tilespmem:s0+$0x2040];
	vm7 =	veq.s32 v19, $0x0;
	vm8 =	veq.s32 v20, $0x0;
	vm9 =	veq.s32 v21, $0x0  }
0x1c2: {  	v54 =	vld [tilespmem:s0+$0x2050];
	vm10 =	veq.s32 v22, $0x0;
	v8 =	vsel vm7, $0xFF800000, v25;
	vm11 =	veq.s32 v50, $0x0  }
0x1c3: {  	v56 =	vld [tilespmem:s0+$0x2060];
	vm12 =	veq.s32 v23, $0x0;
	v55 =	vsel vm8, $0xFF800000, v26;
	vm13 =	veq.s32 v24, $0x0  }
0x1c4: {  	v57 =	vsel vm9, $0xFF800000, v27;
	v3 =	vmax.f32 v3, v8;
	v10 =	vmax.f32 v5, v55  }
0x1c5: {  	v13 =	vsel vm10, $0xFF800000, v51;
	[tilespmem:s0+$0x8000] =	vst v8;
	v5 =	vmax.f32 v6, v57;
	v8 =	vmin.f32 v3, v10  }
0x1c6: {  	v6 =	vmax.f32 v7, v13;
	v12 =	vsel vm11, $0xFF800000, v52;
	v8 =	vmin.f32 v8, v5  }
0x1c7: {  	v15 =	vsel vm12, $0xFF800000, v54;
	v7 =	vmax.f32 v9, v12;
	v9 =	vmin.f32 v8, v6  }
0x1c8: {  	v8 =	vmax.f32 v11, v15;
	v11 =	vsel vm13, $0xFF800000, v56;
	v58 =	vmin.f32 v9, v7  }
0x1c9: {  	v18 =	vsel vm6, $0xFF800000, v18;
	v9 =	vmax.f32 v53, v11;
	v59 =	vmin.f32 v58, v8  }
0x1ca: {  	v4 =	vmax.f32 v4, v18;
	v14 =	vmin.f32 v59, v9  }
0x1cb: {  	v14 =	vmin.f32 v14, v4  }
0x1cc: {  	v14 =	vsub.f32 $0.0e+00, v14;
	_ =	sdelay $0x1  }
0x1cd: {  	(xrf0) =	vmax.scan.msk.f32 $0xffff, v14;
	_ =	sdelay $0x5  }
0x1ce: {  	v14, _, _ =	vpop (xrf0)  }
0x1cf: {  	(v2sf) =	vpush v14, $0xF;
	_ =	sdelay $0x3  }
0x1d0: {  	v60 =	vmax.f32 v3, v10  }
0x1d1: {  	v14 =	vmax.f32 v60, v5  }
0x1d2: {  	v14 =	vmax.f32 v14, v6  }
0x1d3: {  	v14 =	vmax.f32 v14, v7  }
0x1d4: {  	v14 =	vmax.f32 v14, v8  }
0x1d5: {  	v14 =	vmax.f32 v14, v9  }
0x1d6: {  	v14 =	vmax.f32 v14, v4  }
0x1d7: {  	(xrf0) =	vmax.scan.msk.f32 $0xffff, v14;
	_ =	sdelay $0x3  }
0x1d8: {  	s1 =	spop (v2sf)  }
0x1d9: {  	s1 =	ssub.f32 $0.0e+00, s1  }
0x1da: {  	v14, _, _ =	vpop (xrf0)  }
0x1db: {  	v14 =	vadd.f32 $0.0e+00, v14;
	v61 =	vmov s1  }
0x1dc: {  	v62 =	vbroadcast v61, $0x0  }
0x1dd: {  	v14 =	vbroadcast v14, $0xF  }
0x1de: {  	v17 =	vxor.u32 $0x7FFFFFFF, v61;
	vm14 =	vlt.s32 v62, $0x0  }
0x1df: {  	v63 =	vxor.u32 $0x7FFFFFFF, v14;
	vm15 =	vlt.s32 v14, $0x0;
	v17 =	vsel vm14, v17, v62  }
0x1e0: {  	v14 =	vsel vm15, v63, v14;
	(v2sf) =	vpush v17, $0x0  }
0x1e1: {  	(v2sf) =	vpush v14, $0x0;
	_ =	sdelay $0xa  }
0x1e2: {  	[tilespmem:s0+$0x8070] =	vst v18  }
0x1e3: {  	[tilespmem:s0+$0x8010] =	vst v55  }
0x1e4: {  	[tilespmem:s0+$0x8020] =	vst v57  }
0x1e5: {  	[tilespmem:s0+$0x8030] =	vst v13;
	s30 =	spop (v2sf)  }
0x1e6: {  	[tilespmem:s0+$0x8040] =	vst v12;
	s28 =	spop (v2sf)  }
0x1e7: {  	[tilespmem:s0+$0x8050] =	vst v15;
	s31 =	sadd.s32 $0x1, s28  }
0x1e8: {  	[tilespmem:s0+$0x8060] =	vst v11;
	s0 =	simm.s32 $0x5;
	s18 =	ssub.s32 s31, s30;
	s1 =	smov.u32 s31  }
.LBB2_32:
0x1e9: {  	p0 =	sne.s32 s0, $0x1;
	s18 =	sshrl.u32 s18, $0x1  }
0x1ea: {  	s23 =	sadd.s32 s30, s18;
	p1 =	sne.s32 s18, $0x0  }
0x1eb: {  	v11 =	vmov s23  }
0x1ec: {  	v12 =	vxor.u32 $0x7FFFFFFF, v11;
	vm0 =	vlt.s32 v11, $0x0  }
0x1ed: {  	v11 =	vnsel vm0, s23, v12  }
0x1ee: {  	vm0 =	vge.f32 v3, v11;
	vm1 =	vge.f32 v10, v11  }
0x1ef: {  	v12 =	vsel vm0, $0x1, v0;
	v13 =	vsel vm1, $0x1, v0;
	vm0 =	vge.f32 v5, v11  }
0x1f0: {  	v12 =	vadd.s32 v13, v12;
	v13 =	vsel vm0, $0x1, v0;
	vm0 =	vge.f32 v6, v11  }
0x1f1: {  	v12 =	vadd.s32 v13, v12;
	v13 =	vsel vm0, $0x1, v0;
	vm0 =	vge.f32 v7, v11  }
0x1f2: {  	v12 =	vadd.s32 v13, v12;
	v13 =	vsel vm0, $0x1, v0;
	vm0 =	vge.f32 v8, v11  }
0x1f3: {  	v12 =	vadd.s32 v13, v12;
	v13 =	vsel vm0, $0x1, v0;
	vm0 =	vge.f32 v9, v11  }
0x1f4: {  	v12 =	vadd.s32 v13, v12;
	v13 =	vsel vm0, $0x1, v0;
	vm0 =	vge.f32 v4, v11  }
0x1f5: {  	v11 =	vadd.s32 v13, v12;
	v12 =	vsel vm0, $0x1, v0  }
0x1f6: {  	v11 =	vadd.s32 v12, v11  }
0x1f7: {  	(xrf0) =	vadd.scan.msk.s32 $0xffff, v11;
	_ =	sdelay $0x5  }
0x1f8: {  	v11, _, _ =	vpop (xrf0)  }
0x1f9: {  	(v2sf) =	vpush v11, $0xF;
	_ =	sdelay $0xe  }
.Ltmp21:
0x1fa: {  	s18 =	spop (v2sf);
	(pc) =	sbr.rel @p0 .LBB2_32-.Ltmp21, $4  }
0x1fb: {  	p2 =	sgt.s32 s18, $0x3F;
	p3 =	slt.s32 s18, $0x40;
	s18 =	smov.u32 s1  }
0x1fc: {  	s30 =	smov.u32 @p2 s23;
	s18 =	smov.u32 @p3 s23  }
0x1fd: {  	s1 =	smov.u32 @p1 s18  }
0x1fe: {  	s0 =	sadd.s32 $0xFFFFFFFF, s0;
	s18 =	ssub.s32 s1, s30  }
0x1ff: {  	s0 =	sshrl.u32 s18, $0x1  }
0x200: {  	s0 =	sadd.s32 s30, s0  }
0x201: {  	v11 =	vmov s0  }
0x202: {  	v12 =	vxor.u32 $0x7FFFFFFF, v11;
	vm0 =	vlt.s32 v11, $0x0  }
0x203: {  	v11 =	vnsel vm0, s0, v12  }
0x204: {  	vm0 =	vge.f32 v3, v11;
	vm1 =	vge.f32 v10, v11  }
0x205: {  	v3 =	vsel vm0, $0x1, v0;
	v10 =	vsel vm1, $0x1, v0;
	vm0 =	vge.f32 v5, v11  }
0x206: {  	v3 =	vadd.s32 v10, v3;
	v5 =	vsel vm0, $0x1, v0;
	vm0 =	vge.f32 v6, v11  }
0x207: {  	v3 =	vadd.s32 v5, v3;
	v5 =	vsel vm0, $0x1, v0;
	vm0 =	vge.f32 v7, v11  }
0x208: {  	v3 =	vadd.s32 v5, v3;
	v5 =	vsel vm0, $0x1, v0;
	vm0 =	vge.f32 v8, v11  }
0x209: {  	v3 =	vadd.s32 v5, v3;
	v5 =	vsel vm0, $0x1, v0;
	vm0 =	vge.f32 v9, v11  }
0x20a: {  	v3 =	vadd.s32 v5, v3;
	v5 =	vsel vm0, $0x1, v0;
	vm0 =	vge.f32 v4, v11  }
0x20b: {  	v3 =	vadd.s32 v5, v3;
	v4 =	vsel vm0, $0x1, v0  }
0x20c: {  	v3 =	vadd.s32 v4, v3  }
0x20d: {  	(xrf0) =	vadd.scan.msk.s32 $0xffff, v3;
	_ =	sdelay $0x5  }
0x20e: {  	v3, _, _ =	vpop (xrf0)  }
0x20f: {  	(v2sf) =	vpush v3, $0xF;
	_ =	sdelay $0xe  }
0x210: {  	s1 =	spop (v2sf)  }
0x211: {  	p0 =	sgt.s32 s1, $0x3F  }
0x212: {  	s30 =	smov.u32 @p0 s0;
	s0 =	simm.s32 $0x8040  }
0x213: {  	v3 =	vmov s30;
	v4 =	vld [tilespmem:s0+$0xFFFFFFC0]  }
0x214: {  	v6 =	vld [tilespmem:s0+$0xFFFFFFD0];
	v5 =	vxor.u32 $0x7FFFFFFF, v3;
	vm0 =	vlt.s32 v3, $0x0  }
0x215: {  	v3 =	vnsel vm0, s30, v5;
	v5 =	vld [tilespmem:s0+$0xFFFFFFE0]  }
0x216: {  	v7 =	vld [tilespmem:s0+$0xFFFFFFF0];
	v3 =	vbroadcast v3, $0x0  }
0x217: {  	v60 =	vld [tilespmem:s0+$0x0]  }
0x218: {  	vm7 =	vge.f32 v4, v3;
	v4 =	vld [tilespmem:s0+$0x10]  }
0x219: {  	vm6 =	vge.f32 v6, v3;
	v6 =	vld [tilespmem:s0+$0x20];
	v61 =	vmpcnt.ones.xlane vm7  }
0x21a: {  	v62 =	vmpcnt.ones.xlane vm6;
	vm5 =	vge.f32 v5, v3;
	v5 =	vld [tilespmem:s0+$0x30]  }
0x21b: {  	vm4 =	vge.f32 v7, v3;
	v63 =	vmpcnt.ones.xlane vm5;
	(v2sf) =	vpush v61, $0x0  }
0x21c: {  	vm3 =	vge.f32 v60, v3;
	v7 =	vmpcnt.ones.xlane vm4;
	(v2sf) =	vpush v62, $0x0  }
0x21d: {  	v8 =	vmpcnt.ones.xlane vm3;
	vm2 =	vge.f32 v4, v3;
	(v2sf) =	vpush v63, $0x0  }
0x21e: {  	vm1 =	vge.f32 v6, v3;
	v4 =	vmpcnt.ones.xlane vm2;
	(v2sf) =	vpush v7, $0x0  }
0x21f: {  	v6 =	vmpcnt.ones.xlane vm1;
	vm0 =	vge.f32 v5, v3;
	(v2sf) =	vpush v8, $0x0  }
0x220: {  	v5 =	vmpcnt.ones.xlane vm0;
	(v2sf) =	vpush v4, $0x0  }
0x221: {  	(v2sf) =	vpush v6, $0x0  }
0x222: {  	(v2sf) =	vpush v5, $0x0;
	_ =	sdelay $0x6  }
0x223: {  	s21 =	simm.s32 $0x0  }
0x224: {  	s23 =	simm.s32 $0x0;
	s25 =	simm.s32 $0x10;
	v4 =	vor.u32 s21, v1;
	s21 =	spop (v2sf)  }
0x225: {  	s26 =	simm.s32 $0x20;
	[tilespmem:s23+$0xC080] =	vst.msk vm7, v4;
	v4 =	vor.u32 s25, v1;
	s21 =	sadd.s32 $0x0, s21;
	s28 =	spop (v2sf)  }
0x226: {  	s23 =	simm.s32 $0x30;
	s1 =	sadd.s32 s21, s28;
	[tilespmem:s21+$0xC080] =	vst.msk vm6, v4;
	v4 =	vor.u32 s26, v1;
	s21 =	spop (v2sf)  }
0x227: {  	s25 =	simm.s32 $0x40;
	s18 =	sadd.s32 s1, s21;
	[tilespmem:s1+$0xC080] =	vst.msk vm5, v4;
	v4 =	vor.u32 s23, v1;
	s26 =	spop (v2sf)  }
0x228: {  	s28 =	simm.s32 $0x50;
	s1 =	sadd.s32 s18, s26;
	[tilespmem:s18+$0xC080] =	vst.msk vm4, v4;
	v4 =	vor.u32 s25, v1;
	s21 =	spop (v2sf)  }
0x229: {  	s25 =	simm.s32 $0x60;
	s18 =	sadd.s32 s1, s21;
	[tilespmem:s1+$0xC080] =	vst.msk vm3, v4;
	v4 =	vor.u32 s28, v1;
	s26 =	spop (v2sf)  }
0x22a: {  	s23 =	simm.s32 $0x70;
	s26 =	sadd.s32 s18, s26;
	[tilespmem:s18+$0xC080] =	vst.msk vm2, v4;
	v4 =	vor.u32 s25, v1;
	s28 =	spop (v2sf)  }
0x22b: {  	s1 =	simm.s32 $0xF0;
	s25 =	sadd.s32 s26, s28;
	[tilespmem:s26+$0xC080] =	vst.msk vm1, v4;
	v4 =	vor.u32 s23, v1;
	s18 =	spop (v2sf)  }
.LBB2_34:
0x22c: {  	p0 =	sne.s32 s1, $0x1FF0;
	[tilespmem:s25+$0xC080] =	vst.msk vm0, v4;
	s25 =	sadd.s32 s25, s18;
	s0 =	sadd.s32 $0x80, s0  }
0x22d: {  	s23 =	smov.u32 s1;
	s1 =	sadd.s32 $0x80, s1;
	v4 =	vld [tilespmem:s0+$0xFFFFFFC0]  }
0x22e: {  	v5 =	vld [tilespmem:s0+$0xFFFFFFD0]  }
0x22f: {  	v6 =	vld [tilespmem:s0+$0xFFFFFFE0]  }
0x230: {  	v7 =	vld [tilespmem:s0+$0xFFFFFFF0]  }
0x231: {  	v8 =	vld [tilespmem:s0+$0x0]  }
0x232: {  	vm0 =	vge.f32 v4, v3;
	v4 =	vld [tilespmem:s0+$0x10]  }
0x233: {  	s18 =	sadd.s32 $0xFFFFFF90, s23;
	v9 =	vmpcnt.ones.xlane vm0;
	vm6 =	vge.f32 v5, v3;
	v5 =	vld [tilespmem:s0+$0x20]  }
0x234: {  	v11 =	vor.u32 s18, v1;
	v10 =	vmpcnt.ones.xlane vm6;
	vm5 =	vge.f32 v6, v3;
	v6 =	vld [tilespmem:s0+$0x30]  }
0x235: {  	v12 =	vmpcnt.ones.xlane vm5;
	vm4 =	vge.f32 v7, v3;
	[tilespmem:s25+$0xC080] =	vst.msk vm0, v11;
	(v2sf) =	vpush v9, $0x0  }
0x236: {  	v7 =	vmpcnt.ones.xlane vm4;
	vm3 =	vge.f32 v8, v3;
	(v2sf) =	vpush v10, $0x0  }
0x237: {  	v8 =	vmpcnt.ones.xlane vm3;
	vm2 =	vge.f32 v4, v3;
	(v2sf) =	vpush v12, $0x0  }
0x238: {  	v4 =	vmpcnt.ones.xlane vm2;
	vm1 =	vge.f32 v5, v3;
	(v2sf) =	vpush v7, $0x0  }
0x239: {  	v5 =	vmpcnt.ones.xlane vm1;
	vm0 =	vge.f32 v6, v3;
	(v2sf) =	vpush v8, $0x0  }
0x23a: {  	v6 =	vmpcnt.ones.xlane vm0;
	(v2sf) =	vpush v4, $0x0  }
0x23b: {  	(v2sf) =	vpush v5, $0x0  }
0x23c: {  	(v2sf) =	vpush v6, $0x0;
	_ =	sdelay $0x7  }
0x23d: {  	s21 =	sadd.s32 $0xFFFFFFD0, s23;
	s18 =	sadd.s32 $0xFFFFFFA0, s23;
	s26 =	spop (v2sf)  }
0x23e: {  	s28 =	sadd.s32 $0xFFFFFFB0, s23;
	v4 =	vor.u32 s18, v1;
	s25 =	sadd.s32 s25, s26;
	s18 =	spop (v2sf)  }
0x23f: {  	s26 =	sadd.s32 $0xFFFFFFC0, s23;
	s18 =	sadd.s32 s25, s18;
	[tilespmem:s25+$0xC080] =	vst.msk vm6, v4;
	v4 =	vor.u32 s28, v1;
	s25 =	spop (v2sf)  }
.Ltmp22:
0x240: {  	s25 =	sadd.s32 s18, s25;
	[tilespmem:s18+$0xC080] =	vst.msk vm5, v4;
	v4 =	vor.u32 s26, v1;
	s18 =	spop (v2sf);
	(pc) =	sbr.rel @p0 .LBB2_34-.Ltmp22, $4  }
0x241: {  	s26 =	sadd.s32 $0xFFFFFFE0, s23;
	s18 =	sadd.s32 s25, s18;
	[tilespmem:s25+$0xC080] =	vst.msk vm4, v4;
	v4 =	vor.u32 s21, v1;
	s21 =	spop (v2sf)  }
0x242: {  	s25 =	sadd.s32 $0xFFFFFFF0, s23;
	s21 =	sadd.s32 s18, s21;
	[tilespmem:s18+$0xC080] =	vst.msk vm3, v4;
	v4 =	vor.u32 s26, v1;
	s18 =	spop (v2sf)  }
0x243: {  	s18 =	sadd.s32 s21, s18;
	[tilespmem:s21+$0xC080] =	vst.msk vm2, v4;
	v4 =	vor.u32 s25, v1;
	s21 =	spop (v2sf)  }
0x244: {  	s25 =	sadd.s32 s18, s21;
	[tilespmem:s18+$0xC080] =	vst.msk vm1, v4;
	v4 =	vor.u32 s23, v1;
	s18 =	spop (v2sf)  }
0x245: {  	s1 =	sadd.s32 s25, s18  }
0x246: {  	s0 =	sadd.s32 $0xF, s1  }
0x247: {  	s26 =	sand.u32 $0xF, s0  }
0x248: {  	s28 =	sshra.s32 s0, $0x1F;
	p1 =	slt.s32 s0, $0x1;
	p0 =	sne.s32 s26, $0x0  }
0x249: {  	s18 =	sshrl.u32 s28, $0x1C;
	p0 =	por !p1, !p0  }
0x24a: {  	s0 =	sadd.s32 s18, s0;
	s18 =	simm.s32 $0x1;
	p0 =	por !p0, !p0  }
0x24b: {  	s0 =	sshra.s32 s0, $0x4;
	s18 =	simm.s32 @!p0 $0x0  }
0x24c: {  	s0 =	ssub.s32 s0, s18  }
0x24d: {  	p0 =	slt.s32 s0, $0x1  }
.Ltmp23:
0x24e: {  	_ = 	snop;
	(pc) =	sbr.rel @p0 .LBB2_42-.Ltmp23, $3  }
0x24f: {  	_ =	sdelay $0x1  }
0x250: {  	[tilespmem:s25+$0xC080] =	vst.msk vm0, v4  }
0x251: {  	[tilespmem:s1+$0xC080] =	vst v1  }
0x252: {  	p2 =	sne.s32 s0, $0x1  }
.Ltmp24:
0x253: {  	_ = 	snop;
	(pc) =	sbr.rel @!p2 .LBB2_37-.Ltmp24, $3  }
0x254: {  	_ =	sdelay $0x1  }
0x255: {  	s18 =	simm.s32 $0xC080  }
0x256: {  	s23 =	simm.s32 $0xA000;
	p1 =	por $0x0, $0x0;
	v3 =	vld [tilespmem:s18+$0x0];
	s18 =	sadd.s32 $0xFFFFFFFF, s0  }
0x257: {  	_ =	sdelay $0x7  }
0x258: {  	v3 =	vld.idx.msk [tilespmem:v3+s22+$0x0], $0xffff;
	_ =	sdelay $0x2  }
0x259: {  	p2 =	sne.s32 s18, $0x1  }
.Ltmp25:
0x25a: {  	_ = 	snop;
	(pc) =	sbr.rel @!p2 .LBB2_39-.Ltmp25, $4  }
0x25b: {  	v4 =	vxor.u32 $0x7FFFFFFF, v3;
	vm0 =	vlt.s32 v3, $0x0  }
0x25c: {  	v3 =	vsel vm0, v4, v3  }
0x25d: {  	s26 =	simm.s32 $0xC090;
	[tilespmem:s23+$0x0] =	vst v3  }
0x25e: {  	s28 =	sadd.s32 $0xFFFFFFFF, s18;
	p1 =	por $0x1, $0x1;
	s25 =	simm.s32 $0xA000;
	v3 =	vld [tilespmem:s26+$0x0]  }
.LBB2_40:
0x25f: {  	p2 =	sne.s32 s28, $0x1;
	_ =	sdelay $0x6  }
0x260: {  	v3 =	vld.idx.msk [tilespmem:v3+s22+$0x0], $0xffff;
	_ =	sdelay $0x4  }
.Ltmp26:
0x261: {  	(pc) =	sbr.rel @p2 .LBB2_40-.Ltmp26, $4  }
0x262: {  	v4 =	vxor.u32 $0x7FFFFFFF, v3;
	vm0 =	vlt.s32 v3, $0x0  }
0x263: {  	s25 =	sadd.s32 $0x10, s25;
	v3 =	vsel vm0, v4, v3  }
0x264: {  	s26 =	sadd.s32 $0x10, s26;
	[tilespmem:s25+$0x0] =	vst v3  }
0x265: {  	s28 =	sadd.s32 $0xFFFFFFFF, s28;
	v3 =	vld [tilespmem:s26+$0x0]  }
.LBB2_41:
0x266: {  	_ =	sdelay $0x7  }
0x267: {  	v3 =	vld.idx.msk [tilespmem:v3+s22+$0x0], $0xffff;
	_ =	sdelay $0x4  }
0x268: {  	s18 =	sadd.s32 @p1 $0x10, s25;
	v4 =	vxor.u32 $0x7FFFFFFF, v3;
	vm0 =	vlt.s32 v3, $0x0  }
0x269: {  	s23 =	smov.u32 @p1 s18;
	v3 =	vsel vm0, v4, v3  }
0x26a: {  	[tilespmem:s23+$0x0] =	vst v3  }
.LBB2_42:
0x26b: {  	s25 =	ssub.s32 s31, s30  }
0x26c: {  	p1 =	slt.u32 s25, $0x2  }
.Ltmp27:
0x26d: {  	_ = 	snop;
	(pc) =	sbr.rel @p1 .LBB2_50-.Ltmp27, $4  }
.Ltmp28:
0x26e: {  	_ = 	snop;
	(pc) =	sbr.rel @!p1 .LBB2_43-.Ltmp28, $4  }
0x26f: {  	_ = 	snop  }
0x270: {  	_ = 	snop  }
0x271: {  	[tilespmem:s1+$0xA000] =	vst v2;
	s1 =	simm.s32 $0x0;
	s18 =	simm.s32 $0x40  }
0x272: {  	_ = 	snop  }
.LBB2_44:
0x273: {  	v3 =	vimm.s32 $0x0;
	v4 =	vimm.s32 $0x0;
	v5 =	vimm.s32 $0x0  }
.LBB2_48:
0x274: {  	(xrf0) =	vadd.scan.msk.s32 $0xffff, v3  }
0x275: {  	(xrf0) =	vadd.scan.msk.s32 $0xffff, v4  }
0x276: {  	(xrf0) =	vadd.scan.msk.s32 $0xffff, v5;
	_ =	sdelay $0x3  }
0x277: {  	v3, _, _ =	vpop (xrf0)  }
0x278: {  	v4, _, _ =	vpop (xrf0);
	(v2sf) =	vpush v3, $0xF  }
0x279: {  	(v2sf) =	vpush v4, $0xF;
	v3, _, _ =	vpop (xrf0)  }
0x27a: {  	(v2sf) =	vpush v3, $0xF;
	_ =	sdelay $0xc  }
0x27b: {  	s18 =	spop (v2sf)  }
0x27c: {  	s21 =	spop (v2sf)  }
0x27d: {  	p1 =	sgt.s32 s18, $0x3F;
	s28 =	spop (v2sf)  }
0x27e: {  	p2 =	sgt.s32 s21, $0x3F;
	s30 =	smov.u32 @p1 s23;
	s23 =	smov.u32 @p1 s25  }
0x27f: {  	p3 =	sgt.s32 s28, $0x3F;
	s30 =	smov.u32 @p2 s25;
	s23 =	smov.u32 @p2 s26  }
0x280: {  	s30 =	smov.u32 @p3 s26;
	s23 =	smov.u32 @p3 s31  }
0x281: {  	s25 =	ssub.s32 s23, s30  }
0x282: {  	s18 =	smov.u32 @p1 s21;
	p1 =	sgt.u32 s25, $0x1  }
.Ltmp29:
0x283: {  	_ = 	snop;
	(pc) =	sbr.rel @!p1 .LBB2_49-.Ltmp29, $4  }
0x284: {  	_ = 	snop  }
0x285: {  	s18 =	smov.u32 @p2 s28  }
0x286: {  	s18 =	smov.u32 @p3 s1  }
0x287: {  	s1 =	smov.u32 s18;
	s31 =	smov.u32 s23  }
.LBB2_43:
.Ltmp30:
0x288: {  	(pc) =	sbr.rel @p0 .LBB2_44-.Ltmp30, $4  }
0x289: {  	_ = 	snop  }
0x28a: {  	s18 =	sshrl.u32 s25, $0x1  }
0x28b: {  	s21 =	sshrl.u32 s25, $0x2;
	s25 =	sadd.s32 s30, s18  }
0x28c: {  	s23 =	sadd.s32 s30, s21;
	s26 =	sadd.s32 s21, s25  }
0x28d: {  	s18 =	simm.s32 $0xA000  }
0x28e: {  	v7 =	vld [tilespmem:s18+$0x0]  }
0x28f: {  	p1 =	sne.s32 s0, $0x1  }
.Ltmp31:
0x290: {  	_ = 	snop;
	(pc) =	sbr.rel @!p1 .LBB2_47-.Ltmp31, $4  }
0x291: {  	_ = 	snop  }
0x292: {  	v4 =	vmov s23;
	v5 =	vmov s25;
	v6 =	vmov s26  }
0x293: {  	v3 =	vimm.s32 $0x0;
	v8 =	vimm.s32 $0x0;
	vm0 =	vge.s32 v7, v4  }
0x294: {  	s28 =	sadd.s32 $0xFFFFFFFF, s0;
	s18 =	simm.s32 $0xA010;
	vm1 =	vge.s32 v7, v5;
	vm2 =	vge.s32 v7, v6;
	v7 =	vimm.s32 $0x0  }
.LBB2_46:
0x295: {  	v9 =	vld [tilespmem:s18+$0x0];
	p1 =	sne.s32 s28, $0x1;
	s28 =	sadd.s32 $0xFFFFFFFF, s28;
	v10 =	vsel vm0, $0x1, v0;
	v11 =	vsel vm1, $0x1, v0;
	v12 =	vsel vm2, $0x1, v0  }
.Ltmp32:
0x296: {  	v3 =	vadd.s32 v10, v3;
	v7 =	vadd.s32 v11, v7;
	v8 =	vadd.s32 v12, v8;
	(pc) =	sbr.rel @p1 .LBB2_46-.Ltmp32, $2  }
0x297: {  	_ =	sdelay $0x2  }
0x298: {  	s18 =	sadd.s32 $0x10, s18;
	vm0 =	vge.s32 v9, v4;
	vm1 =	vge.s32 v9, v5;
	vm2 =	vge.s32 v9, v6  }
.LBB2_47:
.Ltmp33:
0x299: {  	(pc) =	sbr.rel .LBB2_48-.Ltmp33, $3  }
0x29a: {  	_ =	sdelay $0x1  }
0x29b: {  	v4 =	vsel vm0, $0x1, v0;
	v5 =	vsel vm1, $0x1, v0;
	v6 =	vsel vm2, $0x1, v0  }
0x29c: {  	v3 =	vadd.s32 v4, v3;
	v4 =	vadd.s32 v5, v7;
	v5 =	vadd.s32 v6, v8  }
.LBB2_49:
0x29d: {  	s18 =	ssub.s32 $0x40, s18  }
.LBB2_50:
.Ltmp34:
0x29e: {  	(pc) =	sbr.rel @p0 .LBB2_57-.Ltmp34, $1  }
0x29f: {  	_ =	sdelay $0x3  }
0x2a0: {  	s1 =	simm.s32 $0xA000  }
0x2a1: {  	v6 =	vld [tilespmem:s1+$0x0];
	_ =	sdelay $0x3  }
0x2a2: {  	v3 =	vmov s30  }
0x2a3: {  	vm1 =	veq.s32 v6, v3  }
0x2a4: {  	v4 =	vsel vm1, $0x1, v0  }
0x2a5: {  	(xrf0) =	vadd.scan.msk.s32 $0xffff, v4;
	_ =	sdelay $0x3  }
0x2a6: {  	p1 =	sne.s32 s0, $0x1  }
.Ltmp35:
0x2a7: {  	_ = 	snop;
	(pc) =	sbr.rel @!p1 .LBB2_52-.Ltmp35, $4  }
0x2a8: {  	s1 =	simm.s32 $0x0;
	v5, _, _ =	vpop (xrf0)  }
0x2a9: {  	v7 =	vmpcnt.ones.xlane vm1;
	v4 =	vmov s18;
	v5 =	vadd.s32 s1, v5  }
0x2aa: {  	s21 =	simm.s32 $0xC080;
	vm2 =	vle.s32 v5, v4  }
0x2ab: {  	p0 =	por $0x0, $0x0;
	vm0 =	vgt.s32 v6, v3;
	s18 =	sadd.s32 $0xFFFFFFFF, s0;
	(v2sf) =	vpush v7, $0x0;
	v5 =	vld [tilespmem:s21+$0x0];
	vm1 =	vmand vm1, vm2  }
0x2ac: {  	_ =	sdelay $0x2  }
0x2ad: {  	vm0 =	vmor vm0, vm1  }
0x2ae: {  	s0 =	simm.s32 $0xA010;
	[tilespmem:s1+$0xE100] =	vst.msk vm0, v5  }
0x2af: {  	v6 =	vld [tilespmem:s0+$0x0]  }
0x2b0: {  	v5 =	vmpcnt.ones.xlane vm0;
	_ =	sdelay $0x1  }
0x2b1: {  	(v2sf) =	vpush v5, $0x0;
	_ =	sdelay $0x1  }
0x2b2: {  	vm1 =	veq.s32 v6, v3  }
0x2b3: {  	v5 =	vsel vm1, $0x1, v0  }
0x2b4: {  	(xrf0) =	vadd.scan.msk.s32 $0xffff, v5  }
0x2b5: {  	v7 =	vmpcnt.ones.xlane vm1;
	_ =	sdelay $0x1  }
0x2b6: {  	s21 =	spop (v2sf);
	(v2sf) =	vpush v7, $0x0;
	_ =	sdelay $0x2  }
0x2b7: {  	p1 =	sne.s32 s18, $0x1;
	s23 =	sadd.s32 $0x0, s21;
	v5, _, _ =	vpop (xrf0)  }
.Ltmp36:
0x2b8: {  	s30 =	simm.s32 $0xC090;
	v5 =	vadd.s32 s23, v5;
	(pc) =	sbr.rel @!p1 .LBB2_54-.Ltmp36, $3  }
0x2b9: {  	vm2 =	vle.s32 v5, v4;
	v5 =	vld [tilespmem:s30+$0x0];
	_ =	sdelay $0x1  }
0x2ba: {  	s25 =	sadd.s32 $0xFFFFFFFF, s18  }
0x2bb: {  	p0 =	por $0x1, $0x1;
	s26 =	simm.s32 $0x0;
	vm0 =	vgt.s32 v6, v3;
	vm1 =	vmand vm1, vm2;
	s18 =	spop (v2sf)  }
.LBB2_55:
0x2bc: {  	p1 =	sne.s32 s25, $0x1;
	s25 =	sadd.s32 $0xFFFFFFFF, s25;
	vm0 =	vmor vm0, vm1;
	s26 =	sadd.s32 s26, s18  }
0x2bd: {  	s0 =	sadd.s32 $0x10, s0;
	[tilespmem:s26+$0xE100] =	vst.msk vm0, v5;
	v5 =	vmpcnt.ones.xlane vm0  }
0x2be: {  	v6 =	vld [tilespmem:s0+$0x0]  }
0x2bf: {  	(v2sf) =	vpush v5, $0x0;
	_ =	sdelay $0x2  }
0x2c0: {  	s18 =	spop (v2sf)  }
0x2c1: {  	vm1 =	veq.s32 v6, v3;
	s23 =	sadd.s32 s23, s18  }
0x2c2: {  	v5 =	vsel vm1, $0x1, v0;
	v7 =	vmpcnt.ones.xlane vm1  }
0x2c3: {  	(xrf0) =	vadd.scan.msk.s32 $0xffff, v5  }
0x2c4: {  	(v2sf) =	vpush v7, $0x0;
	_ =	sdelay $0x3  }
.Ltmp37:
0x2c5: {  	s30 =	sadd.s32 $0x10, s30;
	(pc) =	sbr.rel @p1 .LBB2_55-.Ltmp37, $4  }
0x2c6: {  	v5 =	vld [tilespmem:s30+$0x0];
	v7, _, _ =	vpop (xrf0)  }
0x2c7: {  	v7 =	vadd.s32 s23, v7  }
0x2c8: {  	vm2 =	vle.s32 v7, v4  }
0x2c9: {  	vm0 =	vgt.s32 v6, v3;
	vm1 =	vmand vm1, vm2;
	s18 =	spop (v2sf)  }
.LBB2_56:
0x2ca: {  	vm0 =	vmor vm0, vm1  }
0x2cb: {  	v3 =	vmpcnt.ones.xlane vm0;
	_ =	sdelay $0x1  }
0x2cc: {  	(v2sf) =	vpush v3, $0x0;
	_ =	sdelay $0xc  }
0x2cd: {  	s0 =	sadd.s32 @p0 s26, s18  }
0x2ce: {  	s1 =	smov.u32 @p0 s0;
	s30 =	spop (v2sf)  }
0x2cf: {  	[tilespmem:s1+$0xE100] =	vst.msk vm0, v5;
	s31 =	spop (v2sf)  }
.LBB2_57:
0x2d0: {  	v3 =	vld [tilespmem:$0xE100];
	_ =	sdelay $0x5  }
0x2d1: {  	v4 =	vld [tilespmem:$0xE110];
	_ =	sdelay $0x1  }
0x2d2: {  	v3 =	vld.idx.msk [tilespmem:v3+s20+$0x0], $0xffff;
	_ =	sdelay $0x3  }
0x2d3: {  	v5 =	vld [tilespmem:$0xE120]  }
0x2d4: {  	[tilespmem:$0xE200] =	vst v3  }
0x2d5: {  	v3 =	vld.idx.msk [tilespmem:v4+s20+$0x0], $0xffff;
	_ =	sdelay $0x3  }
0x2d6: {  	v4 =	vld [tilespmem:$0xE130]  }
0x2d7: {  	[tilespmem:$0xE210] =	vst v3  }
0x2d8: {  	v3 =	vld.idx.msk [tilespmem:v5+s20+$0x0], $0xffff;
	_ =	sdelay $0x4  }
0x2d9: {  	[tilespmem:$0xE220] =	vst v3  }
0x2da: {  	v3 =	vld.idx.msk [tilespmem:v4+s20+$0x0], $0xffff;
	_ =	sdelay $0x4  }
0x2db: {  	s0 =	simm.s32 $0x0;
	s1 =	simm.s32 $0xE200;
	[tilespmem:$0xE230] =	vst v3  }
0x2dc: {  	[hbm4b:s10+s0] =	stream.linear.scatter [tilespmem:s1], [sflag:$0x1], $0x80, $0x38;
	[tilespmem:$0xE380] =	vst v63  }
0x2dd: {  	_ =	swait.ge [sflag:s19], $0x2000  }
0x2de: {  	[sflag:s19] =	ssyncset.done $0x0  }
0x2df: {  	[sflag:s19] =	ssyncadd.s32 $0xFFFFE000  }
0x2e0: {  	_ =	swait.ge [sflag:s19], $0x2000  }
0x2e1: {  	[sflag:s19] =	ssyncset.done $0x0  }
0x2e2: {  	[sflag:s19] =	ssyncadd.s32 $0xFFFFE000  }
0x2e3: {  	[tilespmem:s20], [sflag:$0x2] =	stream.strided.gather [hbm4b:s11+s16], $0x2000, s17, s16, $0x38;
	[tilespmem:$0xE380] =	vst v63  }
0x2e4: {  	s31 =	simm.s32 $0x6000;
	s30 =	simm.s32 $0x0  }
0x2e5: {  	[tilespmem:s31], [sflag:$0x2] =	stream.strided.gather [hbm4b:s12+s16], $0x2000, s17, s16, $0x38;
	[tilespmem:$0xE380] =	vst v63  }
0x2e6: {  	v3 =	vld [tilespmem:s30+$0x4070]  }
0x2e7: {  	v4 =	vld [tilespmem:s30+$0x70]  }
0x2e8: {  	v6 =	vld [tilespmem:s30+$0x4000]  }
0x2e9: {  	v7 =	vld [tilespmem:s30+$0x4010]  }
0x2ea: {  	v8 =	vld [tilespmem:s30+$0x4020]  }
0x2eb: {  	v9 =	vld [tilespmem:s30+$0x4030]  }
0x2ec: {  	v10 =	vld [tilespmem:s30+$0x4050]  }
0x2ed: {  	v12 =	vld [tilespmem:s30+$0x0]  }
0x2ee: {  	v16 =	vld [tilespmem:s30+$0x10]  }
0x2ef: {  	v5 =	vimm.f32 $-Inf;
	v15 =	vld [tilespmem:s30+$0x4060]  }
0x2f0: {  	vm0 =	veq.s32 v3, $0x0;
	v3 =	vld [tilespmem:s30+$0x4040];
	vm5 =	veq.s32 v7, $0x0;
	vm4 =	veq.s32 v8, $0x0  }
0x2f1: {  	v14 =	vld [tilespmem:s30+$0x20];
	vm3 =	veq.s32 v9, $0x0;
	vm1 =	veq.s32 v10, $0x0;
	v7 =	vimm.f32 $-Inf  }
0x2f2: {  	v13 =	vld [tilespmem:s30+$0x30];
	v9 =	vimm.f32 $-Inf;
	v10 =	vimm.f32 $-Inf;
	v8 =	vimm.f32 $-Inf  }
0x2f3: {  	v11 =	vld [tilespmem:s30+$0x40];
	v4 =	vsel vm0, $0xFF800000, v4;
	vm0 =	veq.s32 v6, $0x0;
	v16 =	vsel vm5, $0xFF800000, v16  }
0x2f4: {  	[tilespmem:s30+$0x8070] =	vst v4;
	v4 =	vmax.f32 v5, v4;
	v6 =	vsel vm0, $0xFF800000, v12;
	vm0 =	veq.s32 v15, $0x0;
	v12 =	vld [tilespmem:s30+$0x50]  }
0x2f5: {  	s0 =	simm.s32 $0x80;
	s1 =	simm.s32 $0x400;
	v15 =	vld [tilespmem:s30+$0x60];
	[tilespmem:s30+$0x8000] =	vst v6;
	vm2 =	veq.s32 v3, $0x0;
	v3 =	vmax.f32 v5, v6;
	v6 =	vimm.f32 $-Inf  }
.LBB2_58:
0x2f6: {  	p0 =	sne.s32 s1, $0x7E00;
	v17 =	vld [tilespmem:s0+$0x4070];
	[tilespmem:s30+$0x8010] =	vst v16;
	v5 =	vmax.f32 v5, v16;
	v14 =	vsel vm4, $0xFF800000, v14  }
0x2f7: {  	v16 =	vld [tilespmem:s0+$0x70];
	[tilespmem:s30+$0x8020] =	vst v14;
	v6 =	vmax.f32 v6, v14;
	v13 =	vsel vm3, $0xFF800000, v13  }
0x2f8: {  	v14 =	vld [tilespmem:s0+$0x4000];
	[tilespmem:s30+$0x8030] =	vst v13;
	v7 =	vmax.f32 v7, v13;
	v11 =	vsel vm2, $0xFF800000, v11  }
0x2f9: {  	v13 =	vld [tilespmem:s0+$0x4010];
	[tilespmem:s30+$0x8040] =	vst v11;
	v9 =	vmax.f32 v9, v11;
	v11 =	vsel vm1, $0xFF800000, v12  }
0x2fa: {  	v12 =	vld [tilespmem:s0+$0x4020];
	[tilespmem:s30+$0x8050] =	vst v11;
	v10 =	vmax.f32 v10, v11;
	v11 =	vsel vm0, $0xFF800000, v15  }
0x2fb: {  	v15 =	vld [tilespmem:s0+$0x4030];
	vm0 =	veq.s32 v17, $0x0;
	[tilespmem:s30+$0x8060] =	vst v11;
	v8 =	vmax.f32 v8, v11;
	s30 =	smov.u32 s0  }
0x2fc: {  	v11 =	vld [tilespmem:s30+$0x4040];
	v16 =	vsel vm0, $0xFF800000, v16  }
0x2fd: {  	vm5 =	veq.s32 v14, $0x0;
	v17 =	vld [tilespmem:s30+$0x4050];
	[tilespmem:s30+$0x8070] =	vst v16;
	v4 =	vmax.f32 v4, v16  }
0x2fe: {  	vm6 =	veq.s32 v13, $0x0;
	v16 =	vld [tilespmem:s30+$0x4060]  }
0x2ff: {  	v18 =	vld [tilespmem:s30+$0x0];
	vm4 =	veq.s32 v12, $0x0  }
0x300: {  	v19 =	vld [tilespmem:s30+$0x10];
	vm3 =	veq.s32 v15, $0x0  }
.Ltmp38:
0x301: {  	v14 =	vld [tilespmem:s30+$0x20];
	vm2 =	veq.s32 v11, $0x0;
	(pc) =	sbr.rel @p0 .LBB2_58-.Ltmp38, $4  }
0x302: {  	v13 =	vld [tilespmem:s30+$0x30];
	vm1 =	veq.s32 v17, $0x0  }
0x303: {  	v11 =	vld [tilespmem:s30+$0x40];
	vm0 =	veq.s32 v16, $0x0  }
0x304: {  	v15 =	vsel vm5, $0xFF800000, v18;
	v12 =	vld [tilespmem:s30+$0x50]  }
0x305: {  	s0 =	sshra.s32 s1, $0x2;
	s1 =	sadd.s32 $0x200, s1;
	[tilespmem:s30+$0x8000] =	vst v15;
	v3 =	vmax.f32 v3, v15;
	v16 =	vsel vm6, $0xFF800000, v19;
	v15 =	vld [tilespmem:s30+$0x60]  }
0x306: {  	v17 =	vld [tilespmem:s0+$0x4070];
	[tilespmem:s30+$0x8010] =	vst v16;
	v14 =	vsel vm4, $0xFF800000, v14  }
0x307: {  	v18 =	vld [tilespmem:s0+$0x70];
	[tilespmem:s30+$0x8020] =	vst v14;
	v13 =	vsel vm3, $0xFF800000, v13  }
0x308: {  	v19 =	vld [tilespmem:s0+$0x4000];
	[tilespmem:s30+$0x8030] =	vst v13;
	v11 =	vsel vm2, $0xFF800000, v11  }
0x309: {  	v20 =	vld [tilespmem:s0+$0x4010];
	[tilespmem:s30+$0x8040] =	vst v11;
	v12 =	vsel vm1, $0xFF800000, v12  }
0x30a: {  	v21 =	vld [tilespmem:s0+$0x4020];
	[tilespmem:s30+$0x8050] =	vst v12;
	v15 =	vsel vm0, $0xFF800000, v15  }
0x30b: {  	v22 =	vld [tilespmem:s0+$0x4030];
	[tilespmem:s30+$0x8060] =	vst v15  }
0x30c: {  	v50 =	vld [tilespmem:s0+$0x4040]  }
0x30d: {  	v23 =	vld [tilespmem:s0+$0x4050]  }
0x30e: {  	v24 =	vld [tilespmem:s0+$0x4060]  }
0x30f: {  	v25 =	vld [tilespmem:s0+$0x0]  }
0x310: {  	v5 =	vmax.f32 v5, v16;
	v26 =	vld [tilespmem:s0+$0x10]  }
0x311: {  	v6 =	vmax.f32 v6, v14;
	v7 =	vmax.f32 v7, v13;
	v9 =	vmax.f32 v9, v11;
	v27 =	vld [tilespmem:s0+$0x20]  }
0x312: {  	v11 =	vmax.f32 v10, v12;
	vm6 =	veq.s32 v17, $0x0;
	v53 =	vmax.f32 v8, v15;
	v51 =	vld [tilespmem:s0+$0x30]  }
0x313: {  	v52 =	vld [tilespmem:s0+$0x40];
	vm7 =	veq.s32 v19, $0x0;
	vm8 =	veq.s32 v20, $0x0;
	vm9 =	veq.s32 v21, $0x0  }
0x314: {  	v54 =	vld [tilespmem:s0+$0x50];
	vm10 =	veq.s32 v22, $0x0;
	v8 =	vsel vm7, $0xFF800000, v25;
	vm11 =	veq.s32 v50, $0x0  }
0x315: {  	v56 =	vld [tilespmem:s0+$0x60];
	vm12 =	veq.s32 v23, $0x0;
	v55 =	vsel vm8, $0xFF800000, v26;
	vm13 =	veq.s32 v24, $0x0  }
0x316: {  	v57 =	vsel vm9, $0xFF800000, v27;
	v3 =	vmax.f32 v3, v8;
	v10 =	vmax.f32 v5, v55  }
0x317: {  	v13 =	vsel vm10, $0xFF800000, v51;
	[tilespmem:s0+$0x8000] =	vst v8;
	v5 =	vmax.f32 v6, v57;
	v8 =	vmin.f32 v3, v10  }
0x318: {  	v6 =	vmax.f32 v7, v13;
	v12 =	vsel vm11, $0xFF800000, v52;
	v8 =	vmin.f32 v8, v5  }
0x319: {  	v15 =	vsel vm12, $0xFF800000, v54;
	v7 =	vmax.f32 v9, v12;
	v9 =	vmin.f32 v8, v6  }
0x31a: {  	v8 =	vmax.f32 v11, v15;
	v11 =	vsel vm13, $0xFF800000, v56;
	v58 =	vmin.f32 v9, v7  }
0x31b: {  	v18 =	vsel vm6, $0xFF800000, v18;
	v9 =	vmax.f32 v53, v11;
	v59 =	vmin.f32 v58, v8  }
0x31c: {  	v4 =	vmax.f32 v4, v18;
	v14 =	vmin.f32 v59, v9  }
0x31d: {  	v14 =	vmin.f32 v14, v4  }
0x31e: {  	v14 =	vsub.f32 $0.0e+00, v14;
	_ =	sdelay $0x1  }
0x31f: {  	(xrf0) =	vmax.scan.msk.f32 $0xffff, v14;
	_ =	sdelay $0x5  }
0x320: {  	v14, _, _ =	vpop (xrf0)  }
0x321: {  	(v2sf) =	vpush v14, $0xF;
	_ =	sdelay $0x3  }
0x322: {  	v60 =	vmax.f32 v3, v10  }
0x323: {  	v14 =	vmax.f32 v60, v5  }
0x324: {  	v14 =	vmax.f32 v14, v6  }
0x325: {  	v14 =	vmax.f32 v14, v7  }
0x326: {  	v14 =	vmax.f32 v14, v8  }
0x327: {  	v14 =	vmax.f32 v14, v9  }
0x328: {  	v14 =	vmax.f32 v14, v4  }
0x329: {  	(xrf0) =	vmax.scan.msk.f32 $0xffff, v14;
	_ =	sdelay $0x3  }
0x32a: {  	s1 =	spop (v2sf)  }
0x32b: {  	s1 =	ssub.f32 $0.0e+00, s1  }
0x32c: {  	v14, _, _ =	vpop (xrf0)  }
0x32d: {  	v14 =	vadd.f32 $0.0e+00, v14;
	v61 =	vmov s1  }
0x32e: {  	v62 =	vbroadcast v61, $0x0  }
0x32f: {  	v14 =	vbroadcast v14, $0xF  }
0x330: {  	v17 =	vxor.u32 $0x7FFFFFFF, v61;
	vm14 =	vlt.s32 v62, $0x0  }
0x331: {  	v63 =	vxor.u32 $0x7FFFFFFF, v14;
	vm15 =	vlt.s32 v14, $0x0;
	v17 =	vsel vm14, v17, v62  }
0x332: {  	v14 =	vsel vm15, v63, v14;
	(v2sf) =	vpush v17, $0x0  }
0x333: {  	(v2sf) =	vpush v14, $0x0;
	_ =	sdelay $0xa  }
0x334: {  	[tilespmem:s0+$0x8070] =	vst v18  }
0x335: {  	[tilespmem:s0+$0x8010] =	vst v55  }
0x336: {  	[tilespmem:s0+$0x8020] =	vst v57  }
0x337: {  	[tilespmem:s0+$0x8030] =	vst v13;
	s30 =	spop (v2sf)  }
0x338: {  	[tilespmem:s0+$0x8040] =	vst v12;
	s28 =	spop (v2sf)  }
0x339: {  	[tilespmem:s0+$0x8050] =	vst v15;
	s31 =	sadd.s32 $0x1, s28  }
0x33a: {  	[tilespmem:s0+$0x8060] =	vst v11;
	s0 =	simm.s32 $0x5;
	s18 =	ssub.s32 s31, s30;
	s1 =	smov.u32 s31  }
.LBB2_60:
0x33b: {  	p0 =	sne.s32 s0, $0x1;
	s18 =	sshrl.u32 s18, $0x1  }
0x33c: {  	s23 =	sadd.s32 s30, s18;
	p1 =	sne.s32 s18, $0x0  }
0x33d: {  	v11 =	vmov s23  }
0x33e: {  	v12 =	vxor.u32 $0x7FFFFFFF, v11;
	vm0 =	vlt.s32 v11, $0x0  }
0x33f: {  	v11 =	vnsel vm0, s23, v12  }
0x340: {  	vm0 =	vge.f32 v3, v11;
	vm1 =	vge.f32 v10, v11  }
0x341: {  	v12 =	vsel vm0, $0x1, v0;
	v13 =	vsel vm1, $0x1, v0;
	vm0 =	vge.f32 v5, v11  }
0x342: {  	v12 =	vadd.s32 v13, v12;
	v13 =	vsel vm0, $0x1, v0;
	vm0 =	vge.f32 v6, v11  }
0x343: {  	v12 =	vadd.s32 v13, v12;
	v13 =	vsel vm0, $0x1, v0;
	vm0 =	vge.f32 v7, v11  }
0x344: {  	v12 =	vadd.s32 v13, v12;
	v13 =	vsel vm0, $0x1, v0;
	vm0 =	vge.f32 v8, v11  }
0x345: {  	v12 =	vadd.s32 v13, v12;
	v13 =	vsel vm0, $0x1, v0;
	vm0 =	vge.f32 v9, v11  }
0x346: {  	v12 =	vadd.s32 v13, v12;
	v13 =	vsel vm0, $0x1, v0;
	vm0 =	vge.f32 v4, v11  }
0x347: {  	v11 =	vadd.s32 v13, v12;
	v12 =	vsel vm0, $0x1, v0  }
0x348: {  	v11 =	vadd.s32 v12, v11  }
0x349: {  	(xrf0) =	vadd.scan.msk.s32 $0xffff, v11;
	_ =	sdelay $0x5  }
0x34a: {  	v11, _, _ =	vpop (xrf0)  }
0x34b: {  	(v2sf) =	vpush v11, $0xF;
	_ =	sdelay $0xe  }
.Ltmp39:
0x34c: {  	s18 =	spop (v2sf);
	(pc) =	sbr.rel @p0 .LBB2_60-.Ltmp39, $4  }
0x34d: {  	p2 =	sgt.s32 s18, $0x3F;
	p3 =	slt.s32 s18, $0x40;
	s18 =	smov.u32 s1  }
0x34e: {  	s30 =	smov.u32 @p2 s23;
	s18 =	smov.u32 @p3 s23  }
0x34f: {  	s1 =	smov.u32 @p1 s18  }
0x350: {  	s0 =	sadd.s32 $0xFFFFFFFF, s0;
	s18 =	ssub.s32 s1, s30  }
0x351: {  	s0 =	sshrl.u32 s18, $0x1  }
0x352: {  	s0 =	sadd.s32 s30, s0  }
0x353: {  	v11 =	vmov s0  }
0x354: {  	v12 =	vxor.u32 $0x7FFFFFFF, v11;
	vm0 =	vlt.s32 v11, $0x0  }
0x355: {  	v11 =	vnsel vm0, s0, v12  }
0x356: {  	vm0 =	vge.f32 v3, v11;
	vm1 =	vge.f32 v10, v11  }
0x357: {  	v3 =	vsel vm0, $0x1, v0;
	v10 =	vsel vm1, $0x1, v0;
	vm0 =	vge.f32 v5, v11  }
0x358: {  	v3 =	vadd.s32 v10, v3;
	v5 =	vsel vm0, $0x1, v0;
	vm0 =	vge.f32 v6, v11  }
0x359: {  	v3 =	vadd.s32 v5, v3;
	v5 =	vsel vm0, $0x1, v0;
	vm0 =	vge.f32 v7, v11  }
0x35a: {  	v3 =	vadd.s32 v5, v3;
	v5 =	vsel vm0, $0x1, v0;
	vm0 =	vge.f32 v8, v11  }
0x35b: {  	v3 =	vadd.s32 v5, v3;
	v5 =	vsel vm0, $0x1, v0;
	vm0 =	vge.f32 v9, v11  }
0x35c: {  	v3 =	vadd.s32 v5, v3;
	v5 =	vsel vm0, $0x1, v0;
	vm0 =	vge.f32 v4, v11  }
0x35d: {  	v3 =	vadd.s32 v5, v3;
	v4 =	vsel vm0, $0x1, v0  }
0x35e: {  	v3 =	vadd.s32 v4, v3  }
0x35f: {  	(xrf0) =	vadd.scan.msk.s32 $0xffff, v3;
	_ =	sdelay $0x5  }
0x360: {  	v3, _, _ =	vpop (xrf0)  }
0x361: {  	(v2sf) =	vpush v3, $0xF;
	_ =	sdelay $0xe  }
0x362: {  	s1 =	spop (v2sf)  }
0x363: {  	p0 =	sgt.s32 s1, $0x3F  }
0x364: {  	s30 =	smov.u32 @p0 s0;
	s0 =	simm.s32 $0x8040  }
0x365: {  	v3 =	vmov s30;
	v4 =	vld [tilespmem:s0+$0xFFFFFFC0]  }
0x366: {  	v6 =	vld [tilespmem:s0+$0xFFFFFFD0];
	v5 =	vxor.u32 $0x7FFFFFFF, v3;
	vm0 =	vlt.s32 v3, $0x0  }
0x367: {  	v3 =	vnsel vm0, s30, v5;
	v5 =	vld [tilespmem:s0+$0xFFFFFFE0]  }
0x368: {  	v7 =	vld [tilespmem:s0+$0xFFFFFFF0];
	v3 =	vbroadcast v3, $0x0  }
0x369: {  	v60 =	vld [tilespmem:s0+$0x0]  }
0x36a: {  	vm7 =	vge.f32 v4, v3;
	v4 =	vld [tilespmem:s0+$0x10]  }
0x36b: {  	vm6 =	vge.f32 v6, v3;
	v6 =	vld [tilespmem:s0+$0x20];
	v61 =	vmpcnt.ones.xlane vm7  }
0x36c: {  	v62 =	vmpcnt.ones.xlane vm6;
	vm5 =	vge.f32 v5, v3;
	v5 =	vld [tilespmem:s0+$0x30]  }
0x36d: {  	vm4 =	vge.f32 v7, v3;
	v63 =	vmpcnt.ones.xlane vm5;
	(v2sf) =	vpush v61, $0x0  }
0x36e: {  	vm3 =	vge.f32 v60, v3;
	v7 =	vmpcnt.ones.xlane vm4;
	(v2sf) =	vpush v62, $0x0  }
0x36f: {  	v8 =	vmpcnt.ones.xlane vm3;
	vm2 =	vge.f32 v4, v3;
	(v2sf) =	vpush v63, $0x0  }
0x370: {  	vm1 =	vge.f32 v6, v3;
	v4 =	vmpcnt.ones.xlane vm2;
	(v2sf) =	vpush v7, $0x0  }
0x371: {  	v6 =	vmpcnt.ones.xlane vm1;
	vm0 =	vge.f32 v5, v3;
	(v2sf) =	vpush v8, $0x0  }
0x372: {  	v5 =	vmpcnt.ones.xlane vm0;
	(v2sf) =	vpush v4, $0x0  }
0x373: {  	(v2sf) =	vpush v6, $0x0  }
0x374: {  	(v2sf) =	vpush v5, $0x0;
	_ =	sdelay $0x6  }
0x375: {  	s21 =	simm.s32 $0x0  }
0x376: {  	s23 =	simm.s32 $0x0;
	s25 =	simm.s32 $0x10;
	v4 =	vor.u32 s21, v1;
	s21 =	spop (v2sf)  }
0x377: {  	s26 =	simm.s32 $0x20;
	[tilespmem:s23+$0xC080] =	vst.msk vm7, v4;
	v4 =	vor.u32 s25, v1;
	s21 =	sadd.s32 $0x0, s21;
	s28 =	spop (v2sf)  }
0x378: {  	s23 =	simm.s32 $0x30;
	s1 =	sadd.s32 s21, s28;
	[tilespmem:s21+$0xC080] =	vst.msk vm6, v4;
	v4 =	vor.u32 s26, v1;
	s21 =	spop (v2sf)  }
0x379: {  	s25 =	simm.s32 $0x40;
	s18 =	sadd.s32 s1, s21;
	[tilespmem:s1+$0xC080] =	vst.msk vm5, v4;
	v4 =	vor.u32 s23, v1;
	s26 =	spop (v2sf)  }
0x37a: {  	s28 =	simm.s32 $0x50;
	s1 =	sadd.s32 s18, s26;
	[tilespmem:s18+$0xC080] =	vst.msk vm4, v4;
	v4 =	vor.u32 s25, v1;
	s21 =	spop (v2sf)  }
0x37b: {  	s25 =	simm.s32 $0x60;
	s18 =	sadd.s32 s1, s21;
	[tilespmem:s1+$0xC080] =	vst.msk vm3, v4;
	v4 =	vor.u32 s28, v1;
	s26 =	spop (v2sf)  }
0x37c: {  	s23 =	simm.s32 $0x70;
	s26 =	sadd.s32 s18, s26;
	[tilespmem:s18+$0xC080] =	vst.msk vm2, v4;
	v4 =	vor.u32 s25, v1;
	s28 =	spop (v2sf)  }
0x37d: {  	s1 =	simm.s32 $0xF0;
	s25 =	sadd.s32 s26, s28;
	[tilespmem:s26+$0xC080] =	vst.msk vm1, v4;
	v4 =	vor.u32 s23, v1;
	s18 =	spop (v2sf)  }
.LBB2_62:
0x37e: {  	p0 =	sne.s32 s1, $0x1FF0;
	[tilespmem:s25+$0xC080] =	vst.msk vm0, v4;
	s25 =	sadd.s32 s25, s18;
	s0 =	sadd.s32 $0x80, s0  }
0x37f: {  	s23 =	smov.u32 s1;
	s1 =	sadd.s32 $0x80, s1;
	v4 =	vld [tilespmem:s0+$0xFFFFFFC0]  }
0x380: {  	v5 =	vld [tilespmem:s0+$0xFFFFFFD0]  }
0x381: {  	v6 =	vld [tilespmem:s0+$0xFFFFFFE0]  }
0x382: {  	v7 =	vld [tilespmem:s0+$0xFFFFFFF0]  }
0x383: {  	v8 =	vld [tilespmem:s0+$0x0]  }
0x384: {  	vm0 =	vge.f32 v4, v3;
	v4 =	vld [tilespmem:s0+$0x10]  }
0x385: {  	s18 =	sadd.s32 $0xFFFFFF90, s23;
	v9 =	vmpcnt.ones.xlane vm0;
	vm6 =	vge.f32 v5, v3;
	v5 =	vld [tilespmem:s0+$0x20]  }
0x386: {  	v11 =	vor.u32 s18, v1;
	v10 =	vmpcnt.ones.xlane vm6;
	vm5 =	vge.f32 v6, v3;
	v6 =	vld [tilespmem:s0+$0x30]  }
0x387: {  	v12 =	vmpcnt.ones.xlane vm5;
	vm4 =	vge.f32 v7, v3;
	[tilespmem:s25+$0xC080] =	vst.msk vm0, v11;
	(v2sf) =	vpush v9, $0x0  }
0x388: {  	v7 =	vmpcnt.ones.xlane vm4;
	vm3 =	vge.f32 v8, v3;
	(v2sf) =	vpush v10, $0x0  }
0x389: {  	v8 =	vmpcnt.ones.xlane vm3;
	vm2 =	vge.f32 v4, v3;
	(v2sf) =	vpush v12, $0x0  }
0x38a: {  	v4 =	vmpcnt.ones.xlane vm2;
	vm1 =	vge.f32 v5, v3;
	(v2sf) =	vpush v7, $0x0  }
0x38b: {  	v5 =	vmpcnt.ones.xlane vm1;
	vm0 =	vge.f32 v6, v3;
	(v2sf) =	vpush v8, $0x0  }
0x38c: {  	v6 =	vmpcnt.ones.xlane vm0;
	(v2sf) =	vpush v4, $0x0  }
0x38d: {  	(v2sf) =	vpush v5, $0x0  }
0x38e: {  	(v2sf) =	vpush v6, $0x0;
	_ =	sdelay $0x7  }
0x38f: {  	s21 =	sadd.s32 $0xFFFFFFD0, s23;
	s18 =	sadd.s32 $0xFFFFFFA0, s23;
	s26 =	spop (v2sf)  }
0x390: {  	s28 =	sadd.s32 $0xFFFFFFB0, s23;
	v4 =	vor.u32 s18, v1;
	s25 =	sadd.s32 s25, s26;
	s18 =	spop (v2sf)  }
0x391: {  	s26 =	sadd.s32 $0xFFFFFFC0, s23;
	s18 =	sadd.s32 s25, s18;
	[tilespmem:s25+$0xC080] =	vst.msk vm6, v4;
	v4 =	vor.u32 s28, v1;
	s25 =	spop (v2sf)  }
.Ltmp40:
0x392: {  	s25 =	sadd.s32 s18, s25;
	[tilespmem:s18+$0xC080] =	vst.msk vm5, v4;
	v4 =	vor.u32 s26, v1;
	s18 =	spop (v2sf);
	(pc) =	sbr.rel @p0 .LBB2_62-.Ltmp40, $4  }
0x393: {  	s26 =	sadd.s32 $0xFFFFFFE0, s23;
	s18 =	sadd.s32 s25, s18;
	[tilespmem:s25+$0xC080] =	vst.msk vm4, v4;
	v4 =	vor.u32 s21, v1;
	s21 =	spop (v2sf)  }
0x394: {  	s25 =	sadd.s32 $0xFFFFFFF0, s23;
	s21 =	sadd.s32 s18, s21;
	[tilespmem:s18+$0xC080] =	vst.msk vm3, v4;
	v4 =	vor.u32 s26, v1;
	s18 =	spop (v2sf)  }
0x395: {  	s18 =	sadd.s32 s21, s18;
	[tilespmem:s21+$0xC080] =	vst.msk vm2, v4;
	v4 =	vor.u32 s25, v1;
	s21 =	spop (v2sf)  }
0x396: {  	s25 =	sadd.s32 s18, s21;
	[tilespmem:s18+$0xC080] =	vst.msk vm1, v4;
	v4 =	vor.u32 s23, v1;
	s18 =	spop (v2sf)  }
0x397: {  	s1 =	sadd.s32 s25, s18  }
0x398: {  	s0 =	sadd.s32 $0xF, s1  }
0x399: {  	s26 =	sand.u32 $0xF, s0  }
0x39a: {  	s28 =	sshra.s32 s0, $0x1F;
	p1 =	slt.s32 s0, $0x1;
	p0 =	sne.s32 s26, $0x0  }
0x39b: {  	s18 =	sshrl.u32 s28, $0x1C;
	p0 =	por !p1, !p0  }
0x39c: {  	s0 =	sadd.s32 s18, s0;
	s18 =	simm.s32 $0x1;
	p0 =	por !p0, !p0  }
0x39d: {  	s0 =	sshra.s32 s0, $0x4;
	s18 =	simm.s32 @!p0 $0x0  }
0x39e: {  	s0 =	ssub.s32 s0, s18  }
0x39f: {  	p0 =	slt.s32 s0, $0x1  }
.Ltmp41:
0x3a0: {  	_ = 	snop;
	(pc) =	sbr.rel @p0 .LBB2_70-.Ltmp41, $3  }
0x3a1: {  	_ =	sdelay $0x1  }
0x3a2: {  	[tilespmem:s25+$0xC080] =	vst.msk vm0, v4  }
0x3a3: {  	[tilespmem:s1+$0xC080] =	vst v1  }
0x3a4: {  	p2 =	sne.s32 s0, $0x1  }
.Ltmp42:
0x3a5: {  	_ = 	snop;
	(pc) =	sbr.rel @!p2 .LBB2_65-.Ltmp42, $3  }
0x3a6: {  	_ =	sdelay $0x1  }
0x3a7: {  	s18 =	simm.s32 $0xC080  }
0x3a8: {  	s23 =	simm.s32 $0xA000;
	p1 =	por $0x0, $0x0;
	v3 =	vld [tilespmem:s18+$0x0];
	s18 =	sadd.s32 $0xFFFFFFFF, s0  }
0x3a9: {  	_ =	sdelay $0x7  }
0x3aa: {  	v3 =	vld.idx.msk [tilespmem:v3+s22+$0x0], $0xffff;
	_ =	sdelay $0x2  }
0x3ab: {  	p2 =	sne.s32 s18, $0x1  }
.Ltmp43:
0x3ac: {  	_ = 	snop;
	(pc) =	sbr.rel @!p2 .LBB2_67-.Ltmp43, $4  }
0x3ad: {  	v4 =	vxor.u32 $0x7FFFFFFF, v3;
	vm0 =	vlt.s32 v3, $0x0  }
0x3ae: {  	v3 =	vsel vm0, v4, v3  }
0x3af: {  	s26 =	simm.s32 $0xC090;
	[tilespmem:s23+$0x0] =	vst v3  }
0x3b0: {  	s28 =	sadd.s32 $0xFFFFFFFF, s18;
	p1 =	por $0x1, $0x1;
	s25 =	simm.s32 $0xA000;
	v3 =	vld [tilespmem:s26+$0x0]  }
.LBB2_68:
0x3b1: {  	p2 =	sne.s32 s28, $0x1;
	_ =	sdelay $0x6  }
0x3b2: {  	v3 =	vld.idx.msk [tilespmem:v3+s22+$0x0], $0xffff;
	_ =	sdelay $0x4  }
.Ltmp44:
0x3b3: {  	(pc) =	sbr.rel @p2 .LBB2_68-.Ltmp44, $4  }
0x3b4: {  	v4 =	vxor.u32 $0x7FFFFFFF, v3;
	vm0 =	vlt.s32 v3, $0x0  }
0x3b5: {  	s25 =	sadd.s32 $0x10, s25;
	v3 =	vsel vm0, v4, v3  }
0x3b6: {  	s26 =	sadd.s32 $0x10, s26;
	[tilespmem:s25+$0x0] =	vst v3  }
0x3b7: {  	s28 =	sadd.s32 $0xFFFFFFFF, s28;
	v3 =	vld [tilespmem:s26+$0x0]  }
.LBB2_69:
0x3b8: {  	_ =	sdelay $0x7  }
0x3b9: {  	v3 =	vld.idx.msk [tilespmem:v3+s22+$0x0], $0xffff;
	_ =	sdelay $0x4  }
0x3ba: {  	s18 =	sadd.s32 @p1 $0x10, s25;
	v4 =	vxor.u32 $0x7FFFFFFF, v3;
	vm0 =	vlt.s32 v3, $0x0  }
0x3bb: {  	s23 =	smov.u32 @p1 s18;
	v3 =	vsel vm0, v4, v3  }
0x3bc: {  	[tilespmem:s23+$0x0] =	vst v3  }
.LBB2_70:
0x3bd: {  	s25 =	ssub.s32 s31, s30  }
0x3be: {  	p1 =	slt.u32 s25, $0x2  }
.Ltmp45:
0x3bf: {  	_ = 	snop;
	(pc) =	sbr.rel @p1 .LBB2_78-.Ltmp45, $4  }
.Ltmp46:
0x3c0: {  	_ = 	snop;
	(pc) =	sbr.rel @!p1 .LBB2_71-.Ltmp46, $4  }
0x3c1: {  	_ = 	snop  }
0x3c2: {  	_ = 	snop  }
0x3c3: {  	[tilespmem:s1+$0xA000] =	vst v2;
	s1 =	simm.s32 $0x0;
	s18 =	simm.s32 $0x40  }
0x3c4: {  	_ = 	snop  }
.LBB2_72:
0x3c5: {  	v3 =	vimm.s32 $0x0;
	v4 =	vimm.s32 $0x0;
	v5 =	vimm.s32 $0x0  }
.LBB2_76:
0x3c6: {  	(xrf0) =	vadd.scan.msk.s32 $0xffff, v3  }
0x3c7: {  	(xrf0) =	vadd.scan.msk.s32 $0xffff, v4  }
0x3c8: {  	(xrf0) =	vadd.scan.msk.s32 $0xffff, v5;
	_ =	sdelay $0x3  }
0x3c9: {  	v3, _, _ =	vpop (xrf0)  }
0x3ca: {  	v4, _, _ =	vpop (xrf0);
	(v2sf) =	vpush v3, $0xF  }
0x3cb: {  	(v2sf) =	vpush v4, $0xF;
	v3, _, _ =	vpop (xrf0)  }
0x3cc: {  	(v2sf) =	vpush v3, $0xF;
	_ =	sdelay $0xc  }
0x3cd: {  	s18 =	spop (v2sf)  }
0x3ce: {  	s21 =	spop (v2sf)  }
0x3cf: {  	p1 =	sgt.s32 s18, $0x3F;
	s28 =	spop (v2sf)  }
0x3d0: {  	p2 =	sgt.s32 s21, $0x3F;
	s30 =	smov.u32 @p1 s23;
	s23 =	smov.u32 @p1 s25  }
0x3d1: {  	p3 =	sgt.s32 s28, $0x3F;
	s30 =	smov.u32 @p2 s25;
	s23 =	smov.u32 @p2 s26  }
0x3d2: {  	s30 =	smov.u32 @p3 s26;
	s23 =	smov.u32 @p3 s31  }
0x3d3: {  	s25 =	ssub.s32 s23, s30  }
0x3d4: {  	s18 =	smov.u32 @p1 s21;
	p1 =	sgt.u32 s25, $0x1  }
.Ltmp47:
0x3d5: {  	_ = 	snop;
	(pc) =	sbr.rel @!p1 .LBB2_77-.Ltmp47, $4  }
0x3d6: {  	_ = 	snop  }
0x3d7: {  	s18 =	smov.u32 @p2 s28  }
0x3d8: {  	s18 =	smov.u32 @p3 s1  }
0x3d9: {  	s1 =	smov.u32 s18;
	s31 =	smov.u32 s23  }
.LBB2_71:
.Ltmp48:
0x3da: {  	(pc) =	sbr.rel @p0 .LBB2_72-.Ltmp48, $4  }
0x3db: {  	_ = 	snop  }
0x3dc: {  	s18 =	sshrl.u32 s25, $0x1  }
0x3dd: {  	s21 =	sshrl.u32 s25, $0x2;
	s25 =	sadd.s32 s30, s18  }
0x3de: {  	s23 =	sadd.s32 s30, s21;
	s26 =	sadd.s32 s21, s25  }
0x3df: {  	s18 =	simm.s32 $0xA000  }
0x3e0: {  	v7 =	vld [tilespmem:s18+$0x0]  }
0x3e1: {  	p1 =	sne.s32 s0, $0x1  }
.Ltmp49:
0x3e2: {  	_ = 	snop;
	(pc) =	sbr.rel @!p1 .LBB2_75-.Ltmp49, $4  }
0x3e3: {  	_ = 	snop  }
0x3e4: {  	v4 =	vmov s23;
	v5 =	vmov s25;
	v6 =	vmov s26  }
0x3e5: {  	v3 =	vimm.s32 $0x0;
	v8 =	vimm.s32 $0x0;
	vm0 =	vge.s32 v7, v4  }
0x3e6: {  	s28 =	sadd.s32 $0xFFFFFFFF, s0;
	s18 =	simm.s32 $0xA010;
	vm1 =	vge.s32 v7, v5;
	vm2 =	vge.s32 v7, v6;
	v7 =	vimm.s32 $0x0  }
.LBB2_74:
0x3e7: {  	v9 =	vld [tilespmem:s18+$0x0];
	p1 =	sne.s32 s28, $0x1;
	s28 =	sadd.s32 $0xFFFFFFFF, s28;
	v10 =	vsel vm0, $0x1, v0;
	v11 =	vsel vm1, $0x1, v0;
	v12 =	vsel vm2, $0x1, v0  }
.Ltmp50:
0x3e8: {  	v3 =	vadd.s32 v10, v3;
	v7 =	vadd.s32 v11, v7;
	v8 =	vadd.s32 v12, v8;
	(pc) =	sbr.rel @p1 .LBB2_74-.Ltmp50, $2  }
0x3e9: {  	_ =	sdelay $0x2  }
0x3ea: {  	s18 =	sadd.s32 $0x10, s18;
	vm0 =	vge.s32 v9, v4;
	vm1 =	vge.s32 v9, v5;
	vm2 =	vge.s32 v9, v6  }
.LBB2_75:
.Ltmp51:
0x3eb: {  	(pc) =	sbr.rel .LBB2_76-.Ltmp51, $3  }
0x3ec: {  	_ =	sdelay $0x1  }
0x3ed: {  	v4 =	vsel vm0, $0x1, v0;
	v5 =	vsel vm1, $0x1, v0;
	v6 =	vsel vm2, $0x1, v0  }
0x3ee: {  	v3 =	vadd.s32 v4, v3;
	v4 =	vadd.s32 v5, v7;
	v5 =	vadd.s32 v6, v8  }
.LBB2_77:
0x3ef: {  	s18 =	ssub.s32 $0x40, s18  }
.LBB2_78:
.Ltmp52:
0x3f0: {  	(pc) =	sbr.rel @p0 .LBB2_85-.Ltmp52, $1  }
0x3f1: {  	_ =	sdelay $0x3  }
0x3f2: {  	s1 =	simm.s32 $0xA000  }
0x3f3: {  	v6 =	vld [tilespmem:s1+$0x0];
	_ =	sdelay $0x3  }
0x3f4: {  	v3 =	vmov s30  }
0x3f5: {  	vm1 =	veq.s32 v6, v3  }
0x3f6: {  	v4 =	vsel vm1, $0x1, v0  }
0x3f7: {  	(xrf0) =	vadd.scan.msk.s32 $0xffff, v4;
	_ =	sdelay $0x3  }
0x3f8: {  	p1 =	sne.s32 s0, $0x1  }
.Ltmp53:
0x3f9: {  	_ = 	snop;
	(pc) =	sbr.rel @!p1 .LBB2_80-.Ltmp53, $4  }
0x3fa: {  	s1 =	simm.s32 $0x0;
	v5, _, _ =	vpop (xrf0)  }
0x3fb: {  	v7 =	vmpcnt.ones.xlane vm1;
	v4 =	vmov s18;
	v5 =	vadd.s32 s1, v5  }
0x3fc: {  	s21 =	simm.s32 $0xC080;
	vm2 =	vle.s32 v5, v4  }
0x3fd: {  	p0 =	por $0x0, $0x0;
	vm0 =	vgt.s32 v6, v3;
	s18 =	sadd.s32 $0xFFFFFFFF, s0;
	(v2sf) =	vpush v7, $0x0;
	v5 =	vld [tilespmem:s21+$0x0];
	vm1 =	vmand vm1, vm2  }
0x3fe: {  	_ =	sdelay $0x2  }
0x3ff: {  	vm0 =	vmor vm0, vm1  }
0x400: {  	s0 =	simm.s32 $0xA010;
	[tilespmem:s1+$0xE100] =	vst.msk vm0, v5  }
0x401: {  	v6 =	vld [tilespmem:s0+$0x0]  }
0x402: {  	v5 =	vmpcnt.ones.xlane vm0;
	_ =	sdelay $0x1  }
0x403: {  	(v2sf) =	vpush v5, $0x0;
	_ =	sdelay $0x1  }
0x404: {  	vm1 =	veq.s32 v6, v3  }
0x405: {  	v5 =	vsel vm1, $0x1, v0  }
0x406: {  	(xrf0) =	vadd.scan.msk.s32 $0xffff, v5  }
0x407: {  	v7 =	vmpcnt.ones.xlane vm1;
	_ =	sdelay $0x1  }
0x408: {  	s21 =	spop (v2sf);
	(v2sf) =	vpush v7, $0x0;
	_ =	sdelay $0x2  }
0x409: {  	p1 =	sne.s32 s18, $0x1;
	s23 =	sadd.s32 $0x0, s21;
	v5, _, _ =	vpop (xrf0)  }
.Ltmp54:
0x40a: {  	s30 =	simm.s32 $0xC090;
	v5 =	vadd.s32 s23, v5;
	(pc) =	sbr.rel @!p1 .LBB2_82-.Ltmp54, $3  }
0x40b: {  	vm2 =	vle.s32 v5, v4;
	v5 =	vld [tilespmem:s30+$0x0];
	_ =	sdelay $0x1  }
0x40c: {  	s25 =	sadd.s32 $0xFFFFFFFF, s18  }
0x40d: {  	p0 =	por $0x1, $0x1;
	s26 =	simm.s32 $0x0;
	vm0 =	vgt.s32 v6, v3;
	vm1 =	vmand vm1, vm2;
	s18 =	spop (v2sf)  }
.LBB2_83:
0x40e: {  	p1 =	sne.s32 s25, $0x1;
	s25 =	sadd.s32 $0xFFFFFFFF, s25;
	vm0 =	vmor vm0, vm1;
	s26 =	sadd.s32 s26, s18  }
0x40f: {  	s0 =	sadd.s32 $0x10, s0;
	[tilespmem:s26+$0xE100] =	vst.msk vm0, v5;
	v5 =	vmpcnt.ones.xlane vm0  }
0x410: {  	v6 =	vld [tilespmem:s0+$0x0]  }
0x411: {  	(v2sf) =	vpush v5, $0x0;
	_ =	sdelay $0x2  }
0x412: {  	s18 =	spop (v2sf)  }
0x413: {  	vm1 =	veq.s32 v6, v3;
	s23 =	sadd.s32 s23, s18  }
0x414: {  	v5 =	vsel vm1, $0x1, v0;
	v7 =	vmpcnt.ones.xlane vm1  }
0x415: {  	(xrf0) =	vadd.scan.msk.s32 $0xffff, v5  }
0x416: {  	(v2sf) =	vpush v7, $0x0;
	_ =	sdelay $0x3  }
.Ltmp55:
0x417: {  	s30 =	sadd.s32 $0x10, s30;
	(pc) =	sbr.rel @p1 .LBB2_83-.Ltmp55, $4  }
0x418: {  	v5 =	vld [tilespmem:s30+$0x0];
	v7, _, _ =	vpop (xrf0)  }
0x419: {  	v7 =	vadd.s32 s23, v7  }
0x41a: {  	vm2 =	vle.s32 v7, v4  }
0x41b: {  	vm0 =	vgt.s32 v6, v3;
	vm1 =	vmand vm1, vm2;
	s18 =	spop (v2sf)  }
.LBB2_84:
0x41c: {  	vm0 =	vmor vm0, vm1  }
0x41d: {  	v3 =	vmpcnt.ones.xlane vm0;
	_ =	sdelay $0x1  }
0x41e: {  	(v2sf) =	vpush v3, $0x0;
	_ =	sdelay $0xc  }
0x41f: {  	s0 =	sadd.s32 @p0 s26, s18  }
0x420: {  	s1 =	smov.u32 @p0 s0;
	s30 =	spop (v2sf)  }
0x421: {  	[tilespmem:s1+$0xE100] =	vst.msk vm0, v5;
	s31 =	spop (v2sf)  }
.LBB2_85:
0x422: {  	v3 =	vld [tilespmem:$0xE100];
	_ =	sdelay $0x5  }
0x423: {  	v4 =	vld [tilespmem:$0xE110]  }
0x424: {  	s0 =	simm.s32 $0x0  }
0x425: {  	v3 =	vld.idx.msk [tilespmem:v3+s0+$0x0], $0xffff;
	_ =	sdelay $0x3  }
0x426: {  	v5 =	vld [tilespmem:$0xE120]  }
0x427: {  	[tilespmem:$0xE280] =	vst v3  }
0x428: {  	v3 =	vld.idx.msk [tilespmem:v4+s0+$0x0], $0xffff;
	_ =	sdelay $0x3  }
0x429: {  	v4 =	vld [tilespmem:$0xE130]  }
0x42a: {  	[tilespmem:$0xE290] =	vst v3  }
0x42b: {  	v3 =	vld.idx.msk [tilespmem:v5+s0+$0x0], $0xffff;
	_ =	sdelay $0x4  }
0x42c: {  	[tilespmem:$0xE2A0] =	vst v3  }
0x42d: {  	v3 =	vld.idx.msk [tilespmem:v4+s0+$0x0], $0xffff;
	_ =	sdelay $0x4  }
0x42e: {  	s1 =	simm.s32 $0xE280;
	[tilespmem:$0xE2B0] =	vst v3  }
0x42f: {  	[hbm4b:s13+s0] =	stream.linear.scatter [tilespmem:s1], [sflag:$0x2], $0x80, $0x38;
	[tilespmem:$0xE380] =	vst v63  }
0x430: {  	_ =	swait.ge [sflag:s24], $0x2000  }
0x431: {  	[sflag:s24] =	ssyncset.done $0x0  }
0x432: {  	[sflag:s24] =	ssyncadd.s32 $0xFFFFE000  }
0x433: {  	_ =	swait.ge [sflag:s24], $0x2000  }
0x434: {  	[sflag:s24] =	ssyncset.done $0x0  }
0x435: {  	s30 =	simm.s32 $0x0;
	[sflag:s24] =	ssyncadd.s32 $0xFFFFE000  }
0x436: {  	v3 =	vld [tilespmem:s30+$0x6070]  }
0x437: {  	v4 =	vld [tilespmem:s30+$0x2070]  }
0x438: {  	v6 =	vld [tilespmem:s30+$0x6000]  }
0x439: {  	v7 =	vld [tilespmem:s30+$0x6010]  }
0x43a: {  	v8 =	vld [tilespmem:s30+$0x6020]  }
0x43b: {  	v9 =	vld [tilespmem:s30+$0x6030]  }
0x43c: {  	v10 =	vld [tilespmem:s30+$0x6050]  }
0x43d: {  	v12 =	vld [tilespmem:s30+$0x2000]  }
0x43e: {  	v16 =	vld [tilespmem:s30+$0x2010]  }
0x43f: {  	v5 =	vimm.f32 $-Inf;
	v15 =	vld [tilespmem:s30+$0x6060]  }
0x440: {  	vm0 =	veq.s32 v3, $0x0;
	v3 =	vld [tilespmem:s30+$0x6040];
	vm5 =	veq.s32 v7, $0x0;
	vm4 =	veq.s32 v8, $0x0  }
0x441: {  	v14 =	vld [tilespmem:s30+$0x2020];
	vm3 =	veq.s32 v9, $0x0;
	vm1 =	veq.s32 v10, $0x0;
	v7 =	vimm.f32 $-Inf  }
0x442: {  	v13 =	vld [tilespmem:s30+$0x2030];
	v9 =	vimm.f32 $-Inf;
	v10 =	vimm.f32 $-Inf;
	v8 =	vimm.f32 $-Inf  }
0x443: {  	v11 =	vld [tilespmem:s30+$0x2040];
	v4 =	vsel vm0, $0xFF800000, v4;
	vm0 =	veq.s32 v6, $0x0;
	v16 =	vsel vm5, $0xFF800000, v16  }
0x444: {  	[tilespmem:s30+$0x8070] =	vst v4;
	v4 =	vmax.f32 v5, v4;
	v6 =	vsel vm0, $0xFF800000, v12;
	vm0 =	veq.s32 v15, $0x0;
	v12 =	vld [tilespmem:s30+$0x2050]  }
0x445: {  	s0 =	simm.s32 $0x80;
	s1 =	simm.s32 $0x400;
	v15 =	vld [tilespmem:s30+$0x2060];
	[tilespmem:s30+$0x8000] =	vst v6;
	vm2 =	veq.s32 v3, $0x0;
	v3 =	vmax.f32 v5, v6;
	v6 =	vimm.f32 $-Inf  }
.LBB2_86:
0x446: {  	p0 =	sne.s32 s1, $0x7E00;
	v17 =	vld [tilespmem:s0+$0x6070];
	[tilespmem:s30+$0x8010] =	vst v16;
	v5 =	vmax.f32 v5, v16;
	v14 =	vsel vm4, $0xFF800000, v14  }
0x447: {  	v16 =	vld [tilespmem:s0+$0x2070];
	[tilespmem:s30+$0x8020] =	vst v14;
	v6 =	vmax.f32 v6, v14;
	v13 =	vsel vm3, $0xFF800000, v13  }
0x448: {  	v14 =	vld [tilespmem:s0+$0x6000];
	[tilespmem:s30+$0x8030] =	vst v13;
	v7 =	vmax.f32 v7, v13;
	v11 =	vsel vm2, $0xFF800000, v11  }
0x449: {  	v13 =	vld [tilespmem:s0+$0x6010];
	[tilespmem:s30+$0x8040] =	vst v11;
	v9 =	vmax.f32 v9, v11;
	v11 =	vsel vm1, $0xFF800000, v12  }
0x44a: {  	v12 =	vld [tilespmem:s0+$0x6020];
	[tilespmem:s30+$0x8050] =	vst v11;
	v10 =	vmax.f32 v10, v11;
	v11 =	vsel vm0, $0xFF800000, v15  }
0x44b: {  	v15 =	vld [tilespmem:s0+$0x6030];
	vm0 =	veq.s32 v17, $0x0;
	[tilespmem:s30+$0x8060] =	vst v11;
	v8 =	vmax.f32 v8, v11;
	s30 =	smov.u32 s0  }
0x44c: {  	v11 =	vld [tilespmem:s30+$0x6040];
	v16 =	vsel vm0, $0xFF800000, v16  }
0x44d: {  	vm5 =	veq.s32 v14, $0x0;
	v17 =	vld [tilespmem:s30+$0x6050];
	[tilespmem:s30+$0x8070] =	vst v16;
	v4 =	vmax.f32 v4, v16  }
0x44e: {  	vm6 =	veq.s32 v13, $0x0;
	v16 =	vld [tilespmem:s30+$0x6060]  }
0x44f: {  	v18 =	vld [tilespmem:s30+$0x2000];
	vm4 =	veq.s32 v12, $0x0  }
0x450: {  	v19 =	vld [tilespmem:s30+$0x2010];
	vm3 =	veq.s32 v15, $0x0  }
.Ltmp56:
0x451: {  	v14 =	vld [tilespmem:s30+$0x2020];
	vm2 =	veq.s32 v11, $0x0;
	(pc) =	sbr.rel @p0 .LBB2_86-.Ltmp56, $4  }
0x452: {  	v13 =	vld [tilespmem:s30+$0x2030];
	vm1 =	veq.s32 v17, $0x0  }
0x453: {  	v11 =	vld [tilespmem:s30+$0x2040];
	vm0 =	veq.s32 v16, $0x0  }
0x454: {  	v15 =	vsel vm5, $0xFF800000, v18;
	v12 =	vld [tilespmem:s30+$0x2050]  }
0x455: {  	s0 =	sshra.s32 s1, $0x2;
	s1 =	sadd.s32 $0x200, s1;
	[tilespmem:s30+$0x8000] =	vst v15;
	v3 =	vmax.f32 v3, v15;
	v16 =	vsel vm6, $0xFF800000, v19;
	v15 =	vld [tilespmem:s30+$0x2060]  }
0x456: {  	v17 =	vld [tilespmem:s0+$0x6070];
	[tilespmem:s30+$0x8010] =	vst v16;
	v14 =	vsel vm4, $0xFF800000, v14  }
0x457: {  	v18 =	vld [tilespmem:s0+$0x2070];
	[tilespmem:s30+$0x8020] =	vst v14;
	v13 =	vsel vm3, $0xFF800000, v13  }
0x458: {  	v19 =	vld [tilespmem:s0+$0x6000];
	[tilespmem:s30+$0x8030] =	vst v13;
	v11 =	vsel vm2, $0xFF800000, v11  }
0x459: {  	v20 =	vld [tilespmem:s0+$0x6010];
	[tilespmem:s30+$0x8040] =	vst v11;
	v12 =	vsel vm1, $0xFF800000, v12  }
0x45a: {  	v21 =	vld [tilespmem:s0+$0x6020];
	[tilespmem:s30+$0x8050] =	vst v12;
	v15 =	vsel vm0, $0xFF800000, v15  }
0x45b: {  	v22 =	vld [tilespmem:s0+$0x6030];
	[tilespmem:s30+$0x8060] =	vst v15  }
0x45c: {  	v50 =	vld [tilespmem:s0+$0x6040]  }
0x45d: {  	v23 =	vld [tilespmem:s0+$0x6050]  }
0x45e: {  	v24 =	vld [tilespmem:s0+$0x6060]  }
0x45f: {  	v25 =	vld [tilespmem:s0+$0x2000]  }
0x460: {  	v5 =	vmax.f32 v5, v16;
	v26 =	vld [tilespmem:s0+$0x2010]  }
0x461: {  	v6 =	vmax.f32 v6, v14;
	v7 =	vmax.f32 v7, v13;
	v9 =	vmax.f32 v9, v11;
	v27 =	vld [tilespmem:s0+$0x2020]  }
0x462: {  	v11 =	vmax.f32 v10, v12;
	vm6 =	veq.s32 v17, $0x0;
	v53 =	vmax.f32 v8, v15;
	v51 =	vld [tilespmem:s0+$0x2030]  }
0x463: {  	v52 =	vld [tilespmem:s0+$0x2040];
	vm7 =	veq.s32 v19, $0x0;
	vm8 =	veq.s32 v20, $0x0;
	vm9 =	veq.s32 v21, $0x0  }
0x464: {  	v54 =	vld [tilespmem:s0+$0x2050];
	vm10 =	veq.s32 v22, $0x0;
	v8 =	vsel vm7, $0xFF800000, v25;
	vm11 =	veq.s32 v50, $0x0  }
0x465: {  	v56 =	vld [tilespmem:s0+$0x2060];
	vm12 =	veq.s32 v23, $0x0;
	v55 =	vsel vm8, $0xFF800000, v26;
	vm13 =	veq.s32 v24, $0x0  }
0x466: {  	v57 =	vsel vm9, $0xFF800000, v27;
	v3 =	vmax.f32 v3, v8;
	v10 =	vmax.f32 v5, v55  }
0x467: {  	v13 =	vsel vm10, $0xFF800000, v51;
	[tilespmem:s0+$0x8000] =	vst v8;
	v5 =	vmax.f32 v6, v57;
	v8 =	vmin.f32 v3, v10  }
0x468: {  	v6 =	vmax.f32 v7, v13;
	v12 =	vsel vm11, $0xFF800000, v52;
	v8 =	vmin.f32 v8, v5  }
0x469: {  	v15 =	vsel vm12, $0xFF800000, v54;
	v7 =	vmax.f32 v9, v12;
	v9 =	vmin.f32 v8, v6  }
0x46a: {  	v8 =	vmax.f32 v11, v15;
	v11 =	vsel vm13, $0xFF800000, v56;
	v58 =	vmin.f32 v9, v7  }
0x46b: {  	v18 =	vsel vm6, $0xFF800000, v18;
	v9 =	vmax.f32 v53, v11;
	v59 =	vmin.f32 v58, v8  }
0x46c: {  	v4 =	vmax.f32 v4, v18;
	v14 =	vmin.f32 v59, v9  }
0x46d: {  	v14 =	vmin.f32 v14, v4  }
0x46e: {  	v14 =	vsub.f32 $0.0e+00, v14;
	_ =	sdelay $0x1  }
0x46f: {  	(xrf0) =	vmax.scan.msk.f32 $0xffff, v14;
	_ =	sdelay $0x5  }
0x470: {  	v14, _, _ =	vpop (xrf0)  }
0x471: {  	(v2sf) =	vpush v14, $0xF;
	_ =	sdelay $0x3  }
0x472: {  	v60 =	vmax.f32 v3, v10  }
0x473: {  	v14 =	vmax.f32 v60, v5  }
0x474: {  	v14 =	vmax.f32 v14, v6  }
0x475: {  	v14 =	vmax.f32 v14, v7  }
0x476: {  	v14 =	vmax.f32 v14, v8  }
0x477: {  	v14 =	vmax.f32 v14, v9  }
0x478: {  	v14 =	vmax.f32 v14, v4  }
0x479: {  	(xrf0) =	vmax.scan.msk.f32 $0xffff, v14;
	_ =	sdelay $0x3  }
0x47a: {  	s1 =	spop (v2sf)  }
0x47b: {  	s1 =	ssub.f32 $0.0e+00, s1  }
0x47c: {  	v14, _, _ =	vpop (xrf0)  }
0x47d: {  	v14 =	vadd.f32 $0.0e+00, v14;
	v61 =	vmov s1  }
0x47e: {  	v62 =	vbroadcast v61, $0x0  }
0x47f: {  	v14 =	vbroadcast v14, $0xF  }
0x480: {  	v17 =	vxor.u32 $0x7FFFFFFF, v61;
	vm14 =	vlt.s32 v62, $0x0  }
0x481: {  	v63 =	vxor.u32 $0x7FFFFFFF, v14;
	vm15 =	vlt.s32 v14, $0x0;
	v17 =	vsel vm14, v17, v62  }
0x482: {  	v14 =	vsel vm15, v63, v14;
	(v2sf) =	vpush v17, $0x0  }
0x483: {  	(v2sf) =	vpush v14, $0x0;
	_ =	sdelay $0xa  }
0x484: {  	[tilespmem:s0+$0x8070] =	vst v18  }
0x485: {  	[tilespmem:s0+$0x8010] =	vst v55  }
0x486: {  	[tilespmem:s0+$0x8020] =	vst v57  }
0x487: {  	[tilespmem:s0+$0x8030] =	vst v13;
	s30 =	spop (v2sf)  }
0x488: {  	[tilespmem:s0+$0x8040] =	vst v12;
	s28 =	spop (v2sf)  }
0x489: {  	[tilespmem:s0+$0x8050] =	vst v15;
	s31 =	sadd.s32 $0x1, s28  }
0x48a: {  	[tilespmem:s0+$0x8060] =	vst v11;
	s0 =	simm.s32 $0x5;
	s18 =	ssub.s32 s31, s30;
	s1 =	smov.u32 s31  }
.LBB2_88:
0x48b: {  	p0 =	sne.s32 s0, $0x1;
	s18 =	sshrl.u32 s18, $0x1  }
0x48c: {  	s23 =	sadd.s32 s30, s18;
	p1 =	sne.s32 s18, $0x0  }
0x48d: {  	v11 =	vmov s23  }
0x48e: {  	v12 =	vxor.u32 $0x7FFFFFFF, v11;
	vm0 =	vlt.s32 v11, $0x0  }
0x48f: {  	v11 =	vnsel vm0, s23, v12  }
0x490: {  	vm0 =	vge.f32 v3, v11;
	vm1 =	vge.f32 v10, v11  }
0x491: {  	v12 =	vsel vm0, $0x1, v0;
	v13 =	vsel vm1, $0x1, v0;
	vm0 =	vge.f32 v5, v11  }
0x492: {  	v12 =	vadd.s32 v13, v12;
	v13 =	vsel vm0, $0x1, v0;
	vm0 =	vge.f32 v6, v11  }
0x493: {  	v12 =	vadd.s32 v13, v12;
	v13 =	vsel vm0, $0x1, v0;
	vm0 =	vge.f32 v7, v11  }
0x494: {  	v12 =	vadd.s32 v13, v12;
	v13 =	vsel vm0, $0x1, v0;
	vm0 =	vge.f32 v8, v11  }
0x495: {  	v12 =	vadd.s32 v13, v12;
	v13 =	vsel vm0, $0x1, v0;
	vm0 =	vge.f32 v9, v11  }
0x496: {  	v12 =	vadd.s32 v13, v12;
	v13 =	vsel vm0, $0x1, v0;
	vm0 =	vge.f32 v4, v11  }
0x497: {  	v11 =	vadd.s32 v13, v12;
	v12 =	vsel vm0, $0x1, v0  }
0x498: {  	v11 =	vadd.s32 v12, v11  }
0x499: {  	(xrf0) =	vadd.scan.msk.s32 $0xffff, v11;
	_ =	sdelay $0x5  }
0x49a: {  	v11, _, _ =	vpop (xrf0)  }
0x49b: {  	(v2sf) =	vpush v11, $0xF;
	_ =	sdelay $0xe  }
.Ltmp57:
0x49c: {  	s18 =	spop (v2sf);
	(pc) =	sbr.rel @p0 .LBB2_88-.Ltmp57, $4  }
0x49d: {  	p2 =	sgt.s32 s18, $0x3F;
	p3 =	slt.s32 s18, $0x40;
	s18 =	smov.u32 s1  }
0x49e: {  	s30 =	smov.u32 @p2 s23;
	s18 =	smov.u32 @p3 s23  }
0x49f: {  	s1 =	smov.u32 @p1 s18  }
0x4a0: {  	s0 =	sadd.s32 $0xFFFFFFFF, s0;
	s18 =	ssub.s32 s1, s30  }
0x4a1: {  	s0 =	sshrl.u32 s18, $0x1  }
0x4a2: {  	s0 =	sadd.s32 s30, s0  }
0x4a3: {  	v11 =	vmov s0  }
0x4a4: {  	v12 =	vxor.u32 $0x7FFFFFFF, v11;
	vm0 =	vlt.s32 v11, $0x0  }
0x4a5: {  	v11 =	vnsel vm0, s0, v12  }
0x4a6: {  	vm0 =	vge.f32 v3, v11;
	vm1 =	vge.f32 v10, v11  }
0x4a7: {  	v3 =	vsel vm0, $0x1, v0;
	v10 =	vsel vm1, $0x1, v0;
	vm0 =	vge.f32 v5, v11  }
0x4a8: {  	v3 =	vadd.s32 v10, v3;
	v5 =	vsel vm0, $0x1, v0;
	vm0 =	vge.f32 v6, v11  }
0x4a9: {  	v3 =	vadd.s32 v5, v3;
	v5 =	vsel vm0, $0x1, v0;
	vm0 =	vge.f32 v7, v11  }
0x4aa: {  	v3 =	vadd.s32 v5, v3;
	v5 =	vsel vm0, $0x1, v0;
	vm0 =	vge.f32 v8, v11  }
0x4ab: {  	v3 =	vadd.s32 v5, v3;
	v5 =	vsel vm0, $0x1, v0;
	vm0 =	vge.f32 v9, v11  }
0x4ac: {  	v3 =	vadd.s32 v5, v3;
	v5 =	vsel vm0, $0x1, v0;
	vm0 =	vge.f32 v4, v11  }
0x4ad: {  	v3 =	vadd.s32 v5, v3;
	v4 =	vsel vm0, $0x1, v0  }
0x4ae: {  	v3 =	vadd.s32 v4, v3  }
0x4af: {  	(xrf0) =	vadd.scan.msk.s32 $0xffff, v3;
	_ =	sdelay $0x5  }
0x4b0: {  	v3, _, _ =	vpop (xrf0)  }
0x4b1: {  	(v2sf) =	vpush v3, $0xF;
	_ =	sdelay $0xe  }
0x4b2: {  	s1 =	spop (v2sf)  }
0x4b3: {  	p0 =	sgt.s32 s1, $0x3F  }
0x4b4: {  	s30 =	smov.u32 @p0 s0;
	s0 =	simm.s32 $0x8040  }
0x4b5: {  	v3 =	vmov s30;
	v4 =	vld [tilespmem:s0+$0xFFFFFFC0]  }
0x4b6: {  	v6 =	vld [tilespmem:s0+$0xFFFFFFD0];
	v5 =	vxor.u32 $0x7FFFFFFF, v3;
	vm0 =	vlt.s32 v3, $0x0  }
0x4b7: {  	v3 =	vnsel vm0, s30, v5;
	v5 =	vld [tilespmem:s0+$0xFFFFFFE0]  }
0x4b8: {  	v7 =	vld [tilespmem:s0+$0xFFFFFFF0];
	v3 =	vbroadcast v3, $0x0  }
0x4b9: {  	v60 =	vld [tilespmem:s0+$0x0]  }
0x4ba: {  	vm7 =	vge.f32 v4, v3;
	v4 =	vld [tilespmem:s0+$0x10]  }
0x4bb: {  	vm6 =	vge.f32 v6, v3;
	v6 =	vld [tilespmem:s0+$0x20];
	v61 =	vmpcnt.ones.xlane vm7  }
0x4bc: {  	v62 =	vmpcnt.ones.xlane vm6;
	vm5 =	vge.f32 v5, v3;
	v5 =	vld [tilespmem:s0+$0x30]  }
0x4bd: {  	vm4 =	vge.f32 v7, v3;
	v63 =	vmpcnt.ones.xlane vm5;
	(v2sf) =	vpush v61, $0x0  }
0x4be: {  	vm3 =	vge.f32 v60, v3;
	v7 =	vmpcnt.ones.xlane vm4;
	(v2sf) =	vpush v62, $0x0  }
0x4bf: {  	v8 =	vmpcnt.ones.xlane vm3;
	vm2 =	vge.f32 v4, v3;
	(v2sf) =	vpush v63, $0x0  }
0x4c0: {  	vm1 =	vge.f32 v6, v3;
	v4 =	vmpcnt.ones.xlane vm2;
	(v2sf) =	vpush v7, $0x0  }
0x4c1: {  	v6 =	vmpcnt.ones.xlane vm1;
	vm0 =	vge.f32 v5, v3;
	(v2sf) =	vpush v8, $0x0  }
0x4c2: {  	v5 =	vmpcnt.ones.xlane vm0;
	(v2sf) =	vpush v4, $0x0  }
0x4c3: {  	(v2sf) =	vpush v6, $0x0  }
0x4c4: {  	(v2sf) =	vpush v5, $0x0;
	_ =	sdelay $0x6  }
0x4c5: {  	s21 =	simm.s32 $0x0  }
0x4c6: {  	s23 =	simm.s32 $0x0;
	s25 =	simm.s32 $0x10;
	v4 =	vor.u32 s21, v1;
	s21 =	spop (v2sf)  }
0x4c7: {  	s26 =	simm.s32 $0x20;
	[tilespmem:s23+$0xC080] =	vst.msk vm7, v4;
	v4 =	vor.u32 s25, v1;
	s21 =	sadd.s32 $0x0, s21;
	s28 =	spop (v2sf)  }
0x4c8: {  	s23 =	simm.s32 $0x30;
	s1 =	sadd.s32 s21, s28;
	[tilespmem:s21+$0xC080] =	vst.msk vm6, v4;
	v4 =	vor.u32 s26, v1;
	s21 =	spop (v2sf)  }
0x4c9: {  	s25 =	simm.s32 $0x40;
	s18 =	sadd.s32 s1, s21;
	[tilespmem:s1+$0xC080] =	vst.msk vm5, v4;
	v4 =	vor.u32 s23, v1;
	s26 =	spop (v2sf)  }
0x4ca: {  	s28 =	simm.s32 $0x50;
	s1 =	sadd.s32 s18, s26;
	[tilespmem:s18+$0xC080] =	vst.msk vm4, v4;
	v4 =	vor.u32 s25, v1;
	s21 =	spop (v2sf)  }
0x4cb: {  	s25 =	simm.s32 $0x60;
	s18 =	sadd.s32 s1, s21;
	[tilespmem:s1+$0xC080] =	vst.msk vm3, v4;
	v4 =	vor.u32 s28, v1;
	s26 =	spop (v2sf)  }
0x4cc: {  	s23 =	simm.s32 $0x70;
	s26 =	sadd.s32 s18, s26;
	[tilespmem:s18+$0xC080] =	vst.msk vm2, v4;
	v4 =	vor.u32 s25, v1;
	s28 =	spop (v2sf)  }
0x4cd: {  	s1 =	simm.s32 $0xF0;
	s25 =	sadd.s32 s26, s28;
	[tilespmem:s26+$0xC080] =	vst.msk vm1, v4;
	v4 =	vor.u32 s23, v1;
	s18 =	spop (v2sf)  }
.LBB2_90:
0x4ce: {  	p0 =	sne.s32 s1, $0x1FF0;
	[tilespmem:s25+$0xC080] =	vst.msk vm0, v4;
	s25 =	sadd.s32 s25, s18;
	s0 =	sadd.s32 $0x80, s0  }
0x4cf: {  	s23 =	smov.u32 s1;
	s1 =	sadd.s32 $0x80, s1;
	v4 =	vld [tilespmem:s0+$0xFFFFFFC0]  }
0x4d0: {  	v5 =	vld [tilespmem:s0+$0xFFFFFFD0]  }
0x4d1: {  	v6 =	vld [tilespmem:s0+$0xFFFFFFE0]  }
0x4d2: {  	v7 =	vld [tilespmem:s0+$0xFFFFFFF0]  }
0x4d3: {  	v8 =	vld [tilespmem:s0+$0x0]  }
0x4d4: {  	vm0 =	vge.f32 v4, v3;
	v4 =	vld [tilespmem:s0+$0x10]  }
0x4d5: {  	s18 =	sadd.s32 $0xFFFFFF90, s23;
	v9 =	vmpcnt.ones.xlane vm0;
	vm6 =	vge.f32 v5, v3;
	v5 =	vld [tilespmem:s0+$0x20]  }
0x4d6: {  	v11 =	vor.u32 s18, v1;
	v10 =	vmpcnt.ones.xlane vm6;
	vm5 =	vge.f32 v6, v3;
	v6 =	vld [tilespmem:s0+$0x30]  }
0x4d7: {  	v12 =	vmpcnt.ones.xlane vm5;
	vm4 =	vge.f32 v7, v3;
	[tilespmem:s25+$0xC080] =	vst.msk vm0, v11;
	(v2sf) =	vpush v9, $0x0  }
0x4d8: {  	v7 =	vmpcnt.ones.xlane vm4;
	vm3 =	vge.f32 v8, v3;
	(v2sf) =	vpush v10, $0x0  }
0x4d9: {  	v8 =	vmpcnt.ones.xlane vm3;
	vm2 =	vge.f32 v4, v3;
	(v2sf) =	vpush v12, $0x0  }
0x4da: {  	v4 =	vmpcnt.ones.xlane vm2;
	vm1 =	vge.f32 v5, v3;
	(v2sf) =	vpush v7, $0x0  }
0x4db: {  	v5 =	vmpcnt.ones.xlane vm1;
	vm0 =	vge.f32 v6, v3;
	(v2sf) =	vpush v8, $0x0  }
0x4dc: {  	v6 =	vmpcnt.ones.xlane vm0;
	(v2sf) =	vpush v4, $0x0  }
0x4dd: {  	(v2sf) =	vpush v5, $0x0  }
0x4de: {  	(v2sf) =	vpush v6, $0x0;
	_ =	sdelay $0x7  }
0x4df: {  	s21 =	sadd.s32 $0xFFFFFFD0, s23;
	s18 =	sadd.s32 $0xFFFFFFA0, s23;
	s26 =	spop (v2sf)  }
0x4e0: {  	s28 =	sadd.s32 $0xFFFFFFB0, s23;
	v4 =	vor.u32 s18, v1;
	s25 =	sadd.s32 s25, s26;
	s18 =	spop (v2sf)  }
0x4e1: {  	s26 =	sadd.s32 $0xFFFFFFC0, s23;
	s18 =	sadd.s32 s25, s18;
	[tilespmem:s25+$0xC080] =	vst.msk vm6, v4;
	v4 =	vor.u32 s28, v1;
	s25 =	spop (v2sf)  }
.Ltmp58:
0x4e2: {  	s25 =	sadd.s32 s18, s25;
	[tilespmem:s18+$0xC080] =	vst.msk vm5, v4;
	v4 =	vor.u32 s26, v1;
	s18 =	spop (v2sf);
	(pc) =	sbr.rel @p0 .LBB2_90-.Ltmp58, $4  }
0x4e3: {  	s26 =	sadd.s32 $0xFFFFFFE0, s23;
	s18 =	sadd.s32 s25, s18;
	[tilespmem:s25+$0xC080] =	vst.msk vm4, v4;
	v4 =	vor.u32 s21, v1;
	s21 =	spop (v2sf)  }
0x4e4: {  	s25 =	sadd.s32 $0xFFFFFFF0, s23;
	s21 =	sadd.s32 s18, s21;
	[tilespmem:s18+$0xC080] =	vst.msk vm3, v4;
	v4 =	vor.u32 s26, v1;
	s18 =	spop (v2sf)  }
0x4e5: {  	s18 =	sadd.s32 s21, s18;
	[tilespmem:s21+$0xC080] =	vst.msk vm2, v4;
	v4 =	vor.u32 s25, v1;
	s21 =	spop (v2sf)  }
0x4e6: {  	s25 =	sadd.s32 s18, s21;
	[tilespmem:s18+$0xC080] =	vst.msk vm1, v4;
	v4 =	vor.u32 s23, v1;
	s18 =	spop (v2sf)  }
0x4e7: {  	s1 =	sadd.s32 s25, s18  }
0x4e8: {  	s0 =	sadd.s32 $0xF, s1  }
0x4e9: {  	s26 =	sand.u32 $0xF, s0  }
0x4ea: {  	s28 =	sshra.s32 s0, $0x1F;
	p1 =	slt.s32 s0, $0x1;
	p0 =	sne.s32 s26, $0x0  }
0x4eb: {  	s18 =	sshrl.u32 s28, $0x1C;
	p0 =	por !p1, !p0  }
0x4ec: {  	s0 =	sadd.s32 s18, s0;
	s18 =	simm.s32 $0x1;
	p0 =	por !p0, !p0  }
0x4ed: {  	s0 =	sshra.s32 s0, $0x4;
	s18 =	simm.s32 @!p0 $0x0  }
0x4ee: {  	s0 =	ssub.s32 s0, s18  }
0x4ef: {  	p0 =	slt.s32 s0, $0x1  }
.Ltmp59:
0x4f0: {  	_ = 	snop;
	(pc) =	sbr.rel @p0 .LBB2_98-.Ltmp59, $3  }
0x4f1: {  	_ =	sdelay $0x1  }
0x4f2: {  	[tilespmem:s25+$0xC080] =	vst.msk vm0, v4  }
0x4f3: {  	[tilespmem:s1+$0xC080] =	vst v1  }
0x4f4: {  	p2 =	sne.s32 s0, $0x1  }
.Ltmp60:
0x4f5: {  	_ = 	snop;
	(pc) =	sbr.rel @!p2 .LBB2_93-.Ltmp60, $3  }
0x4f6: {  	_ =	sdelay $0x1  }
0x4f7: {  	s18 =	simm.s32 $0xC080  }
0x4f8: {  	s23 =	simm.s32 $0xA000;
	p1 =	por $0x0, $0x0;
	v3 =	vld [tilespmem:s18+$0x0];
	s18 =	sadd.s32 $0xFFFFFFFF, s0  }
0x4f9: {  	_ =	sdelay $0x7  }
0x4fa: {  	v3 =	vld.idx.msk [tilespmem:v3+s22+$0x0], $0xffff;
	_ =	sdelay $0x2  }
0x4fb: {  	p2 =	sne.s32 s18, $0x1  }
.Ltmp61:
0x4fc: {  	_ = 	snop;
	(pc) =	sbr.rel @!p2 .LBB2_95-.Ltmp61, $4  }
0x4fd: {  	v4 =	vxor.u32 $0x7FFFFFFF, v3;
	vm0 =	vlt.s32 v3, $0x0  }
0x4fe: {  	v3 =	vsel vm0, v4, v3  }
0x4ff: {  	s26 =	simm.s32 $0xC090;
	[tilespmem:s23+$0x0] =	vst v3  }
0x500: {  	s28 =	sadd.s32 $0xFFFFFFFF, s18;
	p1 =	por $0x1, $0x1;
	s25 =	simm.s32 $0xA000;
	v3 =	vld [tilespmem:s26+$0x0]  }
.LBB2_96:
0x501: {  	p2 =	sne.s32 s28, $0x1;
	_ =	sdelay $0x6  }
0x502: {  	v3 =	vld.idx.msk [tilespmem:v3+s22+$0x0], $0xffff;
	_ =	sdelay $0x4  }
.Ltmp62:
0x503: {  	(pc) =	sbr.rel @p2 .LBB2_96-.Ltmp62, $4  }
0x504: {  	v4 =	vxor.u32 $0x7FFFFFFF, v3;
	vm0 =	vlt.s32 v3, $0x0  }
0x505: {  	s25 =	sadd.s32 $0x10, s25;
	v3 =	vsel vm0, v4, v3  }
0x506: {  	s26 =	sadd.s32 $0x10, s26;
	[tilespmem:s25+$0x0] =	vst v3  }
0x507: {  	s28 =	sadd.s32 $0xFFFFFFFF, s28;
	v3 =	vld [tilespmem:s26+$0x0]  }
.LBB2_97:
0x508: {  	_ =	sdelay $0x7  }
0x509: {  	v3 =	vld.idx.msk [tilespmem:v3+s22+$0x0], $0xffff;
	_ =	sdelay $0x4  }
0x50a: {  	s18 =	sadd.s32 @p1 $0x10, s25;
	v4 =	vxor.u32 $0x7FFFFFFF, v3;
	vm0 =	vlt.s32 v3, $0x0  }
0x50b: {  	s23 =	smov.u32 @p1 s18;
	v3 =	vsel vm0, v4, v3  }
0x50c: {  	[tilespmem:s23+$0x0] =	vst v3  }
.LBB2_98:
0x50d: {  	s25 =	ssub.s32 s31, s30  }
0x50e: {  	p1 =	slt.u32 s25, $0x2  }
.Ltmp63:
0x50f: {  	_ = 	snop;
	(pc) =	sbr.rel @p1 .LBB2_106-.Ltmp63, $4  }
.Ltmp64:
0x510: {  	_ = 	snop;
	(pc) =	sbr.rel @!p1 .LBB2_99-.Ltmp64, $4  }
0x511: {  	_ = 	snop  }
0x512: {  	_ = 	snop  }
0x513: {  	[tilespmem:s1+$0xA000] =	vst v2;
	s1 =	simm.s32 $0x0;
	s18 =	simm.s32 $0x40  }
0x514: {  	_ = 	snop  }
.LBB2_100:
0x515: {  	v3 =	vimm.s32 $0x0;
	v4 =	vimm.s32 $0x0;
	v5 =	vimm.s32 $0x0  }
.LBB2_104:
0x516: {  	(xrf0) =	vadd.scan.msk.s32 $0xffff, v3  }
0x517: {  	(xrf0) =	vadd.scan.msk.s32 $0xffff, v4  }
0x518: {  	(xrf0) =	vadd.scan.msk.s32 $0xffff, v5;
	_ =	sdelay $0x3  }
0x519: {  	v3, _, _ =	vpop (xrf0)  }
0x51a: {  	v4, _, _ =	vpop (xrf0);
	(v2sf) =	vpush v3, $0xF  }
0x51b: {  	(v2sf) =	vpush v4, $0xF;
	v3, _, _ =	vpop (xrf0)  }
0x51c: {  	(v2sf) =	vpush v3, $0xF;
	_ =	sdelay $0xc  }
0x51d: {  	s18 =	spop (v2sf)  }
0x51e: {  	s21 =	spop (v2sf)  }
0x51f: {  	p1 =	sgt.s32 s18, $0x3F;
	s28 =	spop (v2sf)  }
0x520: {  	p2 =	sgt.s32 s21, $0x3F;
	s30 =	smov.u32 @p1 s23;
	s23 =	smov.u32 @p1 s25  }
0x521: {  	p3 =	sgt.s32 s28, $0x3F;
	s30 =	smov.u32 @p2 s25;
	s23 =	smov.u32 @p2 s26  }
0x522: {  	s30 =	smov.u32 @p3 s26;
	s23 =	smov.u32 @p3 s31  }
0x523: {  	s25 =	ssub.s32 s23, s30  }
0x524: {  	s18 =	smov.u32 @p1 s21;
	p1 =	sgt.u32 s25, $0x1  }
.Ltmp65:
0x525: {  	_ = 	snop;
	(pc) =	sbr.rel @!p1 .LBB2_105-.Ltmp65, $4  }
0x526: {  	_ = 	snop  }
0x527: {  	s18 =	smov.u32 @p2 s28  }
0x528: {  	s18 =	smov.u32 @p3 s1  }
0x529: {  	s1 =	smov.u32 s18;
	s31 =	smov.u32 s23  }
.LBB2_99:
.Ltmp66:
0x52a: {  	(pc) =	sbr.rel @p0 .LBB2_100-.Ltmp66, $4  }
0x52b: {  	_ = 	snop  }
0x52c: {  	s18 =	sshrl.u32 s25, $0x1  }
0x52d: {  	s21 =	sshrl.u32 s25, $0x2;
	s25 =	sadd.s32 s30, s18  }
0x52e: {  	s23 =	sadd.s32 s30, s21;
	s26 =	sadd.s32 s21, s25  }
0x52f: {  	s18 =	simm.s32 $0xA000  }
0x530: {  	v7 =	vld [tilespmem:s18+$0x0]  }
0x531: {  	p1 =	sne.s32 s0, $0x1  }
.Ltmp67:
0x532: {  	_ = 	snop;
	(pc) =	sbr.rel @!p1 .LBB2_103-.Ltmp67, $4  }
0x533: {  	_ = 	snop  }
0x534: {  	v4 =	vmov s23;
	v5 =	vmov s25;
	v6 =	vmov s26  }
0x535: {  	v3 =	vimm.s32 $0x0;
	v8 =	vimm.s32 $0x0;
	vm0 =	vge.s32 v7, v4  }
0x536: {  	s28 =	sadd.s32 $0xFFFFFFFF, s0;
	s18 =	simm.s32 $0xA010;
	vm1 =	vge.s32 v7, v5;
	vm2 =	vge.s32 v7, v6;
	v7 =	vimm.s32 $0x0  }
.LBB2_102:
0x537: {  	v9 =	vld [tilespmem:s18+$0x0];
	p1 =	sne.s32 s28, $0x1;
	s28 =	sadd.s32 $0xFFFFFFFF, s28;
	v10 =	vsel vm0, $0x1, v0;
	v11 =	vsel vm1, $0x1, v0;
	v12 =	vsel vm2, $0x1, v0  }
.Ltmp68:
0x538: {  	v3 =	vadd.s32 v10, v3;
	v7 =	vadd.s32 v11, v7;
	v8 =	vadd.s32 v12, v8;
	(pc) =	sbr.rel @p1 .LBB2_102-.Ltmp68, $2  }
0x539: {  	_ =	sdelay $0x2  }
0x53a: {  	s18 =	sadd.s32 $0x10, s18;
	vm0 =	vge.s32 v9, v4;
	vm1 =	vge.s32 v9, v5;
	vm2 =	vge.s32 v9, v6  }
.LBB2_103:
.Ltmp69:
0x53b: {  	(pc) =	sbr.rel .LBB2_104-.Ltmp69, $3  }
0x53c: {  	_ =	sdelay $0x1  }
0x53d: {  	v4 =	vsel vm0, $0x1, v0;
	v5 =	vsel vm1, $0x1, v0;
	v6 =	vsel vm2, $0x1, v0  }
0x53e: {  	v3 =	vadd.s32 v4, v3;
	v4 =	vadd.s32 v5, v7;
	v5 =	vadd.s32 v6, v8  }
.LBB2_105:
0x53f: {  	s18 =	ssub.s32 $0x40, s18  }
.LBB2_106:
.Ltmp70:
0x540: {  	(pc) =	sbr.rel @p0 .LBB2_113-.Ltmp70, $1  }
0x541: {  	_ =	sdelay $0x3  }
0x542: {  	s1 =	simm.s32 $0xA000  }
0x543: {  	v6 =	vld [tilespmem:s1+$0x0];
	_ =	sdelay $0x3  }
0x544: {  	v3 =	vmov s30  }
0x545: {  	vm1 =	veq.s32 v6, v3  }
0x546: {  	v4 =	vsel vm1, $0x1, v0  }
0x547: {  	(xrf0) =	vadd.scan.msk.s32 $0xffff, v4;
	_ =	sdelay $0x3  }
0x548: {  	p1 =	sne.s32 s0, $0x1  }
.Ltmp71:
0x549: {  	_ = 	snop;
	(pc) =	sbr.rel @!p1 .LBB2_108-.Ltmp71, $4  }
0x54a: {  	s1 =	simm.s32 $0x0;
	v5, _, _ =	vpop (xrf0)  }
0x54b: {  	v7 =	vmpcnt.ones.xlane vm1;
	v4 =	vmov s18;
	v5 =	vadd.s32 s1, v5  }
0x54c: {  	s21 =	simm.s32 $0xC080;
	vm2 =	vle.s32 v5, v4  }
0x54d: {  	p0 =	por $0x0, $0x0;
	vm0 =	vgt.s32 v6, v3;
	s18 =	sadd.s32 $0xFFFFFFFF, s0;
	(v2sf) =	vpush v7, $0x0;
	v5 =	vld [tilespmem:s21+$0x0];
	vm1 =	vmand vm1, vm2  }
0x54e: {  	_ =	sdelay $0x2  }
0x54f: {  	vm0 =	vmor vm0, vm1  }
0x550: {  	s0 =	simm.s32 $0xA010;
	[tilespmem:s1+$0xE100] =	vst.msk vm0, v5  }
0x551: {  	v6 =	vld [tilespmem:s0+$0x0]  }
0x552: {  	v5 =	vmpcnt.ones.xlane vm0;
	_ =	sdelay $0x1  }
0x553: {  	(v2sf) =	vpush v5, $0x0;
	_ =	sdelay $0x1  }
0x554: {  	vm1 =	veq.s32 v6, v3  }
0x555: {  	v5 =	vsel vm1, $0x1, v0  }
0x556: {  	(xrf0) =	vadd.scan.msk.s32 $0xffff, v5  }
0x557: {  	v7 =	vmpcnt.ones.xlane vm1;
	_ =	sdelay $0x1  }
0x558: {  	s21 =	spop (v2sf);
	(v2sf) =	vpush v7, $0x0;
	_ =	sdelay $0x2  }
0x559: {  	p1 =	sne.s32 s18, $0x1;
	s23 =	sadd.s32 $0x0, s21;
	v5, _, _ =	vpop (xrf0)  }
.Ltmp72:
0x55a: {  	s30 =	simm.s32 $0xC090;
	v5 =	vadd.s32 s23, v5;
	(pc) =	sbr.rel @!p1 .LBB2_110-.Ltmp72, $3  }
0x55b: {  	vm2 =	vle.s32 v5, v4;
	v5 =	vld [tilespmem:s30+$0x0];
	_ =	sdelay $0x1  }
0x55c: {  	s25 =	sadd.s32 $0xFFFFFFFF, s18  }
0x55d: {  	p0 =	por $0x1, $0x1;
	s26 =	simm.s32 $0x0;
	vm0 =	vgt.s32 v6, v3;
	vm1 =	vmand vm1, vm2;
	s18 =	spop (v2sf)  }
.LBB2_111:
0x55e: {  	p1 =	sne.s32 s25, $0x1;
	s25 =	sadd.s32 $0xFFFFFFFF, s25;
	vm0 =	vmor vm0, vm1;
	s26 =	sadd.s32 s26, s18  }
0x55f: {  	s0 =	sadd.s32 $0x10, s0;
	[tilespmem:s26+$0xE100] =	vst.msk vm0, v5;
	v5 =	vmpcnt.ones.xlane vm0  }
0x560: {  	v6 =	vld [tilespmem:s0+$0x0]  }
0x561: {  	(v2sf) =	vpush v5, $0x0;
	_ =	sdelay $0x2  }
0x562: {  	s18 =	spop (v2sf)  }
0x563: {  	vm1 =	veq.s32 v6, v3;
	s23 =	sadd.s32 s23, s18  }
0x564: {  	v5 =	vsel vm1, $0x1, v0;
	v7 =	vmpcnt.ones.xlane vm1  }
0x565: {  	(xrf0) =	vadd.scan.msk.s32 $0xffff, v5  }
0x566: {  	(v2sf) =	vpush v7, $0x0;
	_ =	sdelay $0x3  }
.Ltmp73:
0x567: {  	s30 =	sadd.s32 $0x10, s30;
	(pc) =	sbr.rel @p1 .LBB2_111-.Ltmp73, $4  }
0x568: {  	v5 =	vld [tilespmem:s30+$0x0];
	v7, _, _ =	vpop (xrf0)  }
0x569: {  	v7 =	vadd.s32 s23, v7  }
0x56a: {  	vm2 =	vle.s32 v7, v4  }
0x56b: {  	vm0 =	vgt.s32 v6, v3;
	vm1 =	vmand vm1, vm2;
	s18 =	spop (v2sf)  }
.Ltmp74:
0x56c: {  	_ = 	snop;
	(pc) =	sbr.rel .LBB2_112-.Ltmp74, $1  }
0x56d: {  	_ =	sdelay $0x3  }
.LBB2_9:
.Ltmp75:
0x56e: {  	(pc) =	sbr.rel .LBB2_13-.Ltmp75, $2  }
0x56f: {  	_ =	sdelay $0x2  }
0x570: {  	s25 =	simm.s32 $0xA000  }
.LBB2_24:
.Ltmp76:
0x571: {  	(pc) =	sbr.rel .LBB2_28-.Ltmp76, $2  }
0x572: {  	_ =	sdelay $0x2  }
0x573: {  	s26 =	simm.s32 $0x0  }
.LBB2_37:
.Ltmp77:
0x574: {  	(pc) =	sbr.rel .LBB2_41-.Ltmp77, $2  }
0x575: {  	_ =	sdelay $0x2  }
0x576: {  	s25 =	simm.s32 $0xA000  }
.LBB2_52:
.Ltmp78:
0x577: {  	(pc) =	sbr.rel .LBB2_56-.Ltmp78, $2  }
0x578: {  	_ =	sdelay $0x2  }
0x579: {  	s26 =	simm.s32 $0x0  }
.LBB2_65:
.Ltmp79:
0x57a: {  	(pc) =	sbr.rel .LBB2_69-.Ltmp79, $2  }
0x57b: {  	_ =	sdelay $0x2  }
0x57c: {  	s25 =	simm.s32 $0xA000  }
.LBB2_80:
.Ltmp80:
0x57d: {  	(pc) =	sbr.rel .LBB2_84-.Ltmp80, $2  }
0x57e: {  	_ =	sdelay $0x2  }
0x57f: {  	s26 =	simm.s32 $0x0  }
.LBB2_93:
.Ltmp81:
0x580: {  	(pc) =	sbr.rel .LBB2_97-.Ltmp81, $2  }
0x581: {  	_ =	sdelay $0x2  }
0x582: {  	s25 =	simm.s32 $0xA000  }
.LBB2_11:
.Ltmp82:
0x583: {  	(pc) =	sbr.rel .LBB2_13-.Ltmp82, $2  }
0x584: {  	_ =	sdelay $0x2  }
0x585: {  	s25 =	simm.s32 $0xA000  }
.LBB2_26:
.Ltmp83:
0x586: {  	(pc) =	sbr.rel .LBB2_28-.Ltmp83, $2  }
0x587: {  	_ =	sdelay $0x2  }
0x588: {  	s26 =	simm.s32 $0x0  }
.LBB2_39:
.Ltmp84:
0x589: {  	(pc) =	sbr.rel .LBB2_41-.Ltmp84, $2  }
0x58a: {  	_ =	sdelay $0x2  }
0x58b: {  	s25 =	simm.s32 $0xA000  }
.LBB2_54:
.Ltmp85:
0x58c: {  	(pc) =	sbr.rel .LBB2_56-.Ltmp85, $2  }
0x58d: {  	_ =	sdelay $0x2  }
0x58e: {  	s26 =	simm.s32 $0x0  }
.LBB2_67:
.Ltmp86:
0x58f: {  	(pc) =	sbr.rel .LBB2_69-.Ltmp86, $2  }
0x590: {  	_ =	sdelay $0x2  }
0x591: {  	s25 =	simm.s32 $0xA000  }
.LBB2_82:
.Ltmp87:
0x592: {  	(pc) =	sbr.rel .LBB2_84-.Ltmp87, $2  }
0x593: {  	_ =	sdelay $0x2  }
0x594: {  	s26 =	simm.s32 $0x0  }
.LBB2_95:
.Ltmp88:
0x595: {  	(pc) =	sbr.rel .LBB2_97-.Ltmp88, $2  }
0x596: {  	_ =	sdelay $0x2  }
0x597: {  	s25 =	simm.s32 $0xA000  }
.LBB2_110:
.Ltmp89:
0x598: {  	(pc) =	sbr.rel .LBB2_112-.Ltmp89, $2  }
0x599: {  	_ =	sdelay $0x2  }
0x59a: {  	s26 =	simm.s32 $0x0  }
.LBB2_114:
0x59b: {  	_ =	sfence.sel $0x180000  }
0x59c: {  	[bflag:$0x0] =	sbarrier.arrive $0xFFFF  }
0x59d: {  	_ =	strace $0x90000047  }
0x59e: {  	s0 =	stileid.u32;
	[bflag:$0x2] =	sbarrier.arrive $0xFFFF  }
0x59f: {  	p0 =	sne.s32 s0, $0x0;
	s0 =	rddreg [dreg:$0x3]  }
0x5a0: {  	s0 =	sadd.s32 @!p0 $0x100000, s0  }
0x5a1: {  	[sflag:s0] =	ssyncadd.tile.s32 @!p0 $0x1;
	_ =	shalt  }
.Lfunc_end2:
_tile_overlayer_lowered:
.L_overlay_start_2:
0x5a2: {  	(tag) =	ssettag $0x2  }
0x5a3: {  	s0 =	rddreg [dreg:$0x0];
	s2 =	stileid.u32  }
0x5a4: {  	s1 =	rddreg [dreg:$0x1];
	p0 =	sne.s32 s2, $0x0  }
0x5a5: {  	s3 =	rddreg [dreg:$0x2];
	[bflag:$0x3] =	sbarrier.arrive $0xFFFF;
	s2 =	simm.s32 @!p0 $0x1C03  }
0x5a6: {  	[timem:s3], [sflag:s2] =	dma.local @!p0 [hbm:s0], s1  }
0x5a7: {  	s0 =	simm.s32 @!p0 $0x3  }
0x5a8: {  	_ =	swait.ge @!p0 [sflag:s0], s1  }
0x5a9: {  	s1 =	ssub.s32 @!p0 $0x0, s1;
	[sflag:s0] =	ssyncset.done @!p0 $0x0  }
0x5aa: {  	[sflag:s0] =	ssyncadd.s32 @!p0 s1  }
0x5ab: {  	[bflag:$0x3] =	sbarrier.arrive $0xFFFF  }
0x5ac: {  	_ =	shalt  }

</sc_bundles>
